<compile_context>
chip_gen: v7x
topology: tpu7x:2x2x1
jax: 0.10.2.dev20260603
libtpu: 0.0.44.dev20260713+nightly
codegen_flags: <defaults>
</compile_context>

<pallas_src>
import functools

import jax
import jax.numpy as jnp
from jax import lax
from jax.experimental import pallas as pl
from jax.experimental.pallas import tpu as pltpu
from jax.experimental.pallas import tpu_sc as plsc

N = 10000
E = 320000
D = 128
NC = 2
NS = 16
NW = NC * NS
EPT = E // NW
CH = 128
NCHUNK = 80
PAD = NCHUNK * CH - EPT
NP = 10112
RPT = NP // NS

_mesh = plsc.VectorSubcoreMesh(core_axis_name="c", subcore_axis_name="s")
_f32 = jnp.float32



_DRAIN = 8


_DNIDX = 8


@functools.partial(
    pl.kernel,
    out_type=jax.ShapeDtypeStruct((NC, NP, D), _f32),
    mesh=_mesh,
    scratch_types=[
        pltpu.VMEM_SHARED((NP, D), _f32),
        pltpu.VMEM((_DNIDX, 2, CH), jnp.int32),
        pltpu.VMEM((2, CH, D), _f32),
        pltpu.SemaphoreType.DMA((_DNIDX,)),
        pltpu.SemaphoreType.DMA,
    ],
)
def _deg_kernel(eidxh_hbm, zf_hbm, ones_hbm, hout,
                acc, ibuf, ones_v, isem, sem):
    c = lax.axis_index("c")
    s = lax.axis_index("s")
    w = c * NS + s
    r0 = s * RPT
    pltpu.sync_copy(zf_hbm.at[pl.ds(r0, RPT)], acc.at[pl.ds(r0, RPT)])
    pltpu.sync_copy(ones_hbm, ones_v)
    plsc.subcore_barrier()

    def _idx_fetch(j, q):
        pltpu.async_copy(eidxh_hbm.at[w, j], ibuf.at[q], isem.at[q])

    def _wait_idx(q):
        pltpu.make_async_copy(eidxh_hbm.at[w, 0], ibuf.at[q],
                              isem.at[q]).wait()

    def _drain_scat():
        pltpu.make_async_copy(ones_v.at[0], acc.at[ibuf.at[0, 0]],
                              sem).wait()

    _idx_fetch(0, 0)
    _idx_fetch(1, 1)

    @pl.loop(0, NCHUNK, step=_DNIDX)
    def _(g):
        for b in range(_DNIDX):
            j = g + b
            q = b

            @pl.when(j >= _DNIDX - 2)
            def _():
                _drain_scat()
                _drain_scat()

            @pl.when(j + 2 < NCHUNK)
            def _():
                _idx_fetch(j + 2, (b + 2) % _DNIDX)
            _wait_idx(q)
            pltpu.async_copy(ones_v.at[0], acc.at[ibuf.at[q, 0]],
                             sem, add=True)
            pltpu.async_copy(ones_v.at[1], acc.at[ibuf.at[q, 1]],
                             sem, add=True)

    for _t in range(2 * (_DNIDX - 2)):
        _drain_scat()

    plsc.subcore_barrier()
    pltpu.sync_copy(acc.at[pl.ds(r0, RPT)], hout.at[c, pl.ds(r0, RPT)])


_NBUF = 2
_NIDX = 4


@functools.partial(
    pl.kernel,
    out_type=jax.ShapeDtypeStruct((NC, NP, D), _f32),
    mesh=_mesh,
    scratch_types=[
        pltpu.VMEM_SHARED((NP, D), _f32),
        pltpu.VMEM((_NIDX, 2, CH), jnp.int32),
        pltpu.VMEM((_NBUF, CH, D), _f32),
        pltpu.SemaphoreType.DMA((_NIDX,)),
        pltpu.SemaphoreType.DMA((_NBUF,)),
        pltpu.SemaphoreType.DMA((_NBUF,)),
    ],
)
def _agg_kernel(x_hbm, eidx_hbm, zf_hbm, pout,
                acc, ibuf, rows, isem, gsem, ssem):
    c = lax.axis_index("c")
    s = lax.axis_index("s")
    w = c * NS + s
    r0 = s * RPT
    pltpu.sync_copy(zf_hbm.at[pl.ds(r0, RPT)], acc.at[pl.ds(r0, RPT)])
    plsc.subcore_barrier()

    def _idx_fetch(j, q):
        pltpu.async_copy(eidx_hbm.at[w, j], ibuf.at[q], isem.at[q])

    def _wait_idx(q):
        pltpu.make_async_copy(eidx_hbm.at[w, 0], ibuf.at[q],
                              isem.at[q]).wait()

    def _wait_scat(t):
        pltpu.make_async_copy(rows.at[t], acc.at[ibuf.at[0, 1]],
                              ssem.at[t]).wait()

    def _wait_gath(t):
        pltpu.make_async_copy(x_hbm.at[ibuf.at[0, 0]], rows.at[t],
                              gsem.at[t]).wait()

    def _scat(j, t, q):
        pltpu.async_copy(rows.at[t], acc.at[ibuf.at[q, 1]],
                         ssem.at[t], add=True)

    _idx_fetch(0, 0)
    _idx_fetch(1, 1)

    @pl.loop(0, NCHUNK, step=_NIDX)
    def _(g):
        for b in range(_NIDX):
            j = g + b
            t = b % _NBUF
            q = b

            @pl.when(j >= _NBUF)
            def _():
                _wait_scat(t)

            @pl.when(j + 2 < NCHUNK)
            def _():
                _idx_fetch(j + 2, (b + 2) % _NIDX)
            _wait_idx(q)
            pltpu.async_copy(x_hbm.at[ibuf.at[q, 0]], rows.at[t], gsem.at[t])

            t1 = (b - 1) % _NBUF
            q1 = (b - 1) % _NIDX

            @pl.when(j >= 1)
            def _():
                _wait_gath(t1)
                _scat(j - 1, t1, q1)

    _wait_gath((NCHUNK - 1) % _NBUF)
    _scat(NCHUNK - 1, (NCHUNK - 1) % _NBUF, (NCHUNK - 1) % _NIDX)
    for t in range(_NBUF):
        _wait_scat(t)

    plsc.subcore_barrier()
    pltpu.sync_copy(acc.at[pl.ds(r0, RPT)], pout.at[c, pl.ds(r0, RPT)])



_BLK = 1000


def _scale_body(x_ref, h0_ref, h1_ref, xs_ref, do_ref, di_ref):
    hsum = h0_ref[0] + h1_ref[0]
    dego = hsum[:, 0:1]
    degi = hsum[:, 64:65]
    do = lax.rsqrt(jnp.maximum(dego, 1.0))
    di = lax.rsqrt(jnp.maximum(degi, 1.0))
    do_b = jnp.broadcast_to(do, (_BLK, D))
    di_b = jnp.broadcast_to(di, (_BLK, D))
    xs_ref[...] = x_ref[...] * do_b
    do_ref[...] = do_b
    di_ref[...] = di_b


def _mm_body(p0_ref, p1_ref, di_ref, do_ref, w_ref, b_ref, o_ref, *, final):
    a = (p0_ref[0] + p1_ref[0]) * di_ref[...]
    z = lax.dot_general(a, w_ref[...], (((1,), (0,)), ((), ())),
                        precision=lax.Precision.HIGHEST,
                        preferred_element_type=_f32)
    z = z + b_ref[...]
    if final:
        o_ref[...] = z
    else:
        o_ref[...] = jnp.maximum(z, 0.0) * do_ref[...]


_spec_feat = pl.BlockSpec((_BLK, D), lambda i: (i, 0))
_spec_p0 = pl.BlockSpec((1, _BLK, D), lambda i: (0, i, 0))
_spec_p1 = pl.BlockSpec((1, _BLK, D), lambda i: (1, i, 0))
_spec_w = pl.BlockSpec((D, D), lambda i: (0, 0))
_spec_b = pl.BlockSpec((1, D), lambda i: (0, 0))

_scale_call = pl.pallas_call(
    _scale_body,
    grid=(N // _BLK,),
    in_specs=[_spec_feat, _spec_p0, _spec_p1],
    out_specs=[_spec_feat] * 3,
    out_shape=[jax.ShapeDtypeStruct((N, D), _f32) for _ in range(3)],
)

_mm_mid_call = pl.pallas_call(
    functools.partial(_mm_body, final=False),
    grid=(N // _BLK,),
    in_specs=[_spec_p0, _spec_p1, _spec_feat, _spec_feat, _spec_w, _spec_b],
    out_specs=_spec_feat,
    out_shape=jax.ShapeDtypeStruct((N, D), _f32),
)

_mm_final_call = pl.pallas_call(
    functools.partial(_mm_body, final=True),
    grid=(N // _BLK,),
    in_specs=[_spec_p0, _spec_p1, _spec_feat, _spec_feat, _spec_w, _spec_b],
    out_specs=_spec_feat,
    out_shape=jax.ShapeDtypeStruct((N, D), _f32),
)



def kernel(features, edge_index, W1, b1, W2, b2):
    src = edge_index[0].astype(jnp.int32).reshape(NW, EPT)
    dst = edge_index[1].astype(jnp.int32).reshape(NW, EPT)

    pad_valid = jnp.broadcast_to((jnp.arange(PAD, dtype=jnp.int32) * 61) % N,
                                 (NW, PAD))
    pad_dummy = jnp.broadcast_to(N + (jnp.arange(PAD, dtype=jnp.int32) % (NP - N)),
                                 (NW, PAD))
    src_g = jnp.concatenate([src, pad_valid], 1).reshape(NW, NCHUNK, CH)
    src_h = jnp.concatenate([src, pad_dummy], 1).reshape(NW, NCHUNK, CH)
    dst_s = jnp.concatenate([dst, pad_dummy], 1).reshape(NW, NCHUNK, CH)
    eidx = jnp.stack([src_g, dst_s], axis=2)
    eidx_h = jnp.stack([src_h, dst_s], axis=2)

    zeros_f = jnp.zeros((NP, D), _f32)
    lane = jnp.arange(D, dtype=jnp.int32)
    ones_f = jnp.stack([jnp.broadcast_to((lane < 64).astype(_f32), (CH, D)),
                        jnp.broadcast_to((lane >= 64).astype(_f32), (CH, D))])

    hist = _deg_kernel(eidx_h, zeros_f, ones_f)
    xs, do_b, di_b = _scale_call(features, hist, hist)

    p = _agg_kernel(xs, eidx, zeros_f)
    h1 = _mm_mid_call(p, p, di_b, do_b, W1, b1.reshape(1, D))

    q = _agg_kernel(h1, eidx, zeros_f)
    out = _mm_final_call(q, q, di_b, do_b, W2, b2.reshape(1, D))
    return out

# --- scband reference (transcript-rebuilt; emitter-appended) ---
"""Pipeline reference for scband-dglgraph-conv-36945308680397 (READ-ONLY COPY).

The authoritative reference and input builder live on the scoring server;
editing this copy changes nothing except your own understanding.
"""

import jax, jax.numpy as jnp
import numpy as np

N_NODES = 10000
N_EDGES = 320000
D_IN = 128
D_HID = 128
D_OUT = 128


def setup_inputs(seed: int = 0) -> dict:
    key = jax.random.key(seed)
    k1, k2, k3, k4, k5 = jax.random.split(key, 5)
    features = jax.random.normal(k1, (N_NODES, D_IN), dtype=jnp.float32)
    edge_index = jax.random.randint(k2, (2, N_EDGES), 0, N_NODES)
    # Learned params (DGL GraphConv weight has shape [in_feats, out_feats])
    W1 = jax.random.normal(k3, (D_IN, D_HID), dtype=jnp.float32) * (1.0 / np.sqrt(D_IN))
    b1 = jnp.zeros((D_HID,), dtype=jnp.float32)
    W2 = jax.random.normal(k4, (D_HID, D_OUT), dtype=jnp.float32) * (1.0 / np.sqrt(D_HID))
    b2 = jnp.zeros((D_OUT,), dtype=jnp.float32)
    return {"features": features, "edge_index": edge_index, "W1": W1, "b1": b1, "W2": W2, "b2": b2}


def _graph_conv(h, src, dst, W, b):
    # DGL GraphConv with norm='both', allow_zero_in_degree=True.
    # norm by out-degree of src (clamped to >=1), aggregate sum, norm by in-degree of dst.
    deg_out = jnp.clip(jax.ops.segment_sum(jnp.ones_like(src, dtype=h.dtype), src, num_segments=N_NODES), 1.0, None)
    deg_in = jnp.clip(jax.ops.segment_sum(jnp.ones_like(dst, dtype=h.dtype), dst, num_segments=N_NODES), 1.0, None)
    h = h * (deg_out ** -0.5)[:, None]
    # in_feats == out_feats so DGL aggregates first, then applies the linear map
    msgs = jnp.take(h, src, axis=0)
    agg = jax.ops.segment_sum(msgs, dst, num_segments=N_NODES)
    agg = agg * (deg_in ** -0.5)[:, None]
    return agg @ W + b


def reference(features, edge_index, W1, b1, W2, b2):
    src = edge_index[0]
    dst = edge_index[1]
    h = jax.nn.relu(_graph_conv(features, src, dst, W1, b1))
    h = _graph_conv(h, src, dst, W2, b2)
    return h

if __name__ == "__main__":
    import jax
    _d = setup_inputs()
    print(jax.jit(kernel)(*tuple(_d.values())))

</pallas_src>

<mosaic_0001>
#map = affine_map<(d0, d1) -> (0, 0)>
#map1 = affine_map<(d0, d1) -> (0, 0, 0, 0)>
#map2 = affine_map<(d0, d1) -> (0, 0, 0)>
module attributes {stable_mosaic.version = 14 : i64} {
  func.func @_agg_kernel(%arg0: i32, %arg1: i32, %arg2: memref<10000x128xf32, #tpu.memory_space<hbm>>, %arg3: memref<32x80x2x128xi32, #tpu.memory_space<hbm>>, %arg4: memref<10112x128xf32, #tpu.memory_space<hbm>>, %arg5: memref<2x10112x128xf32, #tpu.memory_space<hbm>>, %arg6: memref<10112x128xf32, #tpu.memory_space<vmem_shared>>, %arg7: memref<4x2x128xi32, #tpu.memory_space<vmem>>, %arg8: memref<2x128x128xf32, #tpu.memory_space<vmem>>, %arg9: memref<4x!tpu.dma_semaphore, #tpu.memory_space<semaphore_mem>>, %arg10: memref<2x!tpu.dma_semaphore, #tpu.memory_space<semaphore_mem>>, %arg11: memref<2x!tpu.dma_semaphore, #tpu.memory_space<semaphore_mem>>) attributes {dimension_semantics = [#tpu.dimension_semantics<core_parallel>, #tpu.dimension_semantics<subcore_parallel>], iteration_bounds = array<i64: 2, 16>, scalar_prefetch = 0 : i64, scratch_operands = 6 : i64, tpu.core_type = #tpu.core_type<sc_vector_subcore>, window_params = [{transform_indices = #map}, {transform_indices = #map1}, {transform_indices = #map}, {transform_indices = #map2}]} {
    %mul3A = arith.constant 16 : i32
    %mul3A_0 = arith.muli %arg0, %mul3A : i32
    %add3A = arith.addi %mul3A_0, %arg1 : i32
    %mul3A_1 = arith.constant 632 : i32
    %mul3A_2 = arith.muli %arg1, %mul3A_1 : i32
    "tpu.region"() ({
      %run_scoped3A = tpu.sem_alloc : memref<!tpu.dma_semaphore, #tpu.memory_space<semaphore_mem>>
      %dma_start3A_112 = arith.constant 0 : i32
      %dma_start3A_113 = tpu.memref_slice %arg6[%mul3A_2, %dma_start3A_112] : memref<10112x128xf32, #tpu.memory_space<vmem_shared>> -> memref<632x128xf32, #tpu.memory_space<vmem_shared>>
      %dma_start3A_114 = arith.constant 0 : i32
      %dma_start3A_115 = tpu.memref_slice %arg4[%mul3A_2, %dma_start3A_114] : memref<10112x128xf32, #tpu.memory_space<hbm>> -> memref<632x128xf32, #tpu.memory_space<hbm>>
      tpu.enqueue_dma source(%dma_start3A_115 : memref<632x128xf32, #tpu.memory_space<hbm>>) target(%dma_start3A_113 : memref<632x128xf32, #tpu.memory_space<vmem_shared>>) target_semaphore(%run_scoped3A : memref<!tpu.dma_semaphore, #tpu.memory_space<semaphore_mem>>)
      %dma_wait3A_116 = arith.constant 0 : i32
      %dma_wait3A_117 = tpu.memref_slice %arg6[%mul3A_2, %dma_wait3A_116] : memref<10112x128xf32, #tpu.memory_space<vmem_shared>> -> memref<632x128xf32, #tpu.memory_space<vmem_shared>>
      %dma_wait3A_118 = arith.constant 0 : i32
      %dma_wait3A_119 = tpu.memref_slice %arg4[%mul3A_2, %dma_wait3A_118] : memref<10112x128xf32, #tpu.memory_space<hbm>> -> memref<632x128xf32, #tpu.memory_space<hbm>>
      tpu.wait_dma2 semaphore(%run_scoped3A : memref<!tpu.dma_semaphore, #tpu.memory_space<semaphore_mem>>) src(%dma_wait3A_119 : memref<632x128xf32, #tpu.memory_space<hbm>>) dst(%dma_wait3A_117 : memref<632x128xf32, #tpu.memory_space<vmem_shared>>)
      tpu.yield
    }) : () -> ()
    %barrier3A = arith.constant 0 : index
    tpu.barrier barrier_id(%barrier3A)
    %dma_start3A = arith.constant 0 : i32
    %dma_start3A_3 = arith.constant 0 : i32
    %dma_start3A_4 = arith.constant 0 : i32
    %dma_start3A_5 = arith.constant 0 : i32
    %dma_start3A_6 = arith.constant 0 : i32
    %dma_start3A_7 = tpu.memref_slice %arg7[%dma_start3A_3, %dma_start3A_5, %dma_start3A_6] : memref<4x2x128xi32, #tpu.memory_space<vmem>> -> memref<1x2x128xi32, #tpu.memory_space<vmem>>
    %dma_start3A_8 = tpu.memref_squeeze %dma_start3A_7 : memref<1x2x128xi32, #tpu.memory_space<vmem>> -> memref<2x128xi32, #tpu.memory_space<vmem>>
    %dma_start3A_9 = arith.constant 0 : i32
    %dma_start3A_10 = arith.constant 0 : i32
    %dma_start3A_11 = tpu.memref_slice %arg3[%add3A, %dma_start3A, %dma_start3A_9, %dma_start3A_10] : memref<32x80x2x128xi32, #tpu.memory_space<hbm>> -> memref<1x1x2x128xi32, #tpu.memory_space<hbm>>
    %dma_start3A_12 = tpu.memref_squeeze %dma_start3A_11 : memref<1x1x2x128xi32, #tpu.memory_space<hbm>> -> memref<2x128xi32, #tpu.memory_space<hbm>>
    %dma_start3A_13 = tpu.memref_slice %arg9[%dma_start3A_4] : memref<4x!tpu.dma_semaphore, #tpu.memory_space<semaphore_mem>> -> memref<1x!tpu.dma_semaphore, #tpu.memory_space<semaphore_mem>>
    %dma_start3A_14 = tpu.memref_squeeze %dma_start3A_13 : memref<1x!tpu.dma_semaphore, #tpu.memory_space<semaphore_mem>> -> memref<!tpu.dma_semaphore, #tpu.memory_space<semaphore_mem>>
    %dma_start3A_15 = arith.constant 0 : i32
    %dma_start3A_16 = arith.constant 0 : i32
    %dma_start3A_17 = tpu.memref_slice %arg7[%dma_start3A_3, %dma_start3A_15, %dma_start3A_16] : memref<4x2x128xi32, #tpu.memory_space<vmem>> -> memref<1x2x128xi32, #tpu.memory_space<vmem>>
    %dma_start3A_18 = tpu.memref_squeeze %dma_start3A_17 : memref<1x2x128xi32, #tpu.memory_space<vmem>> -> memref<2x128xi32, #tpu.memory_space<vmem>>
    %dma_start3A_19 = arith.constant 0 : i32
    %dma_start3A_20 = arith.constant 0 : i32
    %dma_start3A_21 = tpu.memref_slice %arg3[%add3A, %dma_start3A, %dma_start3A_19, %dma_start3A_20] : memref<32x80x2x128xi32, #tpu.memory_space<hbm>> -> memref<1x1x2x128xi32, #tpu.memory_space<hbm>>
    %dma_start3A_22 = tpu.memref_squeeze %dma_start3A_21 : memref<1x1x2x128xi32, #tpu.memory_space<hbm>> -> memref<2x128xi32, #tpu.memory_space<hbm>>
    tpu.enqueue_dma source(%dma_start3A_22 : memref<2x128xi32, #tpu.memory_space<hbm>>) target(%dma_start3A_18 : memref<2x128xi32, #tpu.memory_space<vmem>>) target_semaphore(%dma_start3A_14 : memref<!tpu.dma_semaphore, #tpu.memory_space<semaphore_mem>>)
    %dma_start3A_23 = arith.constant 1 : i32
    %dma_start3A_24 = arith.constant 1 : i32
    %dma_start3A_25 = arith.constant 1 : i32
    %dma_start3A_26 = arith.constant 0 : i32
    %dma_start3A_27 = arith.constant 0 : i32
    %dma_start3A_28 = tpu.memref_slice %arg7[%dma_start3A_24, %dma_start3A_26, %dma_start3A_27] : memref<4x2x128xi32, #tpu.memory_space<vmem>> -> memref<1x2x128xi32, #tpu.memory_space<vmem>>
    %dma_start3A_29 = tpu.memref_squeeze %dma_start3A_28 : memref<1x2x128xi32, #tpu.memory_space<vmem>> -> memref<2x128xi32, #tpu.memory_space<vmem>>
    %dma_start3A_30 = arith.constant 0 : i32
    %dma_start3A_31 = arith.constant 0 : i32
    %dma_start3A_32 = tpu.memref_slice %arg3[%add3A, %dma_start3A_23, %dma_start3A_30, %dma_start3A_31] : memref<32x80x2x128xi32, #tpu.memory_space<hbm>> -> memref<1x1x2x128xi32, #tpu.memory_space<hbm>>
    %dma_start3A_33 = tpu.memref_squeeze %dma_start3A_32 : memref<1x1x2x128xi32, #tpu.memory_space<hbm>> -> memref<2x128xi32, #tpu.memory_space<hbm>>
    %dma_start3A_34 = tpu.memref_slice %arg9[%dma_start3A_25] : memref<4x!tpu.dma_semaphore, #tpu.memory_space<semaphore_mem>> -> memref<1x!tpu.dma_semaphore, #tpu.memory_space<semaphore_mem>>
    %dma_start3A_35 = tpu.memref_squeeze %dma_start3A_34 : memref<1x!tpu.dma_semaphore, #tpu.memory_space<semaphore_mem>> -> memref<!tpu.dma_semaphore, #tpu.memory_space<semaphore_mem>>
    %dma_start3A_36 = arith.constant 0 : i32
    %dma_start3A_37 = arith.constant 0 : i32
    %dma_start3A_38 = tpu.memref_slice %arg7[%dma_start3A_24, %dma_start3A_36, %dma_start3A_37] : memref<4x2x128xi32, #tpu.memory_space<vmem>> -> memref<1x2x128xi32, #tpu.memory_space<vmem>>
    %dma_start3A_39 = tpu.memref_squeeze %dma_start3A_38 : memref<1x2x128xi32, #tpu.memory_space<vmem>> -> memref<2x128xi32, #tpu.memory_space<vmem>>
    %dma_start3A_40 = arith.constant 0 : i32
    %dma_start3A_41 = arith.constant 0 : i32
    %dma_start3A_42 = tpu.memref_slice %arg3[%add3A, %dma_start3A_23, %dma_start3A_40, %dma_start3A_41] : memref<32x80x2x128xi32, #tpu.memory_space<hbm>> -> memref<1x1x2x128xi32, #tpu.memory_space<hbm>>
    %dma_start3A_43 = tpu.memref_squeeze %dma_start3A_42 : memref<1x1x2x128xi32, #tpu.memory_space<hbm>> -> memref<2x128xi32, #tpu.memory_space<hbm>>
    tpu.enqueue_dma source(%dma_start3A_43 : memref<2x128xi32, #tpu.memory_space<hbm>>) target(%dma_start3A_39 : memref<2x128xi32, #tpu.memory_space<vmem>>) target_semaphore(%dma_start3A_35 : memref<!tpu.dma_semaphore, #tpu.memory_space<semaphore_mem>>)
    %scan3A = arith.constant 0 : i32
    %scan3A_44 = arith.constant 20 : i32
    %scan3A_45 = arith.addi %scan3A, %scan3A_44 : i32
    %scan3A_46 = arith.constant 1 : i32
    scf.for %scan3A_112 = %scan3A to %scan3A_45 step %scan3A_46  : i32 {
      %mul3A_113 = arith.constant 4 : i32
      %mul3A_114 = arith.muli %scan3A_112, %mul3A_113 : i32
      %add3A_115 = arith.constant 0 : i32
      %add3A_116 = arith.addi %add3A_115, %mul3A_114 : i32
      %add3A_117 = arith.constant 0 : i32
      %add3A_118 = arith.addi %add3A_116, %add3A_117 : i32
      %ge3A = arith.constant 2 : i32
      %ge3A_119 = arith.cmpi sge, %add3A_118, %ge3A : i32
      %convert_element_type3A = arith.extui %ge3A_119 : i1 to i32
      %cond3A = arith.constant 0 : i32
      %cond3A_120 = arith.cmpi ne, %convert_element_type3A, %cond3A : i32
      scf.if %cond3A_120 {
        %dma_wait3A_337 = arith.constant 0 : i32
        %dma_wait3A_338 = arith.constant 0 : i32
        %dma_wait3A_339 = arith.constant 1 : i32
        %dma_wait3A_340 = arith.constant 0 : i32
        %dma_wait3A_341 = arith.constant 0 : i32
        %dma_wait3A_342 = arith.constant 0 : i32
        %dma_wait3A_343 = tpu.memref_slice %arg8[%dma_wait3A_337, %dma_wait3A_341, %dma_wait3A_342] : memref<2x128x128xf32, #tpu.memory_space<vmem>> -> memref<1x128x128xf32, #tpu.memory_space<vmem>>
        %dma_wait3A_344 = tpu.memref_squeeze %dma_wait3A_343 : memref<1x128x128xf32, #tpu.memory_space<vmem>> -> memref<128x128xf32, #tpu.memory_space<vmem>>
        %dma_wait3A_345 = arith.constant 0 : i32
        %dma_wait3A_346 = tpu.memref_slice %arg7[%dma_wait3A_338, %dma_wait3A_339, %dma_wait3A_345] : memref<4x2x128xi32, #tpu.memory_space<vmem>> -> memref<1x1x128xi32, #tpu.memory_space<vmem>>
        %dma_wait3A_347 = tpu.memref_squeeze %dma_wait3A_346 : memref<1x1x128xi32, #tpu.memory_space<vmem>> -> memref<128xi32, #tpu.memory_space<vmem>>
        %dma_wait3A_348 = arith.constant 0 : i32
        %dma_wait3A_349 = arith.constant 0 : i32
        %dma_wait3A_350 = tpu.memref_slice %arg6[%dma_wait3A_348, %dma_wait3A_349] : memref<10112x128xf32, #tpu.memory_space<vmem_shared>> -> memref<10112x128xf32, #tpu.memory_space<vmem_shared>>
        %dma_wait3A_351 = tpu.memref_slice %arg11[%dma_wait3A_340] : memref<2x!tpu.dma_semaphore, #tpu.memory_space<semaphore_mem>> -> memref<1x!tpu.dma_semaphore, #tpu.memory_space<semaphore_mem>>
        %dma_wait3A_352 = tpu.memref_squeeze %dma_wait3A_351 : memref<1x!tpu.dma_semaphore, #tpu.memory_space<semaphore_mem>> -> memref<!tpu.dma_semaphore, #tpu.memory_space<semaphore_mem>>
        tpu.wait_indirect_dma semaphore(%dma_wait3A_352 : memref<!tpu.dma_semaphore, #tpu.memory_space<semaphore_mem>>) src(%dma_wait3A_344 : memref<128x128xf32, #tpu.memory_space<vmem>>) dst(%dma_wait3A_350 : memref<10112x128xf32, #tpu.memory_space<vmem_shared>>)
      } else {
      }
      %add3A_121 = arith.constant 2 : i32
      %add3A_122 = arith.addi %add3A_118, %add3A_121 : i32
      %lt3A = arith.constant 80 : i32
      %lt3A_123 = arith.cmpi slt, %add3A_122, %lt3A : i32
      %convert_element_type3A_124 = arith.extui %lt3A_123 : i1 to i32
      %cond3A_125 = arith.constant 0 : i32
      %cond3A_126 = arith.cmpi ne, %convert_element_type3A_124, %cond3A_125 : i32
      scf.if %cond3A_126 {
        %add3A_337 = arith.constant 2 : i32
        %add3A_338 = arith.addi %add3A_118, %add3A_337 : i32
        %dma_start3A_339 = arith.constant 2 : i32
        %dma_start3A_340 = arith.constant 2 : i32
        %dma_start3A_341 = arith.constant 0 : i32
        %dma_start3A_342 = arith.constant 0 : i32
        %dma_start3A_343 = tpu.memref_slice %arg7[%dma_start3A_339, %dma_start3A_341, %dma_start3A_342] : memref<4x2x128xi32, #tpu.memory_space<vmem>> -> memref<1x2x128xi32, #tpu.memory_space<vmem>>
        %dma_start3A_344 = tpu.memref_squeeze %dma_start3A_343 : memref<1x2x128xi32, #tpu.memory_space<vmem>> -> memref<2x128xi32, #tpu.memory_space<vmem>>
        %dma_start3A_345 = arith.constant 0 : i32
        %dma_start3A_346 = arith.constant 0 : i32
        %dma_start3A_347 = tpu.memref_slice %arg3[%add3A, %add3A_338, %dma_start3A_345, %dma_start3A_346] : memref<32x80x2x128xi32, #tpu.memory_space<hbm>> -> memref<1x1x2x128xi32, #tpu.memory_space<hbm>>
        %dma_start3A_348 = tpu.memref_squeeze %dma_start3A_347 : memref<1x1x2x128xi32, #tpu.memory_space<hbm>> -> memref<2x128xi32, #tpu.memory_space<hbm>>
        %dma_start3A_349 = tpu.memref_slice %arg9[%dma_start3A_340] : memref<4x!tpu.dma_semaphore, #tpu.memory_space<semaphore_mem>> -> memref<1x!tpu.dma_semaphore, #tpu.memory_space<semaphore_mem>>
        %dma_start3A_350 = tpu.memref_squeeze %dma_start3A_349 : memref<1x!tpu.dma_semaphore, #tpu.memory_space<semaphore_mem>> -> memref<!tpu.dma_semaphore, #tpu.memory_space<semaphore_mem>>
        %dma_start3A_351 = arith.constant 0 : i32
        %dma_start3A_352 = arith.constant 0 : i32
        %dma_start3A_353 = tpu.memref_slice %arg7[%dma_start3A_339, %dma_start3A_351, %dma_start3A_352] : memref<4x2x128xi32, #tpu.memory_space<vmem>> -> memref<1x2x128xi32, #tpu.memory_space<vmem>>
        %dma_start3A_354 = tpu.memref_squeeze %dma_start3A_353 : memref<1x2x128xi32, #tpu.memory_space<vmem>> -> memref<2x128xi32, #tpu.memory_space<vmem>>
        %dma_start3A_355 = arith.constant 0 : i32
        %dma_start3A_356 = arith.constant 0 : i32
        %dma_start3A_357 = tpu.memref_slice %arg3[%add3A, %add3A_338, %dma_start3A_355, %dma_start3A_356] : memref<32x80x2x128xi32, #tpu.memory_space<hbm>> -> memref<1x1x2x128xi32, #tpu.memory_space<hbm>>
        %dma_start3A_358 = tpu.memref_squeeze %dma_start3A_357 : memref<1x1x2x128xi32, #tpu.memory_space<hbm>> -> memref<2x128xi32, #tpu.memory_space<hbm>>
        tpu.enqueue_dma source(%dma_start3A_358 : memref<2x128xi32, #tpu.memory_space<hbm>>) target(%dma_start3A_354 : memref<2x128xi32, #tpu.memory_space<vmem>>) target_semaphore(%dma_start3A_350 : memref<!tpu.dma_semaphore, #tpu.memory_space<semaphore_mem>>)
      } else {
      }
      %dma_wait3A_127 = arith.constant 0 : i32
      %dma_wait3A_128 = arith.constant 0 : i32
      %dma_wait3A_129 = arith.constant 0 : i32
      %dma_wait3A_130 = arith.constant 0 : i32
      %dma_wait3A_131 = arith.constant 0 : i32
      %dma_wait3A_132 = tpu.memref_slice %arg7[%dma_wait3A_128, %dma_wait3A_130, %dma_wait3A_131] : memref<4x2x128xi32, #tpu.memory_space<vmem>> -> memref<1x2x128xi32, #tpu.memory_space<vmem>>
      %dma_wait3A_133 = tpu.memref_squeeze %dma_wait3A_132 : memref<1x2x128xi32, #tpu.memory_space<vmem>> -> memref<2x128xi32, #tpu.memory_space<vmem>>
      %dma_wait3A_134 = arith.constant 0 : i32
      %dma_wait3A_135 = arith.constant 0 : i32
      %dma_wait3A_136 = tpu.memref_slice %arg3[%add3A, %dma_wait3A_127, %dma_wait3A_134, %dma_wait3A_135] : memref<32x80x2x128xi32, #tpu.memory_space<hbm>> -> memref<1x1x2x128xi32, #tpu.memory_space<hbm>>
      %dma_wait3A_137 = tpu.memref_squeeze %dma_wait3A_136 : memref<1x1x2x128xi32, #tpu.memory_space<hbm>> -> memref<2x128xi32, #tpu.memory_space<hbm>>
      %dma_wait3A_138 = tpu.memref_slice %arg9[%dma_wait3A_129] : memref<4x!tpu.dma_semaphore, #tpu.memory_space<semaphore_mem>> -> memref<1x!tpu.dma_semaphore, #tpu.memory_space<semaphore_mem>>
      %dma_wait3A_139 = tpu.memref_squeeze %dma_wait3A_138 : memref<1x!tpu.dma_semaphore, #tpu.memory_space<semaphore_mem>> -> memref<!tpu.dma_semaphore, #tpu.memory_space<semaphore_mem>>
      %dma_wait3A_140 = arith.constant 0 : i32
      %dma_wait3A_141 = arith.constant 0 : i32
      %dma_wait3A_142 = tpu.memref_slice %arg7[%dma_wait3A_128, %dma_wait3A_140, %dma_wait3A_141] : memref<4x2x128xi32, #tpu.memory_space<vmem>> -> memref<1x2x128xi32, #tpu.memory_space<vmem>>
      %dma_wait3A_143 = tpu.memref_squeeze %dma_wait3A_142 : memref<1x2x128xi32, #tpu.memory_space<vmem>> -> memref<2x128xi32, #tpu.memory_space<vmem>>
      %dma_wait3A_144 = arith.constant 0 : i32
      %dma_wait3A_145 = arith.constant 0 : i32
      %dma_wait3A_146 = tpu.memref_slice %arg3[%add3A, %dma_wait3A_127, %dma_wait3A_144, %dma_wait3A_145] : memref<32x80x2x128xi32, #tpu.memory_space<hbm>> -> memref<1x1x2x128xi32, #tpu.memory_space<hbm>>
      %dma_wait3A_147 = tpu.memref_squeeze %dma_wait3A_146 : memref<1x1x2x128xi32, #tpu.memory_space<hbm>> -> memref<2x128xi32, #tpu.memory_space<hbm>>
      tpu.wait_dma2 semaphore(%dma_wait3A_139 : memref<!tpu.dma_semaphore, #tpu.memory_space<semaphore_mem>>) src(%dma_wait3A_147 : memref<2x128xi32, #tpu.memory_space<hbm>>) dst(%dma_wait3A_143 : memref<2x128xi32, #tpu.memory_space<vmem>>)
      %dma_start3A_148 = arith.constant 0 : i32
      %dma_start3A_149 = arith.constant 0 : i32
      %dma_start3A_150 = arith.constant 0 : i32
      %dma_start3A_151 = arith.constant 0 : i32
      %dma_start3A_152 = arith.constant 0 : i32
      %dma_start3A_153 = arith.constant 0 : i32
      %dma_start3A_154 = tpu.memref_slice %arg8[%dma_start3A_150, %dma_start3A_152, %dma_start3A_153] : memref<2x128x128xf32, #tpu.memory_space<vmem>> -> memref<1x128x128xf32, #tpu.memory_space<vmem>>
      %dma_start3A_155 = tpu.memref_squeeze %dma_start3A_154 : memref<1x128x128xf32, #tpu.memory_space<vmem>> -> memref<128x128xf32, #tpu.memory_space<vmem>>
      %dma_start3A_156 = arith.constant 0 : i32
      %dma_start3A_157 = tpu.memref_slice %arg7[%dma_start3A_148, %dma_start3A_149, %dma_start3A_156] : memref<4x2x128xi32, #tpu.memory_space<vmem>> -> memref<1x1x128xi32, #tpu.memory_space<vmem>>
      %dma_start3A_158 = tpu.memref_squeeze %dma_start3A_157 : memref<1x1x128xi32, #tpu.memory_space<vmem>> -> memref<128xi32, #tpu.memory_space<vmem>>
      %dma_start3A_159 = arith.constant 0 : i32
      %dma_start3A_160 = arith.constant 0 : i32
      %dma_start3A_161 = tpu.memref_slice %arg2[%dma_start3A_159, %dma_start3A_160] : memref<10000x128xf32, #tpu.memory_space<hbm>> -> memref<10000x128xf32, #tpu.memory_space<hbm>>
      %dma_start3A_162 = tpu.memref_slice %arg10[%dma_start3A_151] : memref<2x!tpu.dma_semaphore, #tpu.memory_space<semaphore_mem>> -> memref<1x!tpu.dma_semaphore, #tpu.memory_space<semaphore_mem>>
      %dma_start3A_163 = tpu.memref_squeeze %dma_start3A_162 : memref<1x!tpu.dma_semaphore, #tpu.memory_space<semaphore_mem>> -> memref<!tpu.dma_semaphore, #tpu.memory_space<semaphore_mem>>
      tpu.enqueue_indirect_dma source(%dma_start3A_161 : memref<10000x128xf32, #tpu.memory_space<hbm>>) target(%dma_start3A_155 : memref<128x128xf32, #tpu.memory_space<vmem>>) offsets(%dma_start3A_158 : memref<128xi32, #tpu.memory_space<vmem>>) semaphore(%dma_start3A_163 : memref<!tpu.dma_semaphore, #tpu.memory_space<semaphore_mem>>)
      %ge3A_164 = arith.constant 1 : i32
      %ge3A_165 = arith.cmpi sge, %add3A_118, %ge3A_164 : i32
      %convert_element_type3A_166 = arith.extui %ge3A_165 : i1 to i32
      %cond3A_167 = arith.constant 0 : i32
      %cond3A_168 = arith.cmpi ne, %convert_element_type3A_166, %cond3A_167 : i32
      scf.if %cond3A_168 {
        %dma_wait3A_337 = arith.constant 0 : i32
        %dma_wait3A_338 = arith.constant 0 : i32
        %dma_wait3A_339 = arith.constant 1 : i32
        %dma_wait3A_340 = arith.constant 1 : i32
        %dma_wait3A_341 = arith.constant 0 : i32
        %dma_wait3A_342 = arith.constant 0 : i32
        %dma_wait3A_343 = tpu.memref_slice %arg8[%dma_wait3A_339, %dma_wait3A_341, %dma_wait3A_342] : memref<2x128x128xf32, #tpu.memory_space<vmem>> -> memref<1x128x128xf32, #tpu.memory_space<vmem>>
        %dma_wait3A_344 = tpu.memref_squeeze %dma_wait3A_343 : memref<1x128x128xf32, #tpu.memory_space<vmem>> -> memref<128x128xf32, #tpu.memory_space<vmem>>
        %dma_wait3A_345 = arith.constant 0 : i32
        %dma_wait3A_346 = tpu.memref_slice %arg7[%dma_wait3A_337, %dma_wait3A_338, %dma_wait3A_345] : memref<4x2x128xi32, #tpu.memory_space<vmem>> -> memref<1x1x128xi32, #tpu.memory_space<vmem>>
        %dma_wait3A_347 = tpu.memref_squeeze %dma_wait3A_346 : memref<1x1x128xi32, #tpu.memory_space<vmem>> -> memref<128xi32, #tpu.memory_space<vmem>>
        %dma_wait3A_348 = arith.constant 0 : i32
        %dma_wait3A_349 = arith.constant 0 : i32
        %dma_wait3A_350 = tpu.memref_slice %arg2[%dma_wait3A_348, %dma_wait3A_349] : memref<10000x128xf32, #tpu.memory_space<hbm>> -> memref<10000x128xf32, #tpu.memory_space<hbm>>
        %dma_wait3A_351 = tpu.memref_slice %arg10[%dma_wait3A_340] : memref<2x!tpu.dma_semaphore, #tpu.memory_space<semaphore_mem>> -> memref<1x!tpu.dma_semaphore, #tpu.memory_space<semaphore_mem>>
        %dma_wait3A_352 = tpu.memref_squeeze %dma_wait3A_351 : memref<1x!tpu.dma_semaphore, #tpu.memory_space<semaphore_mem>> -> memref<!tpu.dma_semaphore, #tpu.memory_space<semaphore_mem>>
        tpu.wait_indirect_dma semaphore(%dma_wait3A_352 : memref<!tpu.dma_semaphore, #tpu.memory_space<semaphore_mem>>) src(%dma_wait3A_350 : memref<10000x128xf32, #tpu.memory_space<hbm>>) dst(%dma_wait3A_344 : memref<128x128xf32, #tpu.memory_space<vmem>>)
        %sub3A = arith.constant 1 : i32
        %sub3A_353 = arith.subi %add3A_118, %sub3A : i32
        %dma_start3A_354 = arith.constant 1 : i32
        %dma_start3A_355 = arith.constant 3 : i32
        %dma_start3A_356 = arith.constant 1 : i32
        %dma_start3A_357 = arith.constant 1 : i32
        %dma_start3A_358 = arith.constant 0 : i32
        %dma_start3A_359 = arith.constant 0 : i32
        %dma_start3A_360 = tpu.memref_slice %arg8[%dma_start3A_354, %dma_start3A_358, %dma_start3A_359] : memref<2x128x128xf32, #tpu.memory_space<vmem>> -> memref<1x128x128xf32, #tpu.memory_space<vmem>>
        %dma_start3A_361 = tpu.memref_squeeze %dma_start3A_360 : memref<1x128x128xf32, #tpu.memory_space<vmem>> -> memref<128x128xf32, #tpu.memory_space<vmem>>
        %dma_start3A_362 = arith.constant 0 : i32
        %dma_start3A_363 = tpu.memref_slice %arg7[%dma_start3A_355, %dma_start3A_356, %dma_start3A_362] : memref<4x2x128xi32, #tpu.memory_space<vmem>> -> memref<1x1x128xi32, #tpu.memory_space<vmem>>
        %dma_start3A_364 = tpu.memref_squeeze %dma_start3A_363 : memref<1x1x128xi32, #tpu.memory_space<vmem>> -> memref<128xi32, #tpu.memory_space<vmem>>
        %dma_start3A_365 = arith.constant 0 : i32
        %dma_start3A_366 = arith.constant 0 : i32
        %dma_start3A_367 = tpu.memref_slice %arg6[%dma_start3A_365, %dma_start3A_366] : memref<10112x128xf32, #tpu.memory_space<vmem_shared>> -> memref<10112x128xf32, #tpu.memory_space<vmem_shared>>
        %dma_start3A_368 = tpu.memref_slice %arg11[%dma_start3A_357] : memref<2x!tpu.dma_semaphore, #tpu.memory_space<semaphore_mem>> -> memref<1x!tpu.dma_semaphore, #tpu.memory_space<semaphore_mem>>
        %dma_start3A_369 = tpu.memref_squeeze %dma_start3A_368 : memref<1x!tpu.dma_semaphore, #tpu.memory_space<semaphore_mem>> -> memref<!tpu.dma_semaphore, #tpu.memory_space<semaphore_mem>>
        tpu.enqueue_indirect_dma source(%dma_start3A_361 : memref<128x128xf32, #tpu.memory_space<vmem>>) target(%dma_start3A_367 : memref<10112x128xf32, #tpu.memory_space<vmem_shared>>) offsets(%dma_start3A_364 : memref<128xi32, #tpu.memory_space<vmem>>) semaphore(%dma_start3A_369 : memref<!tpu.dma_semaphore, #tpu.memory_space<semaphore_mem>>) {add = true}
      } else {
      }
      %add3A_169 = arith.constant 1 : i32
      %add3A_170 = arith.addi %add3A_116, %add3A_169 : i32
      %ge3A_171 = arith.constant 2 : i32
      %ge3A_172 = arith.cmpi sge, %add3A_170, %ge3A_171 : i32
      %convert_element_type3A_173 = arith.extui %ge3A_172 : i1 to i32
      %cond3A_174 = arith.constant 0 : i32
      %cond3A_175 = arith.cmpi ne, %convert_element_type3A_173, %cond3A_174 : i32
      scf.if %cond3A_175 {
        %dma_wait3A_337 = arith.constant 1 : i32
        %dma_wait3A_338 = arith.constant 0 : i32
        %dma_wait3A_339 = arith.constant 1 : i32
        %dma_wait3A_340 = arith.constant 1 : i32
        %dma_wait3A_341 = arith.constant 0 : i32
        %dma_wait3A_342 = arith.constant 0 : i32
        %dma_wait3A_343 = tpu.memref_slice %arg8[%dma_wait3A_337, %dma_wait3A_341, %dma_wait3A_342] : memref<2x128x128xf32, #tpu.memory_space<vmem>> -> memref<1x128x128xf32, #tpu.memory_space<vmem>>
        %dma_wait3A_344 = tpu.memref_squeeze %dma_wait3A_343 : memref<1x128x128xf32, #tpu.memory_space<vmem>> -> memref<128x128xf32, #tpu.memory_space<vmem>>
        %dma_wait3A_345 = arith.constant 0 : i32
        %dma_wait3A_346 = tpu.memref_slice %arg7[%dma_wait3A_338, %dma_wait3A_339, %dma_wait3A_345] : memref<4x2x128xi32, #tpu.memory_space<vmem>> -> memref<1x1x128xi32, #tpu.memory_space<vmem>>
        %dma_wait3A_347 = tpu.memref_squeeze %dma_wait3A_346 : memref<1x1x128xi32, #tpu.memory_space<vmem>> -> memref<128xi32, #tpu.memory_space<vmem>>
        %dma_wait3A_348 = arith.constant 0 : i32
        %dma_wait3A_349 = arith.constant 0 : i32
        %dma_wait3A_350 = tpu.memref_slice %arg6[%dma_wait3A_348, %dma_wait3A_349] : memref<10112x128xf32, #tpu.memory_space<vmem_shared>> -> memref<10112x128xf32, #tpu.memory_space<vmem_shared>>
        %dma_wait3A_351 = tpu.memref_slice %arg11[%dma_wait3A_340] : memref<2x!tpu.dma_semaphore, #tpu.memory_space<semaphore_mem>> -> memref<1x!tpu.dma_semaphore, #tpu.memory_space<semaphore_mem>>
        %dma_wait3A_352 = tpu.memref_squeeze %dma_wait3A_351 : memref<1x!tpu.dma_semaphore, #tpu.memory_space<semaphore_mem>> -> memref<!tpu.dma_semaphore, #tpu.memory_space<semaphore_mem>>
        tpu.wait_indirect_dma semaphore(%dma_wait3A_352 : memref<!tpu.dma_semaphore, #tpu.memory_space<semaphore_mem>>) src(%dma_wait3A_344 : memref<128x128xf32, #tpu.memory_space<vmem>>) dst(%dma_wait3A_350 : memref<10112x128xf32, #tpu.memory_space<vmem_shared>>)
      } else {
      }
      %add3A_176 = arith.constant 2 : i32
      %add3A_177 = arith.addi %add3A_170, %add3A_176 : i32
      %lt3A_178 = arith.constant 80 : i32
      %lt3A_179 = arith.cmpi slt, %add3A_177, %lt3A_178 : i32
      %convert_element_type3A_180 = arith.extui %lt3A_179 : i1 to i32
      %cond3A_181 = arith.constant 0 : i32
      %cond3A_182 = arith.cmpi ne, %convert_element_type3A_180, %cond3A_181 : i32
      scf.if %cond3A_182 {
        %add3A_337 = arith.constant 2 : i32
        %add3A_338 = arith.addi %add3A_170, %add3A_337 : i32
        %dma_start3A_339 = arith.constant 3 : i32
        %dma_start3A_340 = arith.constant 3 : i32
        %dma_start3A_341 = arith.constant 0 : i32
        %dma_start3A_342 = arith.constant 0 : i32
        %dma_start3A_343 = tpu.memref_slice %arg7[%dma_start3A_339, %dma_start3A_341, %dma_start3A_342] : memref<4x2x128xi32, #tpu.memory_space<vmem>> -> memref<1x2x128xi32, #tpu.memory_space<vmem>>
        %dma_start3A_344 = tpu.memref_squeeze %dma_start3A_343 : memref<1x2x128xi32, #tpu.memory_space<vmem>> -> memref<2x128xi32, #tpu.memory_space<vmem>>
        %dma_start3A_345 = arith.constant 0 : i32
        %dma_start3A_346 = arith.constant 0 : i32
        %dma_start3A_347 = tpu.memref_slice %arg3[%add3A, %add3A_338, %dma_start3A_345, %dma_start3A_346] : memref<32x80x2x128xi32, #tpu.memory_space<hbm>> -> memref<1x1x2x128xi32, #tpu.memory_space<hbm>>
        %dma_start3A_348 = tpu.memref_squeeze %dma_start3A_347 : memref<1x1x2x128xi32, #tpu.memory_space<hbm>> -> memref<2x128xi32, #tpu.memory_space<hbm>>
        %dma_start3A_349 = tpu.memref_slice %arg9[%dma_start3A_340] : memref<4x!tpu.dma_semaphore, #tpu.memory_space<semaphore_mem>> -> memref<1x!tpu.dma_semaphore, #tpu.memory_space<semaphore_mem>>
        %dma_start3A_350 = tpu.memref_squeeze %dma_start3A_349 : memref<1x!tpu.dma_semaphore, #tpu.memory_space<semaphore_mem>> -> memref<!tpu.dma_semaphore, #tpu.memory_space<semaphore_mem>>
        %dma_start3A_351 = arith.constant 0 : i32
        %dma_start3A_352 = arith.constant 0 : i32
        %dma_start3A_353 = tpu.memref_slice %arg7[%dma_start3A_339, %dma_start3A_351, %dma_start3A_352] : memref<4x2x128xi32, #tpu.memory_space<vmem>> -> memref<1x2x128xi32, #tpu.memory_space<vmem>>
        %dma_start3A_354 = tpu.memref_squeeze %dma_start3A_353 : memref<1x2x128xi32, #tpu.memory_space<vmem>> -> memref<2x128xi32, #tpu.memory_space<vmem>>
        %dma_start3A_355 = arith.constant 0 : i32
        %dma_start3A_356 = arith.constant 0 : i32
        %dma_start3A_357 = tpu.memref_slice %arg3[%add3A, %add3A_338, %dma_start3A_355, %dma_start3A_356] : memref<32x80x2x128xi32, #tpu.memory_space<hbm>> -> memref<1x1x2x128xi32, #tpu.memory_space<hbm>>
        %dma_start3A_358 = tpu.memref_squeeze %dma_start3A_357 : memref<1x1x2x128xi32, #tpu.memory_space<hbm>> -> memref<2x128xi32, #tpu.memory_space<hbm>>
        tpu.enqueue_dma source(%dma_start3A_358 : memref<2x128xi32, #tpu.memory_space<hbm>>) target(%dma_start3A_354 : memref<2x128xi32, #tpu.memory_space<vmem>>) target_semaphore(%dma_start3A_350 : memref<!tpu.dma_semaphore, #tpu.memory_space<semaphore_mem>>)
      } else {
      }
      %dma_wait3A_183 = arith.constant 0 : i32
      %dma_wait3A_184 = arith.constant 1 : i32
      %dma_wait3A_185 = arith.constant 1 : i32
      %dma_wait3A_186 = arith.constant 0 : i32
      %dma_wait3A_187 = arith.constant 0 : i32
      %dma_wait3A_188 = tpu.memref_slice %arg7[%dma_wait3A_184, %dma_wait3A_186, %dma_wait3A_187] : memref<4x2x128xi32, #tpu.memory_space<vmem>> -> memref<1x2x128xi32, #tpu.memory_space<vmem>>
      %dma_wait3A_189 = tpu.memref_squeeze %dma_wait3A_188 : memref<1x2x128xi32, #tpu.memory_space<vmem>> -> memref<2x128xi32, #tpu.memory_space<vmem>>
      %dma_wait3A_190 = arith.constant 0 : i32
      %dma_wait3A_191 = arith.constant 0 : i32
      %dma_wait3A_192 = tpu.memref_slice %arg3[%add3A, %dma_wait3A_183, %dma_wait3A_190, %dma_wait3A_191] : memref<32x80x2x128xi32, #tpu.memory_space<hbm>> -> memref<1x1x2x128xi32, #tpu.memory_space<hbm>>
      %dma_wait3A_193 = tpu.memref_squeeze %dma_wait3A_192 : memref<1x1x2x128xi32, #tpu.memory_space<hbm>> -> memref<2x128xi32, #tpu.memory_space<hbm>>
      %dma_wait3A_194 = tpu.memref_slice %arg9[%dma_wait3A_185] : memref<4x!tpu.dma_semaphore, #tpu.memory_space<semaphore_mem>> -> memref<1x!tpu.dma_semaphore, #tpu.memory_space<semaphore_mem>>
      %dma_wait3A_195 = tpu.memref_squeeze %dma_wait3A_194 : memref<1x!tpu.dma_semaphore, #tpu.memory_space<semaphore_mem>> -> memref<!tpu.dma_semaphore, #tpu.memory_space<semaphore_mem>>
      %dma_wait3A_196 = arith.constant 0 : i32
      %dma_wait3A_197 = arith.constant 0 : i32
      %dma_wait3A_198 = tpu.memref_slice %arg7[%dma_wait3A_184, %dma_wait3A_196, %dma_wait3A_197] : memref<4x2x128xi32, #tpu.memory_space<vmem>> -> memref<1x2x128xi32, #tpu.memory_space<vmem>>
      %dma_wait3A_199 = tpu.memref_squeeze %dma_wait3A_198 : memref<1x2x128xi32, #tpu.memory_space<vmem>> -> memref<2x128xi32, #tpu.memory_space<vmem>>
      %dma_wait3A_200 = arith.constant 0 : i32
      %dma_wait3A_201 = arith.constant 0 : i32
      %dma_wait3A_202 = tpu.memref_slice %arg3[%add3A, %dma_wait3A_183, %dma_wait3A_200, %dma_wait3A_201] : memref<32x80x2x128xi32, #tpu.memory_space<hbm>> -> memref<1x1x2x128xi32, #tpu.memory_space<hbm>>
      %dma_wait3A_203 = tpu.memref_squeeze %dma_wait3A_202 : memref<1x1x2x128xi32, #tpu.memory_space<hbm>> -> memref<2x128xi32, #tpu.memory_space<hbm>>
      tpu.wait_dma2 semaphore(%dma_wait3A_195 : memref<!tpu.dma_semaphore, #tpu.memory_space<semaphore_mem>>) src(%dma_wait3A_203 : memref<2x128xi32, #tpu.memory_space<hbm>>) dst(%dma_wait3A_199 : memref<2x128xi32, #tpu.memory_space<vmem>>)
      %dma_start3A_204 = arith.constant 1 : i32
      %dma_start3A_205 = arith.constant 0 : i32
      %dma_start3A_206 = arith.constant 1 : i32
      %dma_start3A_207 = arith.constant 1 : i32
      %dma_start3A_208 = arith.constant 0 : i32
      %dma_start3A_209 = arith.constant 0 : i32
      %dma_start3A_210 = tpu.memref_slice %arg8[%dma_start3A_206, %dma_start3A_208, %dma_start3A_209] : memref<2x128x128xf32, #tpu.memory_space<vmem>> -> memref<1x128x128xf32, #tpu.memory_space<vmem>>
      %dma_start3A_211 = tpu.memref_squeeze %dma_start3A_210 : memref<1x128x128xf32, #tpu.memory_space<vmem>> -> memref<128x128xf32, #tpu.memory_space<vmem>>
      %dma_start3A_212 = arith.constant 0 : i32
      %dma_start3A_213 = tpu.memref_slice %arg7[%dma_start3A_204, %dma_start3A_205, %dma_start3A_212] : memref<4x2x128xi32, #tpu.memory_space<vmem>> -> memref<1x1x128xi32, #tpu.memory_space<vmem>>
      %dma_start3A_214 = tpu.memref_squeeze %dma_start3A_213 : memref<1x1x128xi32, #tpu.memory_space<vmem>> -> memref<128xi32, #tpu.memory_space<vmem>>
      %dma_start3A_215 = arith.constant 0 : i32
      %dma_start3A_216 = arith.constant 0 : i32
      %dma_start3A_217 = tpu.memref_slice %arg2[%dma_start3A_215, %dma_start3A_216] : memref<10000x128xf32, #tpu.memory_space<hbm>> -> memref<10000x128xf32, #tpu.memory_space<hbm>>
      %dma_start3A_218 = tpu.memref_slice %arg10[%dma_start3A_207] : memref<2x!tpu.dma_semaphore, #tpu.memory_space<semaphore_mem>> -> memref<1x!tpu.dma_semaphore, #tpu.memory_space<semaphore_mem>>
      %dma_start3A_219 = tpu.memref_squeeze %dma_start3A_218 : memref<1x!tpu.dma_semaphore, #tpu.memory_space<semaphore_mem>> -> memref<!tpu.dma_semaphore, #tpu.memory_space<semaphore_mem>>
      tpu.enqueue_indirect_dma source(%dma_start3A_217 : memref<10000x128xf32, #tpu.memory_space<hbm>>) target(%dma_start3A_211 : memref<128x128xf32, #tpu.memory_space<vmem>>) offsets(%dma_start3A_214 : memref<128xi32, #tpu.memory_space<vmem>>) semaphore(%dma_start3A_219 : memref<!tpu.dma_semaphore, #tpu.memory_space<semaphore_mem>>)
      %ge3A_220 = arith.constant 1 : i32
      %ge3A_221 = arith.cmpi sge, %add3A_170, %ge3A_220 : i32
      %convert_element_type3A_222 = arith.extui %ge3A_221 : i1 to i32
      %cond3A_223 = arith.constant 0 : i32
      %cond3A_224 = arith.cmpi ne, %convert_element_type3A_222, %cond3A_223 : i32
      scf.if %cond3A_224 {
        %dma_wait3A_337 = arith.constant 0 : i32
        %dma_wait3A_338 = arith.constant 0 : i32
        %dma_wait3A_339 = arith.constant 0 : i32
        %dma_wait3A_340 = arith.constant 0 : i32
        %dma_wait3A_341 = arith.constant 0 : i32
        %dma_wait3A_342 = arith.constant 0 : i32
        %dma_wait3A_343 = tpu.memref_slice %arg8[%dma_wait3A_339, %dma_wait3A_341, %dma_wait3A_342] : memref<2x128x128xf32, #tpu.memory_space<vmem>> -> memref<1x128x128xf32, #tpu.memory_space<vmem>>
        %dma_wait3A_344 = tpu.memref_squeeze %dma_wait3A_343 : memref<1x128x128xf32, #tpu.memory_space<vmem>> -> memref<128x128xf32, #tpu.memory_space<vmem>>
        %dma_wait3A_345 = arith.constant 0 : i32
        %dma_wait3A_346 = tpu.memref_slice %arg7[%dma_wait3A_337, %dma_wait3A_338, %dma_wait3A_345] : memref<4x2x128xi32, #tpu.memory_space<vmem>> -> memref<1x1x128xi32, #tpu.memory_space<vmem>>
        %dma_wait3A_347 = tpu.memref_squeeze %dma_wait3A_346 : memref<1x1x128xi32, #tpu.memory_space<vmem>> -> memref<128xi32, #tpu.memory_space<vmem>>
        %dma_wait3A_348 = arith.constant 0 : i32
        %dma_wait3A_349 = arith.constant 0 : i32
        %dma_wait3A_350 = tpu.memref_slice %arg2[%dma_wait3A_348, %dma_wait3A_349] : memref<10000x128xf32, #tpu.memory_space<hbm>> -> memref<10000x128xf32, #tpu.memory_space<hbm>>
        %dma_wait3A_351 = tpu.memref_slice %arg10[%dma_wait3A_340] : memref<2x!tpu.dma_semaphore, #tpu.memory_space<semaphore_mem>> -> memref<1x!tpu.dma_semaphore, #tpu.memory_space<semaphore_mem>>
        %dma_wait3A_352 = tpu.memref_squeeze %dma_wait3A_351 : memref<1x!tpu.dma_semaphore, #tpu.memory_space<semaphore_mem>> -> memref<!tpu.dma_semaphore, #tpu.memory_space<semaphore_mem>>
        tpu.wait_indirect_dma semaphore(%dma_wait3A_352 : memref<!tpu.dma_semaphore, #tpu.memory_space<semaphore_mem>>) src(%dma_wait3A_350 : memref<10000x128xf32, #tpu.memory_space<hbm>>) dst(%dma_wait3A_344 : memref<128x128xf32, #tpu.memory_space<vmem>>)
        %sub3A = arith.constant 1 : i32
        %sub3A_353 = arith.subi %add3A_170, %sub3A : i32
        %dma_start3A_354 = arith.constant 0 : i32
        %dma_start3A_355 = arith.constant 0 : i32
        %dma_start3A_356 = arith.constant 1 : i32
        %dma_start3A_357 = arith.constant 0 : i32
        %dma_start3A_358 = arith.constant 0 : i32
        %dma_start3A_359 = arith.constant 0 : i32
        %dma_start3A_360 = tpu.memref_slice %arg8[%dma_start3A_354, %dma_start3A_358, %dma_start3A_359] : memref<2x128x128xf32, #tpu.memory_space<vmem>> -> memref<1x128x128xf32, #tpu.memory_space<vmem>>
        %dma_start3A_361 = tpu.memref_squeeze %dma_start3A_360 : memref<1x128x128xf32, #tpu.memory_space<vmem>> -> memref<128x128xf32, #tpu.memory_space<vmem>>
        %dma_start3A_362 = arith.constant 0 : i32
        %dma_start3A_363 = tpu.memref_slice %arg7[%dma_start3A_355, %dma_start3A_356, %dma_start3A_362] : memref<4x2x128xi32, #tpu.memory_space<vmem>> -> memref<1x1x128xi32, #tpu.memory_space<vmem>>
        %dma_start3A_364 = tpu.memref_squeeze %dma_start3A_363 : memref<1x1x128xi32, #tpu.memory_space<vmem>> -> memref<128xi32, #tpu.memory_space<vmem>>
        %dma_start3A_365 = arith.constant 0 : i32
        %dma_start3A_366 = arith.constant 0 : i32
        %dma_start3A_367 = tpu.memref_slice %arg6[%dma_start3A_365, %dma_start3A_366] : memref<10112x128xf32, #tpu.memory_space<vmem_shared>> -> memref<10112x128xf32, #tpu.memory_space<vmem_shared>>
        %dma_start3A_368 = tpu.memref_slice %arg11[%dma_start3A_357] : memref<2x!tpu.dma_semaphore, #tpu.memory_space<semaphore_mem>> -> memref<1x!tpu.dma_semaphore, #tpu.memory_space<semaphore_mem>>
        %dma_start3A_369 = tpu.memref_squeeze %dma_start3A_368 : memref<1x!tpu.dma_semaphore, #tpu.memory_space<semaphore_mem>> -> memref<!tpu.dma_semaphore, #tpu.memory_space<semaphore_mem>>
        tpu.enqueue_indirect_dma source(%dma_start3A_361 : memref<128x128xf32, #tpu.memory_space<vmem>>) target(%dma_start3A_367 : memref<10112x128xf32, #tpu.memory_space<vmem_shared>>) offsets(%dma_start3A_364 : memref<128xi32, #tpu.memory_space<vmem>>) semaphore(%dma_start3A_369 : memref<!tpu.dma_semaphore, #tpu.memory_space<semaphore_mem>>) {add = true}
      } else {
      }
      %add3A_225 = arith.constant 2 : i32
      %add3A_226 = arith.addi %add3A_116, %add3A_225 : i32
      %ge3A_227 = arith.constant 2 : i32
      %ge3A_228 = arith.cmpi sge, %add3A_226, %ge3A_227 : i32
      %convert_element_type3A_229 = arith.extui %ge3A_228 : i1 to i32
      %cond3A_230 = arith.constant 0 : i32
      %cond3A_231 = arith.cmpi ne, %convert_element_type3A_229, %cond3A_230 : i32
      scf.if %cond3A_231 {
        %dma_wait3A_337 = arith.constant 0 : i32
        %dma_wait3A_338 = arith.constant 0 : i32
        %dma_wait3A_339 = arith.constant 1 : i32
        %dma_wait3A_340 = arith.constant 0 : i32
        %dma_wait3A_341 = arith.constant 0 : i32
        %dma_wait3A_342 = arith.constant 0 : i32
        %dma_wait3A_343 = tpu.memref_slice %arg8[%dma_wait3A_337, %dma_wait3A_341, %dma_wait3A_342] : memref<2x128x128xf32, #tpu.memory_space<vmem>> -> memref<1x128x128xf32, #tpu.memory_space<vmem>>
        %dma_wait3A_344 = tpu.memref_squeeze %dma_wait3A_343 : memref<1x128x128xf32, #tpu.memory_space<vmem>> -> memref<128x128xf32, #tpu.memory_space<vmem>>
        %dma_wait3A_345 = arith.constant 0 : i32
        %dma_wait3A_346 = tpu.memref_slice %arg7[%dma_wait3A_338, %dma_wait3A_339, %dma_wait3A_345] : memref<4x2x128xi32, #tpu.memory_space<vmem>> -> memref<1x1x128xi32, #tpu.memory_space<vmem>>
        %dma_wait3A_347 = tpu.memref_squeeze %dma_wait3A_346 : memref<1x1x128xi32, #tpu.memory_space<vmem>> -> memref<128xi32, #tpu.memory_space<vmem>>
        %dma_wait3A_348 = arith.constant 0 : i32
        %dma_wait3A_349 = arith.constant 0 : i32
        %dma_wait3A_350 = tpu.memref_slice %arg6[%dma_wait3A_348, %dma_wait3A_349] : memref<10112x128xf32, #tpu.memory_space<vmem_shared>> -> memref<10112x128xf32, #tpu.memory_space<vmem_shared>>
        %dma_wait3A_351 = tpu.memref_slice %arg11[%dma_wait3A_340] : memref<2x!tpu.dma_semaphore, #tpu.memory_space<semaphore_mem>> -> memref<1x!tpu.dma_semaphore, #tpu.memory_space<semaphore_mem>>
        %dma_wait3A_352 = tpu.memref_squeeze %dma_wait3A_351 : memref<1x!tpu.dma_semaphore, #tpu.memory_space<semaphore_mem>> -> memref<!tpu.dma_semaphore, #tpu.memory_space<semaphore_mem>>
        tpu.wait_indirect_dma semaphore(%dma_wait3A_352 : memref<!tpu.dma_semaphore, #tpu.memory_space<semaphore_mem>>) src(%dma_wait3A_344 : memref<128x128xf32, #tpu.memory_space<vmem>>) dst(%dma_wait3A_350 : memref<10112x128xf32, #tpu.memory_space<vmem_shared>>)
      } else {
      }
      %add3A_232 = arith.constant 2 : i32
      %add3A_233 = arith.addi %add3A_226, %add3A_232 : i32
      %lt3A_234 = arith.constant 80 : i32
      %lt3A_235 = arith.cmpi slt, %add3A_233, %lt3A_234 : i32
      %convert_element_type3A_236 = arith.extui %lt3A_235 : i1 to i32
      %cond3A_237 = arith.constant 0 : i32
      %cond3A_238 = arith.cmpi ne, %convert_element_type3A_236, %cond3A_237 : i32
      scf.if %cond3A_238 {
        %add3A_337 = arith.constant 2 : i32
        %add3A_338 = arith.addi %add3A_226, %add3A_337 : i32
        %dma_start3A_339 = arith.constant 0 : i32
        %dma_start3A_340 = arith.constant 0 : i32
        %dma_start3A_341 = arith.constant 0 : i32
        %dma_start3A_342 = arith.constant 0 : i32
        %dma_start3A_343 = tpu.memref_slice %arg7[%dma_start3A_339, %dma_start3A_341, %dma_start3A_342] : memref<4x2x128xi32, #tpu.memory_space<vmem>> -> memref<1x2x128xi32, #tpu.memory_space<vmem>>
        %dma_start3A_344 = tpu.memref_squeeze %dma_start3A_343 : memref<1x2x128xi32, #tpu.memory_space<vmem>> -> memref<2x128xi32, #tpu.memory_space<vmem>>
        %dma_start3A_345 = arith.constant 0 : i32
        %dma_start3A_346 = arith.constant 0 : i32
        %dma_start3A_347 = tpu.memref_slice %arg3[%add3A, %add3A_338, %dma_start3A_345, %dma_start3A_346] : memref<32x80x2x128xi32, #tpu.memory_space<hbm>> -> memref<1x1x2x128xi32, #tpu.memory_space<hbm>>
        %dma_start3A_348 = tpu.memref_squeeze %dma_start3A_347 : memref<1x1x2x128xi32, #tpu.memory_space<hbm>> -> memref<2x128xi32, #tpu.memory_space<hbm>>
        %dma_start3A_349 = tpu.memref_slice %arg9[%dma_start3A_340] : memref<4x!tpu.dma_semaphore, #tpu.memory_space<semaphore_mem>> -> memref<1x!tpu.dma_semaphore, #tpu.memory_space<semaphore_mem>>
        %dma_start3A_350 = tpu.memref_squeeze %dma_start3A_349 : memref<1x!tpu.dma_semaphore, #tpu.memory_space<semaphore_mem>> -> memref<!tpu.dma_semaphore, #tpu.memory_space<semaphore_mem>>
        %dma_start3A_351 = arith.constant 0 : i32
        %dma_start3A_352 = arith.constant 0 : i32
        %dma_start3A_353 = tpu.memref_slice %arg7[%dma_start3A_339, %dma_start3A_351, %dma_start3A_352] : memref<4x2x128xi32, #tpu.memory_space<vmem>> -> memref<1x2x128xi32, #tpu.memory_space<vmem>>
        %dma_start3A_354 = tpu.memref_squeeze %dma_start3A_353 : memref<1x2x128xi32, #tpu.memory_space<vmem>> -> memref<2x128xi32, #tpu.memory_space<vmem>>
        %dma_start3A_355 = arith.constant 0 : i32
        %dma_start3A_356 = arith.constant 0 : i32
        %dma_start3A_357 = tpu.memref_slice %arg3[%add3A, %add3A_338, %dma_start3A_355, %dma_start3A_356] : memref<32x80x2x128xi32, #tpu.memory_space<hbm>> -> memref<1x1x2x128xi32, #tpu.memory_space<hbm>>
        %dma_start3A_358 = tpu.memref_squeeze %dma_start3A_357 : memref<1x1x2x128xi32, #tpu.memory_space<hbm>> -> memref<2x128xi32, #tpu.memory_space<hbm>>
        tpu.enqueue_dma source(%dma_start3A_358 : memref<2x128xi32, #tpu.memory_space<hbm>>) target(%dma_start3A_354 : memref<2x128xi32, #tpu.memory_space<vmem>>) target_semaphore(%dma_start3A_350 : memref<!tpu.dma_semaphore, #tpu.memory_space<semaphore_mem>>)
      } else {
      }
      %dma_wait3A_239 = arith.constant 0 : i32
      %dma_wait3A_240 = arith.constant 2 : i32
      %dma_wait3A_241 = arith.constant 2 : i32
      %dma_wait3A_242 = arith.constant 0 : i32
      %dma_wait3A_243 = arith.constant 0 : i32
      %dma_wait3A_244 = tpu.memref_slice %arg7[%dma_wait3A_240, %dma_wait3A_242, %dma_wait3A_243] : memref<4x2x128xi32, #tpu.memory_space<vmem>> -> memref<1x2x128xi32, #tpu.memory_space<vmem>>
      %dma_wait3A_245 = tpu.memref_squeeze %dma_wait3A_244 : memref<1x2x128xi32, #tpu.memory_space<vmem>> -> memref<2x128xi32, #tpu.memory_space<vmem>>
      %dma_wait3A_246 = arith.constant 0 : i32
      %dma_wait3A_247 = arith.constant 0 : i32
      %dma_wait3A_248 = tpu.memref_slice %arg3[%add3A, %dma_wait3A_239, %dma_wait3A_246, %dma_wait3A_247] : memref<32x80x2x128xi32, #tpu.memory_space<hbm>> -> memref<1x1x2x128xi32, #tpu.memory_space<hbm>>
      %dma_wait3A_249 = tpu.memref_squeeze %dma_wait3A_248 : memref<1x1x2x128xi32, #tpu.memory_space<hbm>> -> memref<2x128xi32, #tpu.memory_space<hbm>>
      %dma_wait3A_250 = tpu.memref_slice %arg9[%dma_wait3A_241] : memref<4x!tpu.dma_semaphore, #tpu.memory_space<semaphore_mem>> -> memref<1x!tpu.dma_semaphore, #tpu.memory_space<semaphore_mem>>
      %dma_wait3A_251 = tpu.memref_squeeze %dma_wait3A_250 : memref<1x!tpu.dma_semaphore, #tpu.memory_space<semaphore_mem>> -> memref<!tpu.dma_semaphore, #tpu.memory_space<semaphore_mem>>
      %dma_wait3A_252 = arith.constant 0 : i32
      %dma_wait3A_253 = arith.constant 0 : i32
      %dma_wait3A_254 = tpu.memref_slice %arg7[%dma_wait3A_240, %dma_wait3A_252, %dma_wait3A_253] : memref<4x2x128xi32, #tpu.memory_space<vmem>> -> memref<1x2x128xi32, #tpu.memory_space<vmem>>
      %dma_wait3A_255 = tpu.memref_squeeze %dma_wait3A_254 : memref<1x2x128xi32, #tpu.memory_space<vmem>> -> memref<2x128xi32, #tpu.memory_space<vmem>>
      %dma_wait3A_256 = arith.constant 0 : i32
      %dma_wait3A_257 = arith.constant 0 : i32
      %dma_wait3A_258 = tpu.memref_slice %arg3[%add3A, %dma_wait3A_239, %dma_wait3A_256, %dma_wait3A_257] : memref<32x80x2x128xi32, #tpu.memory_space<hbm>> -> memref<1x1x2x128xi32, #tpu.memory_space<hbm>>
      %dma_wait3A_259 = tpu.memref_squeeze %dma_wait3A_258 : memref<1x1x2x128xi32, #tpu.memory_space<hbm>> -> memref<2x128xi32, #tpu.memory_space<hbm>>
      tpu.wait_dma2 semaphore(%dma_wait3A_251 : memref<!tpu.dma_semaphore, #tpu.memory_space<semaphore_mem>>) src(%dma_wait3A_259 : memref<2x128xi32, #tpu.memory_space<hbm>>) dst(%dma_wait3A_255 : memref<2x128xi32, #tpu.memory_space<vmem>>)
      %dma_start3A_260 = arith.constant 2 : i32
      %dma_start3A_261 = arith.constant 0 : i32
      %dma_start3A_262 = arith.constant 0 : i32
      %dma_start3A_263 = arith.constant 0 : i32
      %dma_start3A_264 = arith.constant 0 : i32
      %dma_start3A_265 = arith.constant 0 : i32
      %dma_start3A_266 = tpu.memref_slice %arg8[%dma_start3A_262, %dma_start3A_264, %dma_start3A_265] : memref<2x128x128xf32, #tpu.memory_space<vmem>> -> memref<1x128x128xf32, #tpu.memory_space<vmem>>
      %dma_start3A_267 = tpu.memref_squeeze %dma_start3A_266 : memref<1x128x128xf32, #tpu.memory_space<vmem>> -> memref<128x128xf32, #tpu.memory_space<vmem>>
      %dma_start3A_268 = arith.constant 0 : i32
      %dma_start3A_269 = tpu.memref_slice %arg7[%dma_start3A_260, %dma_start3A_261, %dma_start3A_268] : memref<4x2x128xi32, #tpu.memory_space<vmem>> -> memref<1x1x128xi32, #tpu.memory_space<vmem>>
      %dma_start3A_270 = tpu.memref_squeeze %dma_start3A_269 : memref<1x1x128xi32, #tpu.memory_space<vmem>> -> memref<128xi32, #tpu.memory_space<vmem>>
      %dma_start3A_271 = arith.constant 0 : i32
      %dma_start3A_272 = arith.constant 0 : i32
      %dma_start3A_273 = tpu.memref_slice %arg2[%dma_start3A_271, %dma_start3A_272] : memref<10000x128xf32, #tpu.memory_space<hbm>> -> memref<10000x128xf32, #tpu.memory_space<hbm>>
      %dma_start3A_274 = tpu.memref_slice %arg10[%dma_start3A_263] : memref<2x!tpu.dma_semaphore, #tpu.memory_space<semaphore_mem>> -> memref<1x!tpu.dma_semaphore, #tpu.memory_space<semaphore_mem>>
      %dma_start3A_275 = tpu.memref_squeeze %dma_start3A_274 : memref<1x!tpu.dma_semaphore, #tpu.memory_space<semaphore_mem>> -> memref<!tpu.dma_semaphore, #tpu.memory_space<semaphore_mem>>
      tpu.enqueue_indirect_dma source(%dma_start3A_273 : memref<10000x128xf32, #tpu.memory_space<hbm>>) target(%dma_start3A_267 : memref<128x128xf32, #tpu.memory_space<vmem>>) offsets(%dma_start3A_270 : memref<128xi32, #tpu.memory_space<vmem>>) semaphore(%dma_start3A_275 : memref<!tpu.dma_semaphore, #tpu.memory_space<semaphore_mem>>)
      %ge3A_276 = arith.constant 1 : i32
      %ge3A_277 = arith.cmpi sge, %add3A_226, %ge3A_276 : i32
      %convert_element_type3A_278 = arith.extui %ge3A_277 : i1 to i32
      %cond3A_279 = arith.constant 0 : i32
      %cond3A_280 = arith.cmpi ne, %convert_element_type3A_278, %cond3A_279 : i32
      scf.if %cond3A_280 {
        %dma_wait3A_337 = arith.constant 0 : i32
        %dma_wait3A_338 = arith.constant 0 : i32
        %dma_wait3A_339 = arith.constant 1 : i32
        %dma_wait3A_340 = arith.constant 1 : i32
        %dma_wait3A_341 = arith.constant 0 : i32
        %dma_wait3A_342 = arith.constant 0 : i32
        %dma_wait3A_343 = tpu.memref_slice %arg8[%dma_wait3A_339, %dma_wait3A_341, %dma_wait3A_342] : memref<2x128x128xf32, #tpu.memory_space<vmem>> -> memref<1x128x128xf32, #tpu.memory_space<vmem>>
        %dma_wait3A_344 = tpu.memref_squeeze %dma_wait3A_343 : memref<1x128x128xf32, #tpu.memory_space<vmem>> -> memref<128x128xf32, #tpu.memory_space<vmem>>
        %dma_wait3A_345 = arith.constant 0 : i32
        %dma_wait3A_346 = tpu.memref_slice %arg7[%dma_wait3A_337, %dma_wait3A_338, %dma_wait3A_345] : memref<4x2x128xi32, #tpu.memory_space<vmem>> -> memref<1x1x128xi32, #tpu.memory_space<vmem>>
        %dma_wait3A_347 = tpu.memref_squeeze %dma_wait3A_346 : memref<1x1x128xi32, #tpu.memory_space<vmem>> -> memref<128xi32, #tpu.memory_space<vmem>>
        %dma_wait3A_348 = arith.constant 0 : i32
        %dma_wait3A_349 = arith.constant 0 : i32
        %dma_wait3A_350 = tpu.memref_slice %arg2[%dma_wait3A_348, %dma_wait3A_349] : memref<10000x128xf32, #tpu.memory_space<hbm>> -> memref<10000x128xf32, #tpu.memory_space<hbm>>
        %dma_wait3A_351 = tpu.memref_slice %arg10[%dma_wait3A_340] : memref<2x!tpu.dma_semaphore, #tpu.memory_space<semaphore_mem>> -> memref<1x!tpu.dma_semaphore, #tpu.memory_space<semaphore_mem>>
        %dma_wait3A_352 = tpu.memref_squeeze %dma_wait3A_351 : memref<1x!tpu.dma_semaphore, #tpu.memory_space<semaphore_mem>> -> memref<!tpu.dma_semaphore, #tpu.memory_space<semaphore_mem>>
        tpu.wait_indirect_dma semaphore(%dma_wait3A_352 : memref<!tpu.dma_semaphore, #tpu.memory_space<semaphore_mem>>) src(%dma_wait3A_350 : memref<10000x128xf32, #tpu.memory_space<hbm>>) dst(%dma_wait3A_344 : memref<128x128xf32, #tpu.memory_space<vmem>>)
        %sub3A = arith.constant 1 : i32
        %sub3A_353 = arith.subi %add3A_226, %sub3A : i32
        %dma_start3A_354 = arith.constant 1 : i32
        %dma_start3A_355 = arith.constant 1 : i32
        %dma_start3A_356 = arith.constant 1 : i32
        %dma_start3A_357 = arith.constant 1 : i32
        %dma_start3A_358 = arith.constant 0 : i32
        %dma_start3A_359 = arith.constant 0 : i32
        %dma_start3A_360 = tpu.memref_slice %arg8[%dma_start3A_354, %dma_start3A_358, %dma_start3A_359] : memref<2x128x128xf32, #tpu.memory_space<vmem>> -> memref<1x128x128xf32, #tpu.memory_space<vmem>>
        %dma_start3A_361 = tpu.memref_squeeze %dma_start3A_360 : memref<1x128x128xf32, #tpu.memory_space<vmem>> -> memref<128x128xf32, #tpu.memory_space<vmem>>
        %dma_start3A_362 = arith.constant 0 : i32
        %dma_start3A_363 = tpu.memref_slice %arg7[%dma_start3A_355, %dma_start3A_356, %dma_start3A_362] : memref<4x2x128xi32, #tpu.memory_space<vmem>> -> memref<1x1x128xi32, #tpu.memory_space<vmem>>
        %dma_start3A_364 = tpu.memref_squeeze %dma_start3A_363 : memref<1x1x128xi32, #tpu.memory_space<vmem>> -> memref<128xi32, #tpu.memory_space<vmem>>
        %dma_start3A_365 = arith.constant 0 : i32
        %dma_start3A_366 = arith.constant 0 : i32
        %dma_start3A_367 = tpu.memref_slice %arg6[%dma_start3A_365, %dma_start3A_366] : memref<10112x128xf32, #tpu.memory_space<vmem_shared>> -> memref<10112x128xf32, #tpu.memory_space<vmem_shared>>
        %dma_start3A_368 = tpu.memref_slice %arg11[%dma_start3A_357] : memref<2x!tpu.dma_semaphore, #tpu.memory_space<semaphore_mem>> -> memref<1x!tpu.dma_semaphore, #tpu.memory_space<semaphore_mem>>
        %dma_start3A_369 = tpu.memref_squeeze %dma_start3A_368 : memref<1x!tpu.dma_semaphore, #tpu.memory_space<semaphore_mem>> -> memref<!tpu.dma_semaphore, #tpu.memory_space<semaphore_mem>>
        tpu.enqueue_indirect_dma source(%dma_start3A_361 : memref<128x128xf32, #tpu.memory_space<vmem>>) target(%dma_start3A_367 : memref<10112x128xf32, #tpu.memory_space<vmem_shared>>) offsets(%dma_start3A_364 : memref<128xi32, #tpu.memory_space<vmem>>) semaphore(%dma_start3A_369 : memref<!tpu.dma_semaphore, #tpu.memory_space<semaphore_mem>>) {add = true}
      } else {
      }
      %add3A_281 = arith.constant 3 : i32
      %add3A_282 = arith.addi %add3A_116, %add3A_281 : i32
      %ge3A_283 = arith.constant 2 : i32
      %ge3A_284 = arith.cmpi sge, %add3A_282, %ge3A_283 : i32
      %convert_element_type3A_285 = arith.extui %ge3A_284 : i1 to i32
      %cond3A_286 = arith.constant 0 : i32
      %cond3A_287 = arith.cmpi ne, %convert_element_type3A_285, %cond3A_286 : i32
      scf.if %cond3A_287 {
        %dma_wait3A_337 = arith.constant 1 : i32
        %dma_wait3A_338 = arith.constant 0 : i32
        %dma_wait3A_339 = arith.constant 1 : i32
        %dma_wait3A_340 = arith.constant 1 : i32
        %dma_wait3A_341 = arith.constant 0 : i32
        %dma_wait3A_342 = arith.constant 0 : i32
        %dma_wait3A_343 = tpu.memref_slice %arg8[%dma_wait3A_337, %dma_wait3A_341, %dma_wait3A_342] : memref<2x128x128xf32, #tpu.memory_space<vmem>> -> memref<1x128x128xf32, #tpu.memory_space<vmem>>
        %dma_wait3A_344 = tpu.memref_squeeze %dma_wait3A_343 : memref<1x128x128xf32, #tpu.memory_space<vmem>> -> memref<128x128xf32, #tpu.memory_space<vmem>>
        %dma_wait3A_345 = arith.constant 0 : i32
        %dma_wait3A_346 = tpu.memref_slice %arg7[%dma_wait3A_338, %dma_wait3A_339, %dma_wait3A_345] : memref<4x2x128xi32, #tpu.memory_space<vmem>> -> memref<1x1x128xi32, #tpu.memory_space<vmem>>
        %dma_wait3A_347 = tpu.memref_squeeze %dma_wait3A_346 : memref<1x1x128xi32, #tpu.memory_space<vmem>> -> memref<128xi32, #tpu.memory_space<vmem>>
        %dma_wait3A_348 = arith.constant 0 : i32
        %dma_wait3A_349 = arith.constant 0 : i32
        %dma_wait3A_350 = tpu.memref_slice %arg6[%dma_wait3A_348, %dma_wait3A_349] : memref<10112x128xf32, #tpu.memory_space<vmem_shared>> -> memref<10112x128xf32, #tpu.memory_space<vmem_shared>>
        %dma_wait3A_351 = tpu.memref_slice %arg11[%dma_wait3A_340] : memref<2x!tpu.dma_semaphore, #tpu.memory_space<semaphore_mem>> -> memref<1x!tpu.dma_semaphore, #tpu.memory_space<semaphore_mem>>
        %dma_wait3A_352 = tpu.memref_squeeze %dma_wait3A_351 : memref<1x!tpu.dma_semaphore, #tpu.memory_space<semaphore_mem>> -> memref<!tpu.dma_semaphore, #tpu.memory_space<semaphore_mem>>
        tpu.wait_indirect_dma semaphore(%dma_wait3A_352 : memref<!tpu.dma_semaphore, #tpu.memory_space<semaphore_mem>>) src(%dma_wait3A_344 : memref<128x128xf32, #tpu.memory_space<vmem>>) dst(%dma_wait3A_350 : memref<10112x128xf32, #tpu.memory_space<vmem_shared>>)
      } else {
      }
      %add3A_288 = arith.constant 2 : i32
      %add3A_289 = arith.addi %add3A_282, %add3A_288 : i32
      %lt3A_290 = arith.constant 80 : i32
      %lt3A_291 = arith.cmpi slt, %add3A_289, %lt3A_290 : i32
      %convert_element_type3A_292 = arith.extui %lt3A_291 : i1 to i32
      %cond3A_293 = arith.constant 0 : i32
      %cond3A_294 = arith.cmpi ne, %convert_element_type3A_292, %cond3A_293 : i32
      scf.if %cond3A_294 {
        %add3A_337 = arith.constant 2 : i32
        %add3A_338 = arith.addi %add3A_282, %add3A_337 : i32
        %dma_start3A_339 = arith.constant 1 : i32
        %dma_start3A_340 = arith.constant 1 : i32
        %dma_start3A_341 = arith.constant 0 : i32
        %dma_start3A_342 = arith.constant 0 : i32
        %dma_start3A_343 = tpu.memref_slice %arg7[%dma_start3A_339, %dma_start3A_341, %dma_start3A_342] : memref<4x2x128xi32, #tpu.memory_space<vmem>> -> memref<1x2x128xi32, #tpu.memory_space<vmem>>
        %dma_start3A_344 = tpu.memref_squeeze %dma_start3A_343 : memref<1x2x128xi32, #tpu.memory_space<vmem>> -> memref<2x128xi32, #tpu.memory_space<vmem>>
        %dma_start3A_345 = arith.constant 0 : i32
        %dma_start3A_346 = arith.constant 0 : i32
        %dma_start3A_347 = tpu.memref_slice %arg3[%add3A, %add3A_338, %dma_start3A_345, %dma_start3A_346] : memref<32x80x2x128xi32, #tpu.memory_space<hbm>> -> memref<1x1x2x128xi32, #tpu.memory_space<hbm>>
        %dma_start3A_348 = tpu.memref_squeeze %dma_start3A_347 : memref<1x1x2x128xi32, #tpu.memory_space<hbm>> -> memref<2x128xi32, #tpu.memory_space<hbm>>
        %dma_start3A_349 = tpu.memref_slice %arg9[%dma_start3A_340] : memref<4x!tpu.dma_semaphore, #tpu.memory_space<semaphore_mem>> -> memref<1x!tpu.dma_semaphore, #tpu.memory_space<semaphore_mem>>
        %dma_start3A_350 = tpu.memref_squeeze %dma_start3A_349 : memref<1x!tpu.dma_semaphore, #tpu.memory_space<semaphore_mem>> -> memref<!tpu.dma_semaphore, #tpu.memory_space<semaphore_mem>>
        %dma_start3A_351 = arith.constant 0 : i32
        %dma_start3A_352 = arith.constant 0 : i32
        %dma_start3A_353 = tpu.memref_slice %arg7[%dma_start3A_339, %dma_start3A_351, %dma_start3A_352] : memref<4x2x128xi32, #tpu.memory_space<vmem>> -> memref<1x2x128xi32, #tpu.memory_space<vmem>>
        %dma_start3A_354 = tpu.memref_squeeze %dma_start3A_353 : memref<1x2x128xi32, #tpu.memory_space<vmem>> -> memref<2x128xi32, #tpu.memory_space<vmem>>
        %dma_start3A_355 = arith.constant 0 : i32
        %dma_start3A_356 = arith.constant 0 : i32
        %dma_start3A_357 = tpu.memref_slice %arg3[%add3A, %add3A_338, %dma_start3A_355, %dma_start3A_356] : memref<32x80x2x128xi32, #tpu.memory_space<hbm>> -> memref<1x1x2x128xi32, #tpu.memory_space<hbm>>
        %dma_start3A_358 = tpu.memref_squeeze %dma_start3A_357 : memref<1x1x2x128xi32, #tpu.memory_space<hbm>> -> memref<2x128xi32, #tpu.memory_space<hbm>>
        tpu.enqueue_dma source(%dma_start3A_358 : memref<2x128xi32, #tpu.memory_space<hbm>>) target(%dma_start3A_354 : memref<2x128xi32, #tpu.memory_space<vmem>>) target_semaphore(%dma_start3A_350 : memref<!tpu.dma_semaphore, #tpu.memory_space<semaphore_mem>>)
      } else {
      }
      %dma_wait3A_295 = arith.constant 0 : i32
      %dma_wait3A_296 = arith.constant 3 : i32
      %dma_wait3A_297 = arith.constant 3 : i32
      %dma_wait3A_298 = arith.constant 0 : i32
      %dma_wait3A_299 = arith.constant 0 : i32
      %dma_wait3A_300 = tpu.memref_slice %arg7[%dma_wait3A_296, %dma_wait3A_298, %dma_wait3A_299] : memref<4x2x128xi32, #tpu.memory_space<vmem>> -> memref<1x2x128xi32, #tpu.memory_space<vmem>>
      %dma_wait3A_301 = tpu.memref_squeeze %dma_wait3A_300 : memref<1x2x128xi32, #tpu.memory_space<vmem>> -> memref<2x128xi32, #tpu.memory_space<vmem>>
      %dma_wait3A_302 = arith.constant 0 : i32
      %dma_wait3A_303 = arith.constant 0 : i32
      %dma_wait3A_304 = tpu.memref_slice %arg3[%add3A, %dma_wait3A_295, %dma_wait3A_302, %dma_wait3A_303] : memref<32x80x2x128xi32, #tpu.memory_space<hbm>> -> memref<1x1x2x128xi32, #tpu.memory_space<hbm>>
      %dma_wait3A_305 = tpu.memref_squeeze %dma_wait3A_304 : memref<1x1x2x128xi32, #tpu.memory_space<hbm>> -> memref<2x128xi32, #tpu.memory_space<hbm>>
      %dma_wait3A_306 = tpu.memref_slice %arg9[%dma_wait3A_297] : memref<4x!tpu.dma_semaphore, #tpu.memory_space<semaphore_mem>> -> memref<1x!tpu.dma_semaphore, #tpu.memory_space<semaphore_mem>>
      %dma_wait3A_307 = tpu.memref_squeeze %dma_wait3A_306 : memref<1x!tpu.dma_semaphore, #tpu.memory_space<semaphore_mem>> -> memref<!tpu.dma_semaphore, #tpu.memory_space<semaphore_mem>>
      %dma_wait3A_308 = arith.constant 0 : i32
      %dma_wait3A_309 = arith.constant 0 : i32
      %dma_wait3A_310 = tpu.memref_slice %arg7[%dma_wait3A_296, %dma_wait3A_308, %dma_wait3A_309] : memref<4x2x128xi32, #tpu.memory_space<vmem>> -> memref<1x2x128xi32, #tpu.memory_space<vmem>>
      %dma_wait3A_311 = tpu.memref_squeeze %dma_wait3A_310 : memref<1x2x128xi32, #tpu.memory_space<vmem>> -> memref<2x128xi32, #tpu.memory_space<vmem>>
      %dma_wait3A_312 = arith.constant 0 : i32
      %dma_wait3A_313 = arith.constant 0 : i32
      %dma_wait3A_314 = tpu.memref_slice %arg3[%add3A, %dma_wait3A_295, %dma_wait3A_312, %dma_wait3A_313] : memref<32x80x2x128xi32, #tpu.memory_space<hbm>> -> memref<1x1x2x128xi32, #tpu.memory_space<hbm>>
      %dma_wait3A_315 = tpu.memref_squeeze %dma_wait3A_314 : memref<1x1x2x128xi32, #tpu.memory_space<hbm>> -> memref<2x128xi32, #tpu.memory_space<hbm>>
      tpu.wait_dma2 semaphore(%dma_wait3A_307 : memref<!tpu.dma_semaphore, #tpu.memory_space<semaphore_mem>>) src(%dma_wait3A_315 : memref<2x128xi32, #tpu.memory_space<hbm>>) dst(%dma_wait3A_311 : memref<2x128xi32, #tpu.memory_space<vmem>>)
      %dma_start3A_316 = arith.constant 3 : i32
      %dma_start3A_317 = arith.constant 0 : i32
      %dma_start3A_318 = arith.constant 1 : i32
      %dma_start3A_319 = arith.constant 1 : i32
      %dma_start3A_320 = arith.constant 0 : i32
      %dma_start3A_321 = arith.constant 0 : i32
      %dma_start3A_322 = tpu.memref_slice %arg8[%dma_start3A_318, %dma_start3A_320, %dma_start3A_321] : memref<2x128x128xf32, #tpu.memory_space<vmem>> -> memref<1x128x128xf32, #tpu.memory_space<vmem>>
      %dma_start3A_323 = tpu.memref_squeeze %dma_start3A_322 : memref<1x128x128xf32, #tpu.memory_space<vmem>> -> memref<128x128xf32, #tpu.memory_space<vmem>>
      %dma_start3A_324 = arith.constant 0 : i32
      %dma_start3A_325 = tpu.memref_slice %arg7[%dma_start3A_316, %dma_start3A_317, %dma_start3A_324] : memref<4x2x128xi32, #tpu.memory_space<vmem>> -> memref<1x1x128xi32, #tpu.memory_space<vmem>>
      %dma_start3A_326 = tpu.memref_squeeze %dma_start3A_325 : memref<1x1x128xi32, #tpu.memory_space<vmem>> -> memref<128xi32, #tpu.memory_space<vmem>>
      %dma_start3A_327 = arith.constant 0 : i32
      %dma_start3A_328 = arith.constant 0 : i32
      %dma_start3A_329 = tpu.memref_slice %arg2[%dma_start3A_327, %dma_start3A_328] : memref<10000x128xf32, #tpu.memory_space<hbm>> -> memref<10000x128xf32, #tpu.memory_space<hbm>>
      %dma_start3A_330 = tpu.memref_slice %arg10[%dma_start3A_319] : memref<2x!tpu.dma_semaphore, #tpu.memory_space<semaphore_mem>> -> memref<1x!tpu.dma_semaphore, #tpu.memory_space<semaphore_mem>>
      %dma_start3A_331 = tpu.memref_squeeze %dma_start3A_330 : memref<1x!tpu.dma_semaphore, #tpu.memory_space<semaphore_mem>> -> memref<!tpu.dma_semaphore, #tpu.memory_space<semaphore_mem>>
      tpu.enqueue_indirect_dma source(%dma_start3A_329 : memref<10000x128xf32, #tpu.memory_space<hbm>>) target(%dma_start3A_323 : memref<128x128xf32, #tpu.memory_space<vmem>>) offsets(%dma_start3A_326 : memref<128xi32, #tpu.memory_space<vmem>>) semaphore(%dma_start3A_331 : memref<!tpu.dma_semaphore, #tpu.memory_space<semaphore_mem>>)
      %ge3A_332 = arith.constant 1 : i32
      %ge3A_333 = arith.cmpi sge, %add3A_282, %ge3A_332 : i32
      %convert_element_type3A_334 = arith.extui %ge3A_333 : i1 to i32
      %cond3A_335 = arith.constant 0 : i32
      %cond3A_336 = arith.cmpi ne, %convert_element_type3A_334, %cond3A_335 : i32
      scf.if %cond3A_336 {
        %dma_wait3A_337 = arith.constant 0 : i32
        %dma_wait3A_338 = arith.constant 0 : i32
        %dma_wait3A_339 = arith.constant 0 : i32
        %dma_wait3A_340 = arith.constant 0 : i32
        %dma_wait3A_341 = arith.constant 0 : i32
        %dma_wait3A_342 = arith.constant 0 : i32
        %dma_wait3A_343 = tpu.memref_slice %arg8[%dma_wait3A_339, %dma_wait3A_341, %dma_wait3A_342] : memref<2x128x128xf32, #tpu.memory_space<vmem>> -> memref<1x128x128xf32, #tpu.memory_space<vmem>>
        %dma_wait3A_344 = tpu.memref_squeeze %dma_wait3A_343 : memref<1x128x128xf32, #tpu.memory_space<vmem>> -> memref<128x128xf32, #tpu.memory_space<vmem>>
        %dma_wait3A_345 = arith.constant 0 : i32
        %dma_wait3A_346 = tpu.memref_slice %arg7[%dma_wait3A_337, %dma_wait3A_338, %dma_wait3A_345] : memref<4x2x128xi32, #tpu.memory_space<vmem>> -> memref<1x1x128xi32, #tpu.memory_space<vmem>>
        %dma_wait3A_347 = tpu.memref_squeeze %dma_wait3A_346 : memref<1x1x128xi32, #tpu.memory_space<vmem>> -> memref<128xi32, #tpu.memory_space<vmem>>
        %dma_wait3A_348 = arith.constant 0 : i32
        %dma_wait3A_349 = arith.constant 0 : i32
        %dma_wait3A_350 = tpu.memref_slice %arg2[%dma_wait3A_348, %dma_wait3A_349] : memref<10000x128xf32, #tpu.memory_space<hbm>> -> memref<10000x128xf32, #tpu.memory_space<hbm>>
        %dma_wait3A_351 = tpu.memref_slice %arg10[%dma_wait3A_340] : memref<2x!tpu.dma_semaphore, #tpu.memory_space<semaphore_mem>> -> memref<1x!tpu.dma_semaphore, #tpu.memory_space<semaphore_mem>>
        %dma_wait3A_352 = tpu.memref_squeeze %dma_wait3A_351 : memref<1x!tpu.dma_semaphore, #tpu.memory_space<semaphore_mem>> -> memref<!tpu.dma_semaphore, #tpu.memory_space<semaphore_mem>>
        tpu.wait_indirect_dma semaphore(%dma_wait3A_352 : memref<!tpu.dma_semaphore, #tpu.memory_space<semaphore_mem>>) src(%dma_wait3A_350 : memref<10000x128xf32, #tpu.memory_space<hbm>>) dst(%dma_wait3A_344 : memref<128x128xf32, #tpu.memory_space<vmem>>)
        %sub3A = arith.constant 1 : i32
        %sub3A_353 = arith.subi %add3A_282, %sub3A : i32
        %dma_start3A_354 = arith.constant 0 : i32
        %dma_start3A_355 = arith.constant 2 : i32
        %dma_start3A_356 = arith.constant 1 : i32
        %dma_start3A_357 = arith.constant 0 : i32
        %dma_start3A_358 = arith.constant 0 : i32
        %dma_start3A_359 = arith.constant 0 : i32
        %dma_start3A_360 = tpu.memref_slice %arg8[%dma_start3A_354, %dma_start3A_358, %dma_start3A_359] : memref<2x128x128xf32, #tpu.memory_space<vmem>> -> memref<1x128x128xf32, #tpu.memory_space<vmem>>
        %dma_start3A_361 = tpu.memref_squeeze %dma_start3A_360 : memref<1x128x128xf32, #tpu.memory_space<vmem>> -> memref<128x128xf32, #tpu.memory_space<vmem>>
        %dma_start3A_362 = arith.constant 0 : i32
        %dma_start3A_363 = tpu.memref_slice %arg7[%dma_start3A_355, %dma_start3A_356, %dma_start3A_362] : memref<4x2x128xi32, #tpu.memory_space<vmem>> -> memref<1x1x128xi32, #tpu.memory_space<vmem>>
        %dma_start3A_364 = tpu.memref_squeeze %dma_start3A_363 : memref<1x1x128xi32, #tpu.memory_space<vmem>> -> memref<128xi32, #tpu.memory_space<vmem>>
        %dma_start3A_365 = arith.constant 0 : i32
        %dma_start3A_366 = arith.constant 0 : i32
        %dma_start3A_367 = tpu.memref_slice %arg6[%dma_start3A_365, %dma_start3A_366] : memref<10112x128xf32, #tpu.memory_space<vmem_shared>> -> memref<10112x128xf32, #tpu.memory_space<vmem_shared>>
        %dma_start3A_368 = tpu.memref_slice %arg11[%dma_start3A_357] : memref<2x!tpu.dma_semaphore, #tpu.memory_space<semaphore_mem>> -> memref<1x!tpu.dma_semaphore, #tpu.memory_space<semaphore_mem>>
        %dma_start3A_369 = tpu.memref_squeeze %dma_start3A_368 : memref<1x!tpu.dma_semaphore, #tpu.memory_space<semaphore_mem>> -> memref<!tpu.dma_semaphore, #tpu.memory_space<semaphore_mem>>
        tpu.enqueue_indirect_dma source(%dma_start3A_361 : memref<128x128xf32, #tpu.memory_space<vmem>>) target(%dma_start3A_367 : memref<10112x128xf32, #tpu.memory_space<vmem_shared>>) offsets(%dma_start3A_364 : memref<128xi32, #tpu.memory_space<vmem>>) semaphore(%dma_start3A_369 : memref<!tpu.dma_semaphore, #tpu.memory_space<semaphore_mem>>) {add = true}
      } else {
      }
    }
    %scan3A_47 = arith.constant 20 : i32
    %dma_wait3A = arith.constant 0 : i32
    %dma_wait3A_48 = arith.constant 0 : i32
    %dma_wait3A_49 = arith.constant 1 : i32
    %dma_wait3A_50 = arith.constant 1 : i32
    %dma_wait3A_51 = arith.constant 0 : i32
    %dma_wait3A_52 = arith.constant 0 : i32
    %dma_wait3A_53 = tpu.memref_slice %arg8[%dma_wait3A_49, %dma_wait3A_51, %dma_wait3A_52] : memref<2x128x128xf32, #tpu.memory_space<vmem>> -> memref<1x128x128xf32, #tpu.memory_space<vmem>>
    %dma_wait3A_54 = tpu.memref_squeeze %dma_wait3A_53 : memref<1x128x128xf32, #tpu.memory_space<vmem>> -> memref<128x128xf32, #tpu.memory_space<vmem>>
    %dma_wait3A_55 = arith.constant 0 : i32
    %dma_wait3A_56 = tpu.memref_slice %arg7[%dma_wait3A, %dma_wait3A_48, %dma_wait3A_55] : memref<4x2x128xi32, #tpu.memory_space<vmem>> -> memref<1x1x128xi32, #tpu.memory_space<vmem>>
    %dma_wait3A_57 = tpu.memref_squeeze %dma_wait3A_56 : memref<1x1x128xi32, #tpu.memory_space<vmem>> -> memref<128xi32, #tpu.memory_space<vmem>>
    %dma_wait3A_58 = arith.constant 0 : i32
    %dma_wait3A_59 = arith.constant 0 : i32
    %dma_wait3A_60 = tpu.memref_slice %arg2[%dma_wait3A_58, %dma_wait3A_59] : memref<10000x128xf32, #tpu.memory_space<hbm>> -> memref<10000x128xf32, #tpu.memory_space<hbm>>
    %dma_wait3A_61 = tpu.memref_slice %arg10[%dma_wait3A_50] : memref<2x!tpu.dma_semaphore, #tpu.memory_space<semaphore_mem>> -> memref<1x!tpu.dma_semaphore, #tpu.memory_space<semaphore_mem>>
    %dma_wait3A_62 = tpu.memref_squeeze %dma_wait3A_61 : memref<1x!tpu.dma_semaphore, #tpu.memory_space<semaphore_mem>> -> memref<!tpu.dma_semaphore, #tpu.memory_space<semaphore_mem>>
    tpu.wait_indirect_dma semaphore(%dma_wait3A_62 : memref<!tpu.dma_semaphore, #tpu.memory_space<semaphore_mem>>) src(%dma_wait3A_60 : memref<10000x128xf32, #tpu.memory_space<hbm>>) dst(%dma_wait3A_54 : memref<128x128xf32, #tpu.memory_space<vmem>>)
    %dma_start3A_63 = arith.constant 1 : i32
    %dma_start3A_64 = arith.constant 3 : i32
    %dma_start3A_65 = arith.constant 1 : i32
    %dma_start3A_66 = arith.constant 1 : i32
    %dma_start3A_67 = arith.constant 0 : i32
    %dma_start3A_68 = arith.constant 0 : i32
    %dma_start3A_69 = tpu.memref_slice %arg8[%dma_start3A_63, %dma_start3A_67, %dma_start3A_68] : memref<2x128x128xf32, #tpu.memory_space<vmem>> -> memref<1x128x128xf32, #tpu.memory_space<vmem>>
    %dma_start3A_70 = tpu.memref_squeeze %dma_start3A_69 : memref<1x128x128xf32, #tpu.memory_space<vmem>> -> memref<128x128xf32, #tpu.memory_space<vmem>>
    %dma_start3A_71 = arith.constant 0 : i32
    %dma_start3A_72 = tpu.memref_slice %arg7[%dma_start3A_64, %dma_start3A_65, %dma_start3A_71] : memref<4x2x128xi32, #tpu.memory_space<vmem>> -> memref<1x1x128xi32, #tpu.memory_space<vmem>>
    %dma_start3A_73 = tpu.memref_squeeze %dma_start3A_72 : memref<1x1x128xi32, #tpu.memory_space<vmem>> -> memref<128xi32, #tpu.memory_space<vmem>>
    %dma_start3A_74 = arith.constant 0 : i32
    %dma_start3A_75 = arith.constant 0 : i32
    %dma_start3A_76 = tpu.memref_slice %arg6[%dma_start3A_74, %dma_start3A_75] : memref<10112x128xf32, #tpu.memory_space<vmem_shared>> -> memref<10112x128xf32, #tpu.memory_space<vmem_shared>>
    %dma_start3A_77 = tpu.memref_slice %arg11[%dma_start3A_66] : memref<2x!tpu.dma_semaphore, #tpu.memory_space<semaphore_mem>> -> memref<1x!tpu.dma_semaphore, #tpu.memory_space<semaphore_mem>>
    %dma_start3A_78 = tpu.memref_squeeze %dma_start3A_77 : memref<1x!tpu.dma_semaphore, #tpu.memory_space<semaphore_mem>> -> memref<!tpu.dma_semaphore, #tpu.memory_space<semaphore_mem>>
    tpu.enqueue_indirect_dma source(%dma_start3A_70 : memref<128x128xf32, #tpu.memory_space<vmem>>) target(%dma_start3A_76 : memref<10112x128xf32, #tpu.memory_space<vmem_shared>>) offsets(%dma_start3A_73 : memref<128xi32, #tpu.memory_space<vmem>>) semaphore(%dma_start3A_78 : memref<!tpu.dma_semaphore, #tpu.memory_space<semaphore_mem>>) {add = true}
    %dma_wait3A_79 = arith.constant 0 : i32
    %dma_wait3A_80 = arith.constant 0 : i32
    %dma_wait3A_81 = arith.constant 1 : i32
    %dma_wait3A_82 = arith.constant 0 : i32
    %dma_wait3A_83 = arith.constant 0 : i32
    %dma_wait3A_84 = arith.constant 0 : i32
    %dma_wait3A_85 = tpu.memref_slice %arg8[%dma_wait3A_79, %dma_wait3A_83, %dma_wait3A_84] : memref<2x128x128xf32, #tpu.memory_space<vmem>> -> memref<1x128x128xf32, #tpu.memory_space<vmem>>
    %dma_wait3A_86 = tpu.memref_squeeze %dma_wait3A_85 : memref<1x128x128xf32, #tpu.memory_space<vmem>> -> memref<128x128xf32, #tpu.memory_space<vmem>>
    %dma_wait3A_87 = arith.constant 0 : i32
    %dma_wait3A_88 = tpu.memref_slice %arg7[%dma_wait3A_80, %dma_wait3A_81, %dma_wait3A_87] : memref<4x2x128xi32, #tpu.memory_space<vmem>> -> memref<1x1x128xi32, #tpu.memory_space<vmem>>
    %dma_wait3A_89 = tpu.memref_squeeze %dma_wait3A_88 : memref<1x1x128xi32, #tpu.memory_space<vmem>> -> memref<128xi32, #tpu.memory_space<vmem>>
    %dma_wait3A_90 = arith.constant 0 : i32
    %dma_wait3A_91 = arith.constant 0 : i32
    %dma_wait3A_92 = tpu.memref_slice %arg6[%dma_wait3A_90, %dma_wait3A_91] : memref<10112x128xf32, #tpu.memory_space<vmem_shared>> -> memref<10112x128xf32, #tpu.memory_space<vmem_shared>>
    %dma_wait3A_93 = tpu.memref_slice %arg11[%dma_wait3A_82] : memref<2x!tpu.dma_semaphore, #tpu.memory_space<semaphore_mem>> -> memref<1x!tpu.dma_semaphore, #tpu.memory_space<semaphore_mem>>
    %dma_wait3A_94 = tpu.memref_squeeze %dma_wait3A_93 : memref<1x!tpu.dma_semaphore, #tpu.memory_space<semaphore_mem>> -> memref<!tpu.dma_semaphore, #tpu.memory_space<semaphore_mem>>
    tpu.wait_indirect_dma semaphore(%dma_wait3A_94 : memref<!tpu.dma_semaphore, #tpu.memory_space<semaphore_mem>>) src(%dma_wait3A_86 : memref<128x128xf32, #tpu.memory_space<vmem>>) dst(%dma_wait3A_92 : memref<10112x128xf32, #tpu.memory_space<vmem_shared>>)
    %dma_wait3A_95 = arith.constant 1 : i32
    %dma_wait3A_96 = arith.constant 0 : i32
    %dma_wait3A_97 = arith.constant 1 : i32
    %dma_wait3A_98 = arith.constant 1 : i32
    %dma_wait3A_99 = arith.constant 0 : i32
    %dma_wait3A_100 = arith.constant 0 : i32
    %dma_wait3A_101 = tpu.memref_slice %arg8[%dma_wait3A_95, %dma_wait3A_99, %dma_wait3A_100] : memref<2x128x128xf32, #tpu.memory_space<vmem>> -> memref<1x128x128xf32, #tpu.memory_space<vmem>>
    %dma_wait3A_102 = tpu.memref_squeeze %dma_wait3A_101 : memref<1x128x128xf32, #tpu.memory_space<vmem>> -> memref<128x128xf32, #tpu.memory_space<vmem>>
    %dma_wait3A_103 = arith.constant 0 : i32
    %dma_wait3A_104 = tpu.memref_slice %arg7[%dma_wait3A_96, %dma_wait3A_97, %dma_wait3A_103] : memref<4x2x128xi32, #tpu.memory_space<vmem>> -> memref<1x1x128xi32, #tpu.memory_space<vmem>>
    %dma_wait3A_105 = tpu.memref_squeeze %dma_wait3A_104 : memref<1x1x128xi32, #tpu.memory_space<vmem>> -> memref<128xi32, #tpu.memory_space<vmem>>
    %dma_wait3A_106 = arith.constant 0 : i32
    %dma_wait3A_107 = arith.constant 0 : i32
    %dma_wait3A_108 = tpu.memref_slice %arg6[%dma_wait3A_106, %dma_wait3A_107] : memref<10112x128xf32, #tpu.memory_space<vmem_shared>> -> memref<10112x128xf32, #tpu.memory_space<vmem_shared>>
    %dma_wait3A_109 = tpu.memref_slice %arg11[%dma_wait3A_98] : memref<2x!tpu.dma_semaphore, #tpu.memory_space<semaphore_mem>> -> memref<1x!tpu.dma_semaphore, #tpu.memory_space<semaphore_mem>>
    %dma_wait3A_110 = tpu.memref_squeeze %dma_wait3A_109 : memref<1x!tpu.dma_semaphore, #tpu.memory_space<semaphore_mem>> -> memref<!tpu.dma_semaphore, #tpu.memory_space<semaphore_mem>>
    tpu.wait_indirect_dma semaphore(%dma_wait3A_110 : memref<!tpu.dma_semaphore, #tpu.memory_space<semaphore_mem>>) src(%dma_wait3A_102 : memref<128x128xf32, #tpu.memory_space<vmem>>) dst(%dma_wait3A_108 : memref<10112x128xf32, #tpu.memory_space<vmem_shared>>)
    %barrier3A_111 = arith.constant 0 : index
    tpu.barrier barrier_id(%barrier3A_111)
    "tpu.region"() ({
      %run_scoped3A = tpu.sem_alloc : memref<!tpu.dma_semaphore, #tpu.memory_space<semaphore_mem>>
      %dma_start3A_112 = arith.constant 0 : i32
      %dma_start3A_113 = tpu.memref_slice %arg5[%arg0, %mul3A_2, %dma_start3A_112] : memref<2x10112x128xf32, #tpu.memory_space<hbm>> -> memref<1x632x128xf32, #tpu.memory_space<hbm>>
      %dma_start3A_114 = tpu.memref_squeeze %dma_start3A_113 : memref<1x632x128xf32, #tpu.memory_space<hbm>> -> memref<632x128xf32, #tpu.memory_space<hbm>>
      %dma_start3A_115 = arith.constant 0 : i32
      %dma_start3A_116 = tpu.memref_slice %arg6[%mul3A_2, %dma_start3A_115] : memref<10112x128xf32, #tpu.memory_space<vmem_shared>> -> memref<632x128xf32, #tpu.memory_space<vmem_shared>>
      tpu.enqueue_dma source(%dma_start3A_116 : memref<632x128xf32, #tpu.memory_space<vmem_shared>>) target(%dma_start3A_114 : memref<632x128xf32, #tpu.memory_space<hbm>>) target_semaphore(%run_scoped3A : memref<!tpu.dma_semaphore, #tpu.memory_space<semaphore_mem>>)
      %dma_wait3A_117 = arith.constant 0 : i32
      %dma_wait3A_118 = tpu.memref_slice %arg5[%arg0, %mul3A_2, %dma_wait3A_117] : memref<2x10112x128xf32, #tpu.memory_space<hbm>> -> memref<1x632x128xf32, #tpu.memory_space<hbm>>
      %dma_wait3A_119 = tpu.memref_squeeze %dma_wait3A_118 : memref<1x632x128xf32, #tpu.memory_space<hbm>> -> memref<632x128xf32, #tpu.memory_space<hbm>>
      %dma_wait3A_120 = arith.constant 0 : i32
      %dma_wait3A_121 = tpu.memref_slice %arg6[%mul3A_2, %dma_wait3A_120] : memref<10112x128xf32, #tpu.memory_space<vmem_shared>> -> memref<632x128xf32, #tpu.memory_space<vmem_shared>>
      tpu.wait_dma2 semaphore(%run_scoped3A : memref<!tpu.dma_semaphore, #tpu.memory_space<semaphore_mem>>) src(%dma_wait3A_121 : memref<632x128xf32, #tpu.memory_space<vmem_shared>>) dst(%dma_wait3A_119 : memref<632x128xf32, #tpu.memory_space<hbm>>)
      tpu.yield
    }) : () -> ()
    return
  }
}

#map = affine_map<(d0, d1) -> (0, 0, 0, 0)>
#map1 = affine_map<(d0, d1) -> (0, 0)>
#map2 = affine_map<(d0, d1) -> (0, 0, 0)>
module attributes {stable_mosaic.version = 14 : i64} {
  func.func @_deg_kernel(%arg0: i32, %arg1: i32, %arg2: memref<32x80x2x128xi32, #tpu.memory_space<hbm>>, %arg3: memref<10112x128xf32, #tpu.memory_space<hbm>>, %arg4: memref<2x128x128xf32, #tpu.memory_space<hbm>>, %arg5: memref<2x10112x128xf32, #tpu.memory_space<hbm>>, %arg6: memref<10112x128xf32, #tpu.memory_space<vmem_shared>>, %arg7: memref<8x2x128xi32, #tpu.memory_space<vmem>>, %arg8: memref<2x128x128xf32, #tpu.memory_space<vmem>>, %arg9: memref<8x!tpu.dma_semaphore, #tpu.memory_space<semaphore_mem>>, %arg10: memref<!tpu.dma_semaphore, #tpu.memory_space<semaphore_mem>>) attributes {dimension_semantics = [#tpu.dimension_semantics<core_parallel>, #tpu.dimension_semantics<subcore_parallel>], iteration_bounds = array<i64: 2, 16>, scalar_prefetch = 0 : i64, scratch_operands = 5 : i64, tpu.core_type = #tpu.core_type<sc_vector_subcore>, window_params = [{transform_indices = #map}, {transform_indices = #map1}, {transform_indices = #map2}, {transform_indices = #map2}]} {
    %mul3A = arith.constant 16 : i32
    %mul3A_0 = arith.muli %arg0, %mul3A : i32
    %add3A = arith.addi %mul3A_0, %arg1 : i32
    %mul3A_1 = arith.constant 632 : i32
    %mul3A_2 = arith.muli %arg1, %mul3A_1 : i32
    "tpu.region"() ({
      %run_scoped3A = tpu.sem_alloc : memref<!tpu.dma_semaphore, #tpu.memory_space<semaphore_mem>>
      %dma_start3A_204 = arith.constant 0 : i32
      %dma_start3A_205 = tpu.memref_slice %arg6[%mul3A_2, %dma_start3A_204] : memref<10112x128xf32, #tpu.memory_space<vmem_shared>> -> memref<632x128xf32, #tpu.memory_space<vmem_shared>>
      %dma_start3A_206 = arith.constant 0 : i32
      %dma_start3A_207 = tpu.memref_slice %arg3[%mul3A_2, %dma_start3A_206] : memref<10112x128xf32, #tpu.memory_space<hbm>> -> memref<632x128xf32, #tpu.memory_space<hbm>>
      tpu.enqueue_dma source(%dma_start3A_207 : memref<632x128xf32, #tpu.memory_space<hbm>>) target(%dma_start3A_205 : memref<632x128xf32, #tpu.memory_space<vmem_shared>>) target_semaphore(%run_scoped3A : memref<!tpu.dma_semaphore, #tpu.memory_space<semaphore_mem>>)
      %dma_wait3A_208 = arith.constant 0 : i32
      %dma_wait3A_209 = tpu.memref_slice %arg6[%mul3A_2, %dma_wait3A_208] : memref<10112x128xf32, #tpu.memory_space<vmem_shared>> -> memref<632x128xf32, #tpu.memory_space<vmem_shared>>
      %dma_wait3A_210 = arith.constant 0 : i32
      %dma_wait3A_211 = tpu.memref_slice %arg3[%mul3A_2, %dma_wait3A_210] : memref<10112x128xf32, #tpu.memory_space<hbm>> -> memref<632x128xf32, #tpu.memory_space<hbm>>
      tpu.wait_dma2 semaphore(%run_scoped3A : memref<!tpu.dma_semaphore, #tpu.memory_space<semaphore_mem>>) src(%dma_wait3A_211 : memref<632x128xf32, #tpu.memory_space<hbm>>) dst(%dma_wait3A_209 : memref<632x128xf32, #tpu.memory_space<vmem_shared>>)
      tpu.yield
    }) : () -> ()
    "tpu.region"() ({
      %run_scoped3A = tpu.sem_alloc : memref<!tpu.dma_semaphore, #tpu.memory_space<semaphore_mem>>
      tpu.enqueue_dma source(%arg4 : memref<2x128x128xf32, #tpu.memory_space<hbm>>) target(%arg8 : memref<2x128x128xf32, #tpu.memory_space<vmem>>) target_semaphore(%run_scoped3A : memref<!tpu.dma_semaphore, #tpu.memory_space<semaphore_mem>>)
      tpu.wait_dma2 semaphore(%run_scoped3A : memref<!tpu.dma_semaphore, #tpu.memory_space<semaphore_mem>>) src(%arg4 : memref<2x128x128xf32, #tpu.memory_space<hbm>>) dst(%arg8 : memref<2x128x128xf32, #tpu.memory_space<vmem>>)
      tpu.yield
    }) : () -> ()
    %barrier3A = arith.constant 0 : index
    tpu.barrier barrier_id(%barrier3A)
    %dma_start3A = arith.constant 0 : i32
    %dma_start3A_3 = arith.constant 0 : i32
    %dma_start3A_4 = arith.constant 0 : i32
    %dma_start3A_5 = arith.constant 0 : i32
    %dma_start3A_6 = arith.constant 0 : i32
    %dma_start3A_7 = tpu.memref_slice %arg7[%dma_start3A_3, %dma_start3A_5, %dma_start3A_6] : memref<8x2x128xi32, #tpu.memory_space<vmem>> -> memref<1x2x128xi32, #tpu.memory_space<vmem>>
    %dma_start3A_8 = tpu.memref_squeeze %dma_start3A_7 : memref<1x2x128xi32, #tpu.memory_space<vmem>> -> memref<2x128xi32, #tpu.memory_space<vmem>>
    %dma_start3A_9 = arith.constant 0 : i32
    %dma_start3A_10 = arith.constant 0 : i32
    %dma_start3A_11 = tpu.memref_slice %arg2[%add3A, %dma_start3A, %dma_start3A_9, %dma_start3A_10] : memref<32x80x2x128xi32, #tpu.memory_space<hbm>> -> memref<1x1x2x128xi32, #tpu.memory_space<hbm>>
    %dma_start3A_12 = tpu.memref_squeeze %dma_start3A_11 : memref<1x1x2x128xi32, #tpu.memory_space<hbm>> -> memref<2x128xi32, #tpu.memory_space<hbm>>
    %dma_start3A_13 = tpu.memref_slice %arg9[%dma_start3A_4] : memref<8x!tpu.dma_semaphore, #tpu.memory_space<semaphore_mem>> -> memref<1x!tpu.dma_semaphore, #tpu.memory_space<semaphore_mem>>
    %dma_start3A_14 = tpu.memref_squeeze %dma_start3A_13 : memref<1x!tpu.dma_semaphore, #tpu.memory_space<semaphore_mem>> -> memref<!tpu.dma_semaphore, #tpu.memory_space<semaphore_mem>>
    %dma_start3A_15 = arith.constant 0 : i32
    %dma_start3A_16 = arith.constant 0 : i32
    %dma_start3A_17 = tpu.memref_slice %arg7[%dma_start3A_3, %dma_start3A_15, %dma_start3A_16] : memref<8x2x128xi32, #tpu.memory_space<vmem>> -> memref<1x2x128xi32, #tpu.memory_space<vmem>>
    %dma_start3A_18 = tpu.memref_squeeze %dma_start3A_17 : memref<1x2x128xi32, #tpu.memory_space<vmem>> -> memref<2x128xi32, #tpu.memory_space<vmem>>
    %dma_start3A_19 = arith.constant 0 : i32
    %dma_start3A_20 = arith.constant 0 : i32
    %dma_start3A_21 = tpu.memref_slice %arg2[%add3A, %dma_start3A, %dma_start3A_19, %dma_start3A_20] : memref<32x80x2x128xi32, #tpu.memory_space<hbm>> -> memref<1x1x2x128xi32, #tpu.memory_space<hbm>>
    %dma_start3A_22 = tpu.memref_squeeze %dma_start3A_21 : memref<1x1x2x128xi32, #tpu.memory_space<hbm>> -> memref<2x128xi32, #tpu.memory_space<hbm>>
    tpu.enqueue_dma source(%dma_start3A_22 : memref<2x128xi32, #tpu.memory_space<hbm>>) target(%dma_start3A_18 : memref<2x128xi32, #tpu.memory_space<vmem>>) target_semaphore(%dma_start3A_14 : memref<!tpu.dma_semaphore, #tpu.memory_space<semaphore_mem>>)
    %dma_start3A_23 = arith.constant 1 : i32
    %dma_start3A_24 = arith.constant 1 : i32
    %dma_start3A_25 = arith.constant 1 : i32
    %dma_start3A_26 = arith.constant 0 : i32
    %dma_start3A_27 = arith.constant 0 : i32
    %dma_start3A_28 = tpu.memref_slice %arg7[%dma_start3A_24, %dma_start3A_26, %dma_start3A_27] : memref<8x2x128xi32, #tpu.memory_space<vmem>> -> memref<1x2x128xi32, #tpu.memory_space<vmem>>
    %dma_start3A_29 = tpu.memref_squeeze %dma_start3A_28 : memref<1x2x128xi32, #tpu.memory_space<vmem>> -> memref<2x128xi32, #tpu.memory_space<vmem>>
    %dma_start3A_30 = arith.constant 0 : i32
    %dma_start3A_31 = arith.constant 0 : i32
    %dma_start3A_32 = tpu.memref_slice %arg2[%add3A, %dma_start3A_23, %dma_start3A_30, %dma_start3A_31] : memref<32x80x2x128xi32, #tpu.memory_space<hbm>> -> memref<1x1x2x128xi32, #tpu.memory_space<hbm>>
    %dma_start3A_33 = tpu.memref_squeeze %dma_start3A_32 : memref<1x1x2x128xi32, #tpu.memory_space<hbm>> -> memref<2x128xi32, #tpu.memory_space<hbm>>
    %dma_start3A_34 = tpu.memref_slice %arg9[%dma_start3A_25] : memref<8x!tpu.dma_semaphore, #tpu.memory_space<semaphore_mem>> -> memref<1x!tpu.dma_semaphore, #tpu.memory_space<semaphore_mem>>
    %dma_start3A_35 = tpu.memref_squeeze %dma_start3A_34 : memref<1x!tpu.dma_semaphore, #tpu.memory_space<semaphore_mem>> -> memref<!tpu.dma_semaphore, #tpu.memory_space<semaphore_mem>>
    %dma_start3A_36 = arith.constant 0 : i32
    %dma_start3A_37 = arith.constant 0 : i32
    %dma_start3A_38 = tpu.memref_slice %arg7[%dma_start3A_24, %dma_start3A_36, %dma_start3A_37] : memref<8x2x128xi32, #tpu.memory_space<vmem>> -> memref<1x2x128xi32, #tpu.memory_space<vmem>>
    %dma_start3A_39 = tpu.memref_squeeze %dma_start3A_38 : memref<1x2x128xi32, #tpu.memory_space<vmem>> -> memref<2x128xi32, #tpu.memory_space<vmem>>
    %dma_start3A_40 = arith.constant 0 : i32
    %dma_start3A_41 = arith.constant 0 : i32
    %dma_start3A_42 = tpu.memref_slice %arg2[%add3A, %dma_start3A_23, %dma_start3A_40, %dma_start3A_41] : memref<32x80x2x128xi32, #tpu.memory_space<hbm>> -> memref<1x1x2x128xi32, #tpu.memory_space<hbm>>
    %dma_start3A_43 = tpu.memref_squeeze %dma_start3A_42 : memref<1x1x2x128xi32, #tpu.memory_space<hbm>> -> memref<2x128xi32, #tpu.memory_space<hbm>>
    tpu.enqueue_dma source(%dma_start3A_43 : memref<2x128xi32, #tpu.memory_space<hbm>>) target(%dma_start3A_39 : memref<2x128xi32, #tpu.memory_space<vmem>>) target_semaphore(%dma_start3A_35 : memref<!tpu.dma_semaphore, #tpu.memory_space<semaphore_mem>>)
    %scan3A = arith.constant 0 : i32
    %scan3A_44 = arith.constant 10 : i32
    %scan3A_45 = arith.addi %scan3A, %scan3A_44 : i32
    %scan3A_46 = arith.constant 1 : i32
    scf.for %scan3A_204 = %scan3A to %scan3A_45 step %scan3A_46  : i32 {
      %mul3A_205 = arith.constant 8 : i32
      %mul3A_206 = arith.muli %scan3A_204, %mul3A_205 : i32
      %add3A_207 = arith.constant 0 : i32
      %add3A_208 = arith.addi %add3A_207, %mul3A_206 : i32
      %add3A_209 = arith.constant 0 : i32
      %add3A_210 = arith.addi %add3A_208, %add3A_209 : i32
      %ge3A = arith.constant 6 : i32
      %ge3A_211 = arith.cmpi sge, %add3A_210, %ge3A : i32
      %convert_element_type3A = arith.extui %ge3A_211 : i1 to i32
      %cond3A = arith.constant 0 : i32
      %cond3A_212 = arith.cmpi ne, %convert_element_type3A, %cond3A : i32
      scf.if %cond3A_212 {
        %dma_wait3A_693 = arith.constant 0 : i32
        %dma_wait3A_694 = arith.constant 0 : i32
        %dma_wait3A_695 = arith.constant 0 : i32
        %dma_wait3A_696 = arith.constant 0 : i32
        %dma_wait3A_697 = arith.constant 0 : i32
        %dma_wait3A_698 = tpu.memref_slice %arg8[%dma_wait3A_693, %dma_wait3A_696, %dma_wait3A_697] : memref<2x128x128xf32, #tpu.memory_space<vmem>> -> memref<1x128x128xf32, #tpu.memory_space<vmem>>
        %dma_wait3A_699 = tpu.memref_squeeze %dma_wait3A_698 : memref<1x128x128xf32, #tpu.memory_space<vmem>> -> memref<128x128xf32, #tpu.memory_space<vmem>>
        %dma_wait3A_700 = arith.constant 0 : i32
        %dma_wait3A_701 = tpu.memref_slice %arg7[%dma_wait3A_694, %dma_wait3A_695, %dma_wait3A_700] : memref<8x2x128xi32, #tpu.memory_space<vmem>> -> memref<1x1x128xi32, #tpu.memory_space<vmem>>
        %dma_wait3A_702 = tpu.memref_squeeze %dma_wait3A_701 : memref<1x1x128xi32, #tpu.memory_space<vmem>> -> memref<128xi32, #tpu.memory_space<vmem>>
        %dma_wait3A_703 = arith.constant 0 : i32
        %dma_wait3A_704 = arith.constant 0 : i32
        %dma_wait3A_705 = tpu.memref_slice %arg6[%dma_wait3A_703, %dma_wait3A_704] : memref<10112x128xf32, #tpu.memory_space<vmem_shared>> -> memref<10112x128xf32, #tpu.memory_space<vmem_shared>>
        tpu.wait_indirect_dma semaphore(%arg10 : memref<!tpu.dma_semaphore, #tpu.memory_space<semaphore_mem>>) src(%dma_wait3A_699 : memref<128x128xf32, #tpu.memory_space<vmem>>) dst(%dma_wait3A_705 : memref<10112x128xf32, #tpu.memory_space<vmem_shared>>)
        %dma_wait3A_706 = arith.constant 0 : i32
        %dma_wait3A_707 = arith.constant 0 : i32
        %dma_wait3A_708 = arith.constant 0 : i32
        %dma_wait3A_709 = arith.constant 0 : i32
        %dma_wait3A_710 = arith.constant 0 : i32
        %dma_wait3A_711 = tpu.memref_slice %arg8[%dma_wait3A_706, %dma_wait3A_709, %dma_wait3A_710] : memref<2x128x128xf32, #tpu.memory_space<vmem>> -> memref<1x128x128xf32, #tpu.memory_space<vmem>>
        %dma_wait3A_712 = tpu.memref_squeeze %dma_wait3A_711 : memref<1x128x128xf32, #tpu.memory_space<vmem>> -> memref<128x128xf32, #tpu.memory_space<vmem>>
        %dma_wait3A_713 = arith.constant 0 : i32
        %dma_wait3A_714 = tpu.memref_slice %arg7[%dma_wait3A_707, %dma_wait3A_708, %dma_wait3A_713] : memref<8x2x128xi32, #tpu.memory_space<vmem>> -> memref<1x1x128xi32, #tpu.memory_space<vmem>>
        %dma_wait3A_715 = tpu.memref_squeeze %dma_wait3A_714 : memref<1x1x128xi32, #tpu.memory_space<vmem>> -> memref<128xi32, #tpu.memory_space<vmem>>
        %dma_wait3A_716 = arith.constant 0 : i32
        %dma_wait3A_717 = arith.constant 0 : i32
        %dma_wait3A_718 = tpu.memref_slice %arg6[%dma_wait3A_716, %dma_wait3A_717] : memref<10112x128xf32, #tpu.memory_space<vmem_shared>> -> memref<10112x128xf32, #tpu.memory_space<vmem_shared>>
        tpu.wait_indirect_dma semaphore(%arg10 : memref<!tpu.dma_semaphore, #tpu.memory_space<semaphore_mem>>) src(%dma_wait3A_712 : memref<128x128xf32, #tpu.memory_space<vmem>>) dst(%dma_wait3A_718 : memref<10112x128xf32, #tpu.memory_space<vmem_shared>>)
      } else {
      }
      %add3A_213 = arith.constant 2 : i32
      %add3A_214 = arith.addi %add3A_210, %add3A_213 : i32
      %lt3A = arith.constant 80 : i32
      %lt3A_215 = arith.cmpi slt, %add3A_214, %lt3A : i32
      %convert_element_type3A_216 = arith.extui %lt3A_215 : i1 to i32
      %cond3A_217 = arith.constant 0 : i32
      %cond3A_218 = arith.cmpi ne, %convert_element_type3A_216, %cond3A_217 : i32
      scf.if %cond3A_218 {
        %add3A_693 = arith.constant 2 : i32
        %add3A_694 = arith.addi %add3A_210, %add3A_693 : i32
        %dma_start3A_695 = arith.constant 2 : i32
        %dma_start3A_696 = arith.constant 2 : i32
        %dma_start3A_697 = arith.constant 0 : i32
        %dma_start3A_698 = arith.constant 0 : i32
        %dma_start3A_699 = tpu.memref_slice %arg7[%dma_start3A_695, %dma_start3A_697, %dma_start3A_698] : memref<8x2x128xi32, #tpu.memory_space<vmem>> -> memref<1x2x128xi32, #tpu.memory_space<vmem>>
        %dma_start3A_700 = tpu.memref_squeeze %dma_start3A_699 : memref<1x2x128xi32, #tpu.memory_space<vmem>> -> memref<2x128xi32, #tpu.memory_space<vmem>>
        %dma_start3A_701 = arith.constant 0 : i32
        %dma_start3A_702 = arith.constant 0 : i32
        %dma_start3A_703 = tpu.memref_slice %arg2[%add3A, %add3A_694, %dma_start3A_701, %dma_start3A_702] : memref<32x80x2x128xi32, #tpu.memory_space<hbm>> -> memref<1x1x2x128xi32, #tpu.memory_space<hbm>>
        %dma_start3A_704 = tpu.memref_squeeze %dma_start3A_703 : memref<1x1x2x128xi32, #tpu.memory_space<hbm>> -> memref<2x128xi32, #tpu.memory_space<hbm>>
        %dma_start3A_705 = tpu.memref_slice %arg9[%dma_start3A_696] : memref<8x!tpu.dma_semaphore, #tpu.memory_space<semaphore_mem>> -> memref<1x!tpu.dma_semaphore, #tpu.memory_space<semaphore_mem>>
        %dma_start3A_706 = tpu.memref_squeeze %dma_start3A_705 : memref<1x!tpu.dma_semaphore, #tpu.memory_space<semaphore_mem>> -> memref<!tpu.dma_semaphore, #tpu.memory_space<semaphore_mem>>
        %dma_start3A_707 = arith.constant 0 : i32
        %dma_start3A_708 = arith.constant 0 : i32
        %dma_start3A_709 = tpu.memref_slice %arg7[%dma_start3A_695, %dma_start3A_707, %dma_start3A_708] : memref<8x2x128xi32, #tpu.memory_space<vmem>> -> memref<1x2x128xi32, #tpu.memory_space<vmem>>
        %dma_start3A_710 = tpu.memref_squeeze %dma_start3A_709 : memref<1x2x128xi32, #tpu.memory_space<vmem>> -> memref<2x128xi32, #tpu.memory_space<vmem>>
        %dma_start3A_711 = arith.constant 0 : i32
        %dma_start3A_712 = arith.constant 0 : i32
        %dma_start3A_713 = tpu.memref_slice %arg2[%add3A, %add3A_694, %dma_start3A_711, %dma_start3A_712] : memref<32x80x2x128xi32, #tpu.memory_space<hbm>> -> memref<1x1x2x128xi32, #tpu.memory_space<hbm>>
        %dma_start3A_714 = tpu.memref_squeeze %dma_start3A_713 : memref<1x1x2x128xi32, #tpu.memory_space<hbm>> -> memref<2x128xi32, #tpu.memory_space<hbm>>
        tpu.enqueue_dma source(%dma_start3A_714 : memref<2x128xi32, #tpu.memory_space<hbm>>) target(%dma_start3A_710 : memref<2x128xi32, #tpu.memory_space<vmem>>) target_semaphore(%dma_start3A_706 : memref<!tpu.dma_semaphore, #tpu.memory_space<semaphore_mem>>)
      } else {
      }
      %dma_wait3A_219 = arith.constant 0 : i32
      %dma_wait3A_220 = arith.constant 0 : i32
      %dma_wait3A_221 = arith.constant 0 : i32
      %dma_wait3A_222 = arith.constant 0 : i32
      %dma_wait3A_223 = arith.constant 0 : i32
      %dma_wait3A_224 = tpu.memref_slice %arg7[%dma_wait3A_220, %dma_wait3A_222, %dma_wait3A_223] : memref<8x2x128xi32, #tpu.memory_space<vmem>> -> memref<1x2x128xi32, #tpu.memory_space<vmem>>
      %dma_wait3A_225 = tpu.memref_squeeze %dma_wait3A_224 : memref<1x2x128xi32, #tpu.memory_space<vmem>> -> memref<2x128xi32, #tpu.memory_space<vmem>>
      %dma_wait3A_226 = arith.constant 0 : i32
      %dma_wait3A_227 = arith.constant 0 : i32
      %dma_wait3A_228 = tpu.memref_slice %arg2[%add3A, %dma_wait3A_219, %dma_wait3A_226, %dma_wait3A_227] : memref<32x80x2x128xi32, #tpu.memory_space<hbm>> -> memref<1x1x2x128xi32, #tpu.memory_space<hbm>>
      %dma_wait3A_229 = tpu.memref_squeeze %dma_wait3A_228 : memref<1x1x2x128xi32, #tpu.memory_space<hbm>> -> memref<2x128xi32, #tpu.memory_space<hbm>>
      %dma_wait3A_230 = tpu.memref_slice %arg9[%dma_wait3A_221] : memref<8x!tpu.dma_semaphore, #tpu.memory_space<semaphore_mem>> -> memref<1x!tpu.dma_semaphore, #tpu.memory_space<semaphore_mem>>
      %dma_wait3A_231 = tpu.memref_squeeze %dma_wait3A_230 : memref<1x!tpu.dma_semaphore, #tpu.memory_space<semaphore_mem>> -> memref<!tpu.dma_semaphore, #tpu.memory_space<semaphore_mem>>
      %dma_wait3A_232 = arith.constant 0 : i32
      %dma_wait3A_233 = arith.constant 0 : i32
      %dma_wait3A_234 = tpu.memref_slice %arg7[%dma_wait3A_220, %dma_wait3A_232, %dma_wait3A_233] : memref<8x2x128xi32, #tpu.memory_space<vmem>> -> memref<1x2x128xi32, #tpu.memory_space<vmem>>
      %dma_wait3A_235 = tpu.memref_squeeze %dma_wait3A_234 : memref<1x2x128xi32, #tpu.memory_space<vmem>> -> memref<2x128xi32, #tpu.memory_space<vmem>>
      %dma_wait3A_236 = arith.constant 0 : i32
      %dma_wait3A_237 = arith.constant 0 : i32
      %dma_wait3A_238 = tpu.memref_slice %arg2[%add3A, %dma_wait3A_219, %dma_wait3A_236, %dma_wait3A_237] : memref<32x80x2x128xi32, #tpu.memory_space<hbm>> -> memref<1x1x2x128xi32, #tpu.memory_space<hbm>>
      %dma_wait3A_239 = tpu.memref_squeeze %dma_wait3A_238 : memref<1x1x2x128xi32, #tpu.memory_space<hbm>> -> memref<2x128xi32, #tpu.memory_space<hbm>>
      tpu.wait_dma2 semaphore(%dma_wait3A_231 : memref<!tpu.dma_semaphore, #tpu.memory_space<semaphore_mem>>) src(%dma_wait3A_239 : memref<2x128xi32, #tpu.memory_space<hbm>>) dst(%dma_wait3A_235 : memref<2x128xi32, #tpu.memory_space<vmem>>)
      %dma_start3A_240 = arith.constant 0 : i32
      %dma_start3A_241 = arith.constant 0 : i32
      %dma_start3A_242 = arith.constant 0 : i32
      %dma_start3A_243 = arith.constant 0 : i32
      %dma_start3A_244 = arith.constant 0 : i32
      %dma_start3A_245 = tpu.memref_slice %arg8[%dma_start3A_240, %dma_start3A_243, %dma_start3A_244] : memref<2x128x128xf32, #tpu.memory_space<vmem>> -> memref<1x128x128xf32, #tpu.memory_space<vmem>>
      %dma_start3A_246 = tpu.memref_squeeze %dma_start3A_245 : memref<1x128x128xf32, #tpu.memory_space<vmem>> -> memref<128x128xf32, #tpu.memory_space<vmem>>
      %dma_start3A_247 = arith.constant 0 : i32
      %dma_start3A_248 = tpu.memref_slice %arg7[%dma_start3A_241, %dma_start3A_242, %dma_start3A_247] : memref<8x2x128xi32, #tpu.memory_space<vmem>> -> memref<1x1x128xi32, #tpu.memory_space<vmem>>
      %dma_start3A_249 = tpu.memref_squeeze %dma_start3A_248 : memref<1x1x128xi32, #tpu.memory_space<vmem>> -> memref<128xi32, #tpu.memory_space<vmem>>
      %dma_start3A_250 = arith.constant 0 : i32
      %dma_start3A_251 = arith.constant 0 : i32
      %dma_start3A_252 = tpu.memref_slice %arg6[%dma_start3A_250, %dma_start3A_251] : memref<10112x128xf32, #tpu.memory_space<vmem_shared>> -> memref<10112x128xf32, #tpu.memory_space<vmem_shared>>
      tpu.enqueue_indirect_dma source(%dma_start3A_246 : memref<128x128xf32, #tpu.memory_space<vmem>>) target(%dma_start3A_252 : memref<10112x128xf32, #tpu.memory_space<vmem_shared>>) offsets(%dma_start3A_249 : memref<128xi32, #tpu.memory_space<vmem>>) semaphore(%arg10 : memref<!tpu.dma_semaphore, #tpu.memory_space<semaphore_mem>>) {add = true}
      %dma_start3A_253 = arith.constant 1 : i32
      %dma_start3A_254 = arith.constant 0 : i32
      %dma_start3A_255 = arith.constant 1 : i32
      %dma_start3A_256 = arith.constant 0 : i32
      %dma_start3A_257 = arith.constant 0 : i32
      %dma_start3A_258 = tpu.memref_slice %arg8[%dma_start3A_253, %dma_start3A_256, %dma_start3A_257] : memref<2x128x128xf32, #tpu.memory_space<vmem>> -> memref<1x128x128xf32, #tpu.memory_space<vmem>>
      %dma_start3A_259 = tpu.memref_squeeze %dma_start3A_258 : memref<1x128x128xf32, #tpu.memory_space<vmem>> -> memref<128x128xf32, #tpu.memory_space<vmem>>
      %dma_start3A_260 = arith.constant 0 : i32
      %dma_start3A_261 = tpu.memref_slice %arg7[%dma_start3A_254, %dma_start3A_255, %dma_start3A_260] : memref<8x2x128xi32, #tpu.memory_space<vmem>> -> memref<1x1x128xi32, #tpu.memory_space<vmem>>
      %dma_start3A_262 = tpu.memref_squeeze %dma_start3A_261 : memref<1x1x128xi32, #tpu.memory_space<vmem>> -> memref<128xi32, #tpu.memory_space<vmem>>
      %dma_start3A_263 = arith.constant 0 : i32
      %dma_start3A_264 = arith.constant 0 : i32
      %dma_start3A_265 = tpu.memref_slice %arg6[%dma_start3A_263, %dma_start3A_264] : memref<10112x128xf32, #tpu.memory_space<vmem_shared>> -> memref<10112x128xf32, #tpu.memory_space<vmem_shared>>
      tpu.enqueue_indirect_dma source(%dma_start3A_259 : memref<128x128xf32, #tpu.memory_space<vmem>>) target(%dma_start3A_265 : memref<10112x128xf32, #tpu.memory_space<vmem_shared>>) offsets(%dma_start3A_262 : memref<128xi32, #tpu.memory_space<vmem>>) semaphore(%arg10 : memref<!tpu.dma_semaphore, #tpu.memory_space<semaphore_mem>>) {add = true}
      %add3A_266 = arith.constant 1 : i32
      %add3A_267 = arith.addi %add3A_208, %add3A_266 : i32
      %ge3A_268 = arith.constant 6 : i32
      %ge3A_269 = arith.cmpi sge, %add3A_267, %ge3A_268 : i32
      %convert_element_type3A_270 = arith.extui %ge3A_269 : i1 to i32
      %cond3A_271 = arith.constant 0 : i32
      %cond3A_272 = arith.cmpi ne, %convert_element_type3A_270, %cond3A_271 : i32
      scf.if %cond3A_272 {
        %dma_wait3A_693 = arith.constant 0 : i32
        %dma_wait3A_694 = arith.constant 0 : i32
        %dma_wait3A_695 = arith.constant 0 : i32
        %dma_wait3A_696 = arith.constant 0 : i32
        %dma_wait3A_697 = arith.constant 0 : i32
        %dma_wait3A_698 = tpu.memref_slice %arg8[%dma_wait3A_693, %dma_wait3A_696, %dma_wait3A_697] : memref<2x128x128xf32, #tpu.memory_space<vmem>> -> memref<1x128x128xf32, #tpu.memory_space<vmem>>
        %dma_wait3A_699 = tpu.memref_squeeze %dma_wait3A_698 : memref<1x128x128xf32, #tpu.memory_space<vmem>> -> memref<128x128xf32, #tpu.memory_space<vmem>>
        %dma_wait3A_700 = arith.constant 0 : i32
        %dma_wait3A_701 = tpu.memref_slice %arg7[%dma_wait3A_694, %dma_wait3A_695, %dma_wait3A_700] : memref<8x2x128xi32, #tpu.memory_space<vmem>> -> memref<1x1x128xi32, #tpu.memory_space<vmem>>
        %dma_wait3A_702 = tpu.memref_squeeze %dma_wait3A_701 : memref<1x1x128xi32, #tpu.memory_space<vmem>> -> memref<128xi32, #tpu.memory_space<vmem>>
        %dma_wait3A_703 = arith.constant 0 : i32
        %dma_wait3A_704 = arith.constant 0 : i32
        %dma_wait3A_705 = tpu.memref_slice %arg6[%dma_wait3A_703, %dma_wait3A_704] : memref<10112x128xf32, #tpu.memory_space<vmem_shared>> -> memref<10112x128xf32, #tpu.memory_space<vmem_shared>>
        tpu.wait_indirect_dma semaphore(%arg10 : memref<!tpu.dma_semaphore, #tpu.memory_space<semaphore_mem>>) src(%dma_wait3A_699 : memref<128x128xf32, #tpu.memory_space<vmem>>) dst(%dma_wait3A_705 : memref<10112x128xf32, #tpu.memory_space<vmem_shared>>)
        %dma_wait3A_706 = arith.constant 0 : i32
        %dma_wait3A_707 = arith.constant 0 : i32
        %dma_wait3A_708 = arith.constant 0 : i32
        %dma_wait3A_709 = arith.constant 0 : i32
        %dma_wait3A_710 = arith.constant 0 : i32
        %dma_wait3A_711 = tpu.memref_slice %arg8[%dma_wait3A_706, %dma_wait3A_709, %dma_wait3A_710] : memref<2x128x128xf32, #tpu.memory_space<vmem>> -> memref<1x128x128xf32, #tpu.memory_space<vmem>>
        %dma_wait3A_712 = tpu.memref_squeeze %dma_wait3A_711 : memref<1x128x128xf32, #tpu.memory_space<vmem>> -> memref<128x128xf32, #tpu.memory_space<vmem>>
        %dma_wait3A_713 = arith.constant 0 : i32
        %dma_wait3A_714 = tpu.memref_slice %arg7[%dma_wait3A_707, %dma_wait3A_708, %dma_wait3A_713] : memref<8x2x128xi32, #tpu.memory_space<vmem>> -> memref<1x1x128xi32, #tpu.memory_space<vmem>>
        %dma_wait3A_715 = tpu.memref_squeeze %dma_wait3A_714 : memref<1x1x128xi32, #tpu.memory_space<vmem>> -> memref<128xi32, #tpu.memory_space<vmem>>
        %dma_wait3A_716 = arith.constant 0 : i32
        %dma_wait3A_717 = arith.constant 0 : i32
        %dma_wait3A_718 = tpu.memref_slice %arg6[%dma_wait3A_716, %dma_wait3A_717] : memref<10112x128xf32, #tpu.memory_space<vmem_shared>> -> memref<10112x128xf32, #tpu.memory_space<vmem_shared>>
        tpu.wait_indirect_dma semaphore(%arg10 : memref<!tpu.dma_semaphore, #tpu.memory_space<semaphore_mem>>) src(%dma_wait3A_712 : memref<128x128xf32, #tpu.memory_space<vmem>>) dst(%dma_wait3A_718 : memref<10112x128xf32, #tpu.memory_space<vmem_shared>>)
      } else {
      }
      %add3A_273 = arith.constant 2 : i32
      %add3A_274 = arith.addi %add3A_267, %add3A_273 : i32
      %lt3A_275 = arith.constant 80 : i32
      %lt3A_276 = arith.cmpi slt, %add3A_274, %lt3A_275 : i32
      %convert_element_type3A_277 = arith.extui %lt3A_276 : i1 to i32
      %cond3A_278 = arith.constant 0 : i32
      %cond3A_279 = arith.cmpi ne, %convert_element_type3A_277, %cond3A_278 : i32
      scf.if %cond3A_279 {
        %add3A_693 = arith.constant 2 : i32
        %add3A_694 = arith.addi %add3A_267, %add3A_693 : i32
        %dma_start3A_695 = arith.constant 3 : i32
        %dma_start3A_696 = arith.constant 3 : i32
        %dma_start3A_697 = arith.constant 0 : i32
        %dma_start3A_698 = arith.constant 0 : i32
        %dma_start3A_699 = tpu.memref_slice %arg7[%dma_start3A_695, %dma_start3A_697, %dma_start3A_698] : memref<8x2x128xi32, #tpu.memory_space<vmem>> -> memref<1x2x128xi32, #tpu.memory_space<vmem>>
        %dma_start3A_700 = tpu.memref_squeeze %dma_start3A_699 : memref<1x2x128xi32, #tpu.memory_space<vmem>> -> memref<2x128xi32, #tpu.memory_space<vmem>>
        %dma_start3A_701 = arith.constant 0 : i32
        %dma_start3A_702 = arith.constant 0 : i32
        %dma_start3A_703 = tpu.memref_slice %arg2[%add3A, %add3A_694, %dma_start3A_701, %dma_start3A_702] : memref<32x80x2x128xi32, #tpu.memory_space<hbm>> -> memref<1x1x2x128xi32, #tpu.memory_space<hbm>>
        %dma_start3A_704 = tpu.memref_squeeze %dma_start3A_703 : memref<1x1x2x128xi32, #tpu.memory_space<hbm>> -> memref<2x128xi32, #tpu.memory_space<hbm>>
        %dma_start3A_705 = tpu.memref_slice %arg9[%dma_start3A_696] : memref<8x!tpu.dma_semaphore, #tpu.memory_space<semaphore_mem>> -> memref<1x!tpu.dma_semaphore, #tpu.memory_space<semaphore_mem>>
        %dma_start3A_706 = tpu.memref_squeeze %dma_start3A_705 : memref<1x!tpu.dma_semaphore, #tpu.memory_space<semaphore_mem>> -> memref<!tpu.dma_semaphore, #tpu.memory_space<semaphore_mem>>
        %dma_start3A_707 = arith.constant 0 : i32
        %dma_start3A_708 = arith.constant 0 : i32
        %dma_start3A_709 = tpu.memref_slice %arg7[%dma_start3A_695, %dma_start3A_707, %dma_start3A_708] : memref<8x2x128xi32, #tpu.memory_space<vmem>> -> memref<1x2x128xi32, #tpu.memory_space<vmem>>
        %dma_start3A_710 = tpu.memref_squeeze %dma_start3A_709 : memref<1x2x128xi32, #tpu.memory_space<vmem>> -> memref<2x128xi32, #tpu.memory_space<vmem>>
        %dma_start3A_711 = arith.constant 0 : i32
        %dma_start3A_712 = arith.constant 0 : i32
        %dma_start3A_713 = tpu.memref_slice %arg2[%add3A, %add3A_694, %dma_start3A_711, %dma_start3A_712] : memref<32x80x2x128xi32, #tpu.memory_space<hbm>> -> memref<1x1x2x128xi32, #tpu.memory_space<hbm>>
        %dma_start3A_714 = tpu.memref_squeeze %dma_start3A_713 : memref<1x1x2x128xi32, #tpu.memory_space<hbm>> -> memref<2x128xi32, #tpu.memory_space<hbm>>
        tpu.enqueue_dma source(%dma_start3A_714 : memref<2x128xi32, #tpu.memory_space<hbm>>) target(%dma_start3A_710 : memref<2x128xi32, #tpu.memory_space<vmem>>) target_semaphore(%dma_start3A_706 : memref<!tpu.dma_semaphore, #tpu.memory_space<semaphore_mem>>)
      } else {
      }
      %dma_wait3A_280 = arith.constant 0 : i32
      %dma_wait3A_281 = arith.constant 1 : i32
      %dma_wait3A_282 = arith.constant 1 : i32
      %dma_wait3A_283 = arith.constant 0 : i32
      %dma_wait3A_284 = arith.constant 0 : i32
      %dma_wait3A_285 = tpu.memref_slice %arg7[%dma_wait3A_281, %dma_wait3A_283, %dma_wait3A_284] : memref<8x2x128xi32, #tpu.memory_space<vmem>> -> memref<1x2x128xi32, #tpu.memory_space<vmem>>
      %dma_wait3A_286 = tpu.memref_squeeze %dma_wait3A_285 : memref<1x2x128xi32, #tpu.memory_space<vmem>> -> memref<2x128xi32, #tpu.memory_space<vmem>>
      %dma_wait3A_287 = arith.constant 0 : i32
      %dma_wait3A_288 = arith.constant 0 : i32
      %dma_wait3A_289 = tpu.memref_slice %arg2[%add3A, %dma_wait3A_280, %dma_wait3A_287, %dma_wait3A_288] : memref<32x80x2x128xi32, #tpu.memory_space<hbm>> -> memref<1x1x2x128xi32, #tpu.memory_space<hbm>>
      %dma_wait3A_290 = tpu.memref_squeeze %dma_wait3A_289 : memref<1x1x2x128xi32, #tpu.memory_space<hbm>> -> memref<2x128xi32, #tpu.memory_space<hbm>>
      %dma_wait3A_291 = tpu.memref_slice %arg9[%dma_wait3A_282] : memref<8x!tpu.dma_semaphore, #tpu.memory_space<semaphore_mem>> -> memref<1x!tpu.dma_semaphore, #tpu.memory_space<semaphore_mem>>
      %dma_wait3A_292 = tpu.memref_squeeze %dma_wait3A_291 : memref<1x!tpu.dma_semaphore, #tpu.memory_space<semaphore_mem>> -> memref<!tpu.dma_semaphore, #tpu.memory_space<semaphore_mem>>
      %dma_wait3A_293 = arith.constant 0 : i32
      %dma_wait3A_294 = arith.constant 0 : i32
      %dma_wait3A_295 = tpu.memref_slice %arg7[%dma_wait3A_281, %dma_wait3A_293, %dma_wait3A_294] : memref<8x2x128xi32, #tpu.memory_space<vmem>> -> memref<1x2x128xi32, #tpu.memory_space<vmem>>
      %dma_wait3A_296 = tpu.memref_squeeze %dma_wait3A_295 : memref<1x2x128xi32, #tpu.memory_space<vmem>> -> memref<2x128xi32, #tpu.memory_space<vmem>>
      %dma_wait3A_297 = arith.constant 0 : i32
      %dma_wait3A_298 = arith.constant 0 : i32
      %dma_wait3A_299 = tpu.memref_slice %arg2[%add3A, %dma_wait3A_280, %dma_wait3A_297, %dma_wait3A_298] : memref<32x80x2x128xi32, #tpu.memory_space<hbm>> -> memref<1x1x2x128xi32, #tpu.memory_space<hbm>>
      %dma_wait3A_300 = tpu.memref_squeeze %dma_wait3A_299 : memref<1x1x2x128xi32, #tpu.memory_space<hbm>> -> memref<2x128xi32, #tpu.memory_space<hbm>>
      tpu.wait_dma2 semaphore(%dma_wait3A_292 : memref<!tpu.dma_semaphore, #tpu.memory_space<semaphore_mem>>) src(%dma_wait3A_300 : memref<2x128xi32, #tpu.memory_space<hbm>>) dst(%dma_wait3A_296 : memref<2x128xi32, #tpu.memory_space<vmem>>)
      %dma_start3A_301 = arith.constant 0 : i32
      %dma_start3A_302 = arith.constant 1 : i32
      %dma_start3A_303 = arith.constant 0 : i32
      %dma_start3A_304 = arith.constant 0 : i32
      %dma_start3A_305 = arith.constant 0 : i32
      %dma_start3A_306 = tpu.memref_slice %arg8[%dma_start3A_301, %dma_start3A_304, %dma_start3A_305] : memref<2x128x128xf32, #tpu.memory_space<vmem>> -> memref<1x128x128xf32, #tpu.memory_space<vmem>>
      %dma_start3A_307 = tpu.memref_squeeze %dma_start3A_306 : memref<1x128x128xf32, #tpu.memory_space<vmem>> -> memref<128x128xf32, #tpu.memory_space<vmem>>
      %dma_start3A_308 = arith.constant 0 : i32
      %dma_start3A_309 = tpu.memref_slice %arg7[%dma_start3A_302, %dma_start3A_303, %dma_start3A_308] : memref<8x2x128xi32, #tpu.memory_space<vmem>> -> memref<1x1x128xi32, #tpu.memory_space<vmem>>
      %dma_start3A_310 = tpu.memref_squeeze %dma_start3A_309 : memref<1x1x128xi32, #tpu.memory_space<vmem>> -> memref<128xi32, #tpu.memory_space<vmem>>
      %dma_start3A_311 = arith.constant 0 : i32
      %dma_start3A_312 = arith.constant 0 : i32
      %dma_start3A_313 = tpu.memref_slice %arg6[%dma_start3A_311, %dma_start3A_312] : memref<10112x128xf32, #tpu.memory_space<vmem_shared>> -> memref<10112x128xf32, #tpu.memory_space<vmem_shared>>
      tpu.enqueue_indirect_dma source(%dma_start3A_307 : memref<128x128xf32, #tpu.memory_space<vmem>>) target(%dma_start3A_313 : memref<10112x128xf32, #tpu.memory_space<vmem_shared>>) offsets(%dma_start3A_310 : memref<128xi32, #tpu.memory_space<vmem>>) semaphore(%arg10 : memref<!tpu.dma_semaphore, #tpu.memory_space<semaphore_mem>>) {add = true}
      %dma_start3A_314 = arith.constant 1 : i32
      %dma_start3A_315 = arith.constant 1 : i32
      %dma_start3A_316 = arith.constant 1 : i32
      %dma_start3A_317 = arith.constant 0 : i32
      %dma_start3A_318 = arith.constant 0 : i32
      %dma_start3A_319 = tpu.memref_slice %arg8[%dma_start3A_314, %dma_start3A_317, %dma_start3A_318] : memref<2x128x128xf32, #tpu.memory_space<vmem>> -> memref<1x128x128xf32, #tpu.memory_space<vmem>>
      %dma_start3A_320 = tpu.memref_squeeze %dma_start3A_319 : memref<1x128x128xf32, #tpu.memory_space<vmem>> -> memref<128x128xf32, #tpu.memory_space<vmem>>
      %dma_start3A_321 = arith.constant 0 : i32
      %dma_start3A_322 = tpu.memref_slice %arg7[%dma_start3A_315, %dma_start3A_316, %dma_start3A_321] : memref<8x2x128xi32, #tpu.memory_space<vmem>> -> memref<1x1x128xi32, #tpu.memory_space<vmem>>
      %dma_start3A_323 = tpu.memref_squeeze %dma_start3A_322 : memref<1x1x128xi32, #tpu.memory_space<vmem>> -> memref<128xi32, #tpu.memory_space<vmem>>
      %dma_start3A_324 = arith.constant 0 : i32
      %dma_start3A_325 = arith.constant 0 : i32
      %dma_start3A_326 = tpu.memref_slice %arg6[%dma_start3A_324, %dma_start3A_325] : memref<10112x128xf32, #tpu.memory_space<vmem_shared>> -> memref<10112x128xf32, #tpu.memory_space<vmem_shared>>
      tpu.enqueue_indirect_dma source(%dma_start3A_320 : memref<128x128xf32, #tpu.memory_space<vmem>>) target(%dma_start3A_326 : memref<10112x128xf32, #tpu.memory_space<vmem_shared>>) offsets(%dma_start3A_323 : memref<128xi32, #tpu.memory_space<vmem>>) semaphore(%arg10 : memref<!tpu.dma_semaphore, #tpu.memory_space<semaphore_mem>>) {add = true}
      %add3A_327 = arith.constant 2 : i32
      %add3A_328 = arith.addi %add3A_208, %add3A_327 : i32
      %ge3A_329 = arith.constant 6 : i32
      %ge3A_330 = arith.cmpi sge, %add3A_328, %ge3A_329 : i32
      %convert_element_type3A_331 = arith.extui %ge3A_330 : i1 to i32
      %cond3A_332 = arith.constant 0 : i32
      %cond3A_333 = arith.cmpi ne, %convert_element_type3A_331, %cond3A_332 : i32
      scf.if %cond3A_333 {
        %dma_wait3A_693 = arith.constant 0 : i32
        %dma_wait3A_694 = arith.constant 0 : i32
        %dma_wait3A_695 = arith.constant 0 : i32
        %dma_wait3A_696 = arith.constant 0 : i32
        %dma_wait3A_697 = arith.constant 0 : i32
        %dma_wait3A_698 = tpu.memref_slice %arg8[%dma_wait3A_693, %dma_wait3A_696, %dma_wait3A_697] : memref<2x128x128xf32, #tpu.memory_space<vmem>> -> memref<1x128x128xf32, #tpu.memory_space<vmem>>
        %dma_wait3A_699 = tpu.memref_squeeze %dma_wait3A_698 : memref<1x128x128xf32, #tpu.memory_space<vmem>> -> memref<128x128xf32, #tpu.memory_space<vmem>>
        %dma_wait3A_700 = arith.constant 0 : i32
        %dma_wait3A_701 = tpu.memref_slice %arg7[%dma_wait3A_694, %dma_wait3A_695, %dma_wait3A_700] : memref<8x2x128xi32, #tpu.memory_space<vmem>> -> memref<1x1x128xi32, #tpu.memory_space<vmem>>
        %dma_wait3A_702 = tpu.memref_squeeze %dma_wait3A_701 : memref<1x1x128xi32, #tpu.memory_space<vmem>> -> memref<128xi32, #tpu.memory_space<vmem>>
        %dma_wait3A_703 = arith.constant 0 : i32
        %dma_wait3A_704 = arith.constant 0 : i32
        %dma_wait3A_705 = tpu.memref_slice %arg6[%dma_wait3A_703, %dma_wait3A_704] : memref<10112x128xf32, #tpu.memory_space<vmem_shared>> -> memref<10112x128xf32, #tpu.memory_space<vmem_shared>>
        tpu.wait_indirect_dma semaphore(%arg10 : memref<!tpu.dma_semaphore, #tpu.memory_space<semaphore_mem>>) src(%dma_wait3A_699 : memref<128x128xf32, #tpu.memory_space<vmem>>) dst(%dma_wait3A_705 : memref<10112x128xf32, #tpu.memory_space<vmem_shared>>)
        %dma_wait3A_706 = arith.constant 0 : i32
        %dma_wait3A_707 = arith.constant 0 : i32
        %dma_wait3A_708 = arith.constant 0 : i32
        %dma_wait3A_709 = arith.constant 0 : i32
        %dma_wait3A_710 = arith.constant 0 : i32
        %dma_wait3A_711 = tpu.memref_slice %arg8[%dma_wait3A_706, %dma_wait3A_709, %dma_wait3A_710] : memref<2x128x128xf32, #tpu.memory_space<vmem>> -> memref<1x128x128xf32, #tpu.memory_space<vmem>>
        %dma_wait3A_712 = tpu.memref_squeeze %dma_wait3A_711 : memref<1x128x128xf32, #tpu.memory_space<vmem>> -> memref<128x128xf32, #tpu.memory_space<vmem>>
        %dma_wait3A_713 = arith.constant 0 : i32
        %dma_wait3A_714 = tpu.memref_slice %arg7[%dma_wait3A_707, %dma_wait3A_708, %dma_wait3A_713] : memref<8x2x128xi32, #tpu.memory_space<vmem>> -> memref<1x1x128xi32, #tpu.memory_space<vmem>>
        %dma_wait3A_715 = tpu.memref_squeeze %dma_wait3A_714 : memref<1x1x128xi32, #tpu.memory_space<vmem>> -> memref<128xi32, #tpu.memory_space<vmem>>
        %dma_wait3A_716 = arith.constant 0 : i32
        %dma_wait3A_717 = arith.constant 0 : i32
        %dma_wait3A_718 = tpu.memref_slice %arg6[%dma_wait3A_716, %dma_wait3A_717] : memref<10112x128xf32, #tpu.memory_space<vmem_shared>> -> memref<10112x128xf32, #tpu.memory_space<vmem_shared>>
        tpu.wait_indirect_dma semaphore(%arg10 : memref<!tpu.dma_semaphore, #tpu.memory_space<semaphore_mem>>) src(%dma_wait3A_712 : memref<128x128xf32, #tpu.memory_space<vmem>>) dst(%dma_wait3A_718 : memref<10112x128xf32, #tpu.memory_space<vmem_shared>>)
      } else {
      }
      %add3A_334 = arith.constant 2 : i32
      %add3A_335 = arith.addi %add3A_328, %add3A_334 : i32
      %lt3A_336 = arith.constant 80 : i32
      %lt3A_337 = arith.cmpi slt, %add3A_335, %lt3A_336 : i32
      %convert_element_type3A_338 = arith.extui %lt3A_337 : i1 to i32
      %cond3A_339 = arith.constant 0 : i32
      %cond3A_340 = arith.cmpi ne, %convert_element_type3A_338, %cond3A_339 : i32
      scf.if %cond3A_340 {
        %add3A_693 = arith.constant 2 : i32
        %add3A_694 = arith.addi %add3A_328, %add3A_693 : i32
        %dma_start3A_695 = arith.constant 4 : i32
        %dma_start3A_696 = arith.constant 4 : i32
        %dma_start3A_697 = arith.constant 0 : i32
        %dma_start3A_698 = arith.constant 0 : i32
        %dma_start3A_699 = tpu.memref_slice %arg7[%dma_start3A_695, %dma_start3A_697, %dma_start3A_698] : memref<8x2x128xi32, #tpu.memory_space<vmem>> -> memref<1x2x128xi32, #tpu.memory_space<vmem>>
        %dma_start3A_700 = tpu.memref_squeeze %dma_start3A_699 : memref<1x2x128xi32, #tpu.memory_space<vmem>> -> memref<2x128xi32, #tpu.memory_space<vmem>>
        %dma_start3A_701 = arith.constant 0 : i32
        %dma_start3A_702 = arith.constant 0 : i32
        %dma_start3A_703 = tpu.memref_slice %arg2[%add3A, %add3A_694, %dma_start3A_701, %dma_start3A_702] : memref<32x80x2x128xi32, #tpu.memory_space<hbm>> -> memref<1x1x2x128xi32, #tpu.memory_space<hbm>>
        %dma_start3A_704 = tpu.memref_squeeze %dma_start3A_703 : memref<1x1x2x128xi32, #tpu.memory_space<hbm>> -> memref<2x128xi32, #tpu.memory_space<hbm>>
        %dma_start3A_705 = tpu.memref_slice %arg9[%dma_start3A_696] : memref<8x!tpu.dma_semaphore, #tpu.memory_space<semaphore_mem>> -> memref<1x!tpu.dma_semaphore, #tpu.memory_space<semaphore_mem>>
        %dma_start3A_706 = tpu.memref_squeeze %dma_start3A_705 : memref<1x!tpu.dma_semaphore, #tpu.memory_space<semaphore_mem>> -> memref<!tpu.dma_semaphore, #tpu.memory_space<semaphore_mem>>
        %dma_start3A_707 = arith.constant 0 : i32
        %dma_start3A_708 = arith.constant 0 : i32
        %dma_start3A_709 = tpu.memref_slice %arg7[%dma_start3A_695, %dma_start3A_707, %dma_start3A_708] : memref<8x2x128xi32, #tpu.memory_space<vmem>> -> memref<1x2x128xi32, #tpu.memory_space<vmem>>
        %dma_start3A_710 = tpu.memref_squeeze %dma_start3A_709 : memref<1x2x128xi32, #tpu.memory_space<vmem>> -> memref<2x128xi32, #tpu.memory_space<vmem>>
        %dma_start3A_711 = arith.constant 0 : i32
        %dma_start3A_712 = arith.constant 0 : i32
        %dma_start3A_713 = tpu.memref_slice %arg2[%add3A, %add3A_694, %dma_start3A_711, %dma_start3A_712] : memref<32x80x2x128xi32, #tpu.memory_space<hbm>> -> memref<1x1x2x128xi32, #tpu.memory_space<hbm>>
        %dma_start3A_714 = tpu.memref_squeeze %dma_start3A_713 : memref<1x1x2x128xi32, #tpu.memory_space<hbm>> -> memref<2x128xi32, #tpu.memory_space<hbm>>
        tpu.enqueue_dma source(%dma_start3A_714 : memref<2x128xi32, #tpu.memory_space<hbm>>) target(%dma_start3A_710 : memref<2x128xi32, #tpu.memory_space<vmem>>) target_semaphore(%dma_start3A_706 : memref<!tpu.dma_semaphore, #tpu.memory_space<semaphore_mem>>)
      } else {
      }
      %dma_wait3A_341 = arith.constant 0 : i32
      %dma_wait3A_342 = arith.constant 2 : i32
      %dma_wait3A_343 = arith.constant 2 : i32
      %dma_wait3A_344 = arith.constant 0 : i32
      %dma_wait3A_345 = arith.constant 0 : i32
      %dma_wait3A_346 = tpu.memref_slice %arg7[%dma_wait3A_342, %dma_wait3A_344, %dma_wait3A_345] : memref<8x2x128xi32, #tpu.memory_space<vmem>> -> memref<1x2x128xi32, #tpu.memory_space<vmem>>
      %dma_wait3A_347 = tpu.memref_squeeze %dma_wait3A_346 : memref<1x2x128xi32, #tpu.memory_space<vmem>> -> memref<2x128xi32, #tpu.memory_space<vmem>>
      %dma_wait3A_348 = arith.constant 0 : i32
      %dma_wait3A_349 = arith.constant 0 : i32
      %dma_wait3A_350 = tpu.memref_slice %arg2[%add3A, %dma_wait3A_341, %dma_wait3A_348, %dma_wait3A_349] : memref<32x80x2x128xi32, #tpu.memory_space<hbm>> -> memref<1x1x2x128xi32, #tpu.memory_space<hbm>>
      %dma_wait3A_351 = tpu.memref_squeeze %dma_wait3A_350 : memref<1x1x2x128xi32, #tpu.memory_space<hbm>> -> memref<2x128xi32, #tpu.memory_space<hbm>>
      %dma_wait3A_352 = tpu.memref_slice %arg9[%dma_wait3A_343] : memref<8x!tpu.dma_semaphore, #tpu.memory_space<semaphore_mem>> -> memref<1x!tpu.dma_semaphore, #tpu.memory_space<semaphore_mem>>
      %dma_wait3A_353 = tpu.memref_squeeze %dma_wait3A_352 : memref<1x!tpu.dma_semaphore, #tpu.memory_space<semaphore_mem>> -> memref<!tpu.dma_semaphore, #tpu.memory_space<semaphore_mem>>
      %dma_wait3A_354 = arith.constant 0 : i32
      %dma_wait3A_355 = arith.constant 0 : i32
      %dma_wait3A_356 = tpu.memref_slice %arg7[%dma_wait3A_342, %dma_wait3A_354, %dma_wait3A_355] : memref<8x2x128xi32, #tpu.memory_space<vmem>> -> memref<1x2x128xi32, #tpu.memory_space<vmem>>
      %dma_wait3A_357 = tpu.memref_squeeze %dma_wait3A_356 : memref<1x2x128xi32, #tpu.memory_space<vmem>> -> memref<2x128xi32, #tpu.memory_space<vmem>>
      %dma_wait3A_358 = arith.constant 0 : i32
      %dma_wait3A_359 = arith.constant 0 : i32
      %dma_wait3A_360 = tpu.memref_slice %arg2[%add3A, %dma_wait3A_341, %dma_wait3A_358, %dma_wait3A_359] : memref<32x80x2x128xi32, #tpu.memory_space<hbm>> -> memref<1x1x2x128xi32, #tpu.memory_space<hbm>>
      %dma_wait3A_361 = tpu.memref_squeeze %dma_wait3A_360 : memref<1x1x2x128xi32, #tpu.memory_space<hbm>> -> memref<2x128xi32, #tpu.memory_space<hbm>>
      tpu.wait_dma2 semaphore(%dma_wait3A_353 : memref<!tpu.dma_semaphore, #tpu.memory_space<semaphore_mem>>) src(%dma_wait3A_361 : memref<2x128xi32, #tpu.memory_space<hbm>>) dst(%dma_wait3A_357 : memref<2x128xi32, #tpu.memory_space<vmem>>)
      %dma_start3A_362 = arith.constant 0 : i32
      %dma_start3A_363 = arith.constant 2 : i32
      %dma_start3A_364 = arith.constant 0 : i32
      %dma_start3A_365 = arith.constant 0 : i32
      %dma_start3A_366 = arith.constant 0 : i32
      %dma_start3A_367 = tpu.memref_slice %arg8[%dma_start3A_362, %dma_start3A_365, %dma_start3A_366] : memref<2x128x128xf32, #tpu.memory_space<vmem>> -> memref<1x128x128xf32, #tpu.memory_space<vmem>>
      %dma_start3A_368 = tpu.memref_squeeze %dma_start3A_367 : memref<1x128x128xf32, #tpu.memory_space<vmem>> -> memref<128x128xf32, #tpu.memory_space<vmem>>
      %dma_start3A_369 = arith.constant 0 : i32
      %dma_start3A_370 = tpu.memref_slice %arg7[%dma_start3A_363, %dma_start3A_364, %dma_start3A_369] : memref<8x2x128xi32, #tpu.memory_space<vmem>> -> memref<1x1x128xi32, #tpu.memory_space<vmem>>
      %dma_start3A_371 = tpu.memref_squeeze %dma_start3A_370 : memref<1x1x128xi32, #tpu.memory_space<vmem>> -> memref<128xi32, #tpu.memory_space<vmem>>
      %dma_start3A_372 = arith.constant 0 : i32
      %dma_start3A_373 = arith.constant 0 : i32
      %dma_start3A_374 = tpu.memref_slice %arg6[%dma_start3A_372, %dma_start3A_373] : memref<10112x128xf32, #tpu.memory_space<vmem_shared>> -> memref<10112x128xf32, #tpu.memory_space<vmem_shared>>
      tpu.enqueue_indirect_dma source(%dma_start3A_368 : memref<128x128xf32, #tpu.memory_space<vmem>>) target(%dma_start3A_374 : memref<10112x128xf32, #tpu.memory_space<vmem_shared>>) offsets(%dma_start3A_371 : memref<128xi32, #tpu.memory_space<vmem>>) semaphore(%arg10 : memref<!tpu.dma_semaphore, #tpu.memory_space<semaphore_mem>>) {add = true}
      %dma_start3A_375 = arith.constant 1 : i32
      %dma_start3A_376 = arith.constant 2 : i32
      %dma_start3A_377 = arith.constant 1 : i32
      %dma_start3A_378 = arith.constant 0 : i32
      %dma_start3A_379 = arith.constant 0 : i32
      %dma_start3A_380 = tpu.memref_slice %arg8[%dma_start3A_375, %dma_start3A_378, %dma_start3A_379] : memref<2x128x128xf32, #tpu.memory_space<vmem>> -> memref<1x128x128xf32, #tpu.memory_space<vmem>>
      %dma_start3A_381 = tpu.memref_squeeze %dma_start3A_380 : memref<1x128x128xf32, #tpu.memory_space<vmem>> -> memref<128x128xf32, #tpu.memory_space<vmem>>
      %dma_start3A_382 = arith.constant 0 : i32
      %dma_start3A_383 = tpu.memref_slice %arg7[%dma_start3A_376, %dma_start3A_377, %dma_start3A_382] : memref<8x2x128xi32, #tpu.memory_space<vmem>> -> memref<1x1x128xi32, #tpu.memory_space<vmem>>
      %dma_start3A_384 = tpu.memref_squeeze %dma_start3A_383 : memref<1x1x128xi32, #tpu.memory_space<vmem>> -> memref<128xi32, #tpu.memory_space<vmem>>
      %dma_start3A_385 = arith.constant 0 : i32
      %dma_start3A_386 = arith.constant 0 : i32
      %dma_start3A_387 = tpu.memref_slice %arg6[%dma_start3A_385, %dma_start3A_386] : memref<10112x128xf32, #tpu.memory_space<vmem_shared>> -> memref<10112x128xf32, #tpu.memory_space<vmem_shared>>
      tpu.enqueue_indirect_dma source(%dma_start3A_381 : memref<128x128xf32, #tpu.memory_space<vmem>>) target(%dma_start3A_387 : memref<10112x128xf32, #tpu.memory_space<vmem_shared>>) offsets(%dma_start3A_384 : memref<128xi32, #tpu.memory_space<vmem>>) semaphore(%arg10 : memref<!tpu.dma_semaphore, #tpu.memory_space<semaphore_mem>>) {add = true}
      %add3A_388 = arith.constant 3 : i32
      %add3A_389 = arith.addi %add3A_208, %add3A_388 : i32
      %ge3A_390 = arith.constant 6 : i32
      %ge3A_391 = arith.cmpi sge, %add3A_389, %ge3A_390 : i32
      %convert_element_type3A_392 = arith.extui %ge3A_391 : i1 to i32
      %cond3A_393 = arith.constant 0 : i32
      %cond3A_394 = arith.cmpi ne, %convert_element_type3A_392, %cond3A_393 : i32
      scf.if %cond3A_394 {
        %dma_wait3A_693 = arith.constant 0 : i32
        %dma_wait3A_694 = arith.constant 0 : i32
        %dma_wait3A_695 = arith.constant 0 : i32
        %dma_wait3A_696 = arith.constant 0 : i32
        %dma_wait3A_697 = arith.constant 0 : i32
        %dma_wait3A_698 = tpu.memref_slice %arg8[%dma_wait3A_693, %dma_wait3A_696, %dma_wait3A_697] : memref<2x128x128xf32, #tpu.memory_space<vmem>> -> memref<1x128x128xf32, #tpu.memory_space<vmem>>
        %dma_wait3A_699 = tpu.memref_squeeze %dma_wait3A_698 : memref<1x128x128xf32, #tpu.memory_space<vmem>> -> memref<128x128xf32, #tpu.memory_space<vmem>>
        %dma_wait3A_700 = arith.constant 0 : i32
        %dma_wait3A_701 = tpu.memref_slice %arg7[%dma_wait3A_694, %dma_wait3A_695, %dma_wait3A_700] : memref<8x2x128xi32, #tpu.memory_space<vmem>> -> memref<1x1x128xi32, #tpu.memory_space<vmem>>
        %dma_wait3A_702 = tpu.memref_squeeze %dma_wait3A_701 : memref<1x1x128xi32, #tpu.memory_space<vmem>> -> memref<128xi32, #tpu.memory_space<vmem>>
        %dma_wait3A_703 = arith.constant 0 : i32
        %dma_wait3A_704 = arith.constant 0 : i32
        %dma_wait3A_705 = tpu.memref_slice %arg6[%dma_wait3A_703, %dma_wait3A_704] : memref<10112x128xf32, #tpu.memory_space<vmem_shared>> -> memref<10112x128xf32, #tpu.memory_space<vmem_shared>>
        tpu.wait_indirect_dma semaphore(%arg10 : memref<!tpu.dma_semaphore, #tpu.memory_space<semaphore_mem>>) src(%dma_wait3A_699 : memref<128x128xf32, #tpu.memory_space<vmem>>) dst(%dma_wait3A_705 : memref<10112x128xf32, #tpu.memory_space<vmem_shared>>)
        %dma_wait3A_706 = arith.constant 0 : i32
        %dma_wait3A_707 = arith.constant 0 : i32
        %dma_wait3A_708 = arith.constant 0 : i32
        %dma_wait3A_709 = arith.constant 0 : i32
        %dma_wait3A_710 = arith.constant 0 : i32
        %dma_wait3A_711 = tpu.memref_slice %arg8[%dma_wait3A_706, %dma_wait3A_709, %dma_wait3A_710] : memref<2x128x128xf32, #tpu.memory_space<vmem>> -> memref<1x128x128xf32, #tpu.memory_space<vmem>>
        %dma_wait3A_712 = tpu.memref_squeeze %dma_wait3A_711 : memref<1x128x128xf32, #tpu.memory_space<vmem>> -> memref<128x128xf32, #tpu.memory_space<vmem>>
        %dma_wait3A_713 = arith.constant 0 : i32
        %dma_wait3A_714 = tpu.memref_slice %arg7[%dma_wait3A_707, %dma_wait3A_708, %dma_wait3A_713] : memref<8x2x128xi32, #tpu.memory_space<vmem>> -> memref<1x1x128xi32, #tpu.memory_space<vmem>>
        %dma_wait3A_715 = tpu.memref_squeeze %dma_wait3A_714 : memref<1x1x128xi32, #tpu.memory_space<vmem>> -> memref<128xi32, #tpu.memory_space<vmem>>
        %dma_wait3A_716 = arith.constant 0 : i32
        %dma_wait3A_717 = arith.constant 0 : i32
        %dma_wait3A_718 = tpu.memref_slice %arg6[%dma_wait3A_716, %dma_wait3A_717] : memref<10112x128xf32, #tpu.memory_space<vmem_shared>> -> memref<10112x128xf32, #tpu.memory_space<vmem_shared>>
        tpu.wait_indirect_dma semaphore(%arg10 : memref<!tpu.dma_semaphore, #tpu.memory_space<semaphore_mem>>) src(%dma_wait3A_712 : memref<128x128xf32, #tpu.memory_space<vmem>>) dst(%dma_wait3A_718 : memref<10112x128xf32, #tpu.memory_space<vmem_shared>>)
      } else {
      }
      %add3A_395 = arith.constant 2 : i32
      %add3A_396 = arith.addi %add3A_389, %add3A_395 : i32
      %lt3A_397 = arith.constant 80 : i32
      %lt3A_398 = arith.cmpi slt, %add3A_396, %lt3A_397 : i32
      %convert_element_type3A_399 = arith.extui %lt3A_398 : i1 to i32
      %cond3A_400 = arith.constant 0 : i32
      %cond3A_401 = arith.cmpi ne, %convert_element_type3A_399, %cond3A_400 : i32
      scf.if %cond3A_401 {
        %add3A_693 = arith.constant 2 : i32
        %add3A_694 = arith.addi %add3A_389, %add3A_693 : i32
        %dma_start3A_695 = arith.constant 5 : i32
        %dma_start3A_696 = arith.constant 5 : i32
        %dma_start3A_697 = arith.constant 0 : i32
        %dma_start3A_698 = arith.constant 0 : i32
        %dma_start3A_699 = tpu.memref_slice %arg7[%dma_start3A_695, %dma_start3A_697, %dma_start3A_698] : memref<8x2x128xi32, #tpu.memory_space<vmem>> -> memref<1x2x128xi32, #tpu.memory_space<vmem>>
        %dma_start3A_700 = tpu.memref_squeeze %dma_start3A_699 : memref<1x2x128xi32, #tpu.memory_space<vmem>> -> memref<2x128xi32, #tpu.memory_space<vmem>>
        %dma_start3A_701 = arith.constant 0 : i32
        %dma_start3A_702 = arith.constant 0 : i32
        %dma_start3A_703 = tpu.memref_slice %arg2[%add3A, %add3A_694, %dma_start3A_701, %dma_start3A_702] : memref<32x80x2x128xi32, #tpu.memory_space<hbm>> -> memref<1x1x2x128xi32, #tpu.memory_space<hbm>>
        %dma_start3A_704 = tpu.memref_squeeze %dma_start3A_703 : memref<1x1x2x128xi32, #tpu.memory_space<hbm>> -> memref<2x128xi32, #tpu.memory_space<hbm>>
        %dma_start3A_705 = tpu.memref_slice %arg9[%dma_start3A_696] : memref<8x!tpu.dma_semaphore, #tpu.memory_space<semaphore_mem>> -> memref<1x!tpu.dma_semaphore, #tpu.memory_space<semaphore_mem>>
        %dma_start3A_706 = tpu.memref_squeeze %dma_start3A_705 : memref<1x!tpu.dma_semaphore, #tpu.memory_space<semaphore_mem>> -> memref<!tpu.dma_semaphore, #tpu.memory_space<semaphore_mem>>
        %dma_start3A_707 = arith.constant 0 : i32
        %dma_start3A_708 = arith.constant 0 : i32
        %dma_start3A_709 = tpu.memref_slice %arg7[%dma_start3A_695, %dma_start3A_707, %dma_start3A_708] : memref<8x2x128xi32, #tpu.memory_space<vmem>> -> memref<1x2x128xi32, #tpu.memory_space<vmem>>
        %dma_start3A_710 = tpu.memref_squeeze %dma_start3A_709 : memref<1x2x128xi32, #tpu.memory_space<vmem>> -> memref<2x128xi32, #tpu.memory_space<vmem>>
        %dma_start3A_711 = arith.constant 0 : i32
        %dma_start3A_712 = arith.constant 0 : i32
        %dma_start3A_713 = tpu.memref_slice %arg2[%add3A, %add3A_694, %dma_start3A_711, %dma_start3A_712] : memref<32x80x2x128xi32, #tpu.memory_space<hbm>> -> memref<1x1x2x128xi32, #tpu.memory_space<hbm>>
        %dma_start3A_714 = tpu.memref_squeeze %dma_start3A_713 : memref<1x1x2x128xi32, #tpu.memory_space<hbm>> -> memref<2x128xi32, #tpu.memory_space<hbm>>
        tpu.enqueue_dma source(%dma_start3A_714 : memref<2x128xi32, #tpu.memory_space<hbm>>) target(%dma_start3A_710 : memref<2x128xi32, #tpu.memory_space<vmem>>) target_semaphore(%dma_start3A_706 : memref<!tpu.dma_semaphore, #tpu.memory_space<semaphore_mem>>)
      } else {
      }
      %dma_wait3A_402 = arith.constant 0 : i32
      %dma_wait3A_403 = arith.constant 3 : i32
      %dma_wait3A_404 = arith.constant 3 : i32
      %dma_wait3A_405 = arith.constant 0 : i32
      %dma_wait3A_406 = arith.constant 0 : i32
      %dma_wait3A_407 = tpu.memref_slice %arg7[%dma_wait3A_403, %dma_wait3A_405, %dma_wait3A_406] : memref<8x2x128xi32, #tpu.memory_space<vmem>> -> memref<1x2x128xi32, #tpu.memory_space<vmem>>
      %dma_wait3A_408 = tpu.memref_squeeze %dma_wait3A_407 : memref<1x2x128xi32, #tpu.memory_space<vmem>> -> memref<2x128xi32, #tpu.memory_space<vmem>>
      %dma_wait3A_409 = arith.constant 0 : i32
      %dma_wait3A_410 = arith.constant 0 : i32
      %dma_wait3A_411 = tpu.memref_slice %arg2[%add3A, %dma_wait3A_402, %dma_wait3A_409, %dma_wait3A_410] : memref<32x80x2x128xi32, #tpu.memory_space<hbm>> -> memref<1x1x2x128xi32, #tpu.memory_space<hbm>>
      %dma_wait3A_412 = tpu.memref_squeeze %dma_wait3A_411 : memref<1x1x2x128xi32, #tpu.memory_space<hbm>> -> memref<2x128xi32, #tpu.memory_space<hbm>>
      %dma_wait3A_413 = tpu.memref_slice %arg9[%dma_wait3A_404] : memref<8x!tpu.dma_semaphore, #tpu.memory_space<semaphore_mem>> -> memref<1x!tpu.dma_semaphore, #tpu.memory_space<semaphore_mem>>
      %dma_wait3A_414 = tpu.memref_squeeze %dma_wait3A_413 : memref<1x!tpu.dma_semaphore, #tpu.memory_space<semaphore_mem>> -> memref<!tpu.dma_semaphore, #tpu.memory_space<semaphore_mem>>
      %dma_wait3A_415 = arith.constant 0 : i32
      %dma_wait3A_416 = arith.constant 0 : i32
      %dma_wait3A_417 = tpu.memref_slice %arg7[%dma_wait3A_403, %dma_wait3A_415, %dma_wait3A_416] : memref<8x2x128xi32, #tpu.memory_space<vmem>> -> memref<1x2x128xi32, #tpu.memory_space<vmem>>
      %dma_wait3A_418 = tpu.memref_squeeze %dma_wait3A_417 : memref<1x2x128xi32, #tpu.memory_space<vmem>> -> memref<2x128xi32, #tpu.memory_space<vmem>>
      %dma_wait3A_419 = arith.constant 0 : i32
      %dma_wait3A_420 = arith.constant 0 : i32
      %dma_wait3A_421 = tpu.memref_slice %arg2[%add3A, %dma_wait3A_402, %dma_wait3A_419, %dma_wait3A_420] : memref<32x80x2x128xi32, #tpu.memory_space<hbm>> -> memref<1x1x2x128xi32, #tpu.memory_space<hbm>>
      %dma_wait3A_422 = tpu.memref_squeeze %dma_wait3A_421 : memref<1x1x2x128xi32, #tpu.memory_space<hbm>> -> memref<2x128xi32, #tpu.memory_space<hbm>>
      tpu.wait_dma2 semaphore(%dma_wait3A_414 : memref<!tpu.dma_semaphore, #tpu.memory_space<semaphore_mem>>) src(%dma_wait3A_422 : memref<2x128xi32, #tpu.memory_space<hbm>>) dst(%dma_wait3A_418 : memref<2x128xi32, #tpu.memory_space<vmem>>)
      %dma_start3A_423 = arith.constant 0 : i32
      %dma_start3A_424 = arith.constant 3 : i32
      %dma_start3A_425 = arith.constant 0 : i32
      %dma_start3A_426 = arith.constant 0 : i32
      %dma_start3A_427 = arith.constant 0 : i32
      %dma_start3A_428 = tpu.memref_slice %arg8[%dma_start3A_423, %dma_start3A_426, %dma_start3A_427] : memref<2x128x128xf32, #tpu.memory_space<vmem>> -> memref<1x128x128xf32, #tpu.memory_space<vmem>>
      %dma_start3A_429 = tpu.memref_squeeze %dma_start3A_428 : memref<1x128x128xf32, #tpu.memory_space<vmem>> -> memref<128x128xf32, #tpu.memory_space<vmem>>
      %dma_start3A_430 = arith.constant 0 : i32
      %dma_start3A_431 = tpu.memref_slice %arg7[%dma_start3A_424, %dma_start3A_425, %dma_start3A_430] : memref<8x2x128xi32, #tpu.memory_space<vmem>> -> memref<1x1x128xi32, #tpu.memory_space<vmem>>
      %dma_start3A_432 = tpu.memref_squeeze %dma_start3A_431 : memref<1x1x128xi32, #tpu.memory_space<vmem>> -> memref<128xi32, #tpu.memory_space<vmem>>
      %dma_start3A_433 = arith.constant 0 : i32
      %dma_start3A_434 = arith.constant 0 : i32
      %dma_start3A_435 = tpu.memref_slice %arg6[%dma_start3A_433, %dma_start3A_434] : memref<10112x128xf32, #tpu.memory_space<vmem_shared>> -> memref<10112x128xf32, #tpu.memory_space<vmem_shared>>
      tpu.enqueue_indirect_dma source(%dma_start3A_429 : memref<128x128xf32, #tpu.memory_space<vmem>>) target(%dma_start3A_435 : memref<10112x128xf32, #tpu.memory_space<vmem_shared>>) offsets(%dma_start3A_432 : memref<128xi32, #tpu.memory_space<vmem>>) semaphore(%arg10 : memref<!tpu.dma_semaphore, #tpu.memory_space<semaphore_mem>>) {add = true}
      %dma_start3A_436 = arith.constant 1 : i32
      %dma_start3A_437 = arith.constant 3 : i32
      %dma_start3A_438 = arith.constant 1 : i32
      %dma_start3A_439 = arith.constant 0 : i32
      %dma_start3A_440 = arith.constant 0 : i32
      %dma_start3A_441 = tpu.memref_slice %arg8[%dma_start3A_436, %dma_start3A_439, %dma_start3A_440] : memref<2x128x128xf32, #tpu.memory_space<vmem>> -> memref<1x128x128xf32, #tpu.memory_space<vmem>>
      %dma_start3A_442 = tpu.memref_squeeze %dma_start3A_441 : memref<1x128x128xf32, #tpu.memory_space<vmem>> -> memref<128x128xf32, #tpu.memory_space<vmem>>
      %dma_start3A_443 = arith.constant 0 : i32
      %dma_start3A_444 = tpu.memref_slice %arg7[%dma_start3A_437, %dma_start3A_438, %dma_start3A_443] : memref<8x2x128xi32, #tpu.memory_space<vmem>> -> memref<1x1x128xi32, #tpu.memory_space<vmem>>
      %dma_start3A_445 = tpu.memref_squeeze %dma_start3A_444 : memref<1x1x128xi32, #tpu.memory_space<vmem>> -> memref<128xi32, #tpu.memory_space<vmem>>
      %dma_start3A_446 = arith.constant 0 : i32
      %dma_start3A_447 = arith.constant 0 : i32
      %dma_start3A_448 = tpu.memref_slice %arg6[%dma_start3A_446, %dma_start3A_447] : memref<10112x128xf32, #tpu.memory_space<vmem_shared>> -> memref<10112x128xf32, #tpu.memory_space<vmem_shared>>
      tpu.enqueue_indirect_dma source(%dma_start3A_442 : memref<128x128xf32, #tpu.memory_space<vmem>>) target(%dma_start3A_448 : memref<10112x128xf32, #tpu.memory_space<vmem_shared>>) offsets(%dma_start3A_445 : memref<128xi32, #tpu.memory_space<vmem>>) semaphore(%arg10 : memref<!tpu.dma_semaphore, #tpu.memory_space<semaphore_mem>>) {add = true}
      %add3A_449 = arith.constant 4 : i32
      %add3A_450 = arith.addi %add3A_208, %add3A_449 : i32
      %ge3A_451 = arith.constant 6 : i32
      %ge3A_452 = arith.cmpi sge, %add3A_450, %ge3A_451 : i32
      %convert_element_type3A_453 = arith.extui %ge3A_452 : i1 to i32
      %cond3A_454 = arith.constant 0 : i32
      %cond3A_455 = arith.cmpi ne, %convert_element_type3A_453, %cond3A_454 : i32
      scf.if %cond3A_455 {
        %dma_wait3A_693 = arith.constant 0 : i32
        %dma_wait3A_694 = arith.constant 0 : i32
        %dma_wait3A_695 = arith.constant 0 : i32
        %dma_wait3A_696 = arith.constant 0 : i32
        %dma_wait3A_697 = arith.constant 0 : i32
        %dma_wait3A_698 = tpu.memref_slice %arg8[%dma_wait3A_693, %dma_wait3A_696, %dma_wait3A_697] : memref<2x128x128xf32, #tpu.memory_space<vmem>> -> memref<1x128x128xf32, #tpu.memory_space<vmem>>
        %dma_wait3A_699 = tpu.memref_squeeze %dma_wait3A_698 : memref<1x128x128xf32, #tpu.memory_space<vmem>> -> memref<128x128xf32, #tpu.memory_space<vmem>>
        %dma_wait3A_700 = arith.constant 0 : i32
        %dma_wait3A_701 = tpu.memref_slice %arg7[%dma_wait3A_694, %dma_wait3A_695, %dma_wait3A_700] : memref<8x2x128xi32, #tpu.memory_space<vmem>> -> memref<1x1x128xi32, #tpu.memory_space<vmem>>
        %dma_wait3A_702 = tpu.memref_squeeze %dma_wait3A_701 : memref<1x1x128xi32, #tpu.memory_space<vmem>> -> memref<128xi32, #tpu.memory_space<vmem>>
        %dma_wait3A_703 = arith.constant 0 : i32
        %dma_wait3A_704 = arith.constant 0 : i32
        %dma_wait3A_705 = tpu.memref_slice %arg6[%dma_wait3A_703, %dma_wait3A_704] : memref<10112x128xf32, #tpu.memory_space<vmem_shared>> -> memref<10112x128xf32, #tpu.memory_space<vmem_shared>>
        tpu.wait_indirect_dma semaphore(%arg10 : memref<!tpu.dma_semaphore, #tpu.memory_space<semaphore_mem>>) src(%dma_wait3A_699 : memref<128x128xf32, #tpu.memory_space<vmem>>) dst(%dma_wait3A_705 : memref<10112x128xf32, #tpu.memory_space<vmem_shared>>)
        %dma_wait3A_706 = arith.constant 0 : i32
        %dma_wait3A_707 = arith.constant 0 : i32
        %dma_wait3A_708 = arith.constant 0 : i32
        %dma_wait3A_709 = arith.constant 0 : i32
        %dma_wait3A_710 = arith.constant 0 : i32
        %dma_wait3A_711 = tpu.memref_slice %arg8[%dma_wait3A_706, %dma_wait3A_709, %dma_wait3A_710] : memref<2x128x128xf32, #tpu.memory_space<vmem>> -> memref<1x128x128xf32, #tpu.memory_space<vmem>>
        %dma_wait3A_712 = tpu.memref_squeeze %dma_wait3A_711 : memref<1x128x128xf32, #tpu.memory_space<vmem>> -> memref<128x128xf32, #tpu.memory_space<vmem>>
        %dma_wait3A_713 = arith.constant 0 : i32
        %dma_wait3A_714 = tpu.memref_slice %arg7[%dma_wait3A_707, %dma_wait3A_708, %dma_wait3A_713] : memref<8x2x128xi32, #tpu.memory_space<vmem>> -> memref<1x1x128xi32, #tpu.memory_space<vmem>>
        %dma_wait3A_715 = tpu.memref_squeeze %dma_wait3A_714 : memref<1x1x128xi32, #tpu.memory_space<vmem>> -> memref<128xi32, #tpu.memory_space<vmem>>
        %dma_wait3A_716 = arith.constant 0 : i32
        %dma_wait3A_717 = arith.constant 0 : i32
        %dma_wait3A_718 = tpu.memref_slice %arg6[%dma_wait3A_716, %dma_wait3A_717] : memref<10112x128xf32, #tpu.memory_space<vmem_shared>> -> memref<10112x128xf32, #tpu.memory_space<vmem_shared>>
        tpu.wait_indirect_dma semaphore(%arg10 : memref<!tpu.dma_semaphore, #tpu.memory_space<semaphore_mem>>) src(%dma_wait3A_712 : memref<128x128xf32, #tpu.memory_space<vmem>>) dst(%dma_wait3A_718 : memref<10112x128xf32, #tpu.memory_space<vmem_shared>>)
      } else {
      }
      %add3A_456 = arith.constant 2 : i32
      %add3A_457 = arith.addi %add3A_450, %add3A_456 : i32
      %lt3A_458 = arith.constant 80 : i32
      %lt3A_459 = arith.cmpi slt, %add3A_457, %lt3A_458 : i32
      %convert_element_type3A_460 = arith.extui %lt3A_459 : i1 to i32
      %cond3A_461 = arith.constant 0 : i32
      %cond3A_462 = arith.cmpi ne, %convert_element_type3A_460, %cond3A_461 : i32
      scf.if %cond3A_462 {
        %add3A_693 = arith.constant 2 : i32
        %add3A_694 = arith.addi %add3A_450, %add3A_693 : i32
        %dma_start3A_695 = arith.constant 6 : i32
        %dma_start3A_696 = arith.constant 6 : i32
        %dma_start3A_697 = arith.constant 0 : i32
        %dma_start3A_698 = arith.constant 0 : i32
        %dma_start3A_699 = tpu.memref_slice %arg7[%dma_start3A_695, %dma_start3A_697, %dma_start3A_698] : memref<8x2x128xi32, #tpu.memory_space<vmem>> -> memref<1x2x128xi32, #tpu.memory_space<vmem>>
        %dma_start3A_700 = tpu.memref_squeeze %dma_start3A_699 : memref<1x2x128xi32, #tpu.memory_space<vmem>> -> memref<2x128xi32, #tpu.memory_space<vmem>>
        %dma_start3A_701 = arith.constant 0 : i32
        %dma_start3A_702 = arith.constant 0 : i32
        %dma_start3A_703 = tpu.memref_slice %arg2[%add3A, %add3A_694, %dma_start3A_701, %dma_start3A_702] : memref<32x80x2x128xi32, #tpu.memory_space<hbm>> -> memref<1x1x2x128xi32, #tpu.memory_space<hbm>>
        %dma_start3A_704 = tpu.memref_squeeze %dma_start3A_703 : memref<1x1x2x128xi32, #tpu.memory_space<hbm>> -> memref<2x128xi32, #tpu.memory_space<hbm>>
        %dma_start3A_705 = tpu.memref_slice %arg9[%dma_start3A_696] : memref<8x!tpu.dma_semaphore, #tpu.memory_space<semaphore_mem>> -> memref<1x!tpu.dma_semaphore, #tpu.memory_space<semaphore_mem>>
        %dma_start3A_706 = tpu.memref_squeeze %dma_start3A_705 : memref<1x!tpu.dma_semaphore, #tpu.memory_space<semaphore_mem>> -> memref<!tpu.dma_semaphore, #tpu.memory_space<semaphore_mem>>
        %dma_start3A_707 = arith.constant 0 : i32
        %dma_start3A_708 = arith.constant 0 : i32
        %dma_start3A_709 = tpu.memref_slice %arg7[%dma_start3A_695, %dma_start3A_707, %dma_start3A_708] : memref<8x2x128xi32, #tpu.memory_space<vmem>> -> memref<1x2x128xi32, #tpu.memory_space<vmem>>
        %dma_start3A_710 = tpu.memref_squeeze %dma_start3A_709 : memref<1x2x128xi32, #tpu.memory_space<vmem>> -> memref<2x128xi32, #tpu.memory_space<vmem>>
        %dma_start3A_711 = arith.constant 0 : i32
        %dma_start3A_712 = arith.constant 0 : i32
        %dma_start3A_713 = tpu.memref_slice %arg2[%add3A, %add3A_694, %dma_start3A_711, %dma_start3A_712] : memref<32x80x2x128xi32, #tpu.memory_space<hbm>> -> memref<1x1x2x128xi32, #tpu.memory_space<hbm>>
        %dma_start3A_714 = tpu.memref_squeeze %dma_start3A_713 : memref<1x1x2x128xi32, #tpu.memory_space<hbm>> -> memref<2x128xi32, #tpu.memory_space<hbm>>
        tpu.enqueue_dma source(%dma_start3A_714 : memref<2x128xi32, #tpu.memory_space<hbm>>) target(%dma_start3A_710 : memref<2x128xi32, #tpu.memory_space<vmem>>) target_semaphore(%dma_start3A_706 : memref<!tpu.dma_semaphore, #tpu.memory_space<semaphore_mem>>)
      } else {
      }
      %dma_wait3A_463 = arith.constant 0 : i32
      %dma_wait3A_464 = arith.constant 4 : i32
      %dma_wait3A_465 = arith.constant 4 : i32
      %dma_wait3A_466 = arith.constant 0 : i32
      %dma_wait3A_467 = arith.constant 0 : i32
      %dma_wait3A_468 = tpu.memref_slice %arg7[%dma_wait3A_464, %dma_wait3A_466, %dma_wait3A_467] : memref<8x2x128xi32, #tpu.memory_space<vmem>> -> memref<1x2x128xi32, #tpu.memory_space<vmem>>
      %dma_wait3A_469 = tpu.memref_squeeze %dma_wait3A_468 : memref<1x2x128xi32, #tpu.memory_space<vmem>> -> memref<2x128xi32, #tpu.memory_space<vmem>>
      %dma_wait3A_470 = arith.constant 0 : i32
      %dma_wait3A_471 = arith.constant 0 : i32
      %dma_wait3A_472 = tpu.memref_slice %arg2[%add3A, %dma_wait3A_463, %dma_wait3A_470, %dma_wait3A_471] : memref<32x80x2x128xi32, #tpu.memory_space<hbm>> -> memref<1x1x2x128xi32, #tpu.memory_space<hbm>>
      %dma_wait3A_473 = tpu.memref_squeeze %dma_wait3A_472 : memref<1x1x2x128xi32, #tpu.memory_space<hbm>> -> memref<2x128xi32, #tpu.memory_space<hbm>>
      %dma_wait3A_474 = tpu.memref_slice %arg9[%dma_wait3A_465] : memref<8x!tpu.dma_semaphore, #tpu.memory_space<semaphore_mem>> -> memref<1x!tpu.dma_semaphore, #tpu.memory_space<semaphore_mem>>
      %dma_wait3A_475 = tpu.memref_squeeze %dma_wait3A_474 : memref<1x!tpu.dma_semaphore, #tpu.memory_space<semaphore_mem>> -> memref<!tpu.dma_semaphore, #tpu.memory_space<semaphore_mem>>
      %dma_wait3A_476 = arith.constant 0 : i32
      %dma_wait3A_477 = arith.constant 0 : i32
      %dma_wait3A_478 = tpu.memref_slice %arg7[%dma_wait3A_464, %dma_wait3A_476, %dma_wait3A_477] : memref<8x2x128xi32, #tpu.memory_space<vmem>> -> memref<1x2x128xi32, #tpu.memory_space<vmem>>
      %dma_wait3A_479 = tpu.memref_squeeze %dma_wait3A_478 : memref<1x2x128xi32, #tpu.memory_space<vmem>> -> memref<2x128xi32, #tpu.memory_space<vmem>>
      %dma_wait3A_480 = arith.constant 0 : i32
      %dma_wait3A_481 = arith.constant 0 : i32
      %dma_wait3A_482 = tpu.memref_slice %arg2[%add3A, %dma_wait3A_463, %dma_wait3A_480, %dma_wait3A_481] : memref<32x80x2x128xi32, #tpu.memory_space<hbm>> -> memref<1x1x2x128xi32, #tpu.memory_space<hbm>>
      %dma_wait3A_483 = tpu.memref_squeeze %dma_wait3A_482 : memref<1x1x2x128xi32, #tpu.memory_space<hbm>> -> memref<2x128xi32, #tpu.memory_space<hbm>>
      tpu.wait_dma2 semaphore(%dma_wait3A_475 : memref<!tpu.dma_semaphore, #tpu.memory_space<semaphore_mem>>) src(%dma_wait3A_483 : memref<2x128xi32, #tpu.memory_space<hbm>>) dst(%dma_wait3A_479 : memref<2x128xi32, #tpu.memory_space<vmem>>)
      %dma_start3A_484 = arith.constant 0 : i32
      %dma_start3A_485 = arith.constant 4 : i32
      %dma_start3A_486 = arith.constant 0 : i32
      %dma_start3A_487 = arith.constant 0 : i32
      %dma_start3A_488 = arith.constant 0 : i32
      %dma_start3A_489 = tpu.memref_slice %arg8[%dma_start3A_484, %dma_start3A_487, %dma_start3A_488] : memref<2x128x128xf32, #tpu.memory_space<vmem>> -> memref<1x128x128xf32, #tpu.memory_space<vmem>>
      %dma_start3A_490 = tpu.memref_squeeze %dma_start3A_489 : memref<1x128x128xf32, #tpu.memory_space<vmem>> -> memref<128x128xf32, #tpu.memory_space<vmem>>
      %dma_start3A_491 = arith.constant 0 : i32
      %dma_start3A_492 = tpu.memref_slice %arg7[%dma_start3A_485, %dma_start3A_486, %dma_start3A_491] : memref<8x2x128xi32, #tpu.memory_space<vmem>> -> memref<1x1x128xi32, #tpu.memory_space<vmem>>
      %dma_start3A_493 = tpu.memref_squeeze %dma_start3A_492 : memref<1x1x128xi32, #tpu.memory_space<vmem>> -> memref<128xi32, #tpu.memory_space<vmem>>
      %dma_start3A_494 = arith.constant 0 : i32
      %dma_start3A_495 = arith.constant 0 : i32
      %dma_start3A_496 = tpu.memref_slice %arg6[%dma_start3A_494, %dma_start3A_495] : memref<10112x128xf32, #tpu.memory_space<vmem_shared>> -> memref<10112x128xf32, #tpu.memory_space<vmem_shared>>
      tpu.enqueue_indirect_dma source(%dma_start3A_490 : memref<128x128xf32, #tpu.memory_space<vmem>>) target(%dma_start3A_496 : memref<10112x128xf32, #tpu.memory_space<vmem_shared>>) offsets(%dma_start3A_493 : memref<128xi32, #tpu.memory_space<vmem>>) semaphore(%arg10 : memref<!tpu.dma_semaphore, #tpu.memory_space<semaphore_mem>>) {add = true}
      %dma_start3A_497 = arith.constant 1 : i32
      %dma_start3A_498 = arith.constant 4 : i32
      %dma_start3A_499 = arith.constant 1 : i32
      %dma_start3A_500 = arith.constant 0 : i32
      %dma_start3A_501 = arith.constant 0 : i32
      %dma_start3A_502 = tpu.memref_slice %arg8[%dma_start3A_497, %dma_start3A_500, %dma_start3A_501] : memref<2x128x128xf32, #tpu.memory_space<vmem>> -> memref<1x128x128xf32, #tpu.memory_space<vmem>>
      %dma_start3A_503 = tpu.memref_squeeze %dma_start3A_502 : memref<1x128x128xf32, #tpu.memory_space<vmem>> -> memref<128x128xf32, #tpu.memory_space<vmem>>
      %dma_start3A_504 = arith.constant 0 : i32
      %dma_start3A_505 = tpu.memref_slice %arg7[%dma_start3A_498, %dma_start3A_499, %dma_start3A_504] : memref<8x2x128xi32, #tpu.memory_space<vmem>> -> memref<1x1x128xi32, #tpu.memory_space<vmem>>
      %dma_start3A_506 = tpu.memref_squeeze %dma_start3A_505 : memref<1x1x128xi32, #tpu.memory_space<vmem>> -> memref<128xi32, #tpu.memory_space<vmem>>
      %dma_start3A_507 = arith.constant 0 : i32
      %dma_start3A_508 = arith.constant 0 : i32
      %dma_start3A_509 = tpu.memref_slice %arg6[%dma_start3A_507, %dma_start3A_508] : memref<10112x128xf32, #tpu.memory_space<vmem_shared>> -> memref<10112x128xf32, #tpu.memory_space<vmem_shared>>
      tpu.enqueue_indirect_dma source(%dma_start3A_503 : memref<128x128xf32, #tpu.memory_space<vmem>>) target(%dma_start3A_509 : memref<10112x128xf32, #tpu.memory_space<vmem_shared>>) offsets(%dma_start3A_506 : memref<128xi32, #tpu.memory_space<vmem>>) semaphore(%arg10 : memref<!tpu.dma_semaphore, #tpu.memory_space<semaphore_mem>>) {add = true}
      %add3A_510 = arith.constant 5 : i32
      %add3A_511 = arith.addi %add3A_208, %add3A_510 : i32
      %ge3A_512 = arith.constant 6 : i32
      %ge3A_513 = arith.cmpi sge, %add3A_511, %ge3A_512 : i32
      %convert_element_type3A_514 = arith.extui %ge3A_513 : i1 to i32
      %cond3A_515 = arith.constant 0 : i32
      %cond3A_516 = arith.cmpi ne, %convert_element_type3A_514, %cond3A_515 : i32
      scf.if %cond3A_516 {
        %dma_wait3A_693 = arith.constant 0 : i32
        %dma_wait3A_694 = arith.constant 0 : i32
        %dma_wait3A_695 = arith.constant 0 : i32
        %dma_wait3A_696 = arith.constant 0 : i32
        %dma_wait3A_697 = arith.constant 0 : i32
        %dma_wait3A_698 = tpu.memref_slice %arg8[%dma_wait3A_693, %dma_wait3A_696, %dma_wait3A_697] : memref<2x128x128xf32, #tpu.memory_space<vmem>> -> memref<1x128x128xf32, #tpu.memory_space<vmem>>
        %dma_wait3A_699 = tpu.memref_squeeze %dma_wait3A_698 : memref<1x128x128xf32, #tpu.memory_space<vmem>> -> memref<128x128xf32, #tpu.memory_space<vmem>>
        %dma_wait3A_700 = arith.constant 0 : i32
        %dma_wait3A_701 = tpu.memref_slice %arg7[%dma_wait3A_694, %dma_wait3A_695, %dma_wait3A_700] : memref<8x2x128xi32, #tpu.memory_space<vmem>> -> memref<1x1x128xi32, #tpu.memory_space<vmem>>
        %dma_wait3A_702 = tpu.memref_squeeze %dma_wait3A_701 : memref<1x1x128xi32, #tpu.memory_space<vmem>> -> memref<128xi32, #tpu.memory_space<vmem>>
        %dma_wait3A_703 = arith.constant 0 : i32
        %dma_wait3A_704 = arith.constant 0 : i32
        %dma_wait3A_705 = tpu.memref_slice %arg6[%dma_wait3A_703, %dma_wait3A_704] : memref<10112x128xf32, #tpu.memory_space<vmem_shared>> -> memref<10112x128xf32, #tpu.memory_space<vmem_shared>>
        tpu.wait_indirect_dma semaphore(%arg10 : memref<!tpu.dma_semaphore, #tpu.memory_space<semaphore_mem>>) src(%dma_wait3A_699 : memref<128x128xf32, #tpu.memory_space<vmem>>) dst(%dma_wait3A_705 : memref<10112x128xf32, #tpu.memory_space<vmem_shared>>)
        %dma_wait3A_706 = arith.constant 0 : i32
        %dma_wait3A_707 = arith.constant 0 : i32
        %dma_wait3A_708 = arith.constant 0 : i32
        %dma_wait3A_709 = arith.constant 0 : i32
        %dma_wait3A_710 = arith.constant 0 : i32
        %dma_wait3A_711 = tpu.memref_slice %arg8[%dma_wait3A_706, %dma_wait3A_709, %dma_wait3A_710] : memref<2x128x128xf32, #tpu.memory_space<vmem>> -> memref<1x128x128xf32, #tpu.memory_space<vmem>>
        %dma_wait3A_712 = tpu.memref_squeeze %dma_wait3A_711 : memref<1x128x128xf32, #tpu.memory_space<vmem>> -> memref<128x128xf32, #tpu.memory_space<vmem>>
        %dma_wait3A_713 = arith.constant 0 : i32
        %dma_wait3A_714 = tpu.memref_slice %arg7[%dma_wait3A_707, %dma_wait3A_708, %dma_wait3A_713] : memref<8x2x128xi32, #tpu.memory_space<vmem>> -> memref<1x1x128xi32, #tpu.memory_space<vmem>>
        %dma_wait3A_715 = tpu.memref_squeeze %dma_wait3A_714 : memref<1x1x128xi32, #tpu.memory_space<vmem>> -> memref<128xi32, #tpu.memory_space<vmem>>
        %dma_wait3A_716 = arith.constant 0 : i32
        %dma_wait3A_717 = arith.constant 0 : i32
        %dma_wait3A_718 = tpu.memref_slice %arg6[%dma_wait3A_716, %dma_wait3A_717] : memref<10112x128xf32, #tpu.memory_space<vmem_shared>> -> memref<10112x128xf32, #tpu.memory_space<vmem_shared>>
        tpu.wait_indirect_dma semaphore(%arg10 : memref<!tpu.dma_semaphore, #tpu.memory_space<semaphore_mem>>) src(%dma_wait3A_712 : memref<128x128xf32, #tpu.memory_space<vmem>>) dst(%dma_wait3A_718 : memref<10112x128xf32, #tpu.memory_space<vmem_shared>>)
      } else {
      }
      %add3A_517 = arith.constant 2 : i32
      %add3A_518 = arith.addi %add3A_511, %add3A_517 : i32
      %lt3A_519 = arith.constant 80 : i32
      %lt3A_520 = arith.cmpi slt, %add3A_518, %lt3A_519 : i32
      %convert_element_type3A_521 = arith.extui %lt3A_520 : i1 to i32
      %cond3A_522 = arith.constant 0 : i32
      %cond3A_523 = arith.cmpi ne, %convert_element_type3A_521, %cond3A_522 : i32
      scf.if %cond3A_523 {
        %add3A_693 = arith.constant 2 : i32
        %add3A_694 = arith.addi %add3A_511, %add3A_693 : i32
        %dma_start3A_695 = arith.constant 7 : i32
        %dma_start3A_696 = arith.constant 7 : i32
        %dma_start3A_697 = arith.constant 0 : i32
        %dma_start3A_698 = arith.constant 0 : i32
        %dma_start3A_699 = tpu.memref_slice %arg7[%dma_start3A_695, %dma_start3A_697, %dma_start3A_698] : memref<8x2x128xi32, #tpu.memory_space<vmem>> -> memref<1x2x128xi32, #tpu.memory_space<vmem>>
        %dma_start3A_700 = tpu.memref_squeeze %dma_start3A_699 : memref<1x2x128xi32, #tpu.memory_space<vmem>> -> memref<2x128xi32, #tpu.memory_space<vmem>>
        %dma_start3A_701 = arith.constant 0 : i32
        %dma_start3A_702 = arith.constant 0 : i32
        %dma_start3A_703 = tpu.memref_slice %arg2[%add3A, %add3A_694, %dma_start3A_701, %dma_start3A_702] : memref<32x80x2x128xi32, #tpu.memory_space<hbm>> -> memref<1x1x2x128xi32, #tpu.memory_space<hbm>>
        %dma_start3A_704 = tpu.memref_squeeze %dma_start3A_703 : memref<1x1x2x128xi32, #tpu.memory_space<hbm>> -> memref<2x128xi32, #tpu.memory_space<hbm>>
        %dma_start3A_705 = tpu.memref_slice %arg9[%dma_start3A_696] : memref<8x!tpu.dma_semaphore, #tpu.memory_space<semaphore_mem>> -> memref<1x!tpu.dma_semaphore, #tpu.memory_space<semaphore_mem>>
        %dma_start3A_706 = tpu.memref_squeeze %dma_start3A_705 : memref<1x!tpu.dma_semaphore, #tpu.memory_space<semaphore_mem>> -> memref<!tpu.dma_semaphore, #tpu.memory_space<semaphore_mem>>
        %dma_start3A_707 = arith.constant 0 : i32
        %dma_start3A_708 = arith.constant 0 : i32
        %dma_start3A_709 = tpu.memref_slice %arg7[%dma_start3A_695, %dma_start3A_707, %dma_start3A_708] : memref<8x2x128xi32, #tpu.memory_space<vmem>> -> memref<1x2x128xi32, #tpu.memory_space<vmem>>
        %dma_start3A_710 = tpu.memref_squeeze %dma_start3A_709 : memref<1x2x128xi32, #tpu.memory_space<vmem>> -> memref<2x128xi32, #tpu.memory_space<vmem>>
        %dma_start3A_711 = arith.constant 0 : i32
        %dma_start3A_712 = arith.constant 0 : i32
        %dma_start3A_713 = tpu.memref_slice %arg2[%add3A, %add3A_694, %dma_start3A_711, %dma_start3A_712] : memref<32x80x2x128xi32, #tpu.memory_space<hbm>> -> memref<1x1x2x128xi32, #tpu.memory_space<hbm>>
        %dma_start3A_714 = tpu.memref_squeeze %dma_start3A_713 : memref<1x1x2x128xi32, #tpu.memory_space<hbm>> -> memref<2x128xi32, #tpu.memory_space<hbm>>
        tpu.enqueue_dma source(%dma_start3A_714 : memref<2x128xi32, #tpu.memory_space<hbm>>) target(%dma_start3A_710 : memref<2x128xi32, #tpu.memory_space<vmem>>) target_semaphore(%dma_start3A_706 : memref<!tpu.dma_semaphore, #tpu.memory_space<semaphore_mem>>)
      } else {
      }
      %dma_wait3A_524 = arith.constant 0 : i32
      %dma_wait3A_525 = arith.constant 5 : i32
      %dma_wait3A_526 = arith.constant 5 : i32
      %dma_wait3A_527 = arith.constant 0 : i32
      %dma_wait3A_528 = arith.constant 0 : i32
      %dma_wait3A_529 = tpu.memref_slice %arg7[%dma_wait3A_525, %dma_wait3A_527, %dma_wait3A_528] : memref<8x2x128xi32, #tpu.memory_space<vmem>> -> memref<1x2x128xi32, #tpu.memory_space<vmem>>
      %dma_wait3A_530 = tpu.memref_squeeze %dma_wait3A_529 : memref<1x2x128xi32, #tpu.memory_space<vmem>> -> memref<2x128xi32, #tpu.memory_space<vmem>>
      %dma_wait3A_531 = arith.constant 0 : i32
      %dma_wait3A_532 = arith.constant 0 : i32
      %dma_wait3A_533 = tpu.memref_slice %arg2[%add3A, %dma_wait3A_524, %dma_wait3A_531, %dma_wait3A_532] : memref<32x80x2x128xi32, #tpu.memory_space<hbm>> -> memref<1x1x2x128xi32, #tpu.memory_space<hbm>>
      %dma_wait3A_534 = tpu.memref_squeeze %dma_wait3A_533 : memref<1x1x2x128xi32, #tpu.memory_space<hbm>> -> memref<2x128xi32, #tpu.memory_space<hbm>>
      %dma_wait3A_535 = tpu.memref_slice %arg9[%dma_wait3A_526] : memref<8x!tpu.dma_semaphore, #tpu.memory_space<semaphore_mem>> -> memref<1x!tpu.dma_semaphore, #tpu.memory_space<semaphore_mem>>
      %dma_wait3A_536 = tpu.memref_squeeze %dma_wait3A_535 : memref<1x!tpu.dma_semaphore, #tpu.memory_space<semaphore_mem>> -> memref<!tpu.dma_semaphore, #tpu.memory_space<semaphore_mem>>
      %dma_wait3A_537 = arith.constant 0 : i32
      %dma_wait3A_538 = arith.constant 0 : i32
      %dma_wait3A_539 = tpu.memref_slice %arg7[%dma_wait3A_525, %dma_wait3A_537, %dma_wait3A_538] : memref<8x2x128xi32, #tpu.memory_space<vmem>> -> memref<1x2x128xi32, #tpu.memory_space<vmem>>
      %dma_wait3A_540 = tpu.memref_squeeze %dma_wait3A_539 : memref<1x2x128xi32, #tpu.memory_space<vmem>> -> memref<2x128xi32, #tpu.memory_space<vmem>>
      %dma_wait3A_541 = arith.constant 0 : i32
      %dma_wait3A_542 = arith.constant 0 : i32
      %dma_wait3A_543 = tpu.memref_slice %arg2[%add3A, %dma_wait3A_524, %dma_wait3A_541, %dma_wait3A_542] : memref<32x80x2x128xi32, #tpu.memory_space<hbm>> -> memref<1x1x2x128xi32, #tpu.memory_space<hbm>>
      %dma_wait3A_544 = tpu.memref_squeeze %dma_wait3A_543 : memref<1x1x2x128xi32, #tpu.memory_space<hbm>> -> memref<2x128xi32, #tpu.memory_space<hbm>>
      tpu.wait_dma2 semaphore(%dma_wait3A_536 : memref<!tpu.dma_semaphore, #tpu.memory_space<semaphore_mem>>) src(%dma_wait3A_544 : memref<2x128xi32, #tpu.memory_space<hbm>>) dst(%dma_wait3A_540 : memref<2x128xi32, #tpu.memory_space<vmem>>)
      %dma_start3A_545 = arith.constant 0 : i32
      %dma_start3A_546 = arith.constant 5 : i32
      %dma_start3A_547 = arith.constant 0 : i32
      %dma_start3A_548 = arith.constant 0 : i32
      %dma_start3A_549 = arith.constant 0 : i32
      %dma_start3A_550 = tpu.memref_slice %arg8[%dma_start3A_545, %dma_start3A_548, %dma_start3A_549] : memref<2x128x128xf32, #tpu.memory_space<vmem>> -> memref<1x128x128xf32, #tpu.memory_space<vmem>>
      %dma_start3A_551 = tpu.memref_squeeze %dma_start3A_550 : memref<1x128x128xf32, #tpu.memory_space<vmem>> -> memref<128x128xf32, #tpu.memory_space<vmem>>
      %dma_start3A_552 = arith.constant 0 : i32
      %dma_start3A_553 = tpu.memref_slice %arg7[%dma_start3A_546, %dma_start3A_547, %dma_start3A_552] : memref<8x2x128xi32, #tpu.memory_space<vmem>> -> memref<1x1x128xi32, #tpu.memory_space<vmem>>
      %dma_start3A_554 = tpu.memref_squeeze %dma_start3A_553 : memref<1x1x128xi32, #tpu.memory_space<vmem>> -> memref<128xi32, #tpu.memory_space<vmem>>
      %dma_start3A_555 = arith.constant 0 : i32
      %dma_start3A_556 = arith.constant 0 : i32
      %dma_start3A_557 = tpu.memref_slice %arg6[%dma_start3A_555, %dma_start3A_556] : memref<10112x128xf32, #tpu.memory_space<vmem_shared>> -> memref<10112x128xf32, #tpu.memory_space<vmem_shared>>
      tpu.enqueue_indirect_dma source(%dma_start3A_551 : memref<128x128xf32, #tpu.memory_space<vmem>>) target(%dma_start3A_557 : memref<10112x128xf32, #tpu.memory_space<vmem_shared>>) offsets(%dma_start3A_554 : memref<128xi32, #tpu.memory_space<vmem>>) semaphore(%arg10 : memref<!tpu.dma_semaphore, #tpu.memory_space<semaphore_mem>>) {add = true}
      %dma_start3A_558 = arith.constant 1 : i32
      %dma_start3A_559 = arith.constant 5 : i32
      %dma_start3A_560 = arith.constant 1 : i32
      %dma_start3A_561 = arith.constant 0 : i32
      %dma_start3A_562 = arith.constant 0 : i32
      %dma_start3A_563 = tpu.memref_slice %arg8[%dma_start3A_558, %dma_start3A_561, %dma_start3A_562] : memref<2x128x128xf32, #tpu.memory_space<vmem>> -> memref<1x128x128xf32, #tpu.memory_space<vmem>>
      %dma_start3A_564 = tpu.memref_squeeze %dma_start3A_563 : memref<1x128x128xf32, #tpu.memory_space<vmem>> -> memref<128x128xf32, #tpu.memory_space<vmem>>
      %dma_start3A_565 = arith.constant 0 : i32
      %dma_start3A_566 = tpu.memref_slice %arg7[%dma_start3A_559, %dma_start3A_560, %dma_start3A_565] : memref<8x2x128xi32, #tpu.memory_space<vmem>> -> memref<1x1x128xi32, #tpu.memory_space<vmem>>
      %dma_start3A_567 = tpu.memref_squeeze %dma_start3A_566 : memref<1x1x128xi32, #tpu.memory_space<vmem>> -> memref<128xi32, #tpu.memory_space<vmem>>
      %dma_start3A_568 = arith.constant 0 : i32
      %dma_start3A_569 = arith.constant 0 : i32
      %dma_start3A_570 = tpu.memref_slice %arg6[%dma_start3A_568, %dma_start3A_569] : memref<10112x128xf32, #tpu.memory_space<vmem_shared>> -> memref<10112x128xf32, #tpu.memory_space<vmem_shared>>
      tpu.enqueue_indirect_dma source(%dma_start3A_564 : memref<128x128xf32, #tpu.memory_space<vmem>>) target(%dma_start3A_570 : memref<10112x128xf32, #tpu.memory_space<vmem_shared>>) offsets(%dma_start3A_567 : memref<128xi32, #tpu.memory_space<vmem>>) semaphore(%arg10 : memref<!tpu.dma_semaphore, #tpu.memory_space<semaphore_mem>>) {add = true}
      %add3A_571 = arith.constant 6 : i32
      %add3A_572 = arith.addi %add3A_208, %add3A_571 : i32
      %ge3A_573 = arith.constant 6 : i32
      %ge3A_574 = arith.cmpi sge, %add3A_572, %ge3A_573 : i32
      %convert_element_type3A_575 = arith.extui %ge3A_574 : i1 to i32
      %cond3A_576 = arith.constant 0 : i32
      %cond3A_577 = arith.cmpi ne, %convert_element_type3A_575, %cond3A_576 : i32
      scf.if %cond3A_577 {
        %dma_wait3A_693 = arith.constant 0 : i32
        %dma_wait3A_694 = arith.constant 0 : i32
        %dma_wait3A_695 = arith.constant 0 : i32
        %dma_wait3A_696 = arith.constant 0 : i32
        %dma_wait3A_697 = arith.constant 0 : i32
        %dma_wait3A_698 = tpu.memref_slice %arg8[%dma_wait3A_693, %dma_wait3A_696, %dma_wait3A_697] : memref<2x128x128xf32, #tpu.memory_space<vmem>> -> memref<1x128x128xf32, #tpu.memory_space<vmem>>
        %dma_wait3A_699 = tpu.memref_squeeze %dma_wait3A_698 : memref<1x128x128xf32, #tpu.memory_space<vmem>> -> memref<128x128xf32, #tpu.memory_space<vmem>>
        %dma_wait3A_700 = arith.constant 0 : i32
        %dma_wait3A_701 = tpu.memref_slice %arg7[%dma_wait3A_694, %dma_wait3A_695, %dma_wait3A_700] : memref<8x2x128xi32, #tpu.memory_space<vmem>> -> memref<1x1x128xi32, #tpu.memory_space<vmem>>
        %dma_wait3A_702 = tpu.memref_squeeze %dma_wait3A_701 : memref<1x1x128xi32, #tpu.memory_space<vmem>> -> memref<128xi32, #tpu.memory_space<vmem>>
        %dma_wait3A_703 = arith.constant 0 : i32
        %dma_wait3A_704 = arith.constant 0 : i32
        %dma_wait3A_705 = tpu.memref_slice %arg6[%dma_wait3A_703, %dma_wait3A_704] : memref<10112x128xf32, #tpu.memory_space<vmem_shared>> -> memref<10112x128xf32, #tpu.memory_space<vmem_shared>>
        tpu.wait_indirect_dma semaphore(%arg10 : memref<!tpu.dma_semaphore, #tpu.memory_space<semaphore_mem>>) src(%dma_wait3A_699 : memref<128x128xf32, #tpu.memory_space<vmem>>) dst(%dma_wait3A_705 : memref<10112x128xf32, #tpu.memory_space<vmem_shared>>)
        %dma_wait3A_706 = arith.constant 0 : i32
        %dma_wait3A_707 = arith.constant 0 : i32
        %dma_wait3A_708 = arith.constant 0 : i32
        %dma_wait3A_709 = arith.constant 0 : i32
        %dma_wait3A_710 = arith.constant 0 : i32
        %dma_wait3A_711 = tpu.memref_slice %arg8[%dma_wait3A_706, %dma_wait3A_709, %dma_wait3A_710] : memref<2x128x128xf32, #tpu.memory_space<vmem>> -> memref<1x128x128xf32, #tpu.memory_space<vmem>>
        %dma_wait3A_712 = tpu.memref_squeeze %dma_wait3A_711 : memref<1x128x128xf32, #tpu.memory_space<vmem>> -> memref<128x128xf32, #tpu.memory_space<vmem>>
        %dma_wait3A_713 = arith.constant 0 : i32
        %dma_wait3A_714 = tpu.memref_slice %arg7[%dma_wait3A_707, %dma_wait3A_708, %dma_wait3A_713] : memref<8x2x128xi32, #tpu.memory_space<vmem>> -> memref<1x1x128xi32, #tpu.memory_space<vmem>>
        %dma_wait3A_715 = tpu.memref_squeeze %dma_wait3A_714 : memref<1x1x128xi32, #tpu.memory_space<vmem>> -> memref<128xi32, #tpu.memory_space<vmem>>
        %dma_wait3A_716 = arith.constant 0 : i32
        %dma_wait3A_717 = arith.constant 0 : i32
        %dma_wait3A_718 = tpu.memref_slice %arg6[%dma_wait3A_716, %dma_wait3A_717] : memref<10112x128xf32, #tpu.memory_space<vmem_shared>> -> memref<10112x128xf32, #tpu.memory_space<vmem_shared>>
        tpu.wait_indirect_dma semaphore(%arg10 : memref<!tpu.dma_semaphore, #tpu.memory_space<semaphore_mem>>) src(%dma_wait3A_712 : memref<128x128xf32, #tpu.memory_space<vmem>>) dst(%dma_wait3A_718 : memref<10112x128xf32, #tpu.memory_space<vmem_shared>>)
      } else {
      }
      %add3A_578 = arith.constant 2 : i32
      %add3A_579 = arith.addi %add3A_572, %add3A_578 : i32
      %lt3A_580 = arith.constant 80 : i32
      %lt3A_581 = arith.cmpi slt, %add3A_579, %lt3A_580 : i32
      %convert_element_type3A_582 = arith.extui %lt3A_581 : i1 to i32
      %cond3A_583 = arith.constant 0 : i32
      %cond3A_584 = arith.cmpi ne, %convert_element_type3A_582, %cond3A_583 : i32
      scf.if %cond3A_584 {
        %add3A_693 = arith.constant 2 : i32
        %add3A_694 = arith.addi %add3A_572, %add3A_693 : i32
        %dma_start3A_695 = arith.constant 0 : i32
        %dma_start3A_696 = arith.constant 0 : i32
        %dma_start3A_697 = arith.constant 0 : i32
        %dma_start3A_698 = arith.constant 0 : i32
        %dma_start3A_699 = tpu.memref_slice %arg7[%dma_start3A_695, %dma_start3A_697, %dma_start3A_698] : memref<8x2x128xi32, #tpu.memory_space<vmem>> -> memref<1x2x128xi32, #tpu.memory_space<vmem>>
        %dma_start3A_700 = tpu.memref_squeeze %dma_start3A_699 : memref<1x2x128xi32, #tpu.memory_space<vmem>> -> memref<2x128xi32, #tpu.memory_space<vmem>>
        %dma_start3A_701 = arith.constant 0 : i32
        %dma_start3A_702 = arith.constant 0 : i32
        %dma_start3A_703 = tpu.memref_slice %arg2[%add3A, %add3A_694, %dma_start3A_701, %dma_start3A_702] : memref<32x80x2x128xi32, #tpu.memory_space<hbm>> -> memref<1x1x2x128xi32, #tpu.memory_space<hbm>>
        %dma_start3A_704 = tpu.memref_squeeze %dma_start3A_703 : memref<1x1x2x128xi32, #tpu.memory_space<hbm>> -> memref<2x128xi32, #tpu.memory_space<hbm>>
        %dma_start3A_705 = tpu.memref_slice %arg9[%dma_start3A_696] : memref<8x!tpu.dma_semaphore, #tpu.memory_space<semaphore_mem>> -> memref<1x!tpu.dma_semaphore, #tpu.memory_space<semaphore_mem>>
        %dma_start3A_706 = tpu.memref_squeeze %dma_start3A_705 : memref<1x!tpu.dma_semaphore, #tpu.memory_space<semaphore_mem>> -> memref<!tpu.dma_semaphore, #tpu.memory_space<semaphore_mem>>
        %dma_start3A_707 = arith.constant 0 : i32
        %dma_start3A_708 = arith.constant 0 : i32
        %dma_start3A_709 = tpu.memref_slice %arg7[%dma_start3A_695, %dma_start3A_707, %dma_start3A_708] : memref<8x2x128xi32, #tpu.memory_space<vmem>> -> memref<1x2x128xi32, #tpu.memory_space<vmem>>
        %dma_start3A_710 = tpu.memref_squeeze %dma_start3A_709 : memref<1x2x128xi32, #tpu.memory_space<vmem>> -> memref<2x128xi32, #tpu.memory_space<vmem>>
        %dma_start3A_711 = arith.constant 0 : i32
        %dma_start3A_712 = arith.constant 0 : i32
        %dma_start3A_713 = tpu.memref_slice %arg2[%add3A, %add3A_694, %dma_start3A_711, %dma_start3A_712] : memref<32x80x2x128xi32, #tpu.memory_space<hbm>> -> memref<1x1x2x128xi32, #tpu.memory_space<hbm>>
        %dma_start3A_714 = tpu.memref_squeeze %dma_start3A_713 : memref<1x1x2x128xi32, #tpu.memory_space<hbm>> -> memref<2x128xi32, #tpu.memory_space<hbm>>
        tpu.enqueue_dma source(%dma_start3A_714 : memref<2x128xi32, #tpu.memory_space<hbm>>) target(%dma_start3A_710 : memref<2x128xi32, #tpu.memory_space<vmem>>) target_semaphore(%dma_start3A_706 : memref<!tpu.dma_semaphore, #tpu.memory_space<semaphore_mem>>)
      } else {
      }
      %dma_wait3A_585 = arith.constant 0 : i32
      %dma_wait3A_586 = arith.constant 6 : i32
      %dma_wait3A_587 = arith.constant 6 : i32
      %dma_wait3A_588 = arith.constant 0 : i32
      %dma_wait3A_589 = arith.constant 0 : i32
      %dma_wait3A_590 = tpu.memref_slice %arg7[%dma_wait3A_586, %dma_wait3A_588, %dma_wait3A_589] : memref<8x2x128xi32, #tpu.memory_space<vmem>> -> memref<1x2x128xi32, #tpu.memory_space<vmem>>
      %dma_wait3A_591 = tpu.memref_squeeze %dma_wait3A_590 : memref<1x2x128xi32, #tpu.memory_space<vmem>> -> memref<2x128xi32, #tpu.memory_space<vmem>>
      %dma_wait3A_592 = arith.constant 0 : i32
      %dma_wait3A_593 = arith.constant 0 : i32
      %dma_wait3A_594 = tpu.memref_slice %arg2[%add3A, %dma_wait3A_585, %dma_wait3A_592, %dma_wait3A_593] : memref<32x80x2x128xi32, #tpu.memory_space<hbm>> -> memref<1x1x2x128xi32, #tpu.memory_space<hbm>>
      %dma_wait3A_595 = tpu.memref_squeeze %dma_wait3A_594 : memref<1x1x2x128xi32, #tpu.memory_space<hbm>> -> memref<2x128xi32, #tpu.memory_space<hbm>>
      %dma_wait3A_596 = tpu.memref_slice %arg9[%dma_wait3A_587] : memref<8x!tpu.dma_semaphore, #tpu.memory_space<semaphore_mem>> -> memref<1x!tpu.dma_semaphore, #tpu.memory_space<semaphore_mem>>
      %dma_wait3A_597 = tpu.memref_squeeze %dma_wait3A_596 : memref<1x!tpu.dma_semaphore, #tpu.memory_space<semaphore_mem>> -> memref<!tpu.dma_semaphore, #tpu.memory_space<semaphore_mem>>
      %dma_wait3A_598 = arith.constant 0 : i32
      %dma_wait3A_599 = arith.constant 0 : i32
      %dma_wait3A_600 = tpu.memref_slice %arg7[%dma_wait3A_586, %dma_wait3A_598, %dma_wait3A_599] : memref<8x2x128xi32, #tpu.memory_space<vmem>> -> memref<1x2x128xi32, #tpu.memory_space<vmem>>
      %dma_wait3A_601 = tpu.memref_squeeze %dma_wait3A_600 : memref<1x2x128xi32, #tpu.memory_space<vmem>> -> memref<2x128xi32, #tpu.memory_space<vmem>>
      %dma_wait3A_602 = arith.constant 0 : i32
      %dma_wait3A_603 = arith.constant 0 : i32
      %dma_wait3A_604 = tpu.memref_slice %arg2[%add3A, %dma_wait3A_585, %dma_wait3A_602, %dma_wait3A_603] : memref<32x80x2x128xi32, #tpu.memory_space<hbm>> -> memref<1x1x2x128xi32, #tpu.memory_space<hbm>>
      %dma_wait3A_605 = tpu.memref_squeeze %dma_wait3A_604 : memref<1x1x2x128xi32, #tpu.memory_space<hbm>> -> memref<2x128xi32, #tpu.memory_space<hbm>>
      tpu.wait_dma2 semaphore(%dma_wait3A_597 : memref<!tpu.dma_semaphore, #tpu.memory_space<semaphore_mem>>) src(%dma_wait3A_605 : memref<2x128xi32, #tpu.memory_space<hbm>>) dst(%dma_wait3A_601 : memref<2x128xi32, #tpu.memory_space<vmem>>)
      %dma_start3A_606 = arith.constant 0 : i32
      %dma_start3A_607 = arith.constant 6 : i32
      %dma_start3A_608 = arith.constant 0 : i32
      %dma_start3A_609 = arith.constant 0 : i32
      %dma_start3A_610 = arith.constant 0 : i32
      %dma_start3A_611 = tpu.memref_slice %arg8[%dma_start3A_606, %dma_start3A_609, %dma_start3A_610] : memref<2x128x128xf32, #tpu.memory_space<vmem>> -> memref<1x128x128xf32, #tpu.memory_space<vmem>>
      %dma_start3A_612 = tpu.memref_squeeze %dma_start3A_611 : memref<1x128x128xf32, #tpu.memory_space<vmem>> -> memref<128x128xf32, #tpu.memory_space<vmem>>
      %dma_start3A_613 = arith.constant 0 : i32
      %dma_start3A_614 = tpu.memref_slice %arg7[%dma_start3A_607, %dma_start3A_608, %dma_start3A_613] : memref<8x2x128xi32, #tpu.memory_space<vmem>> -> memref<1x1x128xi32, #tpu.memory_space<vmem>>
      %dma_start3A_615 = tpu.memref_squeeze %dma_start3A_614 : memref<1x1x128xi32, #tpu.memory_space<vmem>> -> memref<128xi32, #tpu.memory_space<vmem>>
      %dma_start3A_616 = arith.constant 0 : i32
      %dma_start3A_617 = arith.constant 0 : i32
      %dma_start3A_618 = tpu.memref_slice %arg6[%dma_start3A_616, %dma_start3A_617] : memref<10112x128xf32, #tpu.memory_space<vmem_shared>> -> memref<10112x128xf32, #tpu.memory_space<vmem_shared>>
      tpu.enqueue_indirect_dma source(%dma_start3A_612 : memref<128x128xf32, #tpu.memory_space<vmem>>) target(%dma_start3A_618 : memref<10112x128xf32, #tpu.memory_space<vmem_shared>>) offsets(%dma_start3A_615 : memref<128xi32, #tpu.memory_space<vmem>>) semaphore(%arg10 : memref<!tpu.dma_semaphore, #tpu.memory_space<semaphore_mem>>) {add = true}
      %dma_start3A_619 = arith.constant 1 : i32
      %dma_start3A_620 = arith.constant 6 : i32
      %dma_start3A_621 = arith.constant 1 : i32
      %dma_start3A_622 = arith.constant 0 : i32
      %dma_start3A_623 = arith.constant 0 : i32
      %dma_start3A_624 = tpu.memref_slice %arg8[%dma_start3A_619, %dma_start3A_622, %dma_start3A_623] : memref<2x128x128xf32, #tpu.memory_space<vmem>> -> memref<1x128x128xf32, #tpu.memory_space<vmem>>
      %dma_start3A_625 = tpu.memref_squeeze %dma_start3A_624 : memref<1x128x128xf32, #tpu.memory_space<vmem>> -> memref<128x128xf32, #tpu.memory_space<vmem>>
      %dma_start3A_626 = arith.constant 0 : i32
      %dma_start3A_627 = tpu.memref_slice %arg7[%dma_start3A_620, %dma_start3A_621, %dma_start3A_626] : memref<8x2x128xi32, #tpu.memory_space<vmem>> -> memref<1x1x128xi32, #tpu.memory_space<vmem>>
      %dma_start3A_628 = tpu.memref_squeeze %dma_start3A_627 : memref<1x1x128xi32, #tpu.memory_space<vmem>> -> memref<128xi32, #tpu.memory_space<vmem>>
      %dma_start3A_629 = arith.constant 0 : i32
      %dma_start3A_630 = arith.constant 0 : i32
      %dma_start3A_631 = tpu.memref_slice %arg6[%dma_start3A_629, %dma_start3A_630] : memref<10112x128xf32, #tpu.memory_space<vmem_shared>> -> memref<10112x128xf32, #tpu.memory_space<vmem_shared>>
      tpu.enqueue_indirect_dma source(%dma_start3A_625 : memref<128x128xf32, #tpu.memory_space<vmem>>) target(%dma_start3A_631 : memref<10112x128xf32, #tpu.memory_space<vmem_shared>>) offsets(%dma_start3A_628 : memref<128xi32, #tpu.memory_space<vmem>>) semaphore(%arg10 : memref<!tpu.dma_semaphore, #tpu.memory_space<semaphore_mem>>) {add = true}
      %add3A_632 = arith.constant 7 : i32
      %add3A_633 = arith.addi %add3A_208, %add3A_632 : i32
      %ge3A_634 = arith.constant 6 : i32
      %ge3A_635 = arith.cmpi sge, %add3A_633, %ge3A_634 : i32
      %convert_element_type3A_636 = arith.extui %ge3A_635 : i1 to i32
      %cond3A_637 = arith.constant 0 : i32
      %cond3A_638 = arith.cmpi ne, %convert_element_type3A_636, %cond3A_637 : i32
      scf.if %cond3A_638 {
        %dma_wait3A_693 = arith.constant 0 : i32
        %dma_wait3A_694 = arith.constant 0 : i32
        %dma_wait3A_695 = arith.constant 0 : i32
        %dma_wait3A_696 = arith.constant 0 : i32
        %dma_wait3A_697 = arith.constant 0 : i32
        %dma_wait3A_698 = tpu.memref_slice %arg8[%dma_wait3A_693, %dma_wait3A_696, %dma_wait3A_697] : memref<2x128x128xf32, #tpu.memory_space<vmem>> -> memref<1x128x128xf32, #tpu.memory_space<vmem>>
        %dma_wait3A_699 = tpu.memref_squeeze %dma_wait3A_698 : memref<1x128x128xf32, #tpu.memory_space<vmem>> -> memref<128x128xf32, #tpu.memory_space<vmem>>
        %dma_wait3A_700 = arith.constant 0 : i32
        %dma_wait3A_701 = tpu.memref_slice %arg7[%dma_wait3A_694, %dma_wait3A_695, %dma_wait3A_700] : memref<8x2x128xi32, #tpu.memory_space<vmem>> -> memref<1x1x128xi32, #tpu.memory_space<vmem>>
        %dma_wait3A_702 = tpu.memref_squeeze %dma_wait3A_701 : memref<1x1x128xi32, #tpu.memory_space<vmem>> -> memref<128xi32, #tpu.memory_space<vmem>>
        %dma_wait3A_703 = arith.constant 0 : i32
        %dma_wait3A_704 = arith.constant 0 : i32
        %dma_wait3A_705 = tpu.memref_slice %arg6[%dma_wait3A_703, %dma_wait3A_704] : memref<10112x128xf32, #tpu.memory_space<vmem_shared>> -> memref<10112x128xf32, #tpu.memory_space<vmem_shared>>
        tpu.wait_indirect_dma semaphore(%arg10 : memref<!tpu.dma_semaphore, #tpu.memory_space<semaphore_mem>>) src(%dma_wait3A_699 : memref<128x128xf32, #tpu.memory_space<vmem>>) dst(%dma_wait3A_705 : memref<10112x128xf32, #tpu.memory_space<vmem_shared>>)
        %dma_wait3A_706 = arith.constant 0 : i32
        %dma_wait3A_707 = arith.constant 0 : i32
        %dma_wait3A_708 = arith.constant 0 : i32
        %dma_wait3A_709 = arith.constant 0 : i32
        %dma_wait3A_710 = arith.constant 0 : i32
        %dma_wait3A_711 = tpu.memref_slice %arg8[%dma_wait3A_706, %dma_wait3A_709, %dma_wait3A_710] : memref<2x128x128xf32, #tpu.memory_space<vmem>> -> memref<1x128x128xf32, #tpu.memory_space<vmem>>
        %dma_wait3A_712 = tpu.memref_squeeze %dma_wait3A_711 : memref<1x128x128xf32, #tpu.memory_space<vmem>> -> memref<128x128xf32, #tpu.memory_space<vmem>>
        %dma_wait3A_713 = arith.constant 0 : i32
        %dma_wait3A_714 = tpu.memref_slice %arg7[%dma_wait3A_707, %dma_wait3A_708, %dma_wait3A_713] : memref<8x2x128xi32, #tpu.memory_space<vmem>> -> memref<1x1x128xi32, #tpu.memory_space<vmem>>
        %dma_wait3A_715 = tpu.memref_squeeze %dma_wait3A_714 : memref<1x1x128xi32, #tpu.memory_space<vmem>> -> memref<128xi32, #tpu.memory_space<vmem>>
        %dma_wait3A_716 = arith.constant 0 : i32
        %dma_wait3A_717 = arith.constant 0 : i32
        %dma_wait3A_718 = tpu.memref_slice %arg6[%dma_wait3A_716, %dma_wait3A_717] : memref<10112x128xf32, #tpu.memory_space<vmem_shared>> -> memref<10112x128xf32, #tpu.memory_space<vmem_shared>>
        tpu.wait_indirect_dma semaphore(%arg10 : memref<!tpu.dma_semaphore, #tpu.memory_space<semaphore_mem>>) src(%dma_wait3A_712 : memref<128x128xf32, #tpu.memory_space<vmem>>) dst(%dma_wait3A_718 : memref<10112x128xf32, #tpu.memory_space<vmem_shared>>)
      } else {
      }
      %add3A_639 = arith.constant 2 : i32
      %add3A_640 = arith.addi %add3A_633, %add3A_639 : i32
      %lt3A_641 = arith.constant 80 : i32
      %lt3A_642 = arith.cmpi slt, %add3A_640, %lt3A_641 : i32
      %convert_element_type3A_643 = arith.extui %lt3A_642 : i1 to i32
      %cond3A_644 = arith.constant 0 : i32
      %cond3A_645 = arith.cmpi ne, %convert_element_type3A_643, %cond3A_644 : i32
      scf.if %cond3A_645 {
        %add3A_693 = arith.constant 2 : i32
        %add3A_694 = arith.addi %add3A_633, %add3A_693 : i32
        %dma_start3A_695 = arith.constant 1 : i32
        %dma_start3A_696 = arith.constant 1 : i32
        %dma_start3A_697 = arith.constant 0 : i32
        %dma_start3A_698 = arith.constant 0 : i32
        %dma_start3A_699 = tpu.memref_slice %arg7[%dma_start3A_695, %dma_start3A_697, %dma_start3A_698] : memref<8x2x128xi32, #tpu.memory_space<vmem>> -> memref<1x2x128xi32, #tpu.memory_space<vmem>>
        %dma_start3A_700 = tpu.memref_squeeze %dma_start3A_699 : memref<1x2x128xi32, #tpu.memory_space<vmem>> -> memref<2x128xi32, #tpu.memory_space<vmem>>
        %dma_start3A_701 = arith.constant 0 : i32
        %dma_start3A_702 = arith.constant 0 : i32
        %dma_start3A_703 = tpu.memref_slice %arg2[%add3A, %add3A_694, %dma_start3A_701, %dma_start3A_702] : memref<32x80x2x128xi32, #tpu.memory_space<hbm>> -> memref<1x1x2x128xi32, #tpu.memory_space<hbm>>
        %dma_start3A_704 = tpu.memref_squeeze %dma_start3A_703 : memref<1x1x2x128xi32, #tpu.memory_space<hbm>> -> memref<2x128xi32, #tpu.memory_space<hbm>>
        %dma_start3A_705 = tpu.memref_slice %arg9[%dma_start3A_696] : memref<8x!tpu.dma_semaphore, #tpu.memory_space<semaphore_mem>> -> memref<1x!tpu.dma_semaphore, #tpu.memory_space<semaphore_mem>>
        %dma_start3A_706 = tpu.memref_squeeze %dma_start3A_705 : memref<1x!tpu.dma_semaphore, #tpu.memory_space<semaphore_mem>> -> memref<!tpu.dma_semaphore, #tpu.memory_space<semaphore_mem>>
        %dma_start3A_707 = arith.constant 0 : i32
        %dma_start3A_708 = arith.constant 0 : i32
        %dma_start3A_709 = tpu.memref_slice %arg7[%dma_start3A_695, %dma_start3A_707, %dma_start3A_708] : memref<8x2x128xi32, #tpu.memory_space<vmem>> -> memref<1x2x128xi32, #tpu.memory_space<vmem>>
        %dma_start3A_710 = tpu.memref_squeeze %dma_start3A_709 : memref<1x2x128xi32, #tpu.memory_space<vmem>> -> memref<2x128xi32, #tpu.memory_space<vmem>>
        %dma_start3A_711 = arith.constant 0 : i32
        %dma_start3A_712 = arith.constant 0 : i32
        %dma_start3A_713 = tpu.memref_slice %arg2[%add3A, %add3A_694, %dma_start3A_711, %dma_start3A_712] : memref<32x80x2x128xi32, #tpu.memory_space<hbm>> -> memref<1x1x2x128xi32, #tpu.memory_space<hbm>>
        %dma_start3A_714 = tpu.memref_squeeze %dma_start3A_713 : memref<1x1x2x128xi32, #tpu.memory_space<hbm>> -> memref<2x128xi32, #tpu.memory_space<hbm>>
        tpu.enqueue_dma source(%dma_start3A_714 : memref<2x128xi32, #tpu.memory_space<hbm>>) target(%dma_start3A_710 : memref<2x128xi32, #tpu.memory_space<vmem>>) target_semaphore(%dma_start3A_706 : memref<!tpu.dma_semaphore, #tpu.memory_space<semaphore_mem>>)
      } else {
      }
      %dma_wait3A_646 = arith.constant 0 : i32
      %dma_wait3A_647 = arith.constant 7 : i32
      %dma_wait3A_648 = arith.constant 7 : i32
      %dma_wait3A_649 = arith.constant 0 : i32
      %dma_wait3A_650 = arith.constant 0 : i32
      %dma_wait3A_651 = tpu.memref_slice %arg7[%dma_wait3A_647, %dma_wait3A_649, %dma_wait3A_650] : memref<8x2x128xi32, #tpu.memory_space<vmem>> -> memref<1x2x128xi32, #tpu.memory_space<vmem>>
      %dma_wait3A_652 = tpu.memref_squeeze %dma_wait3A_651 : memref<1x2x128xi32, #tpu.memory_space<vmem>> -> memref<2x128xi32, #tpu.memory_space<vmem>>
      %dma_wait3A_653 = arith.constant 0 : i32
      %dma_wait3A_654 = arith.constant 0 : i32
      %dma_wait3A_655 = tpu.memref_slice %arg2[%add3A, %dma_wait3A_646, %dma_wait3A_653, %dma_wait3A_654] : memref<32x80x2x128xi32, #tpu.memory_space<hbm>> -> memref<1x1x2x128xi32, #tpu.memory_space<hbm>>
      %dma_wait3A_656 = tpu.memref_squeeze %dma_wait3A_655 : memref<1x1x2x128xi32, #tpu.memory_space<hbm>> -> memref<2x128xi32, #tpu.memory_space<hbm>>
      %dma_wait3A_657 = tpu.memref_slice %arg9[%dma_wait3A_648] : memref<8x!tpu.dma_semaphore, #tpu.memory_space<semaphore_mem>> -> memref<1x!tpu.dma_semaphore, #tpu.memory_space<semaphore_mem>>
      %dma_wait3A_658 = tpu.memref_squeeze %dma_wait3A_657 : memref<1x!tpu.dma_semaphore, #tpu.memory_space<semaphore_mem>> -> memref<!tpu.dma_semaphore, #tpu.memory_space<semaphore_mem>>
      %dma_wait3A_659 = arith.constant 0 : i32
      %dma_wait3A_660 = arith.constant 0 : i32
      %dma_wait3A_661 = tpu.memref_slice %arg7[%dma_wait3A_647, %dma_wait3A_659, %dma_wait3A_660] : memref<8x2x128xi32, #tpu.memory_space<vmem>> -> memref<1x2x128xi32, #tpu.memory_space<vmem>>
      %dma_wait3A_662 = tpu.memref_squeeze %dma_wait3A_661 : memref<1x2x128xi32, #tpu.memory_space<vmem>> -> memref<2x128xi32, #tpu.memory_space<vmem>>
      %dma_wait3A_663 = arith.constant 0 : i32
      %dma_wait3A_664 = arith.constant 0 : i32
      %dma_wait3A_665 = tpu.memref_slice %arg2[%add3A, %dma_wait3A_646, %dma_wait3A_663, %dma_wait3A_664] : memref<32x80x2x128xi32, #tpu.memory_space<hbm>> -> memref<1x1x2x128xi32, #tpu.memory_space<hbm>>
      %dma_wait3A_666 = tpu.memref_squeeze %dma_wait3A_665 : memref<1x1x2x128xi32, #tpu.memory_space<hbm>> -> memref<2x128xi32, #tpu.memory_space<hbm>>
      tpu.wait_dma2 semaphore(%dma_wait3A_658 : memref<!tpu.dma_semaphore, #tpu.memory_space<semaphore_mem>>) src(%dma_wait3A_666 : memref<2x128xi32, #tpu.memory_space<hbm>>) dst(%dma_wait3A_662 : memref<2x128xi32, #tpu.memory_space<vmem>>)
      %dma_start3A_667 = arith.constant 0 : i32
      %dma_start3A_668 = arith.constant 7 : i32
      %dma_start3A_669 = arith.constant 0 : i32
      %dma_start3A_670 = arith.constant 0 : i32
      %dma_start3A_671 = arith.constant 0 : i32
      %dma_start3A_672 = tpu.memref_slice %arg8[%dma_start3A_667, %dma_start3A_670, %dma_start3A_671] : memref<2x128x128xf32, #tpu.memory_space<vmem>> -> memref<1x128x128xf32, #tpu.memory_space<vmem>>
      %dma_start3A_673 = tpu.memref_squeeze %dma_start3A_672 : memref<1x128x128xf32, #tpu.memory_space<vmem>> -> memref<128x128xf32, #tpu.memory_space<vmem>>
      %dma_start3A_674 = arith.constant 0 : i32
      %dma_start3A_675 = tpu.memref_slice %arg7[%dma_start3A_668, %dma_start3A_669, %dma_start3A_674] : memref<8x2x128xi32, #tpu.memory_space<vmem>> -> memref<1x1x128xi32, #tpu.memory_space<vmem>>
      %dma_start3A_676 = tpu.memref_squeeze %dma_start3A_675 : memref<1x1x128xi32, #tpu.memory_space<vmem>> -> memref<128xi32, #tpu.memory_space<vmem>>
      %dma_start3A_677 = arith.constant 0 : i32
      %dma_start3A_678 = arith.constant 0 : i32
      %dma_start3A_679 = tpu.memref_slice %arg6[%dma_start3A_677, %dma_start3A_678] : memref<10112x128xf32, #tpu.memory_space<vmem_shared>> -> memref<10112x128xf32, #tpu.memory_space<vmem_shared>>
      tpu.enqueue_indirect_dma source(%dma_start3A_673 : memref<128x128xf32, #tpu.memory_space<vmem>>) target(%dma_start3A_679 : memref<10112x128xf32, #tpu.memory_space<vmem_shared>>) offsets(%dma_start3A_676 : memref<128xi32, #tpu.memory_space<vmem>>) semaphore(%arg10 : memref<!tpu.dma_semaphore, #tpu.memory_space<semaphore_mem>>) {add = true}
      %dma_start3A_680 = arith.constant 1 : i32
      %dma_start3A_681 = arith.constant 7 : i32
      %dma_start3A_682 = arith.constant 1 : i32
      %dma_start3A_683 = arith.constant 0 : i32
      %dma_start3A_684 = arith.constant 0 : i32
      %dma_start3A_685 = tpu.memref_slice %arg8[%dma_start3A_680, %dma_start3A_683, %dma_start3A_684] : memref<2x128x128xf32, #tpu.memory_space<vmem>> -> memref<1x128x128xf32, #tpu.memory_space<vmem>>
      %dma_start3A_686 = tpu.memref_squeeze %dma_start3A_685 : memref<1x128x128xf32, #tpu.memory_space<vmem>> -> memref<128x128xf32, #tpu.memory_space<vmem>>
      %dma_start3A_687 = arith.constant 0 : i32
      %dma_start3A_688 = tpu.memref_slice %arg7[%dma_start3A_681, %dma_start3A_682, %dma_start3A_687] : memref<8x2x128xi32, #tpu.memory_space<vmem>> -> memref<1x1x128xi32, #tpu.memory_space<vmem>>
      %dma_start3A_689 = tpu.memref_squeeze %dma_start3A_688 : memref<1x1x128xi32, #tpu.memory_space<vmem>> -> memref<128xi32, #tpu.memory_space<vmem>>
      %dma_start3A_690 = arith.constant 0 : i32
      %dma_start3A_691 = arith.constant 0 : i32
      %dma_start3A_692 = tpu.memref_slice %arg6[%dma_start3A_690, %dma_start3A_691] : memref<10112x128xf32, #tpu.memory_space<vmem_shared>> -> memref<10112x128xf32, #tpu.memory_space<vmem_shared>>
      tpu.enqueue_indirect_dma source(%dma_start3A_686 : memref<128x128xf32, #tpu.memory_space<vmem>>) target(%dma_start3A_692 : memref<10112x128xf32, #tpu.memory_space<vmem_shared>>) offsets(%dma_start3A_689 : memref<128xi32, #tpu.memory_space<vmem>>) semaphore(%arg10 : memref<!tpu.dma_semaphore, #tpu.memory_space<semaphore_mem>>) {add = true}
    }
    %scan3A_47 = arith.constant 10 : i32
    %dma_wait3A = arith.constant 0 : i32
    %dma_wait3A_48 = arith.constant 0 : i32
    %dma_wait3A_49 = arith.constant 0 : i32
    %dma_wait3A_50 = arith.constant 0 : i32
    %dma_wait3A_51 = arith.constant 0 : i32
    %dma_wait3A_52 = tpu.memref_slice %arg8[%dma_wait3A, %dma_wait3A_50, %dma_wait3A_51] : memref<2x128x128xf32, #tpu.memory_space<vmem>> -> memref<1x128x128xf32, #tpu.memory_space<vmem>>
    %dma_wait3A_53 = tpu.memref_squeeze %dma_wait3A_52 : memref<1x128x128xf32, #tpu.memory_space<vmem>> -> memref<128x128xf32, #tpu.memory_space<vmem>>
    %dma_wait3A_54 = arith.constant 0 : i32
    %dma_wait3A_55 = tpu.memref_slice %arg7[%dma_wait3A_48, %dma_wait3A_49, %dma_wait3A_54] : memref<8x2x128xi32, #tpu.memory_space<vmem>> -> memref<1x1x128xi32, #tpu.memory_space<vmem>>
    %dma_wait3A_56 = tpu.memref_squeeze %dma_wait3A_55 : memref<1x1x128xi32, #tpu.memory_space<vmem>> -> memref<128xi32, #tpu.memory_space<vmem>>
    %dma_wait3A_57 = arith.constant 0 : i32
    %dma_wait3A_58 = arith.constant 0 : i32
    %dma_wait3A_59 = tpu.memref_slice %arg6[%dma_wait3A_57, %dma_wait3A_58] : memref<10112x128xf32, #tpu.memory_space<vmem_shared>> -> memref<10112x128xf32, #tpu.memory_space<vmem_shared>>
    tpu.wait_indirect_dma semaphore(%arg10 : memref<!tpu.dma_semaphore, #tpu.memory_space<semaphore_mem>>) src(%dma_wait3A_53 : memref<128x128xf32, #tpu.memory_space<vmem>>) dst(%dma_wait3A_59 : memref<10112x128xf32, #tpu.memory_space<vmem_shared>>)
    %dma_wait3A_60 = arith.constant 0 : i32
    %dma_wait3A_61 = arith.constant 0 : i32
    %dma_wait3A_62 = arith.constant 0 : i32
    %dma_wait3A_63 = arith.constant 0 : i32
    %dma_wait3A_64 = arith.constant 0 : i32
    %dma_wait3A_65 = tpu.memref_slice %arg8[%dma_wait3A_60, %dma_wait3A_63, %dma_wait3A_64] : memref<2x128x128xf32, #tpu.memory_space<vmem>> -> memref<1x128x128xf32, #tpu.memory_space<vmem>>
    %dma_wait3A_66 = tpu.memref_squeeze %dma_wait3A_65 : memref<1x128x128xf32, #tpu.memory_space<vmem>> -> memref<128x128xf32, #tpu.memory_space<vmem>>
    %dma_wait3A_67 = arith.constant 0 : i32
    %dma_wait3A_68 = tpu.memref_slice %arg7[%dma_wait3A_61, %dma_wait3A_62, %dma_wait3A_67] : memref<8x2x128xi32, #tpu.memory_space<vmem>> -> memref<1x1x128xi32, #tpu.memory_space<vmem>>
    %dma_wait3A_69 = tpu.memref_squeeze %dma_wait3A_68 : memref<1x1x128xi32, #tpu.memory_space<vmem>> -> memref<128xi32, #tpu.memory_space<vmem>>
    %dma_wait3A_70 = arith.constant 0 : i32
    %dma_wait3A_71 = arith.constant 0 : i32
    %dma_wait3A_72 = tpu.memref_slice %arg6[%dma_wait3A_70, %dma_wait3A_71] : memref<10112x128xf32, #tpu.memory_space<vmem_shared>> -> memref<10112x128xf32, #tpu.memory_space<vmem_shared>>
    tpu.wait_indirect_dma semaphore(%arg10 : memref<!tpu.dma_semaphore, #tpu.memory_space<semaphore_mem>>) src(%dma_wait3A_66 : memref<128x128xf32, #tpu.memory_space<vmem>>) dst(%dma_wait3A_72 : memref<10112x128xf32, #tpu.memory_space<vmem_shared>>)
    %dma_wait3A_73 = arith.constant 0 : i32
    %dma_wait3A_74 = arith.constant 0 : i32
    %dma_wait3A_75 = arith.constant 0 : i32
    %dma_wait3A_76 = arith.constant 0 : i32
    %dma_wait3A_77 = arith.constant 0 : i32
    %dma_wait3A_78 = tpu.memref_slice %arg8[%dma_wait3A_73, %dma_wait3A_76, %dma_wait3A_77] : memref<2x128x128xf32, #tpu.memory_space<vmem>> -> memref<1x128x128xf32, #tpu.memory_space<vmem>>
    %dma_wait3A_79 = tpu.memref_squeeze %dma_wait3A_78 : memref<1x128x128xf32, #tpu.memory_space<vmem>> -> memref<128x128xf32, #tpu.memory_space<vmem>>
    %dma_wait3A_80 = arith.constant 0 : i32
    %dma_wait3A_81 = tpu.memref_slice %arg7[%dma_wait3A_74, %dma_wait3A_75, %dma_wait3A_80] : memref<8x2x128xi32, #tpu.memory_space<vmem>> -> memref<1x1x128xi32, #tpu.memory_space<vmem>>
    %dma_wait3A_82 = tpu.memref_squeeze %dma_wait3A_81 : memref<1x1x128xi32, #tpu.memory_space<vmem>> -> memref<128xi32, #tpu.memory_space<vmem>>
    %dma_wait3A_83 = arith.constant 0 : i32
    %dma_wait3A_84 = arith.constant 0 : i32
    %dma_wait3A_85 = tpu.memref_slice %arg6[%dma_wait3A_83, %dma_wait3A_84] : memref<10112x128xf32, #tpu.memory_space<vmem_shared>> -> memref<10112x128xf32, #tpu.memory_space<vmem_shared>>
    tpu.wait_indirect_dma semaphore(%arg10 : memref<!tpu.dma_semaphore, #tpu.memory_space<semaphore_mem>>) src(%dma_wait3A_79 : memref<128x128xf32, #tpu.memory_space<vmem>>) dst(%dma_wait3A_85 : memref<10112x128xf32, #tpu.memory_space<vmem_shared>>)
    %dma_wait3A_86 = arith.constant 0 : i32
    %dma_wait3A_87 = arith.constant 0 : i32
    %dma_wait3A_88 = arith.constant 0 : i32
    %dma_wait3A_89 = arith.constant 0 : i32
    %dma_wait3A_90 = arith.constant 0 : i32
    %dma_wait3A_91 = tpu.memref_slice %arg8[%dma_wait3A_86, %dma_wait3A_89, %dma_wait3A_90] : memref<2x128x128xf32, #tpu.memory_space<vmem>> -> memref<1x128x128xf32, #tpu.memory_space<vmem>>
    %dma_wait3A_92 = tpu.memref_squeeze %dma_wait3A_91 : memref<1x128x128xf32, #tpu.memory_space<vmem>> -> memref<128x128xf32, #tpu.memory_space<vmem>>
    %dma_wait3A_93 = arith.constant 0 : i32
    %dma_wait3A_94 = tpu.memref_slice %arg7[%dma_wait3A_87, %dma_wait3A_88, %dma_wait3A_93] : memref<8x2x128xi32, #tpu.memory_space<vmem>> -> memref<1x1x128xi32, #tpu.memory_space<vmem>>
    %dma_wait3A_95 = tpu.memref_squeeze %dma_wait3A_94 : memref<1x1x128xi32, #tpu.memory_space<vmem>> -> memref<128xi32, #tpu.memory_space<vmem>>
    %dma_wait3A_96 = arith.constant 0 : i32
    %dma_wait3A_97 = arith.constant 0 : i32
    %dma_wait3A_98 = tpu.memref_slice %arg6[%dma_wait3A_96, %dma_wait3A_97] : memref<10112x128xf32, #tpu.memory_space<vmem_shared>> -> memref<10112x128xf32, #tpu.memory_space<vmem_shared>>
    tpu.wait_indirect_dma semaphore(%arg10 : memref<!tpu.dma_semaphore, #tpu.memory_space<semaphore_mem>>) src(%dma_wait3A_92 : memref<128x128xf32, #tpu.memory_space<vmem>>) dst(%dma_wait3A_98 : memref<10112x128xf32, #tpu.memory_space<vmem_shared>>)
    %dma_wait3A_99 = arith.constant 0 : i32
    %dma_wait3A_100 = arith.constant 0 : i32
    %dma_wait3A_101 = arith.constant 0 : i32
    %dma_wait3A_102 = arith.constant 0 : i32
    %dma_wait3A_103 = arith.constant 0 : i32
    %dma_wait3A_104 = tpu.memref_slice %arg8[%dma_wait3A_99, %dma_wait3A_102, %dma_wait3A_103] : memref<2x128x128xf32, #tpu.memory_space<vmem>> -> memref<1x128x128xf32, #tpu.memory_space<vmem>>
    %dma_wait3A_105 = tpu.memref_squeeze %dma_wait3A_104 : memref<1x128x128xf32, #tpu.memory_space<vmem>> -> memref<128x128xf32, #tpu.memory_space<vmem>>
    %dma_wait3A_106 = arith.constant 0 : i32
    %dma_wait3A_107 = tpu.memref_slice %arg7[%dma_wait3A_100, %dma_wait3A_101, %dma_wait3A_106] : memref<8x2x128xi32, #tpu.memory_space<vmem>> -> memref<1x1x128xi32, #tpu.memory_space<vmem>>
    %dma_wait3A_108 = tpu.memref_squeeze %dma_wait3A_107 : memref<1x1x128xi32, #tpu.memory_space<vmem>> -> memref<128xi32, #tpu.memory_space<vmem>>
    %dma_wait3A_109 = arith.constant 0 : i32
    %dma_wait3A_110 = arith.constant 0 : i32
    %dma_wait3A_111 = tpu.memref_slice %arg6[%dma_wait3A_109, %dma_wait3A_110] : memref<10112x128xf32, #tpu.memory_space<vmem_shared>> -> memref<10112x128xf32, #tpu.memory_space<vmem_shared>>
    tpu.wait_indirect_dma semaphore(%arg10 : memref<!tpu.dma_semaphore, #tpu.memory_space<semaphore_mem>>) src(%dma_wait3A_105 : memref<128x128xf32, #tpu.memory_space<vmem>>) dst(%dma_wait3A_111 : memref<10112x128xf32, #tpu.memory_space<vmem_shared>>)
    %dma_wait3A_112 = arith.constant 0 : i32
    %dma_wait3A_113 = arith.constant 0 : i32
    %dma_wait3A_114 = arith.constant 0 : i32
    %dma_wait3A_115 = arith.constant 0 : i32
    %dma_wait3A_116 = arith.constant 0 : i32
    %dma_wait3A_117 = tpu.memref_slice %arg8[%dma_wait3A_112, %dma_wait3A_115, %dma_wait3A_116] : memref<2x128x128xf32, #tpu.memory_space<vmem>> -> memref<1x128x128xf32, #tpu.memory_space<vmem>>
    %dma_wait3A_118 = tpu.memref_squeeze %dma_wait3A_117 : memref<1x128x128xf32, #tpu.memory_space<vmem>> -> memref<128x128xf32, #tpu.memory_space<vmem>>
    %dma_wait3A_119 = arith.constant 0 : i32
    %dma_wait3A_120 = tpu.memref_slice %arg7[%dma_wait3A_113, %dma_wait3A_114, %dma_wait3A_119] : memref<8x2x128xi32, #tpu.memory_space<vmem>> -> memref<1x1x128xi32, #tpu.memory_space<vmem>>
    %dma_wait3A_121 = tpu.memref_squeeze %dma_wait3A_120 : memref<1x1x128xi32, #tpu.memory_space<vmem>> -> memref<128xi32, #tpu.memory_space<vmem>>
    %dma_wait3A_122 = arith.constant 0 : i32
    %dma_wait3A_123 = arith.constant 0 : i32
    %dma_wait3A_124 = tpu.memref_slice %arg6[%dma_wait3A_122, %dma_wait3A_123] : memref<10112x128xf32, #tpu.memory_space<vmem_shared>> -> memref<10112x128xf32, #tpu.memory_space<vmem_shared>>
    tpu.wait_indirect_dma semaphore(%arg10 : memref<!tpu.dma_semaphore, #tpu.memory_space<semaphore_mem>>) src(%dma_wait3A_118 : memref<128x128xf32, #tpu.memory_space<vmem>>) dst(%dma_wait3A_124 : memref<10112x128xf32, #tpu.memory_space<vmem_shared>>)
    %dma_wait3A_125 = arith.constant 0 : i32
    %dma_wait3A_126 = arith.constant 0 : i32
    %dma_wait3A_127 = arith.constant 0 : i32
    %dma_wait3A_128 = arith.constant 0 : i32
    %dma_wait3A_129 = arith.constant 0 : i32
    %dma_wait3A_130 = tpu.memref_slice %arg8[%dma_wait3A_125, %dma_wait3A_128, %dma_wait3A_129] : memref<2x128x128xf32, #tpu.memory_space<vmem>> -> memref<1x128x128xf32, #tpu.memory_space<vmem>>
    %dma_wait3A_131 = tpu.memref_squeeze %dma_wait3A_130 : memref<1x128x128xf32, #tpu.memory_space<vmem>> -> memref<128x128xf32, #tpu.memory_space<vmem>>
    %dma_wait3A_132 = arith.constant 0 : i32
    %dma_wait3A_133 = tpu.memref_slice %arg7[%dma_wait3A_126, %dma_wait3A_127, %dma_wait3A_132] : memref<8x2x128xi32, #tpu.memory_space<vmem>> -> memref<1x1x128xi32, #tpu.memory_space<vmem>>
    %dma_wait3A_134 = tpu.memref_squeeze %dma_wait3A_133 : memref<1x1x128xi32, #tpu.memory_space<vmem>> -> memref<128xi32, #tpu.memory_space<vmem>>
    %dma_wait3A_135 = arith.constant 0 : i32
    %dma_wait3A_136 = arith.constant 0 : i32
    %dma_wait3A_137 = tpu.memref_slice %arg6[%dma_wait3A_135, %dma_wait3A_136] : memref<10112x128xf32, #tpu.memory_space<vmem_shared>> -> memref<10112x128xf32, #tpu.memory_space<vmem_shared>>
    tpu.wait_indirect_dma semaphore(%arg10 : memref<!tpu.dma_semaphore, #tpu.memory_space<semaphore_mem>>) src(%dma_wait3A_131 : memref<128x128xf32, #tpu.memory_space<vmem>>) dst(%dma_wait3A_137 : memref<10112x128xf32, #tpu.memory_space<vmem_shared>>)
    %dma_wait3A_138 = arith.constant 0 : i32
    %dma_wait3A_139 = arith.constant 0 : i32
    %dma_wait3A_140 = arith.constant 0 : i32
    %dma_wait3A_141 = arith.constant 0 : i32
    %dma_wait3A_142 = arith.constant 0 : i32
    %dma_wait3A_143 = tpu.memref_slice %arg8[%dma_wait3A_138, %dma_wait3A_141, %dma_wait3A_142] : memref<2x128x128xf32, #tpu.memory_space<vmem>> -> memref<1x128x128xf32, #tpu.memory_space<vmem>>
    %dma_wait3A_144 = tpu.memref_squeeze %dma_wait3A_143 : memref<1x128x128xf32, #tpu.memory_space<vmem>> -> memref<128x128xf32, #tpu.memory_space<vmem>>
    %dma_wait3A_145 = arith.constant 0 : i32
    %dma_wait3A_146 = tpu.memref_slice %arg7[%dma_wait3A_139, %dma_wait3A_140, %dma_wait3A_145] : memref<8x2x128xi32, #tpu.memory_space<vmem>> -> memref<1x1x128xi32, #tpu.memory_space<vmem>>
    %dma_wait3A_147 = tpu.memref_squeeze %dma_wait3A_146 : memref<1x1x128xi32, #tpu.memory_space<vmem>> -> memref<128xi32, #tpu.memory_space<vmem>>
    %dma_wait3A_148 = arith.constant 0 : i32
    %dma_wait3A_149 = arith.constant 0 : i32
    %dma_wait3A_150 = tpu.memref_slice %arg6[%dma_wait3A_148, %dma_wait3A_149] : memref<10112x128xf32, #tpu.memory_space<vmem_shared>> -> memref<10112x128xf32, #tpu.memory_space<vmem_shared>>
    tpu.wait_indirect_dma semaphore(%arg10 : memref<!tpu.dma_semaphore, #tpu.memory_space<semaphore_mem>>) src(%dma_wait3A_144 : memref<128x128xf32, #tpu.memory_space<vmem>>) dst(%dma_wait3A_150 : memref<10112x128xf32, #tpu.memory_space<vmem_shared>>)
    %dma_wait3A_151 = arith.constant 0 : i32
    %dma_wait3A_152 = arith.constant 0 : i32
    %dma_wait3A_153 = arith.constant 0 : i32
    %dma_wait3A_154 = arith.constant 0 : i32
    %dma_wait3A_155 = arith.constant 0 : i32
    %dma_wait3A_156 = tpu.memref_slice %arg8[%dma_wait3A_151, %dma_wait3A_154, %dma_wait3A_155] : memref<2x128x128xf32, #tpu.memory_space<vmem>> -> memref<1x128x128xf32, #tpu.memory_space<vmem>>
    %dma_wait3A_157 = tpu.memref_squeeze %dma_wait3A_156 : memref<1x128x128xf32, #tpu.memory_space<vmem>> -> memref<128x128xf32, #tpu.memory_space<vmem>>
    %dma_wait3A_158 = arith.constant 0 : i32
    %dma_wait3A_159 = tpu.memref_slice %arg7[%dma_wait3A_152, %dma_wait3A_153, %dma_wait3A_158] : memref<8x2x128xi32, #tpu.memory_space<vmem>> -> memref<1x1x128xi32, #tpu.memory_space<vmem>>
    %dma_wait3A_160 = tpu.memref_squeeze %dma_wait3A_159 : memref<1x1x128xi32, #tpu.memory_space<vmem>> -> memref<128xi32, #tpu.memory_space<vmem>>
    %dma_wait3A_161 = arith.constant 0 : i32
    %dma_wait3A_162 = arith.constant 0 : i32
    %dma_wait3A_163 = tpu.memref_slice %arg6[%dma_wait3A_161, %dma_wait3A_162] : memref<10112x128xf32, #tpu.memory_space<vmem_shared>> -> memref<10112x128xf32, #tpu.memory_space<vmem_shared>>
    tpu.wait_indirect_dma semaphore(%arg10 : memref<!tpu.dma_semaphore, #tpu.memory_space<semaphore_mem>>) src(%dma_wait3A_157 : memref<128x128xf32, #tpu.memory_space<vmem>>) dst(%dma_wait3A_163 : memref<10112x128xf32, #tpu.memory_space<vmem_shared>>)
    %dma_wait3A_164 = arith.constant 0 : i32
    %dma_wait3A_165 = arith.constant 0 : i32
    %dma_wait3A_166 = arith.constant 0 : i32
    %dma_wait3A_167 = arith.constant 0 : i32
    %dma_wait3A_168 = arith.constant 0 : i32
    %dma_wait3A_169 = tpu.memref_slice %arg8[%dma_wait3A_164, %dma_wait3A_167, %dma_wait3A_168] : memref<2x128x128xf32, #tpu.memory_space<vmem>> -> memref<1x128x128xf32, #tpu.memory_space<vmem>>
    %dma_wait3A_170 = tpu.memref_squeeze %dma_wait3A_169 : memref<1x128x128xf32, #tpu.memory_space<vmem>> -> memref<128x128xf32, #tpu.memory_space<vmem>>
    %dma_wait3A_171 = arith.constant 0 : i32
    %dma_wait3A_172 = tpu.memref_slice %arg7[%dma_wait3A_165, %dma_wait3A_166, %dma_wait3A_171] : memref<8x2x128xi32, #tpu.memory_space<vmem>> -> memref<1x1x128xi32, #tpu.memory_space<vmem>>
    %dma_wait3A_173 = tpu.memref_squeeze %dma_wait3A_172 : memref<1x1x128xi32, #tpu.memory_space<vmem>> -> memref<128xi32, #tpu.memory_space<vmem>>
    %dma_wait3A_174 = arith.constant 0 : i32
    %dma_wait3A_175 = arith.constant 0 : i32
    %dma_wait3A_176 = tpu.memref_slice %arg6[%dma_wait3A_174, %dma_wait3A_175] : memref<10112x128xf32, #tpu.memory_space<vmem_shared>> -> memref<10112x128xf32, #tpu.memory_space<vmem_shared>>
    tpu.wait_indirect_dma semaphore(%arg10 : memref<!tpu.dma_semaphore, #tpu.memory_space<semaphore_mem>>) src(%dma_wait3A_170 : memref<128x128xf32, #tpu.memory_space<vmem>>) dst(%dma_wait3A_176 : memref<10112x128xf32, #tpu.memory_space<vmem_shared>>)
    %dma_wait3A_177 = arith.constant 0 : i32
    %dma_wait3A_178 = arith.constant 0 : i32
    %dma_wait3A_179 = arith.constant 0 : i32
    %dma_wait3A_180 = arith.constant 0 : i32
    %dma_wait3A_181 = arith.constant 0 : i32
    %dma_wait3A_182 = tpu.memref_slice %arg8[%dma_wait3A_177, %dma_wait3A_180, %dma_wait3A_181] : memref<2x128x128xf32, #tpu.memory_space<vmem>> -> memref<1x128x128xf32, #tpu.memory_space<vmem>>
    %dma_wait3A_183 = tpu.memref_squeeze %dma_wait3A_182 : memref<1x128x128xf32, #tpu.memory_space<vmem>> -> memref<128x128xf32, #tpu.memory_space<vmem>>
    %dma_wait3A_184 = arith.constant 0 : i32
    %dma_wait3A_185 = tpu.memref_slice %arg7[%dma_wait3A_178, %dma_wait3A_179, %dma_wait3A_184] : memref<8x2x128xi32, #tpu.memory_space<vmem>> -> memref<1x1x128xi32, #tpu.memory_space<vmem>>
    %dma_wait3A_186 = tpu.memref_squeeze %dma_wait3A_185 : memref<1x1x128xi32, #tpu.memory_space<vmem>> -> memref<128xi32, #tpu.memory_space<vmem>>
    %dma_wait3A_187 = arith.constant 0 : i32
    %dma_wait3A_188 = arith.constant 0 : i32
    %dma_wait3A_189 = tpu.memref_slice %arg6[%dma_wait3A_187, %dma_wait3A_188] : memref<10112x128xf32, #tpu.memory_space<vmem_shared>> -> memref<10112x128xf32, #tpu.memory_space<vmem_shared>>
    tpu.wait_indirect_dma semaphore(%arg10 : memref<!tpu.dma_semaphore, #tpu.memory_space<semaphore_mem>>) src(%dma_wait3A_183 : memref<128x128xf32, #tpu.memory_space<vmem>>) dst(%dma_wait3A_189 : memref<10112x128xf32, #tpu.memory_space<vmem_shared>>)
    %dma_wait3A_190 = arith.constant 0 : i32
    %dma_wait3A_191 = arith.constant 0 : i32
    %dma_wait3A_192 = arith.constant 0 : i32
    %dma_wait3A_193 = arith.constant 0 : i32
    %dma_wait3A_194 = arith.constant 0 : i32
    %dma_wait3A_195 = tpu.memref_slice %arg8[%dma_wait3A_190, %dma_wait3A_193, %dma_wait3A_194] : memref<2x128x128xf32, #tpu.memory_space<vmem>> -> memref<1x128x128xf32, #tpu.memory_space<vmem>>
    %dma_wait3A_196 = tpu.memref_squeeze %dma_wait3A_195 : memref<1x128x128xf32, #tpu.memory_space<vmem>> -> memref<128x128xf32, #tpu.memory_space<vmem>>
    %dma_wait3A_197 = arith.constant 0 : i32
    %dma_wait3A_198 = tpu.memref_slice %arg7[%dma_wait3A_191, %dma_wait3A_192, %dma_wait3A_197] : memref<8x2x128xi32, #tpu.memory_space<vmem>> -> memref<1x1x128xi32, #tpu.memory_space<vmem>>
    %dma_wait3A_199 = tpu.memref_squeeze %dma_wait3A_198 : memref<1x1x128xi32, #tpu.memory_space<vmem>> -> memref<128xi32, #tpu.memory_space<vmem>>
    %dma_wait3A_200 = arith.constant 0 : i32
    %dma_wait3A_201 = arith.constant 0 : i32
    %dma_wait3A_202 = tpu.memref_slice %arg6[%dma_wait3A_200, %dma_wait3A_201] : memref<10112x128xf32, #tpu.memory_space<vmem_shared>> -> memref<10112x128xf32, #tpu.memory_space<vmem_shared>>
    tpu.wait_indirect_dma semaphore(%arg10 : memref<!tpu.dma_semaphore, #tpu.memory_space<semaphore_mem>>) src(%dma_wait3A_196 : memref<128x128xf32, #tpu.memory_space<vmem>>) dst(%dma_wait3A_202 : memref<10112x128xf32, #tpu.memory_space<vmem_shared>>)
    %barrier3A_203 = arith.constant 0 : index
    tpu.barrier barrier_id(%barrier3A_203)
    "tpu.region"() ({
      %run_scoped3A = tpu.sem_alloc : memref<!tpu.dma_semaphore, #tpu.memory_space<semaphore_mem>>
      %dma_start3A_204 = arith.constant 0 : i32
      %dma_start3A_205 = tpu.memref_slice %arg5[%arg0, %mul3A_2, %dma_start3A_204] : memref<2x10112x128xf32, #tpu.memory_space<hbm>> -> memref<1x632x128xf32, #tpu.memory_space<hbm>>
      %dma_start3A_206 = tpu.memref_squeeze %dma_start3A_205 : memref<1x632x128xf32, #tpu.memory_space<hbm>> -> memref<632x128xf32, #tpu.memory_space<hbm>>
      %dma_start3A_207 = arith.constant 0 : i32
      %dma_start3A_208 = tpu.memref_slice %arg6[%mul3A_2, %dma_start3A_207] : memref<10112x128xf32, #tpu.memory_space<vmem_shared>> -> memref<632x128xf32, #tpu.memory_space<vmem_shared>>
      tpu.enqueue_dma source(%dma_start3A_208 : memref<632x128xf32, #tpu.memory_space<vmem_shared>>) target(%dma_start3A_206 : memref<632x128xf32, #tpu.memory_space<hbm>>) target_semaphore(%run_scoped3A : memref<!tpu.dma_semaphore, #tpu.memory_space<semaphore_mem>>)
      %dma_wait3A_209 = arith.constant 0 : i32
      %dma_wait3A_210 = tpu.memref_slice %arg5[%arg0, %mul3A_2, %dma_wait3A_209] : memref<2x10112x128xf32, #tpu.memory_space<hbm>> -> memref<1x632x128xf32, #tpu.memory_space<hbm>>
      %dma_wait3A_211 = tpu.memref_squeeze %dma_wait3A_210 : memref<1x632x128xf32, #tpu.memory_space<hbm>> -> memref<632x128xf32, #tpu.memory_space<hbm>>
      %dma_wait3A_212 = arith.constant 0 : i32
      %dma_wait3A_213 = tpu.memref_slice %arg6[%mul3A_2, %dma_wait3A_212] : memref<10112x128xf32, #tpu.memory_space<vmem_shared>> -> memref<632x128xf32, #tpu.memory_space<vmem_shared>>
      tpu.wait_dma2 semaphore(%run_scoped3A : memref<!tpu.dma_semaphore, #tpu.memory_space<semaphore_mem>>) src(%dma_wait3A_213 : memref<632x128xf32, #tpu.memory_space<vmem_shared>>) dst(%dma_wait3A_211 : memref<632x128xf32, #tpu.memory_space<hbm>>)
      tpu.yield
    }) : () -> ()
    return
  }
}

#map = affine_map<(d0, d1) -> (0, 0)>
#map1 = affine_map<(d0, d1) -> (0, 0, 0, 0)>
#map2 = affine_map<(d0, d1) -> (0, 0, 0)>
module attributes {stable_mosaic.version = 14 : i64} {
  func.func @_agg_kernel(%arg0: i32, %arg1: i32, %arg2: memref<10000x128xf32, #tpu.memory_space<hbm>>, %arg3: memref<32x80x2x128xi32, #tpu.memory_space<hbm>>, %arg4: memref<10112x128xf32, #tpu.memory_space<hbm>>, %arg5: memref<2x10112x128xf32, #tpu.memory_space<hbm>>, %arg6: memref<10112x128xf32, #tpu.memory_space<vmem_shared>>, %arg7: memref<4x2x128xi32, #tpu.memory_space<vmem>>, %arg8: memref<2x128x128xf32, #tpu.memory_space<vmem>>, %arg9: memref<4x!tpu.dma_semaphore, #tpu.memory_space<semaphore_mem>>, %arg10: memref<2x!tpu.dma_semaphore, #tpu.memory_space<semaphore_mem>>, %arg11: memref<2x!tpu.dma_semaphore, #tpu.memory_space<semaphore_mem>>) attributes {dimension_semantics = [#tpu.dimension_semantics<core_parallel>, #tpu.dimension_semantics<subcore_parallel>], iteration_bounds = array<i64: 2, 16>, scalar_prefetch = 0 : i64, scratch_operands = 6 : i64, tpu.core_type = #tpu.core_type<sc_vector_subcore>, window_params = [{transform_indices = #map}, {transform_indices = #map1}, {transform_indices = #map}, {transform_indices = #map2}]} {
    %mul3A = arith.constant 16 : i32
    %mul3A_0 = arith.muli %arg0, %mul3A : i32
    %add3A = arith.addi %mul3A_0, %arg1 : i32
    %mul3A_1 = arith.constant 632 : i32
    %mul3A_2 = arith.muli %arg1, %mul3A_1 : i32
    "tpu.region"() ({
      %run_scoped3A = tpu.sem_alloc : memref<!tpu.dma_semaphore, #tpu.memory_space<semaphore_mem>>
      %dma_start3A_112 = arith.constant 0 : i32
      %dma_start3A_113 = tpu.memref_slice %arg6[%mul3A_2, %dma_start3A_112] : memref<10112x128xf32, #tpu.memory_space<vmem_shared>> -> memref<632x128xf32, #tpu.memory_space<vmem_shared>>
      %dma_start3A_114 = arith.constant 0 : i32
      %dma_start3A_115 = tpu.memref_slice %arg4[%mul3A_2, %dma_start3A_114] : memref<10112x128xf32, #tpu.memory_space<hbm>> -> memref<632x128xf32, #tpu.memory_space<hbm>>
      tpu.enqueue_dma source(%dma_start3A_115 : memref<632x128xf32, #tpu.memory_space<hbm>>) target(%dma_start3A_113 : memref<632x128xf32, #tpu.memory_space<vmem_shared>>) target_semaphore(%run_scoped3A : memref<!tpu.dma_semaphore, #tpu.memory_space<semaphore_mem>>)
      %dma_wait3A_116 = arith.constant 0 : i32
      %dma_wait3A_117 = tpu.memref_slice %arg6[%mul3A_2, %dma_wait3A_116] : memref<10112x128xf32, #tpu.memory_space<vmem_shared>> -> memref<632x128xf32, #tpu.memory_space<vmem_shared>>
      %dma_wait3A_118 = arith.constant 0 : i32
      %dma_wait3A_119 = tpu.memref_slice %arg4[%mul3A_2, %dma_wait3A_118] : memref<10112x128xf32, #tpu.memory_space<hbm>> -> memref<632x128xf32, #tpu.memory_space<hbm>>
      tpu.wait_dma2 semaphore(%run_scoped3A : memref<!tpu.dma_semaphore, #tpu.memory_space<semaphore_mem>>) src(%dma_wait3A_119 : memref<632x128xf32, #tpu.memory_space<hbm>>) dst(%dma_wait3A_117 : memref<632x128xf32, #tpu.memory_space<vmem_shared>>)
      tpu.yield
    }) : () -> ()
    %barrier3A = arith.constant 0 : index
    tpu.barrier barrier_id(%barrier3A)
    %dma_start3A = arith.constant 0 : i32
    %dma_start3A_3 = arith.constant 0 : i32
    %dma_start3A_4 = arith.constant 0 : i32
    %dma_start3A_5 = arith.constant 0 : i32
    %dma_start3A_6 = arith.constant 0 : i32
    %dma_start3A_7 = tpu.memref_slice %arg7[%dma_start3A_3, %dma_start3A_5, %dma_start3A_6] : memref<4x2x128xi32, #tpu.memory_space<vmem>> -> memref<1x2x128xi32, #tpu.memory_space<vmem>>
    %dma_start3A_8 = tpu.memref_squeeze %dma_start3A_7 : memref<1x2x128xi32, #tpu.memory_space<vmem>> -> memref<2x128xi32, #tpu.memory_space<vmem>>
    %dma_start3A_9 = arith.constant 0 : i32
    %dma_start3A_10 = arith.constant 0 : i32
    %dma_start3A_11 = tpu.memref_slice %arg3[%add3A, %dma_start3A, %dma_start3A_9, %dma_start3A_10] : memref<32x80x2x128xi32, #tpu.memory_space<hbm>> -> memref<1x1x2x128xi32, #tpu.memory_space<hbm>>
    %dma_start3A_12 = tpu.memref_squeeze %dma_start3A_11 : memref<1x1x2x128xi32, #tpu.memory_space<hbm>> -> memref<2x128xi32, #tpu.memory_space<hbm>>
    %dma_start3A_13 = tpu.memref_slice %arg9[%dma_start3A_4] : memref<4x!tpu.dma_semaphore, #tpu.memory_space<semaphore_mem>> -> memref<1x!tpu.dma_semaphore, #tpu.memory_space<semaphore_mem>>
    %dma_start3A_14 = tpu.memref_squeeze %dma_start3A_13 : memref<1x!tpu.dma_semaphore, #tpu.memory_space<semaphore_mem>> -> memref<!tpu.dma_semaphore, #tpu.memory_space<semaphore_mem>>
    %dma_start3A_15 = arith.constant 0 : i32
    %dma_start3A_16 = arith.constant 0 : i32
    %dma_start3A_17 = tpu.memref_slice %arg7[%dma_start3A_3, %dma_start3A_15, %dma_start3A_16] : memref<4x2x128xi32, #tpu.memory_space<vmem>> -> memref<1x2x128xi32, #tpu.memory_space<vmem>>
    %dma_start3A_18 = tpu.memref_squeeze %dma_start3A_17 : memref<1x2x128xi32, #tpu.memory_space<vmem>> -> memref<2x128xi32, #tpu.memory_space<vmem>>
    %dma_start3A_19 = arith.constant 0 : i32
    %dma_start3A_20 = arith.constant 0 : i32
    %dma_start3A_21 = tpu.memref_slice %arg3[%add3A, %dma_start3A, %dma_start3A_19, %dma_start3A_20] : memref<32x80x2x128xi32, #tpu.memory_space<hbm>> -> memref<1x1x2x128xi32, #tpu.memory_space<hbm>>
    %dma_start3A_22 = tpu.memref_squeeze %dma_start3A_21 : memref<1x1x2x128xi32, #tpu.memory_space<hbm>> -> memref<2x128xi32, #tpu.memory_space<hbm>>
    tpu.enqueue_dma source(%dma_start3A_22 : memref<2x128xi32, #tpu.memory_space<hbm>>) target(%dma_start3A_18 : memref<2x128xi32, #tpu.memory_space<vmem>>) target_semaphore(%dma_start3A_14 : memref<!tpu.dma_semaphore, #tpu.memory_space<semaphore_mem>>)
    %dma_start3A_23 = arith.constant 1 : i32
    %dma_start3A_24 = arith.constant 1 : i32
    %dma_start3A_25 = arith.constant 1 : i32
    %dma_start3A_26 = arith.constant 0 : i32
    %dma_start3A_27 = arith.constant 0 : i32
    %dma_start3A_28 = tpu.memref_slice %arg7[%dma_start3A_24, %dma_start3A_26, %dma_start3A_27] : memref<4x2x128xi32, #tpu.memory_space<vmem>> -> memref<1x2x128xi32, #tpu.memory_space<vmem>>
    %dma_start3A_29 = tpu.memref_squeeze %dma_start3A_28 : memref<1x2x128xi32, #tpu.memory_space<vmem>> -> memref<2x128xi32, #tpu.memory_space<vmem>>
    %dma_start3A_30 = arith.constant 0 : i32
    %dma_start3A_31 = arith.constant 0 : i32
    %dma_start3A_32 = tpu.memref_slice %arg3[%add3A, %dma_start3A_23, %dma_start3A_30, %dma_start3A_31] : memref<32x80x2x128xi32, #tpu.memory_space<hbm>> -> memref<1x1x2x128xi32, #tpu.memory_space<hbm>>
    %dma_start3A_33 = tpu.memref_squeeze %dma_start3A_32 : memref<1x1x2x128xi32, #tpu.memory_space<hbm>> -> memref<2x128xi32, #tpu.memory_space<hbm>>
    %dma_start3A_34 = tpu.memref_slice %arg9[%dma_start3A_25] : memref<4x!tpu.dma_semaphore, #tpu.memory_space<semaphore_mem>> -> memref<1x!tpu.dma_semaphore, #tpu.memory_space<semaphore_mem>>
    %dma_start3A_35 = tpu.memref_squeeze %dma_start3A_34 : memref<1x!tpu.dma_semaphore, #tpu.memory_space<semaphore_mem>> -> memref<!tpu.dma_semaphore, #tpu.memory_space<semaphore_mem>>
    %dma_start3A_36 = arith.constant 0 : i32
    %dma_start3A_37 = arith.constant 0 : i32
    %dma_start3A_38 = tpu.memref_slice %arg7[%dma_start3A_24, %dma_start3A_36, %dma_start3A_37] : memref<4x2x128xi32, #tpu.memory_space<vmem>> -> memref<1x2x128xi32, #tpu.memory_space<vmem>>
    %dma_start3A_39 = tpu.memref_squeeze %dma_start3A_38 : memref<1x2x128xi32, #tpu.memory_space<vmem>> -> memref<2x128xi32, #tpu.memory_space<vmem>>
    %dma_start3A_40 = arith.constant 0 : i32
    %dma_start3A_41 = arith.constant 0 : i32
    %dma_start3A_42 = tpu.memref_slice %arg3[%add3A, %dma_start3A_23, %dma_start3A_40, %dma_start3A_41] : memref<32x80x2x128xi32, #tpu.memory_space<hbm>> -> memref<1x1x2x128xi32, #tpu.memory_space<hbm>>
    %dma_start3A_43 = tpu.memref_squeeze %dma_start3A_42 : memref<1x1x2x128xi32, #tpu.memory_space<hbm>> -> memref<2x128xi32, #tpu.memory_space<hbm>>
    tpu.enqueue_dma source(%dma_start3A_43 : memref<2x128xi32, #tpu.memory_space<hbm>>) target(%dma_start3A_39 : memref<2x128xi32, #tpu.memory_space<vmem>>) target_semaphore(%dma_start3A_35 : memref<!tpu.dma_semaphore, #tpu.memory_space<semaphore_mem>>)
    %scan3A = arith.constant 0 : i32
    %scan3A_44 = arith.constant 20 : i32
    %scan3A_45 = arith.addi %scan3A, %scan3A_44 : i32
    %scan3A_46 = arith.constant 1 : i32
    scf.for %scan3A_112 = %scan3A to %scan3A_45 step %scan3A_46  : i32 {
      %mul3A_113 = arith.constant 4 : i32
      %mul3A_114 = arith.muli %scan3A_112, %mul3A_113 : i32
      %add3A_115 = arith.constant 0 : i32
      %add3A_116 = arith.addi %add3A_115, %mul3A_114 : i32
      %add3A_117 = arith.constant 0 : i32
      %add3A_118 = arith.addi %add3A_116, %add3A_117 : i32
      %ge3A = arith.constant 2 : i32
      %ge3A_119 = arith.cmpi sge, %add3A_118, %ge3A : i32
      %convert_element_type3A = arith.extui %ge3A_119 : i1 to i32
      %cond3A = arith.constant 0 : i32
      %cond3A_120 = arith.cmpi ne, %convert_element_type3A, %cond3A : i32
      scf.if %cond3A_120 {
        %dma_wait3A_337 = arith.constant 0 : i32
        %dma_wait3A_338 = arith.constant 0 : i32
        %dma_wait3A_339 = arith.constant 1 : i32
        %dma_wait3A_340 = arith.constant 0 : i32
        %dma_wait3A_341 = arith.constant 0 : i32
        %dma_wait3A_342 = arith.constant 0 : i32
        %dma_wait3A_343 = tpu.memref_slice %arg8[%dma_wait3A_337, %dma_wait3A_341, %dma_wait3A_342] : memref<2x128x128xf32, #tpu.memory_space<vmem>> -> memref<1x128x128xf32, #tpu.memory_space<vmem>>
        %dma_wait3A_344 = tpu.memref_squeeze %dma_wait3A_343 : memref<1x128x128xf32, #tpu.memory_space<vmem>> -> memref<128x128xf32, #tpu.memory_space<vmem>>
        %dma_wait3A_345 = arith.constant 0 : i32
        %dma_wait3A_346 = tpu.memref_slice %arg7[%dma_wait3A_338, %dma_wait3A_339, %dma_wait3A_345] : memref<4x2x128xi32, #tpu.memory_space<vmem>> -> memref<1x1x128xi32, #tpu.memory_space<vmem>>
        %dma_wait3A_347 = tpu.memref_squeeze %dma_wait3A_346 : memref<1x1x128xi32, #tpu.memory_space<vmem>> -> memref<128xi32, #tpu.memory_space<vmem>>
        %dma_wait3A_348 = arith.constant 0 : i32
        %dma_wait3A_349 = arith.constant 0 : i32
        %dma_wait3A_350 = tpu.memref_slice %arg6[%dma_wait3A_348, %dma_wait3A_349] : memref<10112x128xf32, #tpu.memory_space<vmem_shared>> -> memref<10112x128xf32, #tpu.memory_space<vmem_shared>>
        %dma_wait3A_351 = tpu.memref_slice %arg11[%dma_wait3A_340] : memref<2x!tpu.dma_semaphore, #tpu.memory_space<semaphore_mem>> -> memref<1x!tpu.dma_semaphore, #tpu.memory_space<semaphore_mem>>
        %dma_wait3A_352 = tpu.memref_squeeze %dma_wait3A_351 : memref<1x!tpu.dma_semaphore, #tpu.memory_space<semaphore_mem>> -> memref<!tpu.dma_semaphore, #tpu.memory_space<semaphore_mem>>
        tpu.wait_indirect_dma semaphore(%dma_wait3A_352 : memref<!tpu.dma_semaphore, #tpu.memory_space<semaphore_mem>>) src(%dma_wait3A_344 : memref<128x128xf32, #tpu.memory_space<vmem>>) dst(%dma_wait3A_350 : memref<10112x128xf32, #tpu.memory_space<vmem_shared>>)
      } else {
      }
      %add3A_121 = arith.constant 2 : i32
      %add3A_122 = arith.addi %add3A_118, %add3A_121 : i32
      %lt3A = arith.constant 80 : i32
      %lt3A_123 = arith.cmpi slt, %add3A_122, %lt3A : i32
      %convert_element_type3A_124 = arith.extui %lt3A_123 : i1 to i32
      %cond3A_125 = arith.constant 0 : i32
      %cond3A_126 = arith.cmpi ne, %convert_element_type3A_124, %cond3A_125 : i32
      scf.if %cond3A_126 {
        %add3A_337 = arith.constant 2 : i32
        %add3A_338 = arith.addi %add3A_118, %add3A_337 : i32
        %dma_start3A_339 = arith.constant 2 : i32
        %dma_start3A_340 = arith.constant 2 : i32
        %dma_start3A_341 = arith.constant 0 : i32
        %dma_start3A_342 = arith.constant 0 : i32
        %dma_start3A_343 = tpu.memref_slice %arg7[%dma_start3A_339, %dma_start3A_341, %dma_start3A_342] : memref<4x2x128xi32, #tpu.memory_space<vmem>> -> memref<1x2x128xi32, #tpu.memory_space<vmem>>
        %dma_start3A_344 = tpu.memref_squeeze %dma_start3A_343 : memref<1x2x128xi32, #tpu.memory_space<vmem>> -> memref<2x128xi32, #tpu.memory_space<vmem>>
        %dma_start3A_345 = arith.constant 0 : i32
        %dma_start3A_346 = arith.constant 0 : i32
        %dma_start3A_347 = tpu.memref_slice %arg3[%add3A, %add3A_338, %dma_start3A_345, %dma_start3A_346] : memref<32x80x2x128xi32, #tpu.memory_space<hbm>> -> memref<1x1x2x128xi32, #tpu.memory_space<hbm>>
        %dma_start3A_348 = tpu.memref_squeeze %dma_start3A_347 : memref<1x1x2x128xi32, #tpu.memory_space<hbm>> -> memref<2x128xi32, #tpu.memory_space<hbm>>
        %dma_start3A_349 = tpu.memref_slice %arg9[%dma_start3A_340] : memref<4x!tpu.dma_semaphore, #tpu.memory_space<semaphore_mem>> -> memref<1x!tpu.dma_semaphore, #tpu.memory_space<semaphore_mem>>
        %dma_start3A_350 = tpu.memref_squeeze %dma_start3A_349 : memref<1x!tpu.dma_semaphore, #tpu.memory_space<semaphore_mem>> -> memref<!tpu.dma_semaphore, #tpu.memory_space<semaphore_mem>>
        %dma_start3A_351 = arith.constant 0 : i32
        %dma_start3A_352 = arith.constant 0 : i32
        %dma_start3A_353 = tpu.memref_slice %arg7[%dma_start3A_339, %dma_start3A_351, %dma_start3A_352] : memref<4x2x128xi32, #tpu.memory_space<vmem>> -> memref<1x2x128xi32, #tpu.memory_space<vmem>>
        %dma_start3A_354 = tpu.memref_squeeze %dma_start3A_353 : memref<1x2x128xi32, #tpu.memory_space<vmem>> -> memref<2x128xi32, #tpu.memory_space<vmem>>
        %dma_start3A_355 = arith.constant 0 : i32
        %dma_start3A_356 = arith.constant 0 : i32
        %dma_start3A_357 = tpu.memref_slice %arg3[%add3A, %add3A_338, %dma_start3A_355, %dma_start3A_356] : memref<32x80x2x128xi32, #tpu.memory_space<hbm>> -> memref<1x1x2x128xi32, #tpu.memory_space<hbm>>
        %dma_start3A_358 = tpu.memref_squeeze %dma_start3A_357 : memref<1x1x2x128xi32, #tpu.memory_space<hbm>> -> memref<2x128xi32, #tpu.memory_space<hbm>>
        tpu.enqueue_dma source(%dma_start3A_358 : memref<2x128xi32, #tpu.memory_space<hbm>>) target(%dma_start3A_354 : memref<2x128xi32, #tpu.memory_space<vmem>>) target_semaphore(%dma_start3A_350 : memref<!tpu.dma_semaphore, #tpu.memory_space<semaphore_mem>>)
      } else {
      }
      %dma_wait3A_127 = arith.constant 0 : i32
      %dma_wait3A_128 = arith.constant 0 : i32
      %dma_wait3A_129 = arith.constant 0 : i32
      %dma_wait3A_130 = arith.constant 0 : i32
      %dma_wait3A_131 = arith.constant 0 : i32
      %dma_wait3A_132 = tpu.memref_slice %arg7[%dma_wait3A_128, %dma_wait3A_130, %dma_wait3A_131] : memref<4x2x128xi32, #tpu.memory_space<vmem>> -> memref<1x2x128xi32, #tpu.memory_space<vmem>>
      %dma_wait3A_133 = tpu.memref_squeeze %dma_wait3A_132 : memref<1x2x128xi32, #tpu.memory_space<vmem>> -> memref<2x128xi32, #tpu.memory_space<vmem>>
      %dma_wait3A_134 = arith.constant 0 : i32
      %dma_wait3A_135 = arith.constant 0 : i32
      %dma_wait3A_136 = tpu.memref_slice %arg3[%add3A, %dma_wait3A_127, %dma_wait3A_134, %dma_wait3A_135] : memref<32x80x2x128xi32, #tpu.memory_space<hbm>> -> memref<1x1x2x128xi32, #tpu.memory_space<hbm>>
      %dma_wait3A_137 = tpu.memref_squeeze %dma_wait3A_136 : memref<1x1x2x128xi32, #tpu.memory_space<hbm>> -> memref<2x128xi32, #tpu.memory_space<hbm>>
      %dma_wait3A_138 = tpu.memref_slice %arg9[%dma_wait3A_129] : memref<4x!tpu.dma_semaphore, #tpu.memory_space<semaphore_mem>> -> memref<1x!tpu.dma_semaphore, #tpu.memory_space<semaphore_mem>>
      %dma_wait3A_139 = tpu.memref_squeeze %dma_wait3A_138 : memref<1x!tpu.dma_semaphore, #tpu.memory_space<semaphore_mem>> -> memref<!tpu.dma_semaphore, #tpu.memory_space<semaphore_mem>>
      %dma_wait3A_140 = arith.constant 0 : i32
      %dma_wait3A_141 = arith.constant 0 : i32
      %dma_wait3A_142 = tpu.memref_slice %arg7[%dma_wait3A_128, %dma_wait3A_140, %dma_wait3A_141] : memref<4x2x128xi32, #tpu.memory_space<vmem>> -> memref<1x2x128xi32, #tpu.memory_space<vmem>>
      %dma_wait3A_143 = tpu.memref_squeeze %dma_wait3A_142 : memref<1x2x128xi32, #tpu.memory_space<vmem>> -> memref<2x128xi32, #tpu.memory_space<vmem>>
      %dma_wait3A_144 = arith.constant 0 : i32
      %dma_wait3A_145 = arith.constant 0 : i32
      %dma_wait3A_146 = tpu.memref_slice %arg3[%add3A, %dma_wait3A_127, %dma_wait3A_144, %dma_wait3A_145] : memref<32x80x2x128xi32, #tpu.memory_space<hbm>> -> memref<1x1x2x128xi32, #tpu.memory_space<hbm>>
      %dma_wait3A_147 = tpu.memref_squeeze %dma_wait3A_146 : memref<1x1x2x128xi32, #tpu.memory_space<hbm>> -> memref<2x128xi32, #tpu.memory_space<hbm>>
      tpu.wait_dma2 semaphore(%dma_wait3A_139 : memref<!tpu.dma_semaphore, #tpu.memory_space<semaphore_mem>>) src(%dma_wait3A_147 : memref<2x128xi32, #tpu.memory_space<hbm>>) dst(%dma_wait3A_143 : memref<2x128xi32, #tpu.memory_space<vmem>>)
      %dma_start3A_148 = arith.constant 0 : i32
      %dma_start3A_149 = arith.constant 0 : i32
      %dma_start3A_150 = arith.constant 0 : i32
      %dma_start3A_151 = arith.constant 0 : i32
      %dma_start3A_152 = arith.constant 0 : i32
      %dma_start3A_153 = arith.constant 0 : i32
      %dma_start3A_154 = tpu.memref_slice %arg8[%dma_start3A_150, %dma_start3A_152, %dma_start3A_153] : memref<2x128x128xf32, #tpu.memory_space<vmem>> -> memref<1x128x128xf32, #tpu.memory_space<vmem>>
      %dma_start3A_155 = tpu.memref_squeeze %dma_start3A_154 : memref<1x128x128xf32, #tpu.memory_space<vmem>> -> memref<128x128xf32, #tpu.memory_space<vmem>>
      %dma_start3A_156 = arith.constant 0 : i32
      %dma_start3A_157 = tpu.memref_slice %arg7[%dma_start3A_148, %dma_start3A_149, %dma_start3A_156] : memref<4x2x128xi32, #tpu.memory_space<vmem>> -> memref<1x1x128xi32, #tpu.memory_space<vmem>>
      %dma_start3A_158 = tpu.memref_squeeze %dma_start3A_157 : memref<1x1x128xi32, #tpu.memory_space<vmem>> -> memref<128xi32, #tpu.memory_space<vmem>>
      %dma_start3A_159 = arith.constant 0 : i32
      %dma_start3A_160 = arith.constant 0 : i32
      %dma_start3A_161 = tpu.memref_slice %arg2[%dma_start3A_159, %dma_start3A_160] : memref<10000x128xf32, #tpu.memory_space<hbm>> -> memref<10000x128xf32, #tpu.memory_space<hbm>>
      %dma_start3A_162 = tpu.memref_slice %arg10[%dma_start3A_151] : memref<2x!tpu.dma_semaphore, #tpu.memory_space<semaphore_mem>> -> memref<1x!tpu.dma_semaphore, #tpu.memory_space<semaphore_mem>>
      %dma_start3A_163 = tpu.memref_squeeze %dma_start3A_162 : memref<1x!tpu.dma_semaphore, #tpu.memory_space<semaphore_mem>> -> memref<!tpu.dma_semaphore, #tpu.memory_space<semaphore_mem>>
      tpu.enqueue_indirect_dma source(%dma_start3A_161 : memref<10000x128xf32, #tpu.memory_space<hbm>>) target(%dma_start3A_155 : memref<128x128xf32, #tpu.memory_space<vmem>>) offsets(%dma_start3A_158 : memref<128xi32, #tpu.memory_space<vmem>>) semaphore(%dma_start3A_163 : memref<!tpu.dma_semaphore, #tpu.memory_space<semaphore_mem>>)
      %ge3A_164 = arith.constant 1 : i32
      %ge3A_165 = arith.cmpi sge, %add3A_118, %ge3A_164 : i32
      %convert_element_type3A_166 = arith.extui %ge3A_165 : i1 to i32
      %cond3A_167 = arith.constant 0 : i32
      %cond3A_168 = arith.cmpi ne, %convert_element_type3A_166, %cond3A_167 : i32
      scf.if %cond3A_168 {
        %dma_wait3A_337 = arith.constant 0 : i32
        %dma_wait3A_338 = arith.constant 0 : i32
        %dma_wait3A_339 = arith.constant 1 : i32
        %dma_wait3A_340 = arith.constant 1 : i32
        %dma_wait3A_341 = arith.constant 0 : i32
        %dma_wait3A_342 = arith.constant 0 : i32
        %dma_wait3A_343 = tpu.memref_slice %arg8[%dma_wait3A_339, %dma_wait3A_341, %dma_wait3A_342] : memref<2x128x128xf32, #tpu.memory_space<vmem>> -> memref<1x128x128xf32, #tpu.memory_space<vmem>>
        %dma_wait3A_344 = tpu.memref_squeeze %dma_wait3A_343 : memref<1x128x128xf32, #tpu.memory_space<vmem>> -> memref<128x128xf32, #tpu.memory_space<vmem>>
        %dma_wait3A_345 = arith.constant 0 : i32
        %dma_wait3A_346 = tpu.memref_slice %arg7[%dma_wait3A_337, %dma_wait3A_338, %dma_wait3A_345] : memref<4x2x128xi32, #tpu.memory_space<vmem>> -> memref<1x1x128xi32, #tpu.memory_space<vmem>>
        %dma_wait3A_347 = tpu.memref_squeeze %dma_wait3A_346 : memref<1x1x128xi32, #tpu.memory_space<vmem>> -> memref<128xi32, #tpu.memory_space<vmem>>
        %dma_wait3A_348 = arith.constant 0 : i32
        %dma_wait3A_349 = arith.constant 0 : i32
        %dma_wait3A_350 = tpu.memref_slice %arg2[%dma_wait3A_348, %dma_wait3A_349] : memref<10000x128xf32, #tpu.memory_space<hbm>> -> memref<10000x128xf32, #tpu.memory_space<hbm>>
        %dma_wait3A_351 = tpu.memref_slice %arg10[%dma_wait3A_340] : memref<2x!tpu.dma_semaphore, #tpu.memory_space<semaphore_mem>> -> memref<1x!tpu.dma_semaphore, #tpu.memory_space<semaphore_mem>>
        %dma_wait3A_352 = tpu.memref_squeeze %dma_wait3A_351 : memref<1x!tpu.dma_semaphore, #tpu.memory_space<semaphore_mem>> -> memref<!tpu.dma_semaphore, #tpu.memory_space<semaphore_mem>>
        tpu.wait_indirect_dma semaphore(%dma_wait3A_352 : memref<!tpu.dma_semaphore, #tpu.memory_space<semaphore_mem>>) src(%dma_wait3A_350 : memref<10000x128xf32, #tpu.memory_space<hbm>>) dst(%dma_wait3A_344 : memref<128x128xf32, #tpu.memory_space<vmem>>)
        %sub3A = arith.constant 1 : i32
        %sub3A_353 = arith.subi %add3A_118, %sub3A : i32
        %dma_start3A_354 = arith.constant 1 : i32
        %dma_start3A_355 = arith.constant 3 : i32
        %dma_start3A_356 = arith.constant 1 : i32
        %dma_start3A_357 = arith.constant 1 : i32
        %dma_start3A_358 = arith.constant 0 : i32
        %dma_start3A_359 = arith.constant 0 : i32
        %dma_start3A_360 = tpu.memref_slice %arg8[%dma_start3A_354, %dma_start3A_358, %dma_start3A_359] : memref<2x128x128xf32, #tpu.memory_space<vmem>> -> memref<1x128x128xf32, #tpu.memory_space<vmem>>
        %dma_start3A_361 = tpu.memref_squeeze %dma_start3A_360 : memref<1x128x128xf32, #tpu.memory_space<vmem>> -> memref<128x128xf32, #tpu.memory_space<vmem>>
        %dma_start3A_362 = arith.constant 0 : i32
        %dma_start3A_363 = tpu.memref_slice %arg7[%dma_start3A_355, %dma_start3A_356, %dma_start3A_362] : memref<4x2x128xi32, #tpu.memory_space<vmem>> -> memref<1x1x128xi32, #tpu.memory_space<vmem>>
        %dma_start3A_364 = tpu.memref_squeeze %dma_start3A_363 : memref<1x1x128xi32, #tpu.memory_space<vmem>> -> memref<128xi32, #tpu.memory_space<vmem>>
        %dma_start3A_365 = arith.constant 0 : i32
        %dma_start3A_366 = arith.constant 0 : i32
        %dma_start3A_367 = tpu.memref_slice %arg6[%dma_start3A_365, %dma_start3A_366] : memref<10112x128xf32, #tpu.memory_space<vmem_shared>> -> memref<10112x128xf32, #tpu.memory_space<vmem_shared>>
        %dma_start3A_368 = tpu.memref_slice %arg11[%dma_start3A_357] : memref<2x!tpu.dma_semaphore, #tpu.memory_space<semaphore_mem>> -> memref<1x!tpu.dma_semaphore, #tpu.memory_space<semaphore_mem>>
        %dma_start3A_369 = tpu.memref_squeeze %dma_start3A_368 : memref<1x!tpu.dma_semaphore, #tpu.memory_space<semaphore_mem>> -> memref<!tpu.dma_semaphore, #tpu.memory_space<semaphore_mem>>
        tpu.enqueue_indirect_dma source(%dma_start3A_361 : memref<128x128xf32, #tpu.memory_space<vmem>>) target(%dma_start3A_367 : memref<10112x128xf32, #tpu.memory_space<vmem_shared>>) offsets(%dma_start3A_364 : memref<128xi32, #tpu.memory_space<vmem>>) semaphore(%dma_start3A_369 : memref<!tpu.dma_semaphore, #tpu.memory_space<semaphore_mem>>) {add = true}
      } else {
      }
      %add3A_169 = arith.constant 1 : i32
      %add3A_170 = arith.addi %add3A_116, %add3A_169 : i32
      %ge3A_171 = arith.constant 2 : i32
      %ge3A_172 = arith.cmpi sge, %add3A_170, %ge3A_171 : i32
      %convert_element_type3A_173 = arith.extui %ge3A_172 : i1 to i32
      %cond3A_174 = arith.constant 0 : i32
      %cond3A_175 = arith.cmpi ne, %convert_element_type3A_173, %cond3A_174 : i32
      scf.if %cond3A_175 {
        %dma_wait3A_337 = arith.constant 1 : i32
        %dma_wait3A_338 = arith.constant 0 : i32
        %dma_wait3A_339 = arith.constant 1 : i32
        %dma_wait3A_340 = arith.constant 1 : i32
        %dma_wait3A_341 = arith.constant 0 : i32
        %dma_wait3A_342 = arith.constant 0 : i32
        %dma_wait3A_343 = tpu.memref_slice %arg8[%dma_wait3A_337, %dma_wait3A_341, %dma_wait3A_342] : memref<2x128x128xf32, #tpu.memory_space<vmem>> -> memref<1x128x128xf32, #tpu.memory_space<vmem>>
        %dma_wait3A_344 = tpu.memref_squeeze %dma_wait3A_343 : memref<1x128x128xf32, #tpu.memory_space<vmem>> -> memref<128x128xf32, #tpu.memory_space<vmem>>
        %dma_wait3A_345 = arith.constant 0 : i32
        %dma_wait3A_346 = tpu.memref_slice %arg7[%dma_wait3A_338, %dma_wait3A_339, %dma_wait3A_345] : memref<4x2x128xi32, #tpu.memory_space<vmem>> -> memref<1x1x128xi32, #tpu.memory_space<vmem>>
        %dma_wait3A_347 = tpu.memref_squeeze %dma_wait3A_346 : memref<1x1x128xi32, #tpu.memory_space<vmem>> -> memref<128xi32, #tpu.memory_space<vmem>>
        %dma_wait3A_348 = arith.constant 0 : i32
        %dma_wait3A_349 = arith.constant 0 : i32
        %dma_wait3A_350 = tpu.memref_slice %arg6[%dma_wait3A_348, %dma_wait3A_349] : memref<10112x128xf32, #tpu.memory_space<vmem_shared>> -> memref<10112x128xf32, #tpu.memory_space<vmem_shared>>
        %dma_wait3A_351 = tpu.memref_slice %arg11[%dma_wait3A_340] : memref<2x!tpu.dma_semaphore, #tpu.memory_space<semaphore_mem>> -> memref<1x!tpu.dma_semaphore, #tpu.memory_space<semaphore_mem>>
        %dma_wait3A_352 = tpu.memref_squeeze %dma_wait3A_351 : memref<1x!tpu.dma_semaphore, #tpu.memory_space<semaphore_mem>> -> memref<!tpu.dma_semaphore, #tpu.memory_space<semaphore_mem>>
        tpu.wait_indirect_dma semaphore(%dma_wait3A_352 : memref<!tpu.dma_semaphore, #tpu.memory_space<semaphore_mem>>) src(%dma_wait3A_344 : memref<128x128xf32, #tpu.memory_space<vmem>>) dst(%dma_wait3A_350 : memref<10112x128xf32, #tpu.memory_space<vmem_shared>>)
      } else {
      }
      %add3A_176 = arith.constant 2 : i32
      %add3A_177 = arith.addi %add3A_170, %add3A_176 : i32
      %lt3A_178 = arith.constant 80 : i32
      %lt3A_179 = arith.cmpi slt, %add3A_177, %lt3A_178 : i32
      %convert_element_type3A_180 = arith.extui %lt3A_179 : i1 to i32
      %cond3A_181 = arith.constant 0 : i32
      %cond3A_182 = arith.cmpi ne, %convert_element_type3A_180, %cond3A_181 : i32
      scf.if %cond3A_182 {
        %add3A_337 = arith.constant 2 : i32
        %add3A_338 = arith.addi %add3A_170, %add3A_337 : i32
        %dma_start3A_339 = arith.constant 3 : i32
        %dma_start3A_340 = arith.constant 3 : i32
        %dma_start3A_341 = arith.constant 0 : i32
        %dma_start3A_342 = arith.constant 0 : i32
        %dma_start3A_343 = tpu.memref_slice %arg7[%dma_start3A_339, %dma_start3A_341, %dma_start3A_342] : memref<4x2x128xi32, #tpu.memory_space<vmem>> -> memref<1x2x128xi32, #tpu.memory_space<vmem>>
        %dma_start3A_344 = tpu.memref_squeeze %dma_start3A_343 : memref<1x2x128xi32, #tpu.memory_space<vmem>> -> memref<2x128xi32, #tpu.memory_space<vmem>>
        %dma_start3A_345 = arith.constant 0 : i32
        %dma_start3A_346 = arith.constant 0 : i32
        %dma_start3A_347 = tpu.memref_slice %arg3[%add3A, %add3A_338, %dma_start3A_345, %dma_start3A_346] : memref<32x80x2x128xi32, #tpu.memory_space<hbm>> -> memref<1x1x2x128xi32, #tpu.memory_space<hbm>>
        %dma_start3A_348 = tpu.memref_squeeze %dma_start3A_347 : memref<1x1x2x128xi32, #tpu.memory_space<hbm>> -> memref<2x128xi32, #tpu.memory_space<hbm>>
        %dma_start3A_349 = tpu.memref_slice %arg9[%dma_start3A_340] : memref<4x!tpu.dma_semaphore, #tpu.memory_space<semaphore_mem>> -> memref<1x!tpu.dma_semaphore, #tpu.memory_space<semaphore_mem>>
        %dma_start3A_350 = tpu.memref_squeeze %dma_start3A_349 : memref<1x!tpu.dma_semaphore, #tpu.memory_space<semaphore_mem>> -> memref<!tpu.dma_semaphore, #tpu.memory_space<semaphore_mem>>
        %dma_start3A_351 = arith.constant 0 : i32
        %dma_start3A_352 = arith.constant 0 : i32
        %dma_start3A_353 = tpu.memref_slice %arg7[%dma_start3A_339, %dma_start3A_351, %dma_start3A_352] : memref<4x2x128xi32, #tpu.memory_space<vmem>> -> memref<1x2x128xi32, #tpu.memory_space<vmem>>
        %dma_start3A_354 = tpu.memref_squeeze %dma_start3A_353 : memref<1x2x128xi32, #tpu.memory_space<vmem>> -> memref<2x128xi32, #tpu.memory_space<vmem>>
        %dma_start3A_355 = arith.constant 0 : i32
        %dma_start3A_356 = arith.constant 0 : i32
        %dma_start3A_357 = tpu.memref_slice %arg3[%add3A, %add3A_338, %dma_start3A_355, %dma_start3A_356] : memref<32x80x2x128xi32, #tpu.memory_space<hbm>> -> memref<1x1x2x128xi32, #tpu.memory_space<hbm>>
        %dma_start3A_358 = tpu.memref_squeeze %dma_start3A_357 : memref<1x1x2x128xi32, #tpu.memory_space<hbm>> -> memref<2x128xi32, #tpu.memory_space<hbm>>
        tpu.enqueue_dma source(%dma_start3A_358 : memref<2x128xi32, #tpu.memory_space<hbm>>) target(%dma_start3A_354 : memref<2x128xi32, #tpu.memory_space<vmem>>) target_semaphore(%dma_start3A_350 : memref<!tpu.dma_semaphore, #tpu.memory_space<semaphore_mem>>)
      } else {
      }
      %dma_wait3A_183 = arith.constant 0 : i32
      %dma_wait3A_184 = arith.constant 1 : i32
      %dma_wait3A_185 = arith.constant 1 : i32
      %dma_wait3A_186 = arith.constant 0 : i32
      %dma_wait3A_187 = arith.constant 0 : i32
      %dma_wait3A_188 = tpu.memref_slice %arg7[%dma_wait3A_184, %dma_wait3A_186, %dma_wait3A_187] : memref<4x2x128xi32, #tpu.memory_space<vmem>> -> memref<1x2x128xi32, #tpu.memory_space<vmem>>
      %dma_wait3A_189 = tpu.memref_squeeze %dma_wait3A_188 : memref<1x2x128xi32, #tpu.memory_space<vmem>> -> memref<2x128xi32, #tpu.memory_space<vmem>>
      %dma_wait3A_190 = arith.constant 0 : i32
      %dma_wait3A_191 = arith.constant 0 : i32
      %dma_wait3A_192 = tpu.memref_slice %arg3[%add3A, %dma_wait3A_183, %dma_wait3A_190, %dma_wait3A_191] : memref<32x80x2x128xi32, #tpu.memory_space<hbm>> -> memref<1x1x2x128xi32, #tpu.memory_space<hbm>>
      %dma_wait3A_193 = tpu.memref_squeeze %dma_wait3A_192 : memref<1x1x2x128xi32, #tpu.memory_space<hbm>> -> memref<2x128xi32, #tpu.memory_space<hbm>>
      %dma_wait3A_194 = tpu.memref_slice %arg9[%dma_wait3A_185] : memref<4x!tpu.dma_semaphore, #tpu.memory_space<semaphore_mem>> -> memref<1x!tpu.dma_semaphore, #tpu.memory_space<semaphore_mem>>
      %dma_wait3A_195 = tpu.memref_squeeze %dma_wait3A_194 : memref<1x!tpu.dma_semaphore, #tpu.memory_space<semaphore_mem>> -> memref<!tpu.dma_semaphore, #tpu.memory_space<semaphore_mem>>
      %dma_wait3A_196 = arith.constant 0 : i32
      %dma_wait3A_197 = arith.constant 0 : i32
      %dma_wait3A_198 = tpu.memref_slice %arg7[%dma_wait3A_184, %dma_wait3A_196, %dma_wait3A_197] : memref<4x2x128xi32, #tpu.memory_space<vmem>> -> memref<1x2x128xi32, #tpu.memory_space<vmem>>
      %dma_wait3A_199 = tpu.memref_squeeze %dma_wait3A_198 : memref<1x2x128xi32, #tpu.memory_space<vmem>> -> memref<2x128xi32, #tpu.memory_space<vmem>>
      %dma_wait3A_200 = arith.constant 0 : i32
      %dma_wait3A_201 = arith.constant 0 : i32
      %dma_wait3A_202 = tpu.memref_slice %arg3[%add3A, %dma_wait3A_183, %dma_wait3A_200, %dma_wait3A_201] : memref<32x80x2x128xi32, #tpu.memory_space<hbm>> -> memref<1x1x2x128xi32, #tpu.memory_space<hbm>>
      %dma_wait3A_203 = tpu.memref_squeeze %dma_wait3A_202 : memref<1x1x2x128xi32, #tpu.memory_space<hbm>> -> memref<2x128xi32, #tpu.memory_space<hbm>>
      tpu.wait_dma2 semaphore(%dma_wait3A_195 : memref<!tpu.dma_semaphore, #tpu.memory_space<semaphore_mem>>) src(%dma_wait3A_203 : memref<2x128xi32, #tpu.memory_space<hbm>>) dst(%dma_wait3A_199 : memref<2x128xi32, #tpu.memory_space<vmem>>)
      %dma_start3A_204 = arith.constant 1 : i32
      %dma_start3A_205 = arith.constant 0 : i32
      %dma_start3A_206 = arith.constant 1 : i32
      %dma_start3A_207 = arith.constant 1 : i32
      %dma_start3A_208 = arith.constant 0 : i32
      %dma_start3A_209 = arith.constant 0 : i32
      %dma_start3A_210 = tpu.memref_slice %arg8[%dma_start3A_206, %dma_start3A_208, %dma_start3A_209] : memref<2x128x128xf32, #tpu.memory_space<vmem>> -> memref<1x128x128xf32, #tpu.memory_space<vmem>>
      %dma_start3A_211 = tpu.memref_squeeze %dma_start3A_210 : memref<1x128x128xf32, #tpu.memory_space<vmem>> -> memref<128x128xf32, #tpu.memory_space<vmem>>
      %dma_start3A_212 = arith.constant 0 : i32
      %dma_start3A_213 = tpu.memref_slice %arg7[%dma_start3A_204, %dma_start3A_205, %dma_start3A_212] : memref<4x2x128xi32, #tpu.memory_space<vmem>> -> memref<1x1x128xi32, #tpu.memory_space<vmem>>
      %dma_start3A_214 = tpu.memref_squeeze %dma_start3A_213 : memref<1x1x128xi32, #tpu.memory_space<vmem>> -> memref<128xi32, #tpu.memory_space<vmem>>
      %dma_start3A_215 = arith.constant 0 : i32
      %dma_start3A_216 = arith.constant 0 : i32
      %dma_start3A_217 = tpu.memref_slice %arg2[%dma_start3A_215, %dma_start3A_216] : memref<10000x128xf32, #tpu.memory_space<hbm>> -> memref<10000x128xf32, #tpu.memory_space<hbm>>
      %dma_start3A_218 = tpu.memref_slice %arg10[%dma_start3A_207] : memref<2x!tpu.dma_semaphore, #tpu.memory_space<semaphore_mem>> -> memref<1x!tpu.dma_semaphore, #tpu.memory_space<semaphore_mem>>
      %dma_start3A_219 = tpu.memref_squeeze %dma_start3A_218 : memref<1x!tpu.dma_semaphore, #tpu.memory_space<semaphore_mem>> -> memref<!tpu.dma_semaphore, #tpu.memory_space<semaphore_mem>>
      tpu.enqueue_indirect_dma source(%dma_start3A_217 : memref<10000x128xf32, #tpu.memory_space<hbm>>) target(%dma_start3A_211 : memref<128x128xf32, #tpu.memory_space<vmem>>) offsets(%dma_start3A_214 : memref<128xi32, #tpu.memory_space<vmem>>) semaphore(%dma_start3A_219 : memref<!tpu.dma_semaphore, #tpu.memory_space<semaphore_mem>>)
      %ge3A_220 = arith.constant 1 : i32
      %ge3A_221 = arith.cmpi sge, %add3A_170, %ge3A_220 : i32
      %convert_element_type3A_222 = arith.extui %ge3A_221 : i1 to i32
      %cond3A_223 = arith.constant 0 : i32
      %cond3A_224 = arith.cmpi ne, %convert_element_type3A_222, %cond3A_223 : i32
      scf.if %cond3A_224 {
        %dma_wait3A_337 = arith.constant 0 : i32
        %dma_wait3A_338 = arith.constant 0 : i32
        %dma_wait3A_339 = arith.constant 0 : i32
        %dma_wait3A_340 = arith.constant 0 : i32
        %dma_wait3A_341 = arith.constant 0 : i32
        %dma_wait3A_342 = arith.constant 0 : i32
        %dma_wait3A_343 = tpu.memref_slice %arg8[%dma_wait3A_339, %dma_wait3A_341, %dma_wait3A_342] : memref<2x128x128xf32, #tpu.memory_space<vmem>> -> memref<1x128x128xf32, #tpu.memory_space<vmem>>
        %dma_wait3A_344 = tpu.memref_squeeze %dma_wait3A_343 : memref<1x128x128xf32, #tpu.memory_space<vmem>> -> memref<128x128xf32, #tpu.memory_space<vmem>>
        %dma_wait3A_345 = arith.constant 0 : i32
        %dma_wait3A_346 = tpu.memref_slice %arg7[%dma_wait3A_337, %dma_wait3A_338, %dma_wait3A_345] : memref<4x2x128xi32, #tpu.memory_space<vmem>> -> memref<1x1x128xi32, #tpu.memory_space<vmem>>
        %dma_wait3A_347 = tpu.memref_squeeze %dma_wait3A_346 : memref<1x1x128xi32, #tpu.memory_space<vmem>> -> memref<128xi32, #tpu.memory_space<vmem>>
        %dma_wait3A_348 = arith.constant 0 : i32
        %dma_wait3A_349 = arith.constant 0 : i32
        %dma_wait3A_350 = tpu.memref_slice %arg2[%dma_wait3A_348, %dma_wait3A_349] : memref<10000x128xf32, #tpu.memory_space<hbm>> -> memref<10000x128xf32, #tpu.memory_space<hbm>>
        %dma_wait3A_351 = tpu.memref_slice %arg10[%dma_wait3A_340] : memref<2x!tpu.dma_semaphore, #tpu.memory_space<semaphore_mem>> -> memref<1x!tpu.dma_semaphore, #tpu.memory_space<semaphore_mem>>
        %dma_wait3A_352 = tpu.memref_squeeze %dma_wait3A_351 : memref<1x!tpu.dma_semaphore, #tpu.memory_space<semaphore_mem>> -> memref<!tpu.dma_semaphore, #tpu.memory_space<semaphore_mem>>
        tpu.wait_indirect_dma semaphore(%dma_wait3A_352 : memref<!tpu.dma_semaphore, #tpu.memory_space<semaphore_mem>>) src(%dma_wait3A_350 : memref<10000x128xf32, #tpu.memory_space<hbm>>) dst(%dma_wait3A_344 : memref<128x128xf32, #tpu.memory_space<vmem>>)
        %sub3A = arith.constant 1 : i32
        %sub3A_353 = arith.subi %add3A_170, %sub3A : i32
        %dma_start3A_354 = arith.constant 0 : i32
        %dma_start3A_355 = arith.constant 0 : i32
        %dma_start3A_356 = arith.constant 1 : i32
        %dma_start3A_357 = arith.constant 0 : i32
        %dma_start3A_358 = arith.constant 0 : i32
        %dma_start3A_359 = arith.constant 0 : i32
        %dma_start3A_360 = tpu.memref_slice %arg8[%dma_start3A_354, %dma_start3A_358, %dma_start3A_359] : memref<2x128x128xf32, #tpu.memory_space<vmem>> -> memref<1x128x128xf32, #tpu.memory_space<vmem>>
        %dma_start3A_361 = tpu.memref_squeeze %dma_start3A_360 : memref<1x128x128xf32, #tpu.memory_space<vmem>> -> memref<128x128xf32, #tpu.memory_space<vmem>>
        %dma_start3A_362 = arith.constant 0 : i32
        %dma_start3A_363 = tpu.memref_slice %arg7[%dma_start3A_355, %dma_start3A_356, %dma_start3A_362] : memref<4x2x128xi32, #tpu.memory_space<vmem>> -> memref<1x1x128xi32, #tpu.memory_space<vmem>>
        %dma_start3A_364 = tpu.memref_squeeze %dma_start3A_363 : memref<1x1x128xi32, #tpu.memory_space<vmem>> -> memref<128xi32, #tpu.memory_space<vmem>>
        %dma_start3A_365 = arith.constant 0 : i32
        %dma_start3A_366 = arith.constant 0 : i32
        %dma_start3A_367 = tpu.memref_slice %arg6[%dma_start3A_365, %dma_start3A_366] : memref<10112x128xf32, #tpu.memory_space<vmem_shared>> -> memref<10112x128xf32, #tpu.memory_space<vmem_shared>>
        %dma_start3A_368 = tpu.memref_slice %arg11[%dma_start3A_357] : memref<2x!tpu.dma_semaphore, #tpu.memory_space<semaphore_mem>> -> memref<1x!tpu.dma_semaphore, #tpu.memory_space<semaphore_mem>>
        %dma_start3A_369 = tpu.memref_squeeze %dma_start3A_368 : memref<1x!tpu.dma_semaphore, #tpu.memory_space<semaphore_mem>> -> memref<!tpu.dma_semaphore, #tpu.memory_space<semaphore_mem>>
        tpu.enqueue_indirect_dma source(%dma_start3A_361 : memref<128x128xf32, #tpu.memory_space<vmem>>) target(%dma_start3A_367 : memref<10112x128xf32, #tpu.memory_space<vmem_shared>>) offsets(%dma_start3A_364 : memref<128xi32, #tpu.memory_space<vmem>>) semaphore(%dma_start3A_369 : memref<!tpu.dma_semaphore, #tpu.memory_space<semaphore_mem>>) {add = true}
      } else {
      }
      %add3A_225 = arith.constant 2 : i32
      %add3A_226 = arith.addi %add3A_116, %add3A_225 : i32
      %ge3A_227 = arith.constant 2 : i32
      %ge3A_228 = arith.cmpi sge, %add3A_226, %ge3A_227 : i32
      %convert_element_type3A_229 = arith.extui %ge3A_228 : i1 to i32
      %cond3A_230 = arith.constant 0 : i32
      %cond3A_231 = arith.cmpi ne, %convert_element_type3A_229, %cond3A_230 : i32
      scf.if %cond3A_231 {
        %dma_wait3A_337 = arith.constant 0 : i32
        %dma_wait3A_338 = arith.constant 0 : i32
        %dma_wait3A_339 = arith.constant 1 : i32
        %dma_wait3A_340 = arith.constant 0 : i32
        %dma_wait3A_341 = arith.constant 0 : i32
        %dma_wait3A_342 = arith.constant 0 : i32
        %dma_wait3A_343 = tpu.memref_slice %arg8[%dma_wait3A_337, %dma_wait3A_341, %dma_wait3A_342] : memref<2x128x128xf32, #tpu.memory_space<vmem>> -> memref<1x128x128xf32, #tpu.memory_space<vmem>>
        %dma_wait3A_344 = tpu.memref_squeeze %dma_wait3A_343 : memref<1x128x128xf32, #tpu.memory_space<vmem>> -> memref<128x128xf32, #tpu.memory_space<vmem>>
        %dma_wait3A_345 = arith.constant 0 : i32
        %dma_wait3A_346 = tpu.memref_slice %arg7[%dma_wait3A_338, %dma_wait3A_339, %dma_wait3A_345] : memref<4x2x128xi32, #tpu.memory_space<vmem>> -> memref<1x1x128xi32, #tpu.memory_space<vmem>>
        %dma_wait3A_347 = tpu.memref_squeeze %dma_wait3A_346 : memref<1x1x128xi32, #tpu.memory_space<vmem>> -> memref<128xi32, #tpu.memory_space<vmem>>
        %dma_wait3A_348 = arith.constant 0 : i32
        %dma_wait3A_349 = arith.constant 0 : i32
        %dma_wait3A_350 = tpu.memref_slice %arg6[%dma_wait3A_348, %dma_wait3A_349] : memref<10112x128xf32, #tpu.memory_space<vmem_shared>> -> memref<10112x128xf32, #tpu.memory_space<vmem_shared>>
        %dma_wait3A_351 = tpu.memref_slice %arg11[%dma_wait3A_340] : memref<2x!tpu.dma_semaphore, #tpu.memory_space<semaphore_mem>> -> memref<1x!tpu.dma_semaphore, #tpu.memory_space<semaphore_mem>>
        %dma_wait3A_352 = tpu.memref_squeeze %dma_wait3A_351 : memref<1x!tpu.dma_semaphore, #tpu.memory_space<semaphore_mem>> -> memref<!tpu.dma_semaphore, #tpu.memory_space<semaphore_mem>>
        tpu.wait_indirect_dma semaphore(%dma_wait3A_352 : memref<!tpu.dma_semaphore, #tpu.memory_space<semaphore_mem>>) src(%dma_wait3A_344 : memref<128x128xf32, #tpu.memory_space<vmem>>) dst(%dma_wait3A_350 : memref<10112x128xf32, #tpu.memory_space<vmem_shared>>)
      } else {
      }
      %add3A_232 = arith.constant 2 : i32
      %add3A_233 = arith.addi %add3A_226, %add3A_232 : i32
      %lt3A_234 = arith.constant 80 : i32
      %lt3A_235 = arith.cmpi slt, %add3A_233, %lt3A_234 : i32
      %convert_element_type3A_236 = arith.extui %lt3A_235 : i1 to i32
      %cond3A_237 = arith.constant 0 : i32
      %cond3A_238 = arith.cmpi ne, %convert_element_type3A_236, %cond3A_237 : i32
      scf.if %cond3A_238 {
        %add3A_337 = arith.constant 2 : i32
        %add3A_338 = arith.addi %add3A_226, %add3A_337 : i32
        %dma_start3A_339 = arith.constant 0 : i32
        %dma_start3A_340 = arith.constant 0 : i32
        %dma_start3A_341 = arith.constant 0 : i32
        %dma_start3A_342 = arith.constant 0 : i32
        %dma_start3A_343 = tpu.memref_slice %arg7[%dma_start3A_339, %dma_start3A_341, %dma_start3A_342] : memref<4x2x128xi32, #tpu.memory_space<vmem>> -> memref<1x2x128xi32, #tpu.memory_space<vmem>>
        %dma_start3A_344 = tpu.memref_squeeze %dma_start3A_343 : memref<1x2x128xi32, #tpu.memory_space<vmem>> -> memref<2x128xi32, #tpu.memory_space<vmem>>
        %dma_start3A_345 = arith.constant 0 : i32
        %dma_start3A_346 = arith.constant 0 : i32
        %dma_start3A_347 = tpu.memref_slice %arg3[%add3A, %add3A_338, %dma_start3A_345, %dma_start3A_346] : memref<32x80x2x128xi32, #tpu.memory_space<hbm>> -> memref<1x1x2x128xi32, #tpu.memory_space<hbm>>
        %dma_start3A_348 = tpu.memref_squeeze %dma_start3A_347 : memref<1x1x2x128xi32, #tpu.memory_space<hbm>> -> memref<2x128xi32, #tpu.memory_space<hbm>>
        %dma_start3A_349 = tpu.memref_slice %arg9[%dma_start3A_340] : memref<4x!tpu.dma_semaphore, #tpu.memory_space<semaphore_mem>> -> memref<1x!tpu.dma_semaphore, #tpu.memory_space<semaphore_mem>>
        %dma_start3A_350 = tpu.memref_squeeze %dma_start3A_349 : memref<1x!tpu.dma_semaphore, #tpu.memory_space<semaphore_mem>> -> memref<!tpu.dma_semaphore, #tpu.memory_space<semaphore_mem>>
        %dma_start3A_351 = arith.constant 0 : i32
        %dma_start3A_352 = arith.constant 0 : i32
        %dma_start3A_353 = tpu.memref_slice %arg7[%dma_start3A_339, %dma_start3A_351, %dma_start3A_352] : memref<4x2x128xi32, #tpu.memory_space<vmem>> -> memref<1x2x128xi32, #tpu.memory_space<vmem>>
        %dma_start3A_354 = tpu.memref_squeeze %dma_start3A_353 : memref<1x2x128xi32, #tpu.memory_space<vmem>> -> memref<2x128xi32, #tpu.memory_space<vmem>>
        %dma_start3A_355 = arith.constant 0 : i32
        %dma_start3A_356 = arith.constant 0 : i32
        %dma_start3A_357 = tpu.memref_slice %arg3[%add3A, %add3A_338, %dma_start3A_355, %dma_start3A_356] : memref<32x80x2x128xi32, #tpu.memory_space<hbm>> -> memref<1x1x2x128xi32, #tpu.memory_space<hbm>>
        %dma_start3A_358 = tpu.memref_squeeze %dma_start3A_357 : memref<1x1x2x128xi32, #tpu.memory_space<hbm>> -> memref<2x128xi32, #tpu.memory_space<hbm>>
        tpu.enqueue_dma source(%dma_start3A_358 : memref<2x128xi32, #tpu.memory_space<hbm>>) target(%dma_start3A_354 : memref<2x128xi32, #tpu.memory_space<vmem>>) target_semaphore(%dma_start3A_350 : memref<!tpu.dma_semaphore, #tpu.memory_space<semaphore_mem>>)
      } else {
      }
      %dma_wait3A_239 = arith.constant 0 : i32
      %dma_wait3A_240 = arith.constant 2 : i32
      %dma_wait3A_241 = arith.constant 2 : i32
      %dma_wait3A_242 = arith.constant 0 : i32
      %dma_wait3A_243 = arith.constant 0 : i32
      %dma_wait3A_244 = tpu.memref_slice %arg7[%dma_wait3A_240, %dma_wait3A_242, %dma_wait3A_243] : memref<4x2x128xi32, #tpu.memory_space<vmem>> -> memref<1x2x128xi32, #tpu.memory_space<vmem>>
      %dma_wait3A_245 = tpu.memref_squeeze %dma_wait3A_244 : memref<1x2x128xi32, #tpu.memory_space<vmem>> -> memref<2x128xi32, #tpu.memory_space<vmem>>
      %dma_wait3A_246 = arith.constant 0 : i32
      %dma_wait3A_247 = arith.constant 0 : i32
      %dma_wait3A_248 = tpu.memref_slice %arg3[%add3A, %dma_wait3A_239, %dma_wait3A_246, %dma_wait3A_247] : memref<32x80x2x128xi32, #tpu.memory_space<hbm>> -> memref<1x1x2x128xi32, #tpu.memory_space<hbm>>
      %dma_wait3A_249 = tpu.memref_squeeze %dma_wait3A_248 : memref<1x1x2x128xi32, #tpu.memory_space<hbm>> -> memref<2x128xi32, #tpu.memory_space<hbm>>
      %dma_wait3A_250 = tpu.memref_slice %arg9[%dma_wait3A_241] : memref<4x!tpu.dma_semaphore, #tpu.memory_space<semaphore_mem>> -> memref<1x!tpu.dma_semaphore, #tpu.memory_space<semaphore_mem>>
      %dma_wait3A_251 = tpu.memref_squeeze %dma_wait3A_250 : memref<1x!tpu.dma_semaphore, #tpu.memory_space<semaphore_mem>> -> memref<!tpu.dma_semaphore, #tpu.memory_space<semaphore_mem>>
      %dma_wait3A_252 = arith.constant 0 : i32
      %dma_wait3A_253 = arith.constant 0 : i32
      %dma_wait3A_254 = tpu.memref_slice %arg7[%dma_wait3A_240, %dma_wait3A_252, %dma_wait3A_253] : memref<4x2x128xi32, #tpu.memory_space<vmem>> -> memref<1x2x128xi32, #tpu.memory_space<vmem>>
      %dma_wait3A_255 = tpu.memref_squeeze %dma_wait3A_254 : memref<1x2x128xi32, #tpu.memory_space<vmem>> -> memref<2x128xi32, #tpu.memory_space<vmem>>
      %dma_wait3A_256 = arith.constant 0 : i32
      %dma_wait3A_257 = arith.constant 0 : i32
      %dma_wait3A_258 = tpu.memref_slice %arg3[%add3A, %dma_wait3A_239, %dma_wait3A_256, %dma_wait3A_257] : memref<32x80x2x128xi32, #tpu.memory_space<hbm>> -> memref<1x1x2x128xi32, #tpu.memory_space<hbm>>
      %dma_wait3A_259 = tpu.memref_squeeze %dma_wait3A_258 : memref<1x1x2x128xi32, #tpu.memory_space<hbm>> -> memref<2x128xi32, #tpu.memory_space<hbm>>
      tpu.wait_dma2 semaphore(%dma_wait3A_251 : memref<!tpu.dma_semaphore, #tpu.memory_space<semaphore_mem>>) src(%dma_wait3A_259 : memref<2x128xi32, #tpu.memory_space<hbm>>) dst(%dma_wait3A_255 : memref<2x128xi32, #tpu.memory_space<vmem>>)
      %dma_start3A_260 = arith.constant 2 : i32
      %dma_start3A_261 = arith.constant 0 : i32
      %dma_start3A_262 = arith.constant 0 : i32
      %dma_start3A_263 = arith.constant 0 : i32
      %dma_start3A_264 = arith.constant 0 : i32
      %dma_start3A_265 = arith.constant 0 : i32
      %dma_start3A_266 = tpu.memref_slice %arg8[%dma_start3A_262, %dma_start3A_264, %dma_start3A_265] : memref<2x128x128xf32, #tpu.memory_space<vmem>> -> memref<1x128x128xf32, #tpu.memory_space<vmem>>
      %dma_start3A_267 = tpu.memref_squeeze %dma_start3A_266 : memref<1x128x128xf32, #tpu.memory_space<vmem>> -> memref<128x128xf32, #tpu.memory_space<vmem>>
      %dma_start3A_268 = arith.constant 0 : i32
      %dma_start3A_269 = tpu.memref_slice %arg7[%dma_start3A_260, %dma_start3A_261, %dma_start3A_268] : memref<4x2x128xi32, #tpu.memory_space<vmem>> -> memref<1x1x128xi32, #tpu.memory_space<vmem>>
      %dma_start3A_270 = tpu.memref_squeeze %dma_start3A_269 : memref<1x1x128xi32, #tpu.memory_space<vmem>> -> memref<128xi32, #tpu.memory_space<vmem>>
      %dma_start3A_271 = arith.constant 0 : i32
      %dma_start3A_272 = arith.constant 0 : i32
      %dma_start3A_273 = tpu.memref_slice %arg2[%dma_start3A_271, %dma_start3A_272] : memref<10000x128xf32, #tpu.memory_space<hbm>> -> memref<10000x128xf32, #tpu.memory_space<hbm>>
      %dma_start3A_274 = tpu.memref_slice %arg10[%dma_start3A_263] : memref<2x!tpu.dma_semaphore, #tpu.memory_space<semaphore_mem>> -> memref<1x!tpu.dma_semaphore, #tpu.memory_space<semaphore_mem>>
      %dma_start3A_275 = tpu.memref_squeeze %dma_start3A_274 : memref<1x!tpu.dma_semaphore, #tpu.memory_space<semaphore_mem>> -> memref<!tpu.dma_semaphore, #tpu.memory_space<semaphore_mem>>
      tpu.enqueue_indirect_dma source(%dma_start3A_273 : memref<10000x128xf32, #tpu.memory_space<hbm>>) target(%dma_start3A_267 : memref<128x128xf32, #tpu.memory_space<vmem>>) offsets(%dma_start3A_270 : memref<128xi32, #tpu.memory_space<vmem>>) semaphore(%dma_start3A_275 : memref<!tpu.dma_semaphore, #tpu.memory_space<semaphore_mem>>)
      %ge3A_276 = arith.constant 1 : i32
      %ge3A_277 = arith.cmpi sge, %add3A_226, %ge3A_276 : i32
      %convert_element_type3A_278 = arith.extui %ge3A_277 : i1 to i32
      %cond3A_279 = arith.constant 0 : i32
      %cond3A_280 = arith.cmpi ne, %convert_element_type3A_278, %cond3A_279 : i32
      scf.if %cond3A_280 {
        %dma_wait3A_337 = arith.constant 0 : i32
        %dma_wait3A_338 = arith.constant 0 : i32
        %dma_wait3A_339 = arith.constant 1 : i32
        %dma_wait3A_340 = arith.constant 1 : i32
        %dma_wait3A_341 = arith.constant 0 : i32
        %dma_wait3A_342 = arith.constant 0 : i32
        %dma_wait3A_343 = tpu.memref_slice %arg8[%dma_wait3A_339, %dma_wait3A_341, %dma_wait3A_342] : memref<2x128x128xf32, #tpu.memory_space<vmem>> -> memref<1x128x128xf32, #tpu.memory_space<vmem>>
        %dma_wait3A_344 = tpu.memref_squeeze %dma_wait3A_343 : memref<1x128x128xf32, #tpu.memory_space<vmem>> -> memref<128x128xf32, #tpu.memory_space<vmem>>
        %dma_wait3A_345 = arith.constant 0 : i32
        %dma_wait3A_346 = tpu.memref_slice %arg7[%dma_wait3A_337, %dma_wait3A_338, %dma_wait3A_345] : memref<4x2x128xi32, #tpu.memory_space<vmem>> -> memref<1x1x128xi32, #tpu.memory_space<vmem>>
        %dma_wait3A_347 = tpu.memref_squeeze %dma_wait3A_346 : memref<1x1x128xi32, #tpu.memory_space<vmem>> -> memref<128xi32, #tpu.memory_space<vmem>>
        %dma_wait3A_348 = arith.constant 0 : i32
        %dma_wait3A_349 = arith.constant 0 : i32
        %dma_wait3A_350 = tpu.memref_slice %arg2[%dma_wait3A_348, %dma_wait3A_349] : memref<10000x128xf32, #tpu.memory_space<hbm>> -> memref<10000x128xf32, #tpu.memory_space<hbm>>
        %dma_wait3A_351 = tpu.memref_slice %arg10[%dma_wait3A_340] : memref<2x!tpu.dma_semaphore, #tpu.memory_space<semaphore_mem>> -> memref<1x!tpu.dma_semaphore, #tpu.memory_space<semaphore_mem>>
        %dma_wait3A_352 = tpu.memref_squeeze %dma_wait3A_351 : memref<1x!tpu.dma_semaphore, #tpu.memory_space<semaphore_mem>> -> memref<!tpu.dma_semaphore, #tpu.memory_space<semaphore_mem>>
        tpu.wait_indirect_dma semaphore(%dma_wait3A_352 : memref<!tpu.dma_semaphore, #tpu.memory_space<semaphore_mem>>) src(%dma_wait3A_350 : memref<10000x128xf32, #tpu.memory_space<hbm>>) dst(%dma_wait3A_344 : memref<128x128xf32, #tpu.memory_space<vmem>>)
        %sub3A = arith.constant 1 : i32
        %sub3A_353 = arith.subi %add3A_226, %sub3A : i32
        %dma_start3A_354 = arith.constant 1 : i32
        %dma_start3A_355 = arith.constant 1 : i32
        %dma_start3A_356 = arith.constant 1 : i32
        %dma_start3A_357 = arith.constant 1 : i32
        %dma_start3A_358 = arith.constant 0 : i32
        %dma_start3A_359 = arith.constant 0 : i32
        %dma_start3A_360 = tpu.memref_slice %arg8[%dma_start3A_354, %dma_start3A_358, %dma_start3A_359] : memref<2x128x128xf32, #tpu.memory_space<vmem>> -> memref<1x128x128xf32, #tpu.memory_space<vmem>>
        %dma_start3A_361 = tpu.memref_squeeze %dma_start3A_360 : memref<1x128x128xf32, #tpu.memory_space<vmem>> -> memref<128x128xf32, #tpu.memory_space<vmem>>
        %dma_start3A_362 = arith.constant 0 : i32
        %dma_start3A_363 = tpu.memref_slice %arg7[%dma_start3A_355, %dma_start3A_356, %dma_start3A_362] : memref<4x2x128xi32, #tpu.memory_space<vmem>> -> memref<1x1x128xi32, #tpu.memory_space<vmem>>
        %dma_start3A_364 = tpu.memref_squeeze %dma_start3A_363 : memref<1x1x128xi32, #tpu.memory_space<vmem>> -> memref<128xi32, #tpu.memory_space<vmem>>
        %dma_start3A_365 = arith.constant 0 : i32
        %dma_start3A_366 = arith.constant 0 : i32
        %dma_start3A_367 = tpu.memref_slice %arg6[%dma_start3A_365, %dma_start3A_366] : memref<10112x128xf32, #tpu.memory_space<vmem_shared>> -> memref<10112x128xf32, #tpu.memory_space<vmem_shared>>
        %dma_start3A_368 = tpu.memref_slice %arg11[%dma_start3A_357] : memref<2x!tpu.dma_semaphore, #tpu.memory_space<semaphore_mem>> -> memref<1x!tpu.dma_semaphore, #tpu.memory_space<semaphore_mem>>
        %dma_start3A_369 = tpu.memref_squeeze %dma_start3A_368 : memref<1x!tpu.dma_semaphore, #tpu.memory_space<semaphore_mem>> -> memref<!tpu.dma_semaphore, #tpu.memory_space<semaphore_mem>>
        tpu.enqueue_indirect_dma source(%dma_start3A_361 : memref<128x128xf32, #tpu.memory_space<vmem>>) target(%dma_start3A_367 : memref<10112x128xf32, #tpu.memory_space<vmem_shared>>) offsets(%dma_start3A_364 : memref<128xi32, #tpu.memory_space<vmem>>) semaphore(%dma_start3A_369 : memref<!tpu.dma_semaphore, #tpu.memory_space<semaphore_mem>>) {add = true}
      } else {
      }
      %add3A_281 = arith.constant 3 : i32
      %add3A_282 = arith.addi %add3A_116, %add3A_281 : i32
      %ge3A_283 = arith.constant 2 : i32
      %ge3A_284 = arith.cmpi sge, %add3A_282, %ge3A_283 : i32
      %convert_element_type3A_285 = arith.extui %ge3A_284 : i1 to i32
      %cond3A_286 = arith.constant 0 : i32
      %cond3A_287 = arith.cmpi ne, %convert_element_type3A_285, %cond3A_286 : i32
      scf.if %cond3A_287 {
        %dma_wait3A_337 = arith.constant 1 : i32
        %dma_wait3A_338 = arith.constant 0 : i32
        %dma_wait3A_339 = arith.constant 1 : i32
        %dma_wait3A_340 = arith.constant 1 : i32
        %dma_wait3A_341 = arith.constant 0 : i32
        %dma_wait3A_342 = arith.constant 0 : i32
        %dma_wait3A_343 = tpu.memref_slice %arg8[%dma_wait3A_337, %dma_wait3A_341, %dma_wait3A_342] : memref<2x128x128xf32, #tpu.memory_space<vmem>> -> memref<1x128x128xf32, #tpu.memory_space<vmem>>
        %dma_wait3A_344 = tpu.memref_squeeze %dma_wait3A_343 : memref<1x128x128xf32, #tpu.memory_space<vmem>> -> memref<128x128xf32, #tpu.memory_space<vmem>>
        %dma_wait3A_345 = arith.constant 0 : i32
        %dma_wait3A_346 = tpu.memref_slice %arg7[%dma_wait3A_338, %dma_wait3A_339, %dma_wait3A_345] : memref<4x2x128xi32, #tpu.memory_space<vmem>> -> memref<1x1x128xi32, #tpu.memory_space<vmem>>
        %dma_wait3A_347 = tpu.memref_squeeze %dma_wait3A_346 : memref<1x1x128xi32, #tpu.memory_space<vmem>> -> memref<128xi32, #tpu.memory_space<vmem>>
        %dma_wait3A_348 = arith.constant 0 : i32
        %dma_wait3A_349 = arith.constant 0 : i32
        %dma_wait3A_350 = tpu.memref_slice %arg6[%dma_wait3A_348, %dma_wait3A_349] : memref<10112x128xf32, #tpu.memory_space<vmem_shared>> -> memref<10112x128xf32, #tpu.memory_space<vmem_shared>>
        %dma_wait3A_351 = tpu.memref_slice %arg11[%dma_wait3A_340] : memref<2x!tpu.dma_semaphore, #tpu.memory_space<semaphore_mem>> -> memref<1x!tpu.dma_semaphore, #tpu.memory_space<semaphore_mem>>
        %dma_wait3A_352 = tpu.memref_squeeze %dma_wait3A_351 : memref<1x!tpu.dma_semaphore, #tpu.memory_space<semaphore_mem>> -> memref<!tpu.dma_semaphore, #tpu.memory_space<semaphore_mem>>
        tpu.wait_indirect_dma semaphore(%dma_wait3A_352 : memref<!tpu.dma_semaphore, #tpu.memory_space<semaphore_mem>>) src(%dma_wait3A_344 : memref<128x128xf32, #tpu.memory_space<vmem>>) dst(%dma_wait3A_350 : memref<10112x128xf32, #tpu.memory_space<vmem_shared>>)
      } else {
      }
      %add3A_288 = arith.constant 2 : i32
      %add3A_289 = arith.addi %add3A_282, %add3A_288 : i32
      %lt3A_290 = arith.constant 80 : i32
      %lt3A_291 = arith.cmpi slt, %add3A_289, %lt3A_290 : i32
      %convert_element_type3A_292 = arith.extui %lt3A_291 : i1 to i32
      %cond3A_293 = arith.constant 0 : i32
      %cond3A_294 = arith.cmpi ne, %convert_element_type3A_292, %cond3A_293 : i32
      scf.if %cond3A_294 {
        %add3A_337 = arith.constant 2 : i32
        %add3A_338 = arith.addi %add3A_282, %add3A_337 : i32
        %dma_start3A_339 = arith.constant 1 : i32
        %dma_start3A_340 = arith.constant 1 : i32
        %dma_start3A_341 = arith.constant 0 : i32
        %dma_start3A_342 = arith.constant 0 : i32
        %dma_start3A_343 = tpu.memref_slice %arg7[%dma_start3A_339, %dma_start3A_341, %dma_start3A_342] : memref<4x2x128xi32, #tpu.memory_space<vmem>> -> memref<1x2x128xi32, #tpu.memory_space<vmem>>
        %dma_start3A_344 = tpu.memref_squeeze %dma_start3A_343 : memref<1x2x128xi32, #tpu.memory_space<vmem>> -> memref<2x128xi32, #tpu.memory_space<vmem>>
        %dma_start3A_345 = arith.constant 0 : i32
        %dma_start3A_346 = arith.constant 0 : i32
        %dma_start3A_347 = tpu.memref_slice %arg3[%add3A, %add3A_338, %dma_start3A_345, %dma_start3A_346] : memref<32x80x2x128xi32, #tpu.memory_space<hbm>> -> memref<1x1x2x128xi32, #tpu.memory_space<hbm>>
        %dma_start3A_348 = tpu.memref_squeeze %dma_start3A_347 : memref<1x1x2x128xi32, #tpu.memory_space<hbm>> -> memref<2x128xi32, #tpu.memory_space<hbm>>
        %dma_start3A_349 = tpu.memref_slice %arg9[%dma_start3A_340] : memref<4x!tpu.dma_semaphore, #tpu.memory_space<semaphore_mem>> -> memref<1x!tpu.dma_semaphore, #tpu.memory_space<semaphore_mem>>
        %dma_start3A_350 = tpu.memref_squeeze %dma_start3A_349 : memref<1x!tpu.dma_semaphore, #tpu.memory_space<semaphore_mem>> -> memref<!tpu.dma_semaphore, #tpu.memory_space<semaphore_mem>>
        %dma_start3A_351 = arith.constant 0 : i32
        %dma_start3A_352 = arith.constant 0 : i32
        %dma_start3A_353 = tpu.memref_slice %arg7[%dma_start3A_339, %dma_start3A_351, %dma_start3A_352] : memref<4x2x128xi32, #tpu.memory_space<vmem>> -> memref<1x2x128xi32, #tpu.memory_space<vmem>>
        %dma_start3A_354 = tpu.memref_squeeze %dma_start3A_353 : memref<1x2x128xi32, #tpu.memory_space<vmem>> -> memref<2x128xi32, #tpu.memory_space<vmem>>
        %dma_start3A_355 = arith.constant 0 : i32
        %dma_start3A_356 = arith.constant 0 : i32
        %dma_start3A_357 = tpu.memref_slice %arg3[%add3A, %add3A_338, %dma_start3A_355, %dma_start3A_356] : memref<32x80x2x128xi32, #tpu.memory_space<hbm>> -> memref<1x1x2x128xi32, #tpu.memory_space<hbm>>
        %dma_start3A_358 = tpu.memref_squeeze %dma_start3A_357 : memref<1x1x2x128xi32, #tpu.memory_space<hbm>> -> memref<2x128xi32, #tpu.memory_space<hbm>>
        tpu.enqueue_dma source(%dma_start3A_358 : memref<2x128xi32, #tpu.memory_space<hbm>>) target(%dma_start3A_354 : memref<2x128xi32, #tpu.memory_space<vmem>>) target_semaphore(%dma_start3A_350 : memref<!tpu.dma_semaphore, #tpu.memory_space<semaphore_mem>>)
      } else {
      }
      %dma_wait3A_295 = arith.constant 0 : i32
      %dma_wait3A_296 = arith.constant 3 : i32
      %dma_wait3A_297 = arith.constant 3 : i32
      %dma_wait3A_298 = arith.constant 0 : i32
      %dma_wait3A_299 = arith.constant 0 : i32
      %dma_wait3A_300 = tpu.memref_slice %arg7[%dma_wait3A_296, %dma_wait3A_298, %dma_wait3A_299] : memref<4x2x128xi32, #tpu.memory_space<vmem>> -> memref<1x2x128xi32, #tpu.memory_space<vmem>>
      %dma_wait3A_301 = tpu.memref_squeeze %dma_wait3A_300 : memref<1x2x128xi32, #tpu.memory_space<vmem>> -> memref<2x128xi32, #tpu.memory_space<vmem>>
      %dma_wait3A_302 = arith.constant 0 : i32
      %dma_wait3A_303 = arith.constant 0 : i32
      %dma_wait3A_304 = tpu.memref_slice %arg3[%add3A, %dma_wait3A_295, %dma_wait3A_302, %dma_wait3A_303] : memref<32x80x2x128xi32, #tpu.memory_space<hbm>> -> memref<1x1x2x128xi32, #tpu.memory_space<hbm>>
      %dma_wait3A_305 = tpu.memref_squeeze %dma_wait3A_304 : memref<1x1x2x128xi32, #tpu.memory_space<hbm>> -> memref<2x128xi32, #tpu.memory_space<hbm>>
      %dma_wait3A_306 = tpu.memref_slice %arg9[%dma_wait3A_297] : memref<4x!tpu.dma_semaphore, #tpu.memory_space<semaphore_mem>> -> memref<1x!tpu.dma_semaphore, #tpu.memory_space<semaphore_mem>>
      %dma_wait3A_307 = tpu.memref_squeeze %dma_wait3A_306 : memref<1x!tpu.dma_semaphore, #tpu.memory_space<semaphore_mem>> -> memref<!tpu.dma_semaphore, #tpu.memory_space<semaphore_mem>>
      %dma_wait3A_308 = arith.constant 0 : i32
      %dma_wait3A_309 = arith.constant 0 : i32
      %dma_wait3A_310 = tpu.memref_slice %arg7[%dma_wait3A_296, %dma_wait3A_308, %dma_wait3A_309] : memref<4x2x128xi32, #tpu.memory_space<vmem>> -> memref<1x2x128xi32, #tpu.memory_space<vmem>>
      %dma_wait3A_311 = tpu.memref_squeeze %dma_wait3A_310 : memref<1x2x128xi32, #tpu.memory_space<vmem>> -> memref<2x128xi32, #tpu.memory_space<vmem>>
      %dma_wait3A_312 = arith.constant 0 : i32
      %dma_wait3A_313 = arith.constant 0 : i32
      %dma_wait3A_314 = tpu.memref_slice %arg3[%add3A, %dma_wait3A_295, %dma_wait3A_312, %dma_wait3A_313] : memref<32x80x2x128xi32, #tpu.memory_space<hbm>> -> memref<1x1x2x128xi32, #tpu.memory_space<hbm>>
      %dma_wait3A_315 = tpu.memref_squeeze %dma_wait3A_314 : memref<1x1x2x128xi32, #tpu.memory_space<hbm>> -> memref<2x128xi32, #tpu.memory_space<hbm>>
      tpu.wait_dma2 semaphore(%dma_wait3A_307 : memref<!tpu.dma_semaphore, #tpu.memory_space<semaphore_mem>>) src(%dma_wait3A_315 : memref<2x128xi32, #tpu.memory_space<hbm>>) dst(%dma_wait3A_311 : memref<2x128xi32, #tpu.memory_space<vmem>>)
      %dma_start3A_316 = arith.constant 3 : i32
      %dma_start3A_317 = arith.constant 0 : i32
      %dma_start3A_318 = arith.constant 1 : i32
      %dma_start3A_319 = arith.constant 1 : i32
      %dma_start3A_320 = arith.constant 0 : i32
      %dma_start3A_321 = arith.constant 0 : i32
      %dma_start3A_322 = tpu.memref_slice %arg8[%dma_start3A_318, %dma_start3A_320, %dma_start3A_321] : memref<2x128x128xf32, #tpu.memory_space<vmem>> -> memref<1x128x128xf32, #tpu.memory_space<vmem>>
      %dma_start3A_323 = tpu.memref_squeeze %dma_start3A_322 : memref<1x128x128xf32, #tpu.memory_space<vmem>> -> memref<128x128xf32, #tpu.memory_space<vmem>>
      %dma_start3A_324 = arith.constant 0 : i32
      %dma_start3A_325 = tpu.memref_slice %arg7[%dma_start3A_316, %dma_start3A_317, %dma_start3A_324] : memref<4x2x128xi32, #tpu.memory_space<vmem>> -> memref<1x1x128xi32, #tpu.memory_space<vmem>>
      %dma_start3A_326 = tpu.memref_squeeze %dma_start3A_325 : memref<1x1x128xi32, #tpu.memory_space<vmem>> -> memref<128xi32, #tpu.memory_space<vmem>>
      %dma_start3A_327 = arith.constant 0 : i32
      %dma_start3A_328 = arith.constant 0 : i32
      %dma_start3A_329 = tpu.memref_slice %arg2[%dma_start3A_327, %dma_start3A_328] : memref<10000x128xf32, #tpu.memory_space<hbm>> -> memref<10000x128xf32, #tpu.memory_space<hbm>>
      %dma_start3A_330 = tpu.memref_slice %arg10[%dma_start3A_319] : memref<2x!tpu.dma_semaphore, #tpu.memory_space<semaphore_mem>> -> memref<1x!tpu.dma_semaphore, #tpu.memory_space<semaphore_mem>>
      %dma_start3A_331 = tpu.memref_squeeze %dma_start3A_330 : memref<1x!tpu.dma_semaphore, #tpu.memory_space<semaphore_mem>> -> memref<!tpu.dma_semaphore, #tpu.memory_space<semaphore_mem>>
      tpu.enqueue_indirect_dma source(%dma_start3A_329 : memref<10000x128xf32, #tpu.memory_space<hbm>>) target(%dma_start3A_323 : memref<128x128xf32, #tpu.memory_space<vmem>>) offsets(%dma_start3A_326 : memref<128xi32, #tpu.memory_space<vmem>>) semaphore(%dma_start3A_331 : memref<!tpu.dma_semaphore, #tpu.memory_space<semaphore_mem>>)
      %ge3A_332 = arith.constant 1 : i32
      %ge3A_333 = arith.cmpi sge, %add3A_282, %ge3A_332 : i32
      %convert_element_type3A_334 = arith.extui %ge3A_333 : i1 to i32
      %cond3A_335 = arith.constant 0 : i32
      %cond3A_336 = arith.cmpi ne, %convert_element_type3A_334, %cond3A_335 : i32
      scf.if %cond3A_336 {
        %dma_wait3A_337 = arith.constant 0 : i32
        %dma_wait3A_338 = arith.constant 0 : i32
        %dma_wait3A_339 = arith.constant 0 : i32
        %dma_wait3A_340 = arith.constant 0 : i32
        %dma_wait3A_341 = arith.constant 0 : i32
        %dma_wait3A_342 = arith.constant 0 : i32
        %dma_wait3A_343 = tpu.memref_slice %arg8[%dma_wait3A_339, %dma_wait3A_341, %dma_wait3A_342] : memref<2x128x128xf32, #tpu.memory_space<vmem>> -> memref<1x128x128xf32, #tpu.memory_space<vmem>>
        %dma_wait3A_344 = tpu.memref_squeeze %dma_wait3A_343 : memref<1x128x128xf32, #tpu.memory_space<vmem>> -> memref<128x128xf32, #tpu.memory_space<vmem>>
        %dma_wait3A_345 = arith.constant 0 : i32
        %dma_wait3A_346 = tpu.memref_slice %arg7[%dma_wait3A_337, %dma_wait3A_338, %dma_wait3A_345] : memref<4x2x128xi32, #tpu.memory_space<vmem>> -> memref<1x1x128xi32, #tpu.memory_space<vmem>>
        %dma_wait3A_347 = tpu.memref_squeeze %dma_wait3A_346 : memref<1x1x128xi32, #tpu.memory_space<vmem>> -> memref<128xi32, #tpu.memory_space<vmem>>
        %dma_wait3A_348 = arith.constant 0 : i32
        %dma_wait3A_349 = arith.constant 0 : i32
        %dma_wait3A_350 = tpu.memref_slice %arg2[%dma_wait3A_348, %dma_wait3A_349] : memref<10000x128xf32, #tpu.memory_space<hbm>> -> memref<10000x128xf32, #tpu.memory_space<hbm>>
        %dma_wait3A_351 = tpu.memref_slice %arg10[%dma_wait3A_340] : memref<2x!tpu.dma_semaphore, #tpu.memory_space<semaphore_mem>> -> memref<1x!tpu.dma_semaphore, #tpu.memory_space<semaphore_mem>>
        %dma_wait3A_352 = tpu.memref_squeeze %dma_wait3A_351 : memref<1x!tpu.dma_semaphore, #tpu.memory_space<semaphore_mem>> -> memref<!tpu.dma_semaphore, #tpu.memory_space<semaphore_mem>>
        tpu.wait_indirect_dma semaphore(%dma_wait3A_352 : memref<!tpu.dma_semaphore, #tpu.memory_space<semaphore_mem>>) src(%dma_wait3A_350 : memref<10000x128xf32, #tpu.memory_space<hbm>>) dst(%dma_wait3A_344 : memref<128x128xf32, #tpu.memory_space<vmem>>)
        %sub3A = arith.constant 1 : i32
        %sub3A_353 = arith.subi %add3A_282, %sub3A : i32
        %dma_start3A_354 = arith.constant 0 : i32
        %dma_start3A_355 = arith.constant 2 : i32
        %dma_start3A_356 = arith.constant 1 : i32
        %dma_start3A_357 = arith.constant 0 : i32
        %dma_start3A_358 = arith.constant 0 : i32
        %dma_start3A_359 = arith.constant 0 : i32
        %dma_start3A_360 = tpu.memref_slice %arg8[%dma_start3A_354, %dma_start3A_358, %dma_start3A_359] : memref<2x128x128xf32, #tpu.memory_space<vmem>> -> memref<1x128x128xf32, #tpu.memory_space<vmem>>
        %dma_start3A_361 = tpu.memref_squeeze %dma_start3A_360 : memref<1x128x128xf32, #tpu.memory_space<vmem>> -> memref<128x128xf32, #tpu.memory_space<vmem>>
        %dma_start3A_362 = arith.constant 0 : i32
        %dma_start3A_363 = tpu.memref_slice %arg7[%dma_start3A_355, %dma_start3A_356, %dma_start3A_362] : memref<4x2x128xi32, #tpu.memory_space<vmem>> -> memref<1x1x128xi32, #tpu.memory_space<vmem>>
        %dma_start3A_364 = tpu.memref_squeeze %dma_start3A_363 : memref<1x1x128xi32, #tpu.memory_space<vmem>> -> memref<128xi32, #tpu.memory_space<vmem>>
        %dma_start3A_365 = arith.constant 0 : i32
        %dma_start3A_366 = arith.constant 0 : i32
        %dma_start3A_367 = tpu.memref_slice %arg6[%dma_start3A_365, %dma_start3A_366] : memref<10112x128xf32, #tpu.memory_space<vmem_shared>> -> memref<10112x128xf32, #tpu.memory_space<vmem_shared>>
        %dma_start3A_368 = tpu.memref_slice %arg11[%dma_start3A_357] : memref<2x!tpu.dma_semaphore, #tpu.memory_space<semaphore_mem>> -> memref<1x!tpu.dma_semaphore, #tpu.memory_space<semaphore_mem>>
        %dma_start3A_369 = tpu.memref_squeeze %dma_start3A_368 : memref<1x!tpu.dma_semaphore, #tpu.memory_space<semaphore_mem>> -> memref<!tpu.dma_semaphore, #tpu.memory_space<semaphore_mem>>
        tpu.enqueue_indirect_dma source(%dma_start3A_361 : memref<128x128xf32, #tpu.memory_space<vmem>>) target(%dma_start3A_367 : memref<10112x128xf32, #tpu.memory_space<vmem_shared>>) offsets(%dma_start3A_364 : memref<128xi32, #tpu.memory_space<vmem>>) semaphore(%dma_start3A_369 : memref<!tpu.dma_semaphore, #tpu.memory_space<semaphore_mem>>) {add = true}
      } else {
      }
    }
    %scan3A_47 = arith.constant 20 : i32
    %dma_wait3A = arith.constant 0 : i32
    %dma_wait3A_48 = arith.constant 0 : i32
    %dma_wait3A_49 = arith.constant 1 : i32
    %dma_wait3A_50 = arith.constant 1 : i32
    %dma_wait3A_51 = arith.constant 0 : i32
    %dma_wait3A_52 = arith.constant 0 : i32
    %dma_wait3A_53 = tpu.memref_slice %arg8[%dma_wait3A_49, %dma_wait3A_51, %dma_wait3A_52] : memref<2x128x128xf32, #tpu.memory_space<vmem>> -> memref<1x128x128xf32, #tpu.memory_space<vmem>>
    %dma_wait3A_54 = tpu.memref_squeeze %dma_wait3A_53 : memref<1x128x128xf32, #tpu.memory_space<vmem>> -> memref<128x128xf32, #tpu.memory_space<vmem>>
    %dma_wait3A_55 = arith.constant 0 : i32
    %dma_wait3A_56 = tpu.memref_slice %arg7[%dma_wait3A, %dma_wait3A_48, %dma_wait3A_55] : memref<4x2x128xi32, #tpu.memory_space<vmem>> -> memref<1x1x128xi32, #tpu.memory_space<vmem>>
    %dma_wait3A_57 = tpu.memref_squeeze %dma_wait3A_56 : memref<1x1x128xi32, #tpu.memory_space<vmem>> -> memref<128xi32, #tpu.memory_space<vmem>>
    %dma_wait3A_58 = arith.constant 0 : i32
    %dma_wait3A_59 = arith.constant 0 : i32
    %dma_wait3A_60 = tpu.memref_slice %arg2[%dma_wait3A_58, %dma_wait3A_59] : memref<10000x128xf32, #tpu.memory_space<hbm>> -> memref<10000x128xf32, #tpu.memory_space<hbm>>
    %dma_wait3A_61 = tpu.memref_slice %arg10[%dma_wait3A_50] : memref<2x!tpu.dma_semaphore, #tpu.memory_space<semaphore_mem>> -> memref<1x!tpu.dma_semaphore, #tpu.memory_space<semaphore_mem>>
    %dma_wait3A_62 = tpu.memref_squeeze %dma_wait3A_61 : memref<1x!tpu.dma_semaphore, #tpu.memory_space<semaphore_mem>> -> memref<!tpu.dma_semaphore, #tpu.memory_space<semaphore_mem>>
    tpu.wait_indirect_dma semaphore(%dma_wait3A_62 : memref<!tpu.dma_semaphore, #tpu.memory_space<semaphore_mem>>) src(%dma_wait3A_60 : memref<10000x128xf32, #tpu.memory_space<hbm>>) dst(%dma_wait3A_54 : memref<128x128xf32, #tpu.memory_space<vmem>>)
    %dma_start3A_63 = arith.constant 1 : i32
    %dma_start3A_64 = arith.constant 3 : i32
    %dma_start3A_65 = arith.constant 1 : i32
    %dma_start3A_66 = arith.constant 1 : i32
    %dma_start3A_67 = arith.constant 0 : i32
    %dma_start3A_68 = arith.constant 0 : i32
    %dma_start3A_69 = tpu.memref_slice %arg8[%dma_start3A_63, %dma_start3A_67, %dma_start3A_68] : memref<2x128x128xf32, #tpu.memory_space<vmem>> -> memref<1x128x128xf32, #tpu.memory_space<vmem>>
    %dma_start3A_70 = tpu.memref_squeeze %dma_start3A_69 : memref<1x128x128xf32, #tpu.memory_space<vmem>> -> memref<128x128xf32, #tpu.memory_space<vmem>>
    %dma_start3A_71 = arith.constant 0 : i32
    %dma_start3A_72 = tpu.memref_slice %arg7[%dma_start3A_64, %dma_start3A_65, %dma_start3A_71] : memref<4x2x128xi32, #tpu.memory_space<vmem>> -> memref<1x1x128xi32, #tpu.memory_space<vmem>>
    %dma_start3A_73 = tpu.memref_squeeze %dma_start3A_72 : memref<1x1x128xi32, #tpu.memory_space<vmem>> -> memref<128xi32, #tpu.memory_space<vmem>>
    %dma_start3A_74 = arith.constant 0 : i32
    %dma_start3A_75 = arith.constant 0 : i32
    %dma_start3A_76 = tpu.memref_slice %arg6[%dma_start3A_74, %dma_start3A_75] : memref<10112x128xf32, #tpu.memory_space<vmem_shared>> -> memref<10112x128xf32, #tpu.memory_space<vmem_shared>>
    %dma_start3A_77 = tpu.memref_slice %arg11[%dma_start3A_66] : memref<2x!tpu.dma_semaphore, #tpu.memory_space<semaphore_mem>> -> memref<1x!tpu.dma_semaphore, #tpu.memory_space<semaphore_mem>>
    %dma_start3A_78 = tpu.memref_squeeze %dma_start3A_77 : memref<1x!tpu.dma_semaphore, #tpu.memory_space<semaphore_mem>> -> memref<!tpu.dma_semaphore, #tpu.memory_space<semaphore_mem>>
    tpu.enqueue_indirect_dma source(%dma_start3A_70 : memref<128x128xf32, #tpu.memory_space<vmem>>) target(%dma_start3A_76 : memref<10112x128xf32, #tpu.memory_space<vmem_shared>>) offsets(%dma_start3A_73 : memref<128xi32, #tpu.memory_space<vmem>>) semaphore(%dma_start3A_78 : memref<!tpu.dma_semaphore, #tpu.memory_space<semaphore_mem>>) {add = true}
    %dma_wait3A_79 = arith.constant 0 : i32
    %dma_wait3A_80 = arith.constant 0 : i32
    %dma_wait3A_81 = arith.constant 1 : i32
    %dma_wait3A_82 = arith.constant 0 : i32
    %dma_wait3A_83 = arith.constant 0 : i32
    %dma_wait3A_84 = arith.constant 0 : i32
    %dma_wait3A_85 = tpu.memref_slice %arg8[%dma_wait3A_79, %dma_wait3A_83, %dma_wait3A_84] : memref<2x128x128xf32, #tpu.memory_space<vmem>> -> memref<1x128x128xf32, #tpu.memory_space<vmem>>
    %dma_wait3A_86 = tpu.memref_squeeze %dma_wait3A_85 : memref<1x128x128xf32, #tpu.memory_space<vmem>> -> memref<128x128xf32, #tpu.memory_space<vmem>>
    %dma_wait3A_87 = arith.constant 0 : i32
    %dma_wait3A_88 = tpu.memref_slice %arg7[%dma_wait3A_80, %dma_wait3A_81, %dma_wait3A_87] : memref<4x2x128xi32, #tpu.memory_space<vmem>> -> memref<1x1x128xi32, #tpu.memory_space<vmem>>
    %dma_wait3A_89 = tpu.memref_squeeze %dma_wait3A_88 : memref<1x1x128xi32, #tpu.memory_space<vmem>> -> memref<128xi32, #tpu.memory_space<vmem>>
    %dma_wait3A_90 = arith.constant 0 : i32
    %dma_wait3A_91 = arith.constant 0 : i32
    %dma_wait3A_92 = tpu.memref_slice %arg6[%dma_wait3A_90, %dma_wait3A_91] : memref<10112x128xf32, #tpu.memory_space<vmem_shared>> -> memref<10112x128xf32, #tpu.memory_space<vmem_shared>>
    %dma_wait3A_93 = tpu.memref_slice %arg11[%dma_wait3A_82] : memref<2x!tpu.dma_semaphore, #tpu.memory_space<semaphore_mem>> -> memref<1x!tpu.dma_semaphore, #tpu.memory_space<semaphore_mem>>
    %dma_wait3A_94 = tpu.memref_squeeze %dma_wait3A_93 : memref<1x!tpu.dma_semaphore, #tpu.memory_space<semaphore_mem>> -> memref<!tpu.dma_semaphore, #tpu.memory_space<semaphore_mem>>
    tpu.wait_indirect_dma semaphore(%dma_wait3A_94 : memref<!tpu.dma_semaphore, #tpu.memory_space<semaphore_mem>>) src(%dma_wait3A_86 : memref<128x128xf32, #tpu.memory_space<vmem>>) dst(%dma_wait3A_92 : memref<10112x128xf32, #tpu.memory_space<vmem_shared>>)
    %dma_wait3A_95 = arith.constant 1 : i32
    %dma_wait3A_96 = arith.constant 0 : i32
    %dma_wait3A_97 = arith.constant 1 : i32
    %dma_wait3A_98 = arith.constant 1 : i32
    %dma_wait3A_99 = arith.constant 0 : i32
    %dma_wait3A_100 = arith.constant 0 : i32
    %dma_wait3A_101 = tpu.memref_slice %arg8[%dma_wait3A_95, %dma_wait3A_99, %dma_wait3A_100] : memref<2x128x128xf32, #tpu.memory_space<vmem>> -> memref<1x128x128xf32, #tpu.memory_space<vmem>>
    %dma_wait3A_102 = tpu.memref_squeeze %dma_wait3A_101 : memref<1x128x128xf32, #tpu.memory_space<vmem>> -> memref<128x128xf32, #tpu.memory_space<vmem>>
    %dma_wait3A_103 = arith.constant 0 : i32
    %dma_wait3A_104 = tpu.memref_slice %arg7[%dma_wait3A_96, %dma_wait3A_97, %dma_wait3A_103] : memref<4x2x128xi32, #tpu.memory_space<vmem>> -> memref<1x1x128xi32, #tpu.memory_space<vmem>>
    %dma_wait3A_105 = tpu.memref_squeeze %dma_wait3A_104 : memref<1x1x128xi32, #tpu.memory_space<vmem>> -> memref<128xi32, #tpu.memory_space<vmem>>
    %dma_wait3A_106 = arith.constant 0 : i32
    %dma_wait3A_107 = arith.constant 0 : i32
    %dma_wait3A_108 = tpu.memref_slice %arg6[%dma_wait3A_106, %dma_wait3A_107] : memref<10112x128xf32, #tpu.memory_space<vmem_shared>> -> memref<10112x128xf32, #tpu.memory_space<vmem_shared>>
    %dma_wait3A_109 = tpu.memref_slice %arg11[%dma_wait3A_98] : memref<2x!tpu.dma_semaphore, #tpu.memory_space<semaphore_mem>> -> memref<1x!tpu.dma_semaphore, #tpu.memory_space<semaphore_mem>>
    %dma_wait3A_110 = tpu.memref_squeeze %dma_wait3A_109 : memref<1x!tpu.dma_semaphore, #tpu.memory_space<semaphore_mem>> -> memref<!tpu.dma_semaphore, #tpu.memory_space<semaphore_mem>>
    tpu.wait_indirect_dma semaphore(%dma_wait3A_110 : memref<!tpu.dma_semaphore, #tpu.memory_space<semaphore_mem>>) src(%dma_wait3A_102 : memref<128x128xf32, #tpu.memory_space<vmem>>) dst(%dma_wait3A_108 : memref<10112x128xf32, #tpu.memory_space<vmem_shared>>)
    %barrier3A_111 = arith.constant 0 : index
    tpu.barrier barrier_id(%barrier3A_111)
    "tpu.region"() ({
      %run_scoped3A = tpu.sem_alloc : memref<!tpu.dma_semaphore, #tpu.memory_space<semaphore_mem>>
      %dma_start3A_112 = arith.constant 0 : i32
      %dma_start3A_113 = tpu.memref_slice %arg5[%arg0, %mul3A_2, %dma_start3A_112] : memref<2x10112x128xf32, #tpu.memory_space<hbm>> -> memref<1x632x128xf32, #tpu.memory_space<hbm>>
      %dma_start3A_114 = tpu.memref_squeeze %dma_start3A_113 : memref<1x632x128xf32, #tpu.memory_space<hbm>> -> memref<632x128xf32, #tpu.memory_space<hbm>>
      %dma_start3A_115 = arith.constant 0 : i32
      %dma_start3A_116 = tpu.memref_slice %arg6[%mul3A_2, %dma_start3A_115] : memref<10112x128xf32, #tpu.memory_space<vmem_shared>> -> memref<632x128xf32, #tpu.memory_space<vmem_shared>>
      tpu.enqueue_dma source(%dma_start3A_116 : memref<632x128xf32, #tpu.memory_space<vmem_shared>>) target(%dma_start3A_114 : memref<632x128xf32, #tpu.memory_space<hbm>>) target_semaphore(%run_scoped3A : memref<!tpu.dma_semaphore, #tpu.memory_space<semaphore_mem>>)
      %dma_wait3A_117 = arith.constant 0 : i32
      %dma_wait3A_118 = tpu.memref_slice %arg5[%arg0, %mul3A_2, %dma_wait3A_117] : memref<2x10112x128xf32, #tpu.memory_space<hbm>> -> memref<1x632x128xf32, #tpu.memory_space<hbm>>
      %dma_wait3A_119 = tpu.memref_squeeze %dma_wait3A_118 : memref<1x632x128xf32, #tpu.memory_space<hbm>> -> memref<632x128xf32, #tpu.memory_space<hbm>>
      %dma_wait3A_120 = arith.constant 0 : i32
      %dma_wait3A_121 = tpu.memref_slice %arg6[%mul3A_2, %dma_wait3A_120] : memref<10112x128xf32, #tpu.memory_space<vmem_shared>> -> memref<632x128xf32, #tpu.memory_space<vmem_shared>>
      tpu.wait_dma2 semaphore(%run_scoped3A : memref<!tpu.dma_semaphore, #tpu.memory_space<semaphore_mem>>) src(%dma_wait3A_121 : memref<632x128xf32, #tpu.memory_space<vmem_shared>>) dst(%dma_wait3A_119 : memref<632x128xf32, #tpu.memory_space<hbm>>)
      tpu.yield
    }) : () -> ()
    return
  }
}

module attributes {stable_mosaic.version = 14 : i64} {
  func.func @_scale_body(%arg0: i32, %arg1: memref<1000x128xf32, #tpu.memory_space<vmem>>, %arg2: memref<1x1000x128xf32, #tpu.memory_space<vmem>>, %arg3: memref<1x1000x128xf32, #tpu.memory_space<vmem>>, %arg4: memref<1000x128xf32, #tpu.memory_space<vmem>>, %arg5: memref<1000x128xf32, #tpu.memory_space<vmem>>, %arg6: memref<1000x128xf32, #tpu.memory_space<vmem>>) attributes {dimension_semantics = [#tpu.dimension_semantics<arbitrary>], iteration_bounds = array<i64: 10>, scalar_prefetch = 0 : i64, scratch_operands = 0 : i64, tpu.core_type = #tpu.core_type<tc>, window_params = [{transform_indices = @transform_0, window_bounds = array<i64: 1000, 128>}, {transform_indices = @transform_1, window_bounds = array<i64: 1, 1000, 128>}, {transform_indices = @transform_2, window_bounds = array<i64: 1, 1000, 128>}, {transform_indices = @transform_3, window_bounds = array<i64: 1000, 128>}, {transform_indices = @transform_4, window_bounds = array<i64: 1000, 128>}, {transform_indices = @transform_5, window_bounds = array<i64: 1000, 128>}]} {
    %get3A = arith.constant 0 : index
    %get3A_0 = arith.constant 0 : index
    %get3A_1 = arith.constant 0 : index
    %get3A_2 = vector.load %arg2[%get3A, %get3A_0, %get3A_1] : memref<1x1000x128xf32, #tpu.memory_space<vmem>>, vector<1x1000x128xf32>
    %get3A_3 = vector.shape_cast %get3A_2 : vector<1x1000x128xf32> to vector<1000x128xf32>
    %get3A_4 = arith.constant 0 : index
    %get3A_5 = arith.constant 0 : index
    %get3A_6 = arith.constant 0 : index
    %get3A_7 = vector.load %arg3[%get3A_4, %get3A_5, %get3A_6] : memref<1x1000x128xf32, #tpu.memory_space<vmem>>, vector<1x1000x128xf32>
    %get3A_8 = vector.shape_cast %get3A_7 : vector<1x1000x128xf32> to vector<1000x128xf32>
    %add3A = arith.addf %get3A_3, %get3A_8 : vector<1000x128xf32>
    %slice3A = vector.extract_strided_slice %add3A {offsets = [0, 0], sizes = [1000, 1], strides = [1, 1]} : vector<1000x128xf32> to vector<1000x1xf32>
    %slice3A_9 = vector.extract_strided_slice %add3A {offsets = [0, 64], sizes = [1000, 1], strides = [1, 1]} : vector<1000x128xf32> to vector<1000x1xf32>
    %max3A = arith.constant 1.000000e+00 : f32
    %max3A_10 = vector.broadcast %max3A : f32 to vector<1000x1xf32>
    %max3A_11 = arith.maximumf %slice3A, %max3A_10 : vector<1000x1xf32>
    %rsqrt3A = math.rsqrt %max3A_11 : vector<1000x1xf32>
    %max3A_12 = arith.constant 1.000000e+00 : f32
    %max3A_13 = vector.broadcast %max3A_12 : f32 to vector<1000x1xf32>
    %max3A_14 = arith.maximumf %slice3A_9, %max3A_13 : vector<1000x1xf32>
    %rsqrt3A_15 = math.rsqrt %max3A_14 : vector<1000x1xf32>
    %broadcast_in_dim3A = vector.shape_cast %rsqrt3A : vector<1000x1xf32> to vector<1000x1xf32>
    %broadcast_in_dim3A_16 = vector.broadcast %broadcast_in_dim3A : vector<1000x1xf32> to vector<1000x128xf32>
    %broadcast_in_dim3A_17 = vector.shape_cast %rsqrt3A_15 : vector<1000x1xf32> to vector<1000x1xf32>
    %broadcast_in_dim3A_18 = vector.broadcast %broadcast_in_dim3A_17 : vector<1000x1xf32> to vector<1000x128xf32>
    %get3A_19 = arith.constant 0 : index
    %get3A_20 = arith.constant 0 : index
    %get3A_21 = vector.load %arg1[%get3A_19, %get3A_20] : memref<1000x128xf32, #tpu.memory_space<vmem>>, vector<1000x128xf32>
    %mul3A = arith.mulf %get3A_21, %broadcast_in_dim3A_16 : vector<1000x128xf32>
    %swap3A = arith.constant 0 : index
    %swap3A_22 = arith.constant 0 : index
    %swap3A_23 = vector.load %arg4[%swap3A, %swap3A_22] : memref<1000x128xf32, #tpu.memory_space<vmem>>, vector<1000x128xf32>
    tpu.vector_store %arg4[%swap3A, %swap3A_22], %mul3A {strides = array<i32>} : memref<1000x128xf32, #tpu.memory_space<vmem>>, vector<1000x128xf32>,
    %swap3A_24 = arith.constant 0 : index
    %swap3A_25 = arith.constant 0 : index
    %swap3A_26 = vector.load %arg5[%swap3A_24, %swap3A_25] : memref<1000x128xf32, #tpu.memory_space<vmem>>, vector<1000x128xf32>
    tpu.vector_store %arg5[%swap3A_24, %swap3A_25], %broadcast_in_dim3A_16 {strides = array<i32>} : memref<1000x128xf32, #tpu.memory_space<vmem>>, vector<1000x128xf32>,
    %swap3A_27 = arith.constant 0 : index
    %swap3A_28 = arith.constant 0 : index
    %swap3A_29 = vector.load %arg6[%swap3A_27, %swap3A_28] : memref<1000x128xf32, #tpu.memory_space<vmem>>, vector<1000x128xf32>
    tpu.vector_store %arg6[%swap3A_27, %swap3A_28], %broadcast_in_dim3A_18 {strides = array<i32>} : memref<1000x128xf32, #tpu.memory_space<vmem>>, vector<1000x128xf32>,
    return
  }
  func.func @transform_0(%arg0: i32) -> (i32, i32) {
    %c0_i32 = arith.constant 0 : i32
    %c0_i32_0 = arith.constant 0 : i32
    return %arg0, %c0_i32 : i32, i32
  }
  func.func @transform_1(%arg0: i32) -> (i32, i32, i32) {
    %c0_i32 = arith.constant 0 : i32
    %c0_i32_0 = arith.constant 0 : i32
    %c0_i32_1 = arith.constant 0 : i32
    return %c0_i32, %arg0, %c0_i32_0 : i32, i32, i32
  }
  func.func @transform_2(%arg0: i32) -> (i32, i32, i32) {
    %c1_i32 = arith.constant 1 : i32
    %c0_i32 = arith.constant 0 : i32
    %c0_i32_0 = arith.constant 0 : i32
    return %c1_i32, %arg0, %c0_i32 : i32, i32, i32
  }
  func.func @transform_3(%arg0: i32) -> (i32, i32) {
    %c0_i32 = arith.constant 0 : i32
    %c0_i32_0 = arith.constant 0 : i32
    return %arg0, %c0_i32 : i32, i32
  }
  func.func @transform_4(%arg0: i32) -> (i32, i32) {
    %c0_i32 = arith.constant 0 : i32
    %c0_i32_0 = arith.constant 0 : i32
    return %arg0, %c0_i32 : i32, i32
  }
  func.func @transform_5(%arg0: i32) -> (i32, i32) {
    %c0_i32 = arith.constant 0 : i32
    %c0_i32_0 = arith.constant 0 : i32
    return %arg0, %c0_i32 : i32, i32
  }
}

module attributes {stable_mosaic.version = 14 : i64} {
  func.func @_mm_body(%arg0: i32, %arg1: memref<1x1000x128xf32, #tpu.memory_space<vmem>>, %arg2: memref<1x1000x128xf32, #tpu.memory_space<vmem>>, %arg3: memref<1000x128xf32, #tpu.memory_space<vmem>>, %arg4: memref<1000x128xf32, #tpu.memory_space<vmem>>, %arg5: memref<128x128xf32, #tpu.memory_space<vmem>>, %arg6: memref<1x128xf32, #tpu.memory_space<vmem>>, %arg7: memref<1000x128xf32, #tpu.memory_space<vmem>>) attributes {dimension_semantics = [#tpu.dimension_semantics<arbitrary>], iteration_bounds = array<i64: 10>, scalar_prefetch = 0 : i64, scratch_operands = 0 : i64, tpu.core_type = #tpu.core_type<tc>, window_params = [{transform_indices = @transform_0, window_bounds = array<i64: 1, 1000, 128>}, {transform_indices = @transform_1, window_bounds = array<i64: 1, 1000, 128>}, {transform_indices = @transform_2, window_bounds = array<i64: 1000, 128>}, {transform_indices = @transform_3, window_bounds = array<i64: 1000, 128>}, {pipeline_mode = #tpu.pipeline_mode<synchronous>, transform_indices = @transform_4, window_bounds = array<i64: 128, 128>}, {pipeline_mode = #tpu.pipeline_mode<synchronous>, transform_indices = @transform_5, window_bounds = array<i64: 1, 128>}, {transform_indices = @transform_6, window_bounds = array<i64: 1000, 128>}]} {
    %get3A = arith.constant 0 : index
    %get3A_0 = arith.constant 0 : index
    %get3A_1 = arith.constant 0 : index
    %get3A_2 = vector.load %arg1[%get3A, %get3A_0, %get3A_1] : memref<1x1000x128xf32, #tpu.memory_space<vmem>>, vector<1x1000x128xf32>
    %get3A_3 = vector.shape_cast %get3A_2 : vector<1x1000x128xf32> to vector<1000x128xf32>
    %get3A_4 = arith.constant 0 : index
    %get3A_5 = arith.constant 0 : index
    %get3A_6 = arith.constant 0 : index
    %get3A_7 = vector.load %arg2[%get3A_4, %get3A_5, %get3A_6] : memref<1x1000x128xf32, #tpu.memory_space<vmem>>, vector<1x1000x128xf32>
    %get3A_8 = vector.shape_cast %get3A_7 : vector<1x1000x128xf32> to vector<1000x128xf32>
    %add3A = arith.addf %get3A_3, %get3A_8 : vector<1000x128xf32>
    %get3A_9 = arith.constant 0 : index
    %get3A_10 = arith.constant 0 : index
    %get3A_11 = vector.load %arg3[%get3A_9, %get3A_10] : memref<1000x128xf32, #tpu.memory_space<vmem>>, vector<1000x128xf32>
    %mul3A = arith.mulf %add3A, %get3A_11 : vector<1000x128xf32>
    %get3A_12 = arith.constant 0 : index
    %get3A_13 = arith.constant 0 : index
    %get3A_14 = vector.load %arg5[%get3A_12, %get3A_13] : memref<128x128xf32, #tpu.memory_space<vmem>>, vector<128x128xf32>
    %dot_general3A = arith.constant dense<0.000000e+00> : vector<1000x128xf32>
    %dot_general3A_15 = tpu.matmul %mul3A, %get3A_14, %dot_general3A {dimension_numbers = #tpu.dot_dimension_numbers<[1], [0], [0], [1], [0, 0, 1, 1], [], []>, precision = #tpu.contract_precision<fp32>, transpose_lhs_hint = false} : vector<1000x128xf32>, vector<128x128xf32>, vector<1000x128xf32> -> vector<1000x128xf32>
    %get3A_16 = arith.constant 0 : index
    %get3A_17 = arith.constant 0 : index
    %get3A_18 = vector.load %arg6[%get3A_16, %get3A_17] : memref<1x128xf32, #tpu.memory_space<vmem>>, vector<1x128xf32>
    %add3A_19 = vector.broadcast %get3A_18 : vector<1x128xf32> to vector<1000x128xf32>
    %add3A_20 = arith.addf %dot_general3A_15, %add3A_19 : vector<1000x128xf32>
    %max3A = arith.constant 0.000000e+00 : f32
    %max3A_21 = vector.broadcast %max3A : f32 to vector<1000x128xf32>
    %max3A_22 = arith.maximumf %add3A_20, %max3A_21 : vector<1000x128xf32>
    %get3A_23 = arith.constant 0 : index
    %get3A_24 = arith.constant 0 : index
    %get3A_25 = vector.load %arg4[%get3A_23, %get3A_24] : memref<1000x128xf32, #tpu.memory_space<vmem>>, vector<1000x128xf32>
    %mul3A_26 = arith.mulf %max3A_22, %get3A_25 : vector<1000x128xf32>
    %swap3A = arith.constant 0 : index
    %swap3A_27 = arith.constant 0 : index
    %swap3A_28 = vector.load %arg7[%swap3A, %swap3A_27] : memref<1000x128xf32, #tpu.memory_space<vmem>>, vector<1000x128xf32>
    tpu.vector_store %arg7[%swap3A, %swap3A_27], %mul3A_26 {strides = array<i32>} : memref<1000x128xf32, #tpu.memory_space<vmem>>, vector<1000x128xf32>,
    return
  }
  func.func @transform_0(%arg0: i32) -> (i32, i32, i32) {
    %c0_i32 = arith.constant 0 : i32
    %c0_i32_0 = arith.constant 0 : i32
    %c0_i32_1 = arith.constant 0 : i32
    return %c0_i32, %arg0, %c0_i32_0 : i32, i32, i32
  }
  func.func @transform_1(%arg0: i32) -> (i32, i32, i32) {
    %c1_i32 = arith.constant 1 : i32
    %c0_i32 = arith.constant 0 : i32
    %c0_i32_0 = arith.constant 0 : i32
    return %c1_i32, %arg0, %c0_i32 : i32, i32, i32
  }
  func.func @transform_2(%arg0: i32) -> (i32, i32) {
    %c0_i32 = arith.constant 0 : i32
    %c0_i32_0 = arith.constant 0 : i32
    return %arg0, %c0_i32 : i32, i32
  }
  func.func @transform_3(%arg0: i32) -> (i32, i32) {
    %c0_i32 = arith.constant 0 : i32
    %c0_i32_0 = arith.constant 0 : i32
    return %arg0, %c0_i32 : i32, i32
  }
  func.func @transform_4(%arg0: i32) -> (i32, i32) {
    %c0_i32 = arith.constant 0 : i32
    %c0_i32_0 = arith.constant 0 : i32
    %c0_i32_1 = arith.constant 0 : i32
    return %c0_i32, %c0_i32_0 : i32, i32
  }
  func.func @transform_5(%arg0: i32) -> (i32, i32) {
    %c0_i32 = arith.constant 0 : i32
    %c0_i32_0 = arith.constant 0 : i32
    %c0_i32_1 = arith.constant 0 : i32
    return %c0_i32, %c0_i32_0 : i32, i32
  }
  func.func @transform_6(%arg0: i32) -> (i32, i32) {
    %c0_i32 = arith.constant 0 : i32
    %c0_i32_0 = arith.constant 0 : i32
    return %arg0, %c0_i32 : i32, i32
  }
}

module attributes {stable_mosaic.version = 14 : i64} {
  func.func @_mm_body(%arg0: i32, %arg1: memref<1x1000x128xf32, #tpu.memory_space<vmem>>, %arg2: memref<1x1000x128xf32, #tpu.memory_space<vmem>>, %arg3: memref<1000x128xf32, #tpu.memory_space<vmem>>, %arg4: memref<1000x128xf32, #tpu.memory_space<vmem>>, %arg5: memref<128x128xf32, #tpu.memory_space<vmem>>, %arg6: memref<1x128xf32, #tpu.memory_space<vmem>>, %arg7: memref<1000x128xf32, #tpu.memory_space<vmem>>) attributes {dimension_semantics = [#tpu.dimension_semantics<arbitrary>], iteration_bounds = array<i64: 10>, scalar_prefetch = 0 : i64, scratch_operands = 0 : i64, tpu.core_type = #tpu.core_type<tc>, window_params = [{transform_indices = @transform_0, window_bounds = array<i64: 1, 1000, 128>}, {transform_indices = @transform_1, window_bounds = array<i64: 1, 1000, 128>}, {transform_indices = @transform_2, window_bounds = array<i64: 1000, 128>}, {transform_indices = @transform_3, window_bounds = array<i64: 1000, 128>}, {pipeline_mode = #tpu.pipeline_mode<synchronous>, transform_indices = @transform_4, window_bounds = array<i64: 128, 128>}, {pipeline_mode = #tpu.pipeline_mode<synchronous>, transform_indices = @transform_5, window_bounds = array<i64: 1, 128>}, {transform_indices = @transform_6, window_bounds = array<i64: 1000, 128>}]} {
    %get3A = arith.constant 0 : index
    %get3A_0 = arith.constant 0 : index
    %get3A_1 = arith.constant 0 : index
    %get3A_2 = vector.load %arg1[%get3A, %get3A_0, %get3A_1] : memref<1x1000x128xf32, #tpu.memory_space<vmem>>, vector<1x1000x128xf32>
    %get3A_3 = vector.shape_cast %get3A_2 : vector<1x1000x128xf32> to vector<1000x128xf32>
    %get3A_4 = arith.constant 0 : index
    %get3A_5 = arith.constant 0 : index
    %get3A_6 = arith.constant 0 : index
    %get3A_7 = vector.load %arg2[%get3A_4, %get3A_5, %get3A_6] : memref<1x1000x128xf32, #tpu.memory_space<vmem>>, vector<1x1000x128xf32>
    %get3A_8 = vector.shape_cast %get3A_7 : vector<1x1000x128xf32> to vector<1000x128xf32>
    %add3A = arith.addf %get3A_3, %get3A_8 : vector<1000x128xf32>
    %get3A_9 = arith.constant 0 : index
    %get3A_10 = arith.constant 0 : index
    %get3A_11 = vector.load %arg3[%get3A_9, %get3A_10] : memref<1000x128xf32, #tpu.memory_space<vmem>>, vector<1000x128xf32>
    %mul3A = arith.mulf %add3A, %get3A_11 : vector<1000x128xf32>
    %get3A_12 = arith.constant 0 : index
    %get3A_13 = arith.constant 0 : index
    %get3A_14 = vector.load %arg5[%get3A_12, %get3A_13] : memref<128x128xf32, #tpu.memory_space<vmem>>, vector<128x128xf32>
    %dot_general3A = arith.constant dense<0.000000e+00> : vector<1000x128xf32>
    %dot_general3A_15 = tpu.matmul %mul3A, %get3A_14, %dot_general3A {dimension_numbers = #tpu.dot_dimension_numbers<[1], [0], [0], [1], [0, 0, 1, 1], [], []>, precision = #tpu.contract_precision<fp32>, transpose_lhs_hint = false} : vector<1000x128xf32>, vector<128x128xf32>, vector<1000x128xf32> -> vector<1000x128xf32>
    %get3A_16 = arith.constant 0 : index
    %get3A_17 = arith.constant 0 : index
    %get3A_18 = vector.load %arg6[%get3A_16, %get3A_17] : memref<1x128xf32, #tpu.memory_space<vmem>>, vector<1x128xf32>
    %add3A_19 = vector.broadcast %get3A_18 : vector<1x128xf32> to vector<1000x128xf32>
    %add3A_20 = arith.addf %dot_general3A_15, %add3A_19 : vector<1000x128xf32>
    %swap3A = arith.constant 0 : index
    %swap3A_21 = arith.constant 0 : index
    %swap3A_22 = vector.load %arg7[%swap3A, %swap3A_21] : memref<1000x128xf32, #tpu.memory_space<vmem>>, vector<1000x128xf32>
    tpu.vector_store %arg7[%swap3A, %swap3A_21], %add3A_20 {strides = array<i32>} : memref<1000x128xf32, #tpu.memory_space<vmem>>, vector<1000x128xf32>,
    return
  }
  func.func @transform_0(%arg0: i32) -> (i32, i32, i32) {
    %c0_i32 = arith.constant 0 : i32
    %c0_i32_0 = arith.constant 0 : i32
    %c0_i32_1 = arith.constant 0 : i32
    return %c0_i32, %arg0, %c0_i32_0 : i32, i32, i32
  }
  func.func @transform_1(%arg0: i32) -> (i32, i32, i32) {
    %c1_i32 = arith.constant 1 : i32
    %c0_i32 = arith.constant 0 : i32
    %c0_i32_0 = arith.constant 0 : i32
    return %c1_i32, %arg0, %c0_i32 : i32, i32, i32
  }
  func.func @transform_2(%arg0: i32) -> (i32, i32) {
    %c0_i32 = arith.constant 0 : i32
    %c0_i32_0 = arith.constant 0 : i32
    return %arg0, %c0_i32 : i32, i32
  }
  func.func @transform_3(%arg0: i32) -> (i32, i32) {
    %c0_i32 = arith.constant 0 : i32
    %c0_i32_0 = arith.constant 0 : i32
    return %arg0, %c0_i32 : i32, i32
  }
  func.func @transform_4(%arg0: i32) -> (i32, i32) {
    %c0_i32 = arith.constant 0 : i32
    %c0_i32_0 = arith.constant 0 : i32
    %c0_i32_1 = arith.constant 0 : i32
    return %c0_i32, %c0_i32_0 : i32, i32
  }
  func.func @transform_5(%arg0: i32) -> (i32, i32) {
    %c0_i32 = arith.constant 0 : i32
    %c0_i32_0 = arith.constant 0 : i32
    %c0_i32_1 = arith.constant 0 : i32
    return %c0_i32, %c0_i32_0 : i32, i32
  }
  func.func @transform_6(%arg0: i32) -> (i32, i32) {
    %c0_i32 = arith.constant 0 : i32
    %c0_i32_0 = arith.constant 0 : i32
    return %arg0, %c0_i32 : i32, i32
  }
}

</mosaic_0001>

<sc_bundles>
// kernel: kernel.11.cloned.1.call-start
scs
__scs_entry_jumppad:
0x0: {  	(pc) =	sbr.rel $0x88, $3  }
0x1: {  	(tag) =	ssettag $0x0;
	lr =	simm.s32 $0x1  }
0x2: {  	[smem:$0x3F9B] =	sst lr;
	_ =	strace $0xD0000000  }
0x3: {  	_ = 	snop  }
0x4: {  	_ = 	snop  }
0x5: {  	_ = 	snop  }
0x6: {  	_ = 	snop  }
0x7: {  	_ = 	snop  }
__scs_overlays_trampoline_lowered:
0x8: {  	[smem:$0x3FAA] =	sst s0  }
0x9: {  	[smem:$0x3FAB] =	sst s1  }
0xa: {  	[smem:$0x3FAC] =	sst s2  }
0xb: {  	[smem:$0x3FAD] =	sst s3  }
0xc: {  	[smem:$0x3FAE] =	sst s4  }
0xd: {  	[smem:$0x3FAF] =	sst s5  }
0xe: {  	[smem:$0x3FB0] =	sst s6  }
0xf: {  	[smem:$0x3FB1] =	sst s7  }
0x10: {  	[smem:$0x3FB2] =	sst s8  }
0x11: {  	[smem:$0x3FB3] =	sst s9;
	s0 =	simm.s32 @!p0 $0x0  }
0x12: {  	s1 =	sld [smem:$0x3F99];
	s0 =	simm.s32 @p0 $0x1  }
0x13: {  	[smem:$0x3FB4] =	sst s0;
	s0 =	simm.s32 @!p1 $0x0  }
0x14: {  	s2 =	sld [smem:$0x3F98];
	s0 =	simm.s32 @p1 $0x1  }
0x15: {  	[smem:$0x3FB5] =	sst s0;
	s0 =	simm.s32 @!p2 $0x0  }
0x16: {  	s3 =	sld [smem:$0x3FDB];
	s0 =	simm.s32 @p2 $0x1  }
0x17: {  	s4 =	simm.s32 $0x1BF5;
	[smem:$0x3FB7] =	sst s0  }
0x18: {  	s0 =	sld [smem:$0x3F9A];
	_ =	swait.ge [sflag:s4], $0x0  }
0x19: {  	s7 =	sld [smem:$0x3F9B]  }
0x1a: {  	s8 =	sadd.s32 $0xFFFFE003, lr  }
0x1b: {  	s9 =	sadd.s32 $0xFFFFFEF7, lr;
	s5 =	simm.s32 $0xFFFFFFFF;
	p2 =	slt.u32 s8, $0xFFFFF086  }
0x1c: {  	p1 =	slt.u32 s9, $0xF7A;
	s5 =	simm.s32 @!p2 $0x0  }
0x1d: {  	s5 =	simm.s32 @p1 $0x1;
	p0 =	seq.s32 s7, s2  }
0x1e: {  	s7 =	smul.u32 @!p0 $0xF7A, s2;
	p2 =	seq.s32 @!p0 s5, $0x0  }
0x1f: {  	s9 =	smul.u32 $0xF7A, s1;
	s8 =	simm.s32 @!p0 $0x1BF5;
	p2 =	por !p2, p0  }
0x20: {  	[sflag:s8] =	ssyncset.s32 @!p0 $0xFFFFF086;
	s6 =	sadd.s32 @!p0 s3, s7;
	s7 =	simm.s32 @!p0 $0x108  }
0x21: {  	s3 =	sadd.s32 s3, s9;
	s6 =	sadd.s32 @!p0 $0x88, s6;
	s7 =	simm.s32 @p2 $0x1082  }
0x22: {  	[simem:s7], [sflag:s8] =	dma.local @!p0 [hbm:s6], $0xF7A  }
0x23: {  	s9 =	sor.u32 $0xD0000000, s2;
	s6 =	simm.s32 $0x108;
	_ =	swait.ge @!p0 [sflag:s8], $0x0  }
0x24: {  	s3 =	sadd.s32 $0x88, s3;
	s6 =	simm.s32 @!p1 $0x1082;
	[sflag:s4] =	ssyncset.s32 $0xFFFFF086  }
0x25: {  	[simem:s6], [sflag:s4] =	dma.local [hbm:s3], $0xF7A  }
0x26: {  	[smem:$0x3F9B] =	sst s1;
	(tag) =	ssettag s2;
	_ =	strace s9  }
0x27: {  	s1 =	sld [smem:$0x3FAB]  }
0x28: {  	s2 =	sld [smem:$0x3FAC]  }
0x29: {  	s4 =	sld [smem:$0x3FAE]  }
0x2a: {  	p0 =	seq.s32 s5, $0x0;
	s5 =	sld [smem:$0x3FAF]  }
0x2b: {  	s6 =	sld [smem:$0x3FB0]  }
0x2c: {  	s7 =	sld [smem:$0x3FB1]  }
0x2d: {  	s3 =	simm.s32 $0x108;
	s8 =	sld [smem:$0x3FB2]  }
0x2e: {  	s3 =	simm.s32 @!p0 $0x1082;
	s9 =	sld [smem:$0x3FB3]  }
0x2f: {  	lr =	sadd.s32 s0, s3;
	s0 =	sld [smem:$0x3FAA]  }
0x30: {  	s3 =	sld [smem:$0x3FAD]  }
0x31: {  	[smem:$0x3FB6] =	sst s10  }
0x32: {  	s10 =	sld [smem:$0x3FB4];
	_ =	sdelay $0x3  }
0x33: {  	p0 =	seq.s32 s10, $0x1;
	s10 =	sld [smem:$0x3FB6];
	_ =	sdelay $0x3  }
0x34: {  	[smem:$0x3FB6] =	sst s10  }
0x35: {  	s10 =	sld [smem:$0x3FB5];
	_ =	sdelay $0x3  }
0x36: {  	p1 =	seq.s32 s10, $0x1;
	s10 =	sld [smem:$0x3FB6];
	_ =	sdelay $0x3  }
0x37: {  	[smem:$0x3FB6] =	sst s10  }
0x38: {  	s10 =	sld [smem:$0x3FB7]  }
0x39: {  	_ = 	snop;
	(pc) =	sbr.ind lr, $3  }
0x3a: {  	_ = 	snop  }
0x3b: {  	_ = 	snop  }
0x3c: {  	p2 =	seq.s32 s10, $0x1;
	s10 =	sld [smem:$0x3FB6]  }
0x3d: {  	_ =	shalt  }
0x3e: {  	_ =	shalt  }
0x3f: {  	_ =	shalt  }
0x40: {  	_ =	shalt  }
0x41: {  	_ =	shalt  }
0x42: {  	_ =	shalt  }
0x43: {  	_ =	shalt  }
0x44: {  	_ =	shalt  }
0x45: {  	_ =	shalt  }
0x46: {  	_ =	shalt  }
0x47: {  	_ =	shalt  }
0x48: {  	_ =	shalt  }
0x49: {  	_ =	shalt  }
0x4a: {  	_ =	shalt  }
0x4b: {  	_ =	shalt  }
0x4c: {  	_ =	shalt  }
0x4d: {  	_ =	shalt  }
0x4e: {  	_ =	shalt  }
0x4f: {  	_ =	shalt  }
0x50: {  	_ =	shalt  }
0x51: {  	_ =	shalt  }
0x52: {  	_ =	shalt  }
0x53: {  	_ =	shalt  }
0x54: {  	_ =	shalt  }
0x55: {  	_ =	shalt  }
0x56: {  	_ =	shalt  }
0x57: {  	_ =	shalt  }
0x58: {  	_ =	shalt  }
0x59: {  	_ =	shalt  }
0x5a: {  	_ =	shalt  }
0x5b: {  	_ =	shalt  }
0x5c: {  	_ =	shalt  }
0x5d: {  	_ =	shalt  }
0x5e: {  	_ =	shalt  }
0x5f: {  	_ =	shalt  }
0x60: {  	_ =	shalt  }
0x61: {  	_ =	shalt  }
0x62: {  	_ =	shalt  }
0x63: {  	_ =	shalt  }
0x64: {  	_ =	shalt  }
0x65: {  	_ =	shalt  }
0x66: {  	_ =	shalt  }
0x67: {  	_ =	shalt  }
0x68: {  	_ =	shalt  }
0x69: {  	_ =	shalt  }
0x6a: {  	_ =	shalt  }
0x6b: {  	_ =	shalt  }
0x6c: {  	_ =	shalt  }
0x6d: {  	_ =	shalt  }
0x6e: {  	_ =	shalt  }
0x6f: {  	_ =	shalt  }
0x70: {  	_ =	shalt  }
0x71: {  	_ =	shalt  }
0x72: {  	_ =	shalt  }
0x73: {  	_ =	shalt  }
0x74: {  	_ =	shalt  }
0x75: {  	_ =	shalt  }
0x76: {  	_ =	shalt  }
0x77: {  	_ =	shalt  }
0x78: {  	_ =	shalt  }
0x79: {  	_ =	shalt  }
0x7a: {  	_ =	shalt  }
0x7b: {  	_ =	shalt  }
0x7c: {  	_ =	shalt  }
0x7d: {  	_ =	shalt  }
0x7e: {  	_ =	shalt  }
0x7f: {  	_ =	shalt  }
0x80: {  	_ =	shalt  }
0x81: {  	_ =	shalt  }
0x82: {  	_ =	shalt  }
0x83: {  	_ =	shalt  }
0x84: {  	_ =	shalt  }
0x85: {  	_ =	shalt  }
0x86: {  	_ =	shalt  }
0x87: {  	_ =	shalt  }
.Lfunc_end0:
.L_simem_size_0:
called_computation.1_lowered:
.L_overlay_start_0:
0x88: {  	s2 =	sld [smem:$0x3FD9]  }
0x89: {  	s3 =	sld [smem:$0x3FFE];
	_ =	sdelay $0x1  }
0x8a: {  	s1 =	srdreg.scid  }
0x8b: {  	s0 =	sand.u32 $0x1, s1  }
0x8c: {  	s17 =	sshll.u32 s0, $0xA;
	s2 =	sadd.s32 s3, s2  }
0x8d: {  	s2 =	sadd.s32 s2, s17  }
0x8e: {  	[smem:$0x3FC2] =	sst s2  }
0x8f: {  	_ = 	snop  }
0x90: {  	s2 =	sld [smem:$0x3FD0];
	(tm) =	ssettm $0x1  }
0x91: {  	s18 =	sld [smem:$0x3FFB];
	_ =	sdelay $0x3  }
0x92: {  	_ =	strace s18  }
0x93: {  	s3 =	sld [smem:$0x3FFC];
	_ =	sdelay $0x3  }
0x94: {  	_ =	strace s3  }
0x95: {  	s3 =	sld [smem:$0x3FFD];
	_ =	sdelay $0x3  }
0x96: {  	_ =	strace s3  }
0x97: {  	_ =	strace $0x8FFFFFFF  }
0x98: {  	s19 =	sld [smem:$0x3FDB];
	_ =	sdelay $0x1  }
0x99: {  	s4 =	simm.s32 $_scs_section_size  }
0x9a: {  	s5 =	simm.s32 $_size__tile_overlayer_lowered;
	s6 =	simm.s32 $_tile_overlayer_lowered  }
0x9b: {  	s22 =	simm.s32 $0x1BFF;
	s21 =	sshll.u32 s6, $0x1;
	s3 =	sadd.s32 s4, s19  }
0x9c: {  	s7 =	simm.s32 $0x0;
	s20 =	sshll.u32 s5, $0x1;
	s5 =	sadd.s32 s21, s3  }
0x9d: {  	[timem:s7], [sflag:s22] =	dma.local [hbm:s5], s20  }
0x9e: {  	_ =	swait.ge [sflag:s22], s20  }
0x9f: {  	s4 =	ssub.s32 $0x0, s20;
	[sflag:s22] =	ssyncset.done $0x0  }
0xa0: {  	[sflag:s22] =	ssyncadd.s32 s4;
	_ =	sdelay $0x1  }
0xa1: {  	s23 =	simm.s32 $0x1B8B  }
0xa2: {  	_ =	swait.ge [sflag:s23], $0x1  }
0xa3: {  	[sflag:s23] =	ssyncset.done $0x0  }
0xa4: {  	s25 =	simm.s32 $0x1B8E;
	s24 =	sld [smem:$0x3FFE];
	[sflag:s23] =	ssyncadd.s32 $0xFFFFFFFF  }
0xa5: {  	s26 =	simm.s32 $execute0_lowered;
	[smem:$0x3FD2] =	sst s25  }
0xa6: {  	s5 =	sshll.u32 s26, $0x1;
	_ =	strace $0x80000049;
	[dreg:$0x1] =	wrdreg $0xFFFFFFFF  }
0xa7: {  	s28 =	simm.s32 $_size_execute0_lowered;
	s3 =	sadd.s32 s3, s5;
	[dreg:$0x0] =	wrdreg $0x0  }
0xa8: {  	s5 =	sshll.u32 s28, $0x1;
	[dreg:$0x2] =	wrdreg s3  }
0xa9: {  	[dreg:$0x3] =	wrdreg s5  }
0xaa: {  	[dreg:$0x4] =	wrdreg $0xC0  }
0xab: {  	_ =	task [dreg:s7], $0x5FFFF  }
0xac: {  	[dreg:$0x1] =	wrdreg $0xFFFFFFFF  }
0xad: {  	[dreg:$0x0] =	wrdreg $0x60  }
0xae: {  	[dreg:$0x2] =	wrdreg s2  }
0xaf: {  	[dreg:$0x3] =	wrdreg s24  }
0xb0: {  	[dreg:$0x4] =	wrdreg $0x0  }
0xb1: {  	[dreg:$0x5] =	wrdreg $0x9  }
0xb2: {  	_ =	task.clear_ibuf [dreg:s7], $0x6FFFF;
	_ =	strace $0x90000049  }
0xb3: {  	s29 =	simm.s32 $0x9;
	_ =	strace $0x8000004B  }
0xb4: {  	_ =	swait.ge [sflag:s29], $0x1  }
0xb5: {  	[sflag:s29] =	ssyncadd.s32 $0xFFFFFFFF  }
0xb6: {  	_ =	strace $0x9000004B  }
0xb7: {  	_ =	sfence  }
0xb8: {  	s30 =	sld [smem:$0x0];
	_ =	sdelay $0x2  }
0xb9: {  	s31 =	sshll.u32 s1, $0xD;
	s1 =	sshrl.u32 s1, $0x2  }
0xba: {  	s3 =	sand.u32 $0x4000, s31;
	s1 =	sadd.s32 s1, s30  }
0xbb: {  	s0 =	sor.u32 s3, s0;
	s1 =	sshll.u32 s1, $0x11  }
0xbc: {  	s0 =	sor.u32 s1, s0  }
0xbd: {  	s0 =	sadd.s32 $0x8F2B, s0  }
0xbe: {  	[sflag:s0] =	ssyncadd.remote.s32 $0x1  }
0xbf: {  	_ =	sfence.sel $0xFFFF  }
0xc0: {  	[dreg:$0x0] =	wrdreg $0xFFFFFFFF;
	(pc) =	sbr.abs _section_cstart, $3  }
0xc1: {  	[dreg:$0x1] =	wrdreg $0xFFFFFFFF  }
0xc2: {  	_ =	task.clear_ibuf [dreg:s7], $0x2FFFF;
	_ =	strace $0x9FFFFFFF  }
0xc3: {  	(tm) =	ssettm $0x7FFFFFFF  }
tec
execute0_lowered:
.L_overlay_start_1:
0x0: {  	(tag) =	ssettag $0x1  }
0x1: {  	s1 =	rddreg [dreg:$0x0]  }
0x2: {  	s0 =	rddreg [dreg:$0x1];
	s14 =	stileid.u32  }
0x3: {  	s2 =	srdreg.scid;
	s3 =	rddreg [dreg:$0x2]  }
0x4: {  	s4 =	simm.s32 $0x0;
	s15 =	simm.s32 $0x13E00;
	s16 =	simm.s32 $0x1  }
0x5: {  	s26 =	simm.s32 $0x13C80;
	s29 =	simm.s32 $0x13D80;
	s31 =	simm.s32 $0x13E80  }
0x6: {  	s28 =	simm.s32 $0x4;
	s30 =	simm.s32 $0x0;
	s5 =	smul.u32 $0x13C00, s14  }
0x7: {  	s2 =	sand.u32 $0x1, s2;
	[smem:$0x7FF] =	sst s4;
	s17 =	smul.u32 $0x4F000, s14  }
0x8: {  	s10 =	sadd.s32 $0x3000, s0;
	s11 =	smul.u32 $0x5000, s14;
	s19 =	sshll.u32 s14, $0x6  }
0x9: {  	s6 =	smul.u32 $0x13C000, s2;
	_ =	strace $0x8000004A;
	[dreg:$0x8] =	wrdreg s26  }
0xa: {  	s7 =	ssub.s32 $0x2, s2;
	s8 =	sshll.u32 s2, $0x4;
	[dreg:$0x9] =	wrdreg s29  }
0xb: {  	s2 =	smul.u32 $0x50000, s2;
	[dreg:$0xa] =	wrdreg s31;
	s26 =	simm.s32 $0x8  }
0xc: {  	s9 =	sshrl.u32 s7, $0x1;
	s8 =	sor.u32 s14, s8;
	s14 =	simm.s32 $0x13D00  }
0xd: {  	s6 =	sadd.s32 s5, s6;
	s5 =	sshrl.u32 s5, $0x3;
	s12 =	ssub.s32 s7, s9  }
0xe: {  	s18 =	smul.u32 $0x5000, s8;
	s2 =	sadd.s32 s11, s2;
	s6 =	sshrl.u32 s6, $0x3  }
0xf: {  	s5 =	sadd.s32 s5, s0;
	s20 =	sor.u32 $0x500, s2;
	s11 =	sor.u32 $0x400, s2  }
0x10: {  	s24 =	sor.u32 $0x300, s2;
	s2 =	sor.u32 $0x200, s2;
	s0 =	sadd.s32 s6, s0  }
0x11: {  	s6 =	sshrl.u32 s17, $0x2;
	s5 =	sadd.s32 $0x17000, s5;
	s7 =	sshrl.u32 s18, $0x3  }
0x12: {  	s22 =	sshrl.u32 s20, $0x3;
	s23 =	sshrl.u32 s11, $0x3;
	s11 =	sshrl.u32 s24, $0x3  }
0x13: {  	s2 =	sshrl.u32 s2, $0x3;
	s17 =	simm.s32 $0x80;
	s18 =	simm.s32 $0x14000  }
0x14: {  	s20 =	simm.s32 $0x2;
	s24 =	simm.s32 $0x3;
	s13 =	sadd.s32 s6, s3  }
0x15: {  	[dreg:$0xb] =	wrdreg s5;
	s6 =	sor.u32 $0x1C09, s19;
	s21 =	sadd.s32 s10, s7  }
0x16: {  	s9 =	sadd.s32 s22, s10;
	s11 =	sadd.s32 s11, s10;
	[dreg:$0xc] =	wrdreg s21  }
0x17: {  	s25 =	sadd.s32 s2, s10;
	s19 =	simm.s32 $0x13F00;
	[dreg:$0x4] =	wrdreg s9  }
0x18: {  	s22 =	simm.s32 $0x5;
	s5 =	sadd.s32 $0x20, s21;
	[dreg:$0x6] =	wrdreg s11  }
0x19: {  	s9 =	sadd.s32 s23, s10;
	s10 =	smax.u32 s12, $0x1;
	[dreg:$0x7] =	wrdreg s25  }
0x1a: {  	s11 =	sshrl.u32 s13, $0x3;
	s12 =	simm.s32 $0x9;
	s13 =	simm.s32 $0x13C00  }
0x1b: {  	s21 =	simm.s32 $0x18000;
	s23 =	simm.s32 $0x7;
	[dreg:$0xd] =	wrdreg s5  }
0x1c: {  	s25 =	simm.s32 $0x6;
	[dreg:$0x5] =	wrdreg s9;
	s9 =	sadd.s32 $0x3E800, s0  }
.LBB2_1:
0x1d: {  	s0 =	rddreg [dreg:$0xb]  }
0x1e: {  	[spmem:s11], [sflag:s6] =	dma.local [hbm:s0], $0x2780  }
0x1f: {  	_ =	swait.ge [sflag:s12], $0x2780  }
0x20: {  	[sflag:s12] =	ssyncset.done $0x0  }
0x21: {  	[sflag:s12] =	ssyncadd.s32 $0xFFFFD880  }
0x22: {  	p0 =	por $0x1, $0x1;
	[bflag:$0x0] =	sbarrier.arrive $0xFFFF  }
0x23: {  	p0 =	por p0, p0;
	s2 =	rddreg [dreg:$0xc]  }
0x24: {  	[tilespmem:s13], [sflag:$0x1] =	stream.linear.gather [hbm4b:s2+s4], $0x100, $0x38;
	[tilespmem:$0x1C000] =	vst v63  }
0x25: {  	s0 =	simm.s32 @!p0 $0x7;
	s5 =	rddreg [dreg:$0xd]  }
0x26: {  	[tilespmem:s14], [sflag:$0x2] =	stream.linear.gather [hbm4b:s5+s4], $0x100, $0x38;
	[tilespmem:$0x1C000] =	vst v63  }
0x27: {  	_ =	swait.ge @!p0 [sflag:s0], $0x4000  }
0x28: {  	s2 =	rddreg [dreg:$0x7];
	[sflag:s0] =	ssyncset.done @!p0 $0x0  }
0x29: {  	[sflag:s0] =	ssyncadd.s32 @!p0 $0xFFFFC000;
	s7 =	sadd.s32 $0x0, s2  }
0x2a: {  	[tilespmem:s15], [sflag:$0x3] =	stream.linear.gather [hbm4b:s7+s4], $0x100, $0x38;
	[tilespmem:$0x1C000] =	vst v63  }
0x2b: {  	_ =	swait.ge [sflag:s16], $0x100  }
0x2c: {  	[sflag:s16] =	ssyncset.done $0x0  }
0x2d: {  	s0 =	simm.s32 @!p0 $0x6;
	[sflag:s16] =	ssyncadd.s32 $0xFFFFFF00  }
0x2e: {  	[tilespmem:s18], [sflag:$0x5] =	stream.indirect.gather [hbm4b:s1+s17], $0x80, s13, s17, $0xb8;
	[tilespmem:$0x1C000] =	vst v63  }
0x2f: {  	_ =	swait.ge @!p0 [sflag:s0], $0x4000  }
0x30: {  	s29 =	simm.s32 @!p0 $0x13F80;
	[sflag:s0] =	ssyncset.done @!p0 $0x0  }
0x31: {  	s2 =	simm.s32 @!p0 $0x18000;
	[sflag:s0] =	ssyncadd.s32 @!p0 $0xFFFFC000;
	s0 =	simm.s32 @!p0 $0x80  }
0x32: {  	[spmem:s3] =	stream.indirect.scatter.add.f32 @!p0 [tilespmem:s2], [sflag:$0x8], $0x80, s29, s0, $0xb8;
	[tilespmem:$0x1C000] =	vst v63  }
0x33: {  	s0 =	simm.s32 @!p0 $0x8  }
0x34: {  	_ =	swait.ge @!p0 [sflag:s0], $0x4000  }
0x35: {  	s8 =	rddreg [dreg:$0x6];
	[sflag:s0] =	ssyncset.done @!p0 $0x0  }
0x36: {  	[sflag:s0] =	ssyncadd.s32 @!p0 $0xFFFFC000;
	s5 =	sadd.s32 $0x0, s8  }
0x37: {  	[tilespmem:s19], [sflag:$0x4] =	stream.linear.gather [hbm4b:s5+s4], $0x100, $0x38;
	[tilespmem:$0x1C000] =	vst v63  }
0x38: {  	_ =	swait.ge [sflag:s20], $0x100  }
0x39: {  	[sflag:s20] =	ssyncset.done $0x0  }
0x3a: {  	[sflag:s20] =	ssyncadd.s32 $0xFFFFFF00  }
0x3b: {  	[tilespmem:s21], [sflag:$0x6] =	stream.indirect.gather [hbm4b:s1+s17], $0x80, s14, s17, $0xb8;
	[tilespmem:$0x1C000] =	vst v63  }
0x3c: {  	_ =	swait.ge [sflag:s22], $0x4000  }
0x3d: {  	[sflag:s22] =	ssyncset.done $0x0  }
0x3e: {  	s7 =	rddreg [dreg:$0x8];
	[sflag:s22] =	ssyncadd.s32 $0xFFFFC000  }
0x3f: {  	[spmem:s3] =	stream.indirect.scatter.add.f32 [tilespmem:s18], [sflag:$0x7], $0x80, s7, s17, $0xb8;
	[tilespmem:$0x1C000] =	vst v63  }
0x40: {  	p0 =	por $0x0, $0x0;
	_ =	swait.ge [sflag:s23], $0x4000  }
0x41: {  	s2 =	simm.s32 @!p0 $0x0;
	s0 =	rddreg [dreg:$0x5];
	[sflag:s23] =	ssyncset.done $0x0  }
0x42: {  	s29 =	simm.s32 @!p0 $0x13C00;
	[sflag:s23] =	ssyncadd.s32 $0xFFFFC000;
	s0 =	sadd.s32 @!p0 $0x0, s0  }
0x43: {  	[tilespmem:s29], [sflag:$0x1] =	stream.linear.gather @!p0 [hbm4b:s0+s2], $0x100, $0x38;
	[tilespmem:$0x1C000] =	vst v63  }
0x44: {  	_ =	swait.ge [sflag:s24], $0x100  }
0x45: {  	[sflag:s24] =	ssyncset.done $0x0  }
0x46: {  	[sflag:s24] =	ssyncadd.s32 $0xFFFFFF00  }
0x47: {  	[tilespmem:s18], [sflag:$0x5] =	stream.indirect.gather [hbm4b:s1+s17], $0x80, s15, s17, $0xb8;
	[tilespmem:$0x1C000] =	vst v63  }
0x48: {  	_ =	swait.ge [sflag:s25], $0x4000  }
0x49: {  	[sflag:s25] =	ssyncset.done $0x0  }
0x4a: {  	s8 =	rddreg [dreg:$0x9];
	[sflag:s25] =	ssyncadd.s32 $0xFFFFC000  }
0x4b: {  	[spmem:s3] =	stream.indirect.scatter.add.f32 [tilespmem:s21], [sflag:$0x8], $0x80, s8, s17, $0xb8;
	[tilespmem:$0x1C000] =	vst v63  }
0x4c: {  	_ =	swait.ge [sflag:s26], $0x4000  }
0x4d: {  	s0 =	rddreg [dreg:$0x4];
	[sflag:s26] =	ssyncset.done $0x0  }
0x4e: {  	s29 =	simm.s32 @!p0 $0x13D00;
	[sflag:s26] =	ssyncadd.s32 $0xFFFFC000;
	s0 =	sadd.s32 @!p0 $0x0, s0  }
0x4f: {  	[tilespmem:s29], [sflag:$0x2] =	stream.linear.gather @!p0 [hbm4b:s0+s2], $0x100, $0x38;
	[tilespmem:$0x1C000] =	vst v63  }
0x50: {  	_ =	swait.ge [sflag:s28], $0x100  }
0x51: {  	[sflag:s28] =	ssyncset.done $0x0  }
0x52: {  	[sflag:s28] =	ssyncadd.s32 $0xFFFFFF00  }
0x53: {  	[tilespmem:s21], [sflag:$0x6] =	stream.indirect.gather [hbm4b:s1+s17], $0x80, s19, s17, $0xb8;
	[tilespmem:$0x1C000] =	vst v63  }
0x54: {  	s31 =	simm.s32 $0x80;
	_ =	swait.ge [sflag:s22], $0x4000  }
0x55: {  	p6 =	por $0x0, $0x0;
	s2 =	simm.s32 $0x100;
	[sflag:s22] =	ssyncset.done $0x0  }
0x56: {  	p0 =	por p6, p6;
	s29 =	rddreg [dreg:$0xa];
	[sflag:s22] =	ssyncadd.s32 $0xFFFFC000  }
.LBB2_2:
0x57: {  	s5 =	simm.s32 @!p0 $0x7  }
0x58: {  	[spmem:s3] =	stream.indirect.scatter.add.f32 [tilespmem:s18], [sflag:$0x7], $0x80, s29, s17, $0xb8;
	[tilespmem:$0x1C000] =	vst v63  }
0x59: {  	_ =	swait.ge @!p0 [sflag:s5], $0x4000  }
0x5a: {  	[sflag:s5] =	ssyncset.done @!p0 $0x0;
	s29 =	rddreg [dreg:$0x7]  }
0x5b: {  	[sflag:s5] =	ssyncadd.s32 @!p0 $0xFFFFC000;
	s8 =	sadd.s32 s31, s29  }
0x5c: {  	[tilespmem:s15], [sflag:$0x3] =	stream.linear.gather [hbm4b:s8+s4], $0x100, $0x38;
	[tilespmem:$0x1C000] =	vst v63  }
0x5d: {  	_ =	swait.ge [sflag:s16], $0x100  }
0x5e: {  	[sflag:s16] =	ssyncset.done $0x0  }
0x5f: {  	s5 =	simm.s32 @!p0 $0x6;
	[sflag:s16] =	ssyncadd.s32 $0xFFFFFF00  }
0x60: {  	[tilespmem:s18], [sflag:$0x5] =	stream.indirect.gather [hbm4b:s1+s17], $0x80, s13, s17, $0xb8;
	[tilespmem:$0x1C000] =	vst v63  }
0x61: {  	_ =	swait.ge @!p0 [sflag:s5], $0x4000  }
0x62: {  	s7 =	simm.s32 @!p0 $0x13F80;
	s29 =	simm.s32 @!p0 $0x18000;
	[sflag:s5] =	ssyncset.done @!p0 $0x0  }
0x63: {  	s8 =	simm.s32 @!p0 $0x8;
	[sflag:s5] =	ssyncadd.s32 @!p0 $0xFFFFC000;
	s5 =	simm.s32 @!p0 $0x80  }
0x64: {  	[spmem:s3] =	stream.indirect.scatter.add.f32 @!p0 [tilespmem:s29], [sflag:$0x8], $0x80, s7, s5, $0xb8;
	[tilespmem:$0x1C000] =	vst v63  }
0x65: {  	_ =	swait.ge @!p0 [sflag:s8], $0x4000  }
0x66: {  	s7 =	rddreg [dreg:$0x6];
	[sflag:s8] =	ssyncset.done @!p0 $0x0  }
0x67: {  	[sflag:s8] =	ssyncadd.s32 @!p0 $0xFFFFC000;
	s5 =	sadd.s32 s31, s7  }
0x68: {  	[tilespmem:s19], [sflag:$0x4] =	stream.linear.gather [hbm4b:s5+s4], $0x100, $0x38;
	[tilespmem:$0x1C000] =	vst v63  }
0x69: {  	_ =	swait.ge [sflag:s20], $0x100  }
0x6a: {  	[sflag:s20] =	ssyncset.done $0x0  }
0x6b: {  	[sflag:s20] =	ssyncadd.s32 $0xFFFFFF00  }
0x6c: {  	[tilespmem:s21], [sflag:$0x6] =	stream.indirect.gather [hbm4b:s1+s17], $0x80, s14, s17, $0xb8;
	[tilespmem:$0x1C000] =	vst v63  }
0x6d: {  	_ =	swait.ge [sflag:s22], $0x4000  }
0x6e: {  	[sflag:s22] =	ssyncset.done $0x0  }
0x6f: {  	p2 =	seq.s32 s2, $0x0;
	s7 =	rddreg [dreg:$0x8];
	[sflag:s22] =	ssyncadd.s32 $0xFFFFC000  }
0x70: {  	[spmem:s3] =	stream.indirect.scatter.add.f32 [tilespmem:s18], [sflag:$0x7], $0x80, s7, s17, $0xb8;
	[tilespmem:$0x1C000] =	vst v63  }
0x71: {  	p0 =	por p2, p2;
	p2 =	seq.s32 s31, $0x980;
	_ =	swait.ge [sflag:s23], $0x4000  }
0x72: {  	s8 =	simm.s32 @!p2 $0x13C00;
	s5 =	rddreg [dreg:$0x5];
	[sflag:s23] =	ssyncset.done $0x0  }
0x73: {  	s7 =	simm.s32 @!p2 $0x0;
	[sflag:s23] =	ssyncadd.s32 $0xFFFFC000;
	s5 =	sadd.s32 @!p2 s31, s5  }
0x74: {  	[tilespmem:s8], [sflag:$0x1] =	stream.linear.gather @!p2 [hbm4b:s5+s7], $0x100, $0x38;
	[tilespmem:$0x1C000] =	vst v63  }
0x75: {  	_ =	swait.ge [sflag:s24], $0x100  }
0x76: {  	[sflag:s24] =	ssyncset.done $0x0  }
0x77: {  	[sflag:s24] =	ssyncadd.s32 $0xFFFFFF00  }
0x78: {  	[tilespmem:s18], [sflag:$0x5] =	stream.indirect.gather [hbm4b:s1+s17], $0x80, s15, s17, $0xb8;
	[tilespmem:$0x1C000] =	vst v63  }
0x79: {  	_ =	swait.ge [sflag:s25], $0x4000  }
0x7a: {  	[sflag:s25] =	ssyncset.done $0x0  }
0x7b: {  	s8 =	rddreg [dreg:$0x9];
	[sflag:s25] =	ssyncadd.s32 $0xFFFFC000  }
0x7c: {  	[spmem:s3] =	stream.indirect.scatter.add.f32 [tilespmem:s21], [sflag:$0x8], $0x80, s8, s17, $0xb8;
	[tilespmem:$0x1C000] =	vst v63  }
0x7d: {  	_ =	swait.ge [sflag:s26], $0x4000  }
0x7e: {  	s5 =	rddreg [dreg:$0x4];
	[sflag:s26] =	ssyncset.done $0x0  }
0x7f: {  	s8 =	simm.s32 @!p2 $0x13D00;
	[sflag:s26] =	ssyncadd.s32 $0xFFFFC000;
	s5 =	sadd.s32 @!p2 s31, s5  }
0x80: {  	[tilespmem:s8], [sflag:$0x2] =	stream.linear.gather @!p2 [hbm4b:s5+s7], $0x100, $0x38;
	[tilespmem:$0x1C000] =	vst v63  }
0x81: {  	s0 =	smov.u32 s2;
	s2 =	sadd.s32 $0x80, s2;
	_ =	swait.ge [sflag:s28], $0x100  }
0x82: {  	p1 =	sne.s32 s2, $0xA00;
	[sflag:s28] =	ssyncset.done $0x0  }
.Ltmp0:
0x83: {  	[sflag:s28] =	ssyncadd.s32 $0xFFFFFF00;
	(pc) =	sbr.rel @p1 .LBB2_2-.Ltmp0, $4  }
0x84: {  	[tilespmem:s21], [sflag:$0x6] =	stream.indirect.gather [hbm4b:s1+s17], $0x80, s19, s17, $0xb8;
	[tilespmem:$0x1C000] =	vst v63  }
0x85: {  	_ =	swait.ge [sflag:s22], $0x4000  }
0x86: {  	[sflag:s22] =	ssyncset.done $0x0  }
0x87: {  	s31 =	smov.u32 s0;
	s29 =	rddreg [dreg:$0xa];
	[sflag:s22] =	ssyncadd.s32 $0xFFFFC000  }
0x88: {  	s0 =	simm.s32 @!p0 $0x7  }
0x89: {  	[spmem:s3] =	stream.indirect.scatter.add.f32 [tilespmem:s18], [sflag:$0x7], $0x80, s29, s17, $0xb8;
	[tilespmem:$0x1C000] =	vst v63  }
0x8a: {  	_ =	swait.ge @!p0 [sflag:s0], $0x4000  }
0x8b: {  	s2 =	rddreg [dreg:$0x7];
	[sflag:s0] =	ssyncset.done @!p0 $0x0  }
0x8c: {  	[sflag:s0] =	ssyncadd.s32 @!p0 $0xFFFFC000;
	s8 =	sadd.s32 s31, s2  }
0x8d: {  	[tilespmem:s15], [sflag:$0x3] =	stream.linear.gather [hbm4b:s8+s4], $0x100, $0x38;
	[tilespmem:$0x1C000] =	vst v63  }
0x8e: {  	_ =	swait.ge [sflag:s16], $0x100  }
0x8f: {  	[sflag:s16] =	ssyncset.done $0x0  }
0x90: {  	s0 =	simm.s32 @!p0 $0x6;
	[sflag:s16] =	ssyncadd.s32 $0xFFFFFF00  }
0x91: {  	[tilespmem:s18], [sflag:$0x5] =	stream.indirect.gather [hbm4b:s1+s17], $0x80, s13, s17, $0xb8;
	[tilespmem:$0x1C000] =	vst v63  }
0x92: {  	_ =	swait.ge @!p0 [sflag:s0], $0x4000  }
0x93: {  	s5 =	simm.s32 @!p0 $0x13F80;
	[sflag:s0] =	ssyncset.done @!p0 $0x0  }
0x94: {  	s2 =	simm.s32 @!p0 $0x18000;
	[sflag:s0] =	ssyncadd.s32 @!p0 $0xFFFFC000;
	s0 =	simm.s32 @!p0 $0x80  }
0x95: {  	[spmem:s3] =	stream.indirect.scatter.add.f32 @!p0 [tilespmem:s2], [sflag:$0x8], $0x80, s5, s0, $0xb8;
	[tilespmem:$0x1C000] =	vst v63  }
0x96: {  	s0 =	simm.s32 @!p0 $0x8  }
0x97: {  	_ =	swait.ge @!p0 [sflag:s0], $0x4000  }
0x98: {  	s29 =	rddreg [dreg:$0x6];
	[sflag:s0] =	ssyncset.done @!p0 $0x0  }
0x99: {  	[sflag:s0] =	ssyncadd.s32 @!p0 $0xFFFFC000;
	s5 =	sadd.s32 s31, s29  }
0x9a: {  	[tilespmem:s19], [sflag:$0x4] =	stream.linear.gather [hbm4b:s5+s4], $0x100, $0x38;
	[tilespmem:$0x1C000] =	vst v63  }
0x9b: {  	_ =	swait.ge [sflag:s20], $0x100  }
0x9c: {  	[sflag:s20] =	ssyncset.done $0x0  }
0x9d: {  	[sflag:s20] =	ssyncadd.s32 $0xFFFFFF00  }
0x9e: {  	[tilespmem:s21], [sflag:$0x6] =	stream.indirect.gather [hbm4b:s1+s17], $0x80, s14, s17, $0xb8;
	[tilespmem:$0x1C000] =	vst v63  }
0x9f: {  	_ =	swait.ge [sflag:s22], $0x4000  }
0xa0: {  	[sflag:s22] =	ssyncset.done $0x0  }
0xa1: {  	s7 =	rddreg [dreg:$0x8];
	[sflag:s22] =	ssyncadd.s32 $0xFFFFC000  }
0xa2: {  	[spmem:s3] =	stream.indirect.scatter.add.f32 [tilespmem:s18], [sflag:$0x7], $0x80, s7, s17, $0xb8;
	[tilespmem:$0x1C000] =	vst v63  }
0xa3: {  	p0 =	seq.s32 s31, $0x980;
	_ =	swait.ge [sflag:s23], $0x4000  }
0xa4: {  	s2 =	simm.s32 @!p0 $0x0;
	s0 =	rddreg [dreg:$0x5];
	[sflag:s23] =	ssyncset.done $0x0  }
0xa5: {  	s5 =	simm.s32 @!p0 $0x13C00;
	[sflag:s23] =	ssyncadd.s32 $0xFFFFC000;
	s0 =	sadd.s32 @!p0 s31, s0  }
0xa6: {  	[tilespmem:s5], [sflag:$0x1] =	stream.linear.gather @!p0 [hbm4b:s0+s2], $0x100, $0x38;
	[tilespmem:$0x1C000] =	vst v63  }
0xa7: {  	_ =	swait.ge [sflag:s24], $0x100  }
0xa8: {  	[sflag:s24] =	ssyncset.done $0x0  }
0xa9: {  	[sflag:s24] =	ssyncadd.s32 $0xFFFFFF00  }
0xaa: {  	[tilespmem:s18], [sflag:$0x5] =	stream.indirect.gather [hbm4b:s1+s17], $0x80, s15, s17, $0xb8;
	[tilespmem:$0x1C000] =	vst v63  }
0xab: {  	_ =	swait.ge [sflag:s25], $0x4000  }
0xac: {  	[sflag:s25] =	ssyncset.done $0x0  }
0xad: {  	s8 =	rddreg [dreg:$0x9];
	[sflag:s25] =	ssyncadd.s32 $0xFFFFC000  }
0xae: {  	[spmem:s3] =	stream.indirect.scatter.add.f32 [tilespmem:s21], [sflag:$0x8], $0x80, s8, s17, $0xb8;
	[tilespmem:$0x1C000] =	vst v63  }
0xaf: {  	_ =	swait.ge [sflag:s26], $0x4000  }
0xb0: {  	s0 =	rddreg [dreg:$0x4];
	[sflag:s26] =	ssyncset.done $0x0  }
0xb1: {  	s5 =	simm.s32 @!p0 $0x13D00;
	[sflag:s26] =	ssyncadd.s32 $0xFFFFC000;
	s0 =	sadd.s32 @!p0 s31, s0  }
0xb2: {  	[tilespmem:s5], [sflag:$0x2] =	stream.linear.gather @!p0 [hbm4b:s0+s2], $0x100, $0x38;
	[tilespmem:$0x1C000] =	vst v63  }
0xb3: {  	_ =	swait.ge [sflag:s28], $0x100  }
0xb4: {  	[sflag:s28] =	ssyncset.done $0x0  }
0xb5: {  	[sflag:s28] =	ssyncadd.s32 $0xFFFFFF00  }
0xb6: {  	[tilespmem:s21], [sflag:$0x6] =	stream.indirect.gather [hbm4b:s1+s17], $0x80, s19, s17, $0xb8;
	[tilespmem:$0x1C000] =	vst v63  }
0xb7: {  	_ =	swait.ge [sflag:s22], $0x4000  }
0xb8: {  	[sflag:s22] =	ssyncset.done $0x0  }
0xb9: {  	s29 =	rddreg [dreg:$0xa];
	[sflag:s22] =	ssyncadd.s32 $0xFFFFC000  }
0xba: {  	[spmem:s3] =	stream.indirect.scatter.add.f32 [tilespmem:s18], [sflag:$0x7], $0x80, s29, s17, $0xb8;
	[tilespmem:$0x1C000] =	vst v63  }
0xbb: {  	_ =	swait.ge [sflag:s25], $0x4000  }
0xbc: {  	[sflag:s25] =	ssyncset.done $0x0  }
0xbd: {  	s31 =	simm.s32 $0x13F80;
	[sflag:s25] =	ssyncadd.s32 $0xFFFFC000  }
0xbe: {  	[spmem:s3] =	stream.indirect.scatter.add.f32 [tilespmem:s21], [sflag:$0x8], $0x80, s31, s17, $0xb8;
	[tilespmem:$0x1C000] =	vst v63  }
0xbf: {  	_ =	swait.ge [sflag:s23], $0x4000  }
0xc0: {  	[sflag:s23] =	ssyncset.done $0x0  }
0xc1: {  	[sflag:s23] =	ssyncadd.s32 $0xFFFFC000  }
0xc2: {  	_ =	swait.ge [sflag:s26], $0x4000  }
0xc3: {  	s30 =	sadd.s32 $0x1, s30;
	[sflag:s26] =	ssyncset.done $0x0  }
0xc4: {  	p0 =	sne.s32 s30, s10;
	[sflag:s26] =	ssyncadd.s32 $0xFFFFC000  }
.Ltmp1:
0xc5: {  	[bflag:$0x0] =	sbarrier.arrive $0xFFFF;
	(pc) =	sbr.rel @p0 .LBB2_1-.Ltmp1, $4  }
0xc6: {  	[hbm:s9], [sflag:s6] =	dma.local [spmem:s11], $0x2780  }
0xc7: {  	_ =	swait.ge [sflag:s12], $0x2780  }
0xc8: {  	[sflag:s12] =	ssyncset.done $0x0  }
0xc9: {  	[sflag:s12] =	ssyncadd.s32 $0xFFFFD880  }
0xca: {  	_ =	sfence.sel $0x180000  }
0xcb: {  	[bflag:$0x0] =	sbarrier.arrive $0xFFFF  }
0xcc: {  	_ =	strace $0x9000004A  }
0xcd: {  	s0 =	stileid.u32;
	[bflag:$0x2] =	sbarrier.arrive $0xFFFF  }
0xce: {  	p0 =	sne.s32 s0, $0x0;
	s0 =	rddreg [dreg:$0x3]  }
0xcf: {  	s0 =	sadd.s32 @!p0 $0x100000, s0  }
0xd0: {  	[sflag:s0] =	ssyncadd.tile.s32 @!p0 $0x1;
	_ =	shalt  }
.Lfunc_end2:
_tile_overlayer_lowered:
.L_overlay_start_2:
0xd1: {  	(tag) =	ssettag $0x2  }
0xd2: {  	s0 =	rddreg [dreg:$0x0];
	s2 =	stileid.u32  }
0xd3: {  	s1 =	rddreg [dreg:$0x1];
	p0 =	sne.s32 s2, $0x0  }
0xd4: {  	s3 =	rddreg [dreg:$0x2];
	[bflag:$0x3] =	sbarrier.arrive $0xFFFF;
	s2 =	simm.s32 @!p0 $0x1C09  }
0xd5: {  	[timem:s3], [sflag:s2] =	dma.local @!p0 [hbm:s0], s1  }
0xd6: {  	s0 =	simm.s32 @!p0 $0x9  }
0xd7: {  	_ =	swait.ge @!p0 [sflag:s0], s1  }
0xd8: {  	s1 =	ssub.s32 @!p0 $0x0, s1;
	[sflag:s0] =	ssyncset.done @!p0 $0x0  }
0xd9: {  	[sflag:s0] =	ssyncadd.s32 @!p0 s1  }
0xda: {  	[bflag:$0x3] =	sbarrier.arrive $0xFFFF  }
0xdb: {  	_ =	shalt  }

// kernel: kernel.14.cloned.1.call-start
scs
__scs_entry_jumppad:
0x0: {  	(pc) =	sbr.rel $0x88, $3  }
0x1: {  	(tag) =	ssettag $0x0;
	lr =	simm.s32 $0x1  }
0x2: {  	[smem:$0x3F9B] =	sst lr;
	_ =	strace $0xD0000000  }
0x3: {  	_ = 	snop  }
0x4: {  	_ = 	snop  }
0x5: {  	_ = 	snop  }
0x6: {  	_ = 	snop  }
0x7: {  	_ = 	snop  }
__scs_overlays_trampoline_lowered:
0x8: {  	[smem:$0x3FAA] =	sst s0  }
0x9: {  	[smem:$0x3FAB] =	sst s1  }
0xa: {  	[smem:$0x3FAC] =	sst s2  }
0xb: {  	[smem:$0x3FAD] =	sst s3  }
0xc: {  	[smem:$0x3FAE] =	sst s4  }
0xd: {  	[smem:$0x3FAF] =	sst s5  }
0xe: {  	[smem:$0x3FB0] =	sst s6  }
0xf: {  	[smem:$0x3FB1] =	sst s7  }
0x10: {  	[smem:$0x3FB2] =	sst s8  }
0x11: {  	[smem:$0x3FB3] =	sst s9;
	s0 =	simm.s32 @!p0 $0x0  }
0x12: {  	s1 =	sld [smem:$0x3F99];
	s0 =	simm.s32 @p0 $0x1  }
0x13: {  	[smem:$0x3FB4] =	sst s0;
	s0 =	simm.s32 @!p1 $0x0  }
0x14: {  	s2 =	sld [smem:$0x3F98];
	s0 =	simm.s32 @p1 $0x1  }
0x15: {  	[smem:$0x3FB5] =	sst s0;
	s0 =	simm.s32 @!p2 $0x0  }
0x16: {  	s3 =	sld [smem:$0x3FDB];
	s0 =	simm.s32 @p2 $0x1  }
0x17: {  	s4 =	simm.s32 $0x1BF5;
	[smem:$0x3FB7] =	sst s0  }
0x18: {  	s0 =	sld [smem:$0x3F9A];
	_ =	swait.ge [sflag:s4], $0x0  }
0x19: {  	s7 =	sld [smem:$0x3F9B]  }
0x1a: {  	s8 =	sadd.s32 $0xFFFFE003, lr  }
0x1b: {  	s9 =	sadd.s32 $0xFFFFFEF7, lr;
	s5 =	simm.s32 $0xFFFFFFFF;
	p2 =	slt.u32 s8, $0xFFFFF086  }
0x1c: {  	p1 =	slt.u32 s9, $0xF7A;
	s5 =	simm.s32 @!p2 $0x0  }
0x1d: {  	s5 =	simm.s32 @p1 $0x1;
	p0 =	seq.s32 s7, s2  }
0x1e: {  	s7 =	smul.u32 @!p0 $0xF7A, s2;
	p2 =	seq.s32 @!p0 s5, $0x0  }
0x1f: {  	s9 =	smul.u32 $0xF7A, s1;
	s8 =	simm.s32 @!p0 $0x1BF5;
	p2 =	por !p2, p0  }
0x20: {  	[sflag:s8] =	ssyncset.s32 @!p0 $0xFFFFF086;
	s6 =	sadd.s32 @!p0 s3, s7;
	s7 =	simm.s32 @!p0 $0x108  }
0x21: {  	s3 =	sadd.s32 s3, s9;
	s6 =	sadd.s32 @!p0 $0x88, s6;
	s7 =	simm.s32 @p2 $0x1082  }
0x22: {  	[simem:s7], [sflag:s8] =	dma.local @!p0 [hbm:s6], $0xF7A  }
0x23: {  	s9 =	sor.u32 $0xD0000000, s2;
	s6 =	simm.s32 $0x108;
	_ =	swait.ge @!p0 [sflag:s8], $0x0  }
0x24: {  	s3 =	sadd.s32 $0x88, s3;
	s6 =	simm.s32 @!p1 $0x1082;
	[sflag:s4] =	ssyncset.s32 $0xFFFFF086  }
0x25: {  	[simem:s6], [sflag:s4] =	dma.local [hbm:s3], $0xF7A  }
0x26: {  	[smem:$0x3F9B] =	sst s1;
	(tag) =	ssettag s2;
	_ =	strace s9  }
0x27: {  	s1 =	sld [smem:$0x3FAB]  }
0x28: {  	s2 =	sld [smem:$0x3FAC]  }
0x29: {  	s4 =	sld [smem:$0x3FAE]  }
0x2a: {  	p0 =	seq.s32 s5, $0x0;
	s5 =	sld [smem:$0x3FAF]  }
0x2b: {  	s6 =	sld [smem:$0x3FB0]  }
0x2c: {  	s7 =	sld [smem:$0x3FB1]  }
0x2d: {  	s3 =	simm.s32 $0x108;
	s8 =	sld [smem:$0x3FB2]  }
0x2e: {  	s3 =	simm.s32 @!p0 $0x1082;
	s9 =	sld [smem:$0x3FB3]  }
0x2f: {  	lr =	sadd.s32 s0, s3;
	s0 =	sld [smem:$0x3FAA]  }
0x30: {  	s3 =	sld [smem:$0x3FAD]  }
0x31: {  	[smem:$0x3FB6] =	sst s10  }
0x32: {  	s10 =	sld [smem:$0x3FB4];
	_ =	sdelay $0x3  }
0x33: {  	p0 =	seq.s32 s10, $0x1;
	s10 =	sld [smem:$0x3FB6];
	_ =	sdelay $0x3  }
0x34: {  	[smem:$0x3FB6] =	sst s10  }
0x35: {  	s10 =	sld [smem:$0x3FB5];
	_ =	sdelay $0x3  }
0x36: {  	p1 =	seq.s32 s10, $0x1;
	s10 =	sld [smem:$0x3FB6];
	_ =	sdelay $0x3  }
0x37: {  	[smem:$0x3FB6] =	sst s10  }
0x38: {  	s10 =	sld [smem:$0x3FB7]  }
0x39: {  	_ = 	snop;
	(pc) =	sbr.ind lr, $3  }
0x3a: {  	_ = 	snop  }
0x3b: {  	_ = 	snop  }
0x3c: {  	p2 =	seq.s32 s10, $0x1;
	s10 =	sld [smem:$0x3FB6]  }
0x3d: {  	_ =	shalt  }
0x3e: {  	_ =	shalt  }
0x3f: {  	_ =	shalt  }
0x40: {  	_ =	shalt  }
0x41: {  	_ =	shalt  }
0x42: {  	_ =	shalt  }
0x43: {  	_ =	shalt  }
0x44: {  	_ =	shalt  }
0x45: {  	_ =	shalt  }
0x46: {  	_ =	shalt  }
0x47: {  	_ =	shalt  }
0x48: {  	_ =	shalt  }
0x49: {  	_ =	shalt  }
0x4a: {  	_ =	shalt  }
0x4b: {  	_ =	shalt  }
0x4c: {  	_ =	shalt  }
0x4d: {  	_ =	shalt  }
0x4e: {  	_ =	shalt  }
0x4f: {  	_ =	shalt  }
0x50: {  	_ =	shalt  }
0x51: {  	_ =	shalt  }
0x52: {  	_ =	shalt  }
0x53: {  	_ =	shalt  }
0x54: {  	_ =	shalt  }
0x55: {  	_ =	shalt  }
0x56: {  	_ =	shalt  }
0x57: {  	_ =	shalt  }
0x58: {  	_ =	shalt  }
0x59: {  	_ =	shalt  }
0x5a: {  	_ =	shalt  }
0x5b: {  	_ =	shalt  }
0x5c: {  	_ =	shalt  }
0x5d: {  	_ =	shalt  }
0x5e: {  	_ =	shalt  }
0x5f: {  	_ =	shalt  }
0x60: {  	_ =	shalt  }
0x61: {  	_ =	shalt  }
0x62: {  	_ =	shalt  }
0x63: {  	_ =	shalt  }
0x64: {  	_ =	shalt  }
0x65: {  	_ =	shalt  }
0x66: {  	_ =	shalt  }
0x67: {  	_ =	shalt  }
0x68: {  	_ =	shalt  }
0x69: {  	_ =	shalt  }
0x6a: {  	_ =	shalt  }
0x6b: {  	_ =	shalt  }
0x6c: {  	_ =	shalt  }
0x6d: {  	_ =	shalt  }
0x6e: {  	_ =	shalt  }
0x6f: {  	_ =	shalt  }
0x70: {  	_ =	shalt  }
0x71: {  	_ =	shalt  }
0x72: {  	_ =	shalt  }
0x73: {  	_ =	shalt  }
0x74: {  	_ =	shalt  }
0x75: {  	_ =	shalt  }
0x76: {  	_ =	shalt  }
0x77: {  	_ =	shalt  }
0x78: {  	_ =	shalt  }
0x79: {  	_ =	shalt  }
0x7a: {  	_ =	shalt  }
0x7b: {  	_ =	shalt  }
0x7c: {  	_ =	shalt  }
0x7d: {  	_ =	shalt  }
0x7e: {  	_ =	shalt  }
0x7f: {  	_ =	shalt  }
0x80: {  	_ =	shalt  }
0x81: {  	_ =	shalt  }
0x82: {  	_ =	shalt  }
0x83: {  	_ =	shalt  }
0x84: {  	_ =	shalt  }
0x85: {  	_ =	shalt  }
0x86: {  	_ =	shalt  }
0x87: {  	_ =	shalt  }
.Lfunc_end0:
.L_simem_size_0:
called_computation.2_lowered:
.L_overlay_start_0:
0x88: {  	s2 =	sld [smem:$0x3FD9]  }
0x89: {  	s3 =	sld [smem:$0x3FFE];
	_ =	sdelay $0x1  }
0x8a: {  	s1 =	srdreg.scid  }
0x8b: {  	s0 =	sand.u32 $0x1, s1  }
0x8c: {  	s17 =	sshll.u32 s0, $0xA;
	s2 =	sadd.s32 s3, s2  }
0x8d: {  	s2 =	sadd.s32 s2, s17  }
0x8e: {  	[smem:$0x3FC2] =	sst s2  }
0x8f: {  	_ = 	snop  }
0x90: {  	s2 =	sld [smem:$0x3FD0];
	(tm) =	ssettm $0x1  }
0x91: {  	s18 =	sld [smem:$0x3FFB];
	_ =	sdelay $0x3  }
0x92: {  	_ =	strace s18  }
0x93: {  	s3 =	sld [smem:$0x3FFC];
	_ =	sdelay $0x3  }
0x94: {  	_ =	strace s3  }
0x95: {  	s3 =	sld [smem:$0x3FFD];
	_ =	sdelay $0x3  }
0x96: {  	_ =	strace s3  }
0x97: {  	_ =	strace $0x8FFFFFFF  }
0x98: {  	s19 =	sld [smem:$0x3FDB];
	_ =	sdelay $0x1  }
0x99: {  	s4 =	simm.s32 $_scs_section_size  }
0x9a: {  	s5 =	simm.s32 $_size__tile_overlayer_lowered;
	s6 =	simm.s32 $_tile_overlayer_lowered  }
0x9b: {  	s22 =	simm.s32 $0x1BFF;
	s21 =	sshll.u32 s6, $0x1;
	s3 =	sadd.s32 s4, s19  }
0x9c: {  	s7 =	simm.s32 $0x0;
	s20 =	sshll.u32 s5, $0x1;
	s5 =	sadd.s32 s21, s3  }
0x9d: {  	[timem:s7], [sflag:s22] =	dma.local [hbm:s5], s20  }
0x9e: {  	_ =	swait.ge [sflag:s22], s20  }
0x9f: {  	s4 =	ssub.s32 $0x0, s20;
	[sflag:s22] =	ssyncset.done $0x0  }
0xa0: {  	[sflag:s22] =	ssyncadd.s32 s4;
	_ =	sdelay $0x1  }
0xa1: {  	s23 =	simm.s32 $0x1B8B  }
0xa2: {  	_ =	swait.ge [sflag:s23], $0x1  }
0xa3: {  	[sflag:s23] =	ssyncset.done $0x0  }
0xa4: {  	s25 =	simm.s32 $0x1B8E;
	s24 =	sld [smem:$0x3FFE];
	[sflag:s23] =	ssyncadd.s32 $0xFFFFFFFF  }
0xa5: {  	s26 =	simm.s32 $execute0_lowered;
	[smem:$0x3FD2] =	sst s25  }
0xa6: {  	s5 =	sshll.u32 s26, $0x1;
	_ =	strace $0x8000004C;
	[dreg:$0x1] =	wrdreg $0xFFFFFFFF  }
0xa7: {  	s28 =	simm.s32 $_size_execute0_lowered;
	s3 =	sadd.s32 s3, s5;
	[dreg:$0x0] =	wrdreg $0x0  }
0xa8: {  	s5 =	sshll.u32 s28, $0x1;
	[dreg:$0x2] =	wrdreg s3  }
0xa9: {  	[dreg:$0x3] =	wrdreg s5  }
0xaa: {  	[dreg:$0x4] =	wrdreg $0xC0  }
0xab: {  	_ =	task [dreg:s7], $0x5FFFF  }
0xac: {  	[dreg:$0x1] =	wrdreg $0xFFFFFFFF  }
0xad: {  	[dreg:$0x0] =	wrdreg $0x60  }
0xae: {  	[dreg:$0x2] =	wrdreg s2  }
0xaf: {  	[dreg:$0x3] =	wrdreg s24  }
0xb0: {  	[dreg:$0x4] =	wrdreg $0x0  }
0xb1: {  	[dreg:$0x5] =	wrdreg $0x9  }
0xb2: {  	_ =	task.clear_ibuf [dreg:s7], $0x6FFFF;
	_ =	strace $0x9000004C  }
0xb3: {  	s29 =	simm.s32 $0x9;
	_ =	strace $0x8000004E  }
0xb4: {  	_ =	swait.ge [sflag:s29], $0x1  }
0xb5: {  	[sflag:s29] =	ssyncadd.s32 $0xFFFFFFFF  }
0xb6: {  	_ =	strace $0x9000004E  }
0xb7: {  	_ =	sfence  }
0xb8: {  	s30 =	sld [smem:$0x0];
	_ =	sdelay $0x2  }
0xb9: {  	s31 =	sshll.u32 s1, $0xD;
	s1 =	sshrl.u32 s1, $0x2  }
0xba: {  	s3 =	sand.u32 $0x4000, s31;
	s1 =	sadd.s32 s1, s30  }
0xbb: {  	s0 =	sor.u32 s3, s0;
	s1 =	sshll.u32 s1, $0x11  }
0xbc: {  	s0 =	sor.u32 s1, s0  }
0xbd: {  	s0 =	sadd.s32 $0x8F2B, s0  }
0xbe: {  	[sflag:s0] =	ssyncadd.remote.s32 $0x1  }
0xbf: {  	_ =	sfence.sel $0xFFFF  }
0xc0: {  	[dreg:$0x0] =	wrdreg $0xFFFFFFFF;
	(pc) =	sbr.abs _section_cstart, $3  }
0xc1: {  	[dreg:$0x1] =	wrdreg $0xFFFFFFFF  }
0xc2: {  	_ =	task.clear_ibuf [dreg:s7], $0x2FFFF;
	_ =	strace $0x9FFFFFFF  }
0xc3: {  	(tm) =	ssettm $0x7FFFFFFF  }
tec
execute0_lowered:
.L_overlay_start_1:
0x0: {  	(tag) =	ssettag $0x1  }
0x1: {  	s1 =	rddreg [dreg:$0x0]  }
0x2: {  	s0 =	rddreg [dreg:$0x1];
	s14 =	stileid.u32  }
0x3: {  	s2 =	srdreg.scid;
	s3 =	rddreg [dreg:$0x2]  }
0x4: {  	s4 =	simm.s32 $0x0;
	s15 =	simm.s32 $0x13E00;
	s16 =	simm.s32 $0x1  }
0x5: {  	s26 =	simm.s32 $0x13C80;
	s29 =	simm.s32 $0x13D80;
	s31 =	simm.s32 $0x13E80  }
0x6: {  	s28 =	simm.s32 $0x4;
	s30 =	simm.s32 $0x0;
	s5 =	smul.u32 $0x13C00, s14  }
0x7: {  	s2 =	sand.u32 $0x1, s2;
	[smem:$0x7FF] =	sst s4;
	s17 =	smul.u32 $0x4F000, s14  }
0x8: {  	s10 =	sadd.s32 $0x3000, s0;
	s11 =	smul.u32 $0x5000, s14;
	s19 =	sshll.u32 s14, $0x6  }
0x9: {  	s6 =	smul.u32 $0x13C000, s2;
	_ =	strace $0x8000004D;
	[dreg:$0x8] =	wrdreg s26  }
0xa: {  	s7 =	ssub.s32 $0x2, s2;
	s8 =	sshll.u32 s2, $0x4;
	[dreg:$0x9] =	wrdreg s29  }
0xb: {  	s2 =	smul.u32 $0x50000, s2;
	[dreg:$0xa] =	wrdreg s31;
	s26 =	simm.s32 $0x8  }
0xc: {  	s9 =	sshrl.u32 s7, $0x1;
	s8 =	sor.u32 s14, s8;
	s14 =	simm.s32 $0x13D00  }
0xd: {  	s6 =	sadd.s32 s5, s6;
	s5 =	sshrl.u32 s5, $0x3;
	s12 =	ssub.s32 s7, s9  }
0xe: {  	s18 =	smul.u32 $0x5000, s8;
	s2 =	sadd.s32 s11, s2;
	s6 =	sshrl.u32 s6, $0x3  }
0xf: {  	s5 =	sadd.s32 s5, s0;
	s20 =	sor.u32 $0x500, s2;
	s11 =	sor.u32 $0x400, s2  }
0x10: {  	s24 =	sor.u32 $0x300, s2;
	s2 =	sor.u32 $0x200, s2;
	s0 =	sadd.s32 s6, s0  }
0x11: {  	s6 =	sshrl.u32 s17, $0x2;
	s5 =	sadd.s32 $0x17000, s5;
	s7 =	sshrl.u32 s18, $0x3  }
0x12: {  	s22 =	sshrl.u32 s20, $0x3;
	s23 =	sshrl.u32 s11, $0x3;
	s11 =	sshrl.u32 s24, $0x3  }
0x13: {  	s2 =	sshrl.u32 s2, $0x3;
	s17 =	simm.s32 $0x80;
	s18 =	simm.s32 $0x14000  }
0x14: {  	s20 =	simm.s32 $0x2;
	s24 =	simm.s32 $0x3;
	s13 =	sadd.s32 s6, s3  }
0x15: {  	[dreg:$0xb] =	wrdreg s5;
	s6 =	sor.u32 $0x1C09, s19;
	s21 =	sadd.s32 s10, s7  }
0x16: {  	s9 =	sadd.s32 s22, s10;
	s11 =	sadd.s32 s11, s10;
	[dreg:$0xc] =	wrdreg s21  }
0x17: {  	s25 =	sadd.s32 s2, s10;
	s19 =	simm.s32 $0x13F00;
	[dreg:$0x4] =	wrdreg s9  }
0x18: {  	s22 =	simm.s32 $0x5;
	s5 =	sadd.s32 $0x20, s21;
	[dreg:$0x6] =	wrdreg s11  }
0x19: {  	s9 =	sadd.s32 s23, s10;
	s10 =	smax.u32 s12, $0x1;
	[dreg:$0x7] =	wrdreg s25  }
0x1a: {  	s11 =	sshrl.u32 s13, $0x3;
	s12 =	simm.s32 $0x9;
	s13 =	simm.s32 $0x13C00  }
0x1b: {  	s21 =	simm.s32 $0x18000;
	s23 =	simm.s32 $0x7;
	[dreg:$0xd] =	wrdreg s5  }
0x1c: {  	s25 =	simm.s32 $0x6;
	[dreg:$0x5] =	wrdreg s9;
	s9 =	sadd.s32 $0x3E800, s0  }
.LBB2_1:
0x1d: {  	s0 =	rddreg [dreg:$0xb]  }
0x1e: {  	[spmem:s11], [sflag:s6] =	dma.local [hbm:s0], $0x2780  }
0x1f: {  	_ =	swait.ge [sflag:s12], $0x2780  }
0x20: {  	[sflag:s12] =	ssyncset.done $0x0  }
0x21: {  	[sflag:s12] =	ssyncadd.s32 $0xFFFFD880  }
0x22: {  	p0 =	por $0x1, $0x1;
	[bflag:$0x0] =	sbarrier.arrive $0xFFFF  }
0x23: {  	p0 =	por p0, p0;
	s2 =	rddreg [dreg:$0xc]  }
0x24: {  	[tilespmem:s13], [sflag:$0x1] =	stream.linear.gather [hbm4b:s2+s4], $0x100, $0x38;
	[tilespmem:$0x1C000] =	vst v63  }
0x25: {  	s0 =	simm.s32 @!p0 $0x7;
	s5 =	rddreg [dreg:$0xd]  }
0x26: {  	[tilespmem:s14], [sflag:$0x2] =	stream.linear.gather [hbm4b:s5+s4], $0x100, $0x38;
	[tilespmem:$0x1C000] =	vst v63  }
0x27: {  	_ =	swait.ge @!p0 [sflag:s0], $0x4000  }
0x28: {  	s2 =	rddreg [dreg:$0x7];
	[sflag:s0] =	ssyncset.done @!p0 $0x0  }
0x29: {  	[sflag:s0] =	ssyncadd.s32 @!p0 $0xFFFFC000;
	s7 =	sadd.s32 $0x0, s2  }
0x2a: {  	[tilespmem:s15], [sflag:$0x3] =	stream.linear.gather [hbm4b:s7+s4], $0x100, $0x38;
	[tilespmem:$0x1C000] =	vst v63  }
0x2b: {  	_ =	swait.ge [sflag:s16], $0x100  }
0x2c: {  	[sflag:s16] =	ssyncset.done $0x0  }
0x2d: {  	s0 =	simm.s32 @!p0 $0x6;
	[sflag:s16] =	ssyncadd.s32 $0xFFFFFF00  }
0x2e: {  	[tilespmem:s18], [sflag:$0x5] =	stream.indirect.gather [hbm4b:s1+s17], $0x80, s13, s17, $0xb8;
	[tilespmem:$0x1C000] =	vst v63  }
0x2f: {  	_ =	swait.ge @!p0 [sflag:s0], $0x4000  }
0x30: {  	s29 =	simm.s32 @!p0 $0x13F80;
	[sflag:s0] =	ssyncset.done @!p0 $0x0  }
0x31: {  	s2 =	simm.s32 @!p0 $0x18000;
	[sflag:s0] =	ssyncadd.s32 @!p0 $0xFFFFC000;
	s0 =	simm.s32 @!p0 $0x80  }
0x32: {  	[spmem:s3] =	stream.indirect.scatter.add.f32 @!p0 [tilespmem:s2], [sflag:$0x8], $0x80, s29, s0, $0xb8;
	[tilespmem:$0x1C000] =	vst v63  }
0x33: {  	s0 =	simm.s32 @!p0 $0x8  }
0x34: {  	_ =	swait.ge @!p0 [sflag:s0], $0x4000  }
0x35: {  	s8 =	rddreg [dreg:$0x6];
	[sflag:s0] =	ssyncset.done @!p0 $0x0  }
0x36: {  	[sflag:s0] =	ssyncadd.s32 @!p0 $0xFFFFC000;
	s5 =	sadd.s32 $0x0, s8  }
0x37: {  	[tilespmem:s19], [sflag:$0x4] =	stream.linear.gather [hbm4b:s5+s4], $0x100, $0x38;
	[tilespmem:$0x1C000] =	vst v63  }
0x38: {  	_ =	swait.ge [sflag:s20], $0x100  }
0x39: {  	[sflag:s20] =	ssyncset.done $0x0  }
0x3a: {  	[sflag:s20] =	ssyncadd.s32 $0xFFFFFF00  }
0x3b: {  	[tilespmem:s21], [sflag:$0x6] =	stream.indirect.gather [hbm4b:s1+s17], $0x80, s14, s17, $0xb8;
	[tilespmem:$0x1C000] =	vst v63  }
0x3c: {  	_ =	swait.ge [sflag:s22], $0x4000  }
0x3d: {  	[sflag:s22] =	ssyncset.done $0x0  }
0x3e: {  	s7 =	rddreg [dreg:$0x8];
	[sflag:s22] =	ssyncadd.s32 $0xFFFFC000  }
0x3f: {  	[spmem:s3] =	stream.indirect.scatter.add.f32 [tilespmem:s18], [sflag:$0x7], $0x80, s7, s17, $0xb8;
	[tilespmem:$0x1C000] =	vst v63  }
0x40: {  	p0 =	por $0x0, $0x0;
	_ =	swait.ge [sflag:s23], $0x4000  }
0x41: {  	s2 =	simm.s32 @!p0 $0x0;
	s0 =	rddreg [dreg:$0x5];
	[sflag:s23] =	ssyncset.done $0x0  }
0x42: {  	s29 =	simm.s32 @!p0 $0x13C00;
	[sflag:s23] =	ssyncadd.s32 $0xFFFFC000;
	s0 =	sadd.s32 @!p0 $0x0, s0  }
0x43: {  	[tilespmem:s29], [sflag:$0x1] =	stream.linear.gather @!p0 [hbm4b:s0+s2], $0x100, $0x38;
	[tilespmem:$0x1C000] =	vst v63  }
0x44: {  	_ =	swait.ge [sflag:s24], $0x100  }
0x45: {  	[sflag:s24] =	ssyncset.done $0x0  }
0x46: {  	[sflag:s24] =	ssyncadd.s32 $0xFFFFFF00  }
0x47: {  	[tilespmem:s18], [sflag:$0x5] =	stream.indirect.gather [hbm4b:s1+s17], $0x80, s15, s17, $0xb8;
	[tilespmem:$0x1C000] =	vst v63  }
0x48: {  	_ =	swait.ge [sflag:s25], $0x4000  }
0x49: {  	[sflag:s25] =	ssyncset.done $0x0  }
0x4a: {  	s8 =	rddreg [dreg:$0x9];
	[sflag:s25] =	ssyncadd.s32 $0xFFFFC000  }
0x4b: {  	[spmem:s3] =	stream.indirect.scatter.add.f32 [tilespmem:s21], [sflag:$0x8], $0x80, s8, s17, $0xb8;
	[tilespmem:$0x1C000] =	vst v63  }
0x4c: {  	_ =	swait.ge [sflag:s26], $0x4000  }
0x4d: {  	s0 =	rddreg [dreg:$0x4];
	[sflag:s26] =	ssyncset.done $0x0  }
0x4e: {  	s29 =	simm.s32 @!p0 $0x13D00;
	[sflag:s26] =	ssyncadd.s32 $0xFFFFC000;
	s0 =	sadd.s32 @!p0 $0x0, s0  }
0x4f: {  	[tilespmem:s29], [sflag:$0x2] =	stream.linear.gather @!p0 [hbm4b:s0+s2], $0x100, $0x38;
	[tilespmem:$0x1C000] =	vst v63  }
0x50: {  	_ =	swait.ge [sflag:s28], $0x100  }
0x51: {  	[sflag:s28] =	ssyncset.done $0x0  }
0x52: {  	[sflag:s28] =	ssyncadd.s32 $0xFFFFFF00  }
0x53: {  	[tilespmem:s21], [sflag:$0x6] =	stream.indirect.gather [hbm4b:s1+s17], $0x80, s19, s17, $0xb8;
	[tilespmem:$0x1C000] =	vst v63  }
0x54: {  	s31 =	simm.s32 $0x80;
	_ =	swait.ge [sflag:s22], $0x4000  }
0x55: {  	p6 =	por $0x0, $0x0;
	s2 =	simm.s32 $0x100;
	[sflag:s22] =	ssyncset.done $0x0  }
0x56: {  	p0 =	por p6, p6;
	s29 =	rddreg [dreg:$0xa];
	[sflag:s22] =	ssyncadd.s32 $0xFFFFC000  }
.LBB2_2:
0x57: {  	s5 =	simm.s32 @!p0 $0x7  }
0x58: {  	[spmem:s3] =	stream.indirect.scatter.add.f32 [tilespmem:s18], [sflag:$0x7], $0x80, s29, s17, $0xb8;
	[tilespmem:$0x1C000] =	vst v63  }
0x59: {  	_ =	swait.ge @!p0 [sflag:s5], $0x4000  }
0x5a: {  	[sflag:s5] =	ssyncset.done @!p0 $0x0;
	s29 =	rddreg [dreg:$0x7]  }
0x5b: {  	[sflag:s5] =	ssyncadd.s32 @!p0 $0xFFFFC000;
	s8 =	sadd.s32 s31, s29  }
0x5c: {  	[tilespmem:s15], [sflag:$0x3] =	stream.linear.gather [hbm4b:s8+s4], $0x100, $0x38;
	[tilespmem:$0x1C000] =	vst v63  }
0x5d: {  	_ =	swait.ge [sflag:s16], $0x100  }
0x5e: {  	[sflag:s16] =	ssyncset.done $0x0  }
0x5f: {  	s5 =	simm.s32 @!p0 $0x6;
	[sflag:s16] =	ssyncadd.s32 $0xFFFFFF00  }
0x60: {  	[tilespmem:s18], [sflag:$0x5] =	stream.indirect.gather [hbm4b:s1+s17], $0x80, s13, s17, $0xb8;
	[tilespmem:$0x1C000] =	vst v63  }
0x61: {  	_ =	swait.ge @!p0 [sflag:s5], $0x4000  }
0x62: {  	s7 =	simm.s32 @!p0 $0x13F80;
	s29 =	simm.s32 @!p0 $0x18000;
	[sflag:s5] =	ssyncset.done @!p0 $0x0  }
0x63: {  	s8 =	simm.s32 @!p0 $0x8;
	[sflag:s5] =	ssyncadd.s32 @!p0 $0xFFFFC000;
	s5 =	simm.s32 @!p0 $0x80  }
0x64: {  	[spmem:s3] =	stream.indirect.scatter.add.f32 @!p0 [tilespmem:s29], [sflag:$0x8], $0x80, s7, s5, $0xb8;
	[tilespmem:$0x1C000] =	vst v63  }
0x65: {  	_ =	swait.ge @!p0 [sflag:s8], $0x4000  }
0x66: {  	s7 =	rddreg [dreg:$0x6];
	[sflag:s8] =	ssyncset.done @!p0 $0x0  }
0x67: {  	[sflag:s8] =	ssyncadd.s32 @!p0 $0xFFFFC000;
	s5 =	sadd.s32 s31, s7  }
0x68: {  	[tilespmem:s19], [sflag:$0x4] =	stream.linear.gather [hbm4b:s5+s4], $0x100, $0x38;
	[tilespmem:$0x1C000] =	vst v63  }
0x69: {  	_ =	swait.ge [sflag:s20], $0x100  }
0x6a: {  	[sflag:s20] =	ssyncset.done $0x0  }
0x6b: {  	[sflag:s20] =	ssyncadd.s32 $0xFFFFFF00  }
0x6c: {  	[tilespmem:s21], [sflag:$0x6] =	stream.indirect.gather [hbm4b:s1+s17], $0x80, s14, s17, $0xb8;
	[tilespmem:$0x1C000] =	vst v63  }
0x6d: {  	_ =	swait.ge [sflag:s22], $0x4000  }
0x6e: {  	[sflag:s22] =	ssyncset.done $0x0  }
0x6f: {  	p2 =	seq.s32 s2, $0x0;
	s7 =	rddreg [dreg:$0x8];
	[sflag:s22] =	ssyncadd.s32 $0xFFFFC000  }
0x70: {  	[spmem:s3] =	stream.indirect.scatter.add.f32 [tilespmem:s18], [sflag:$0x7], $0x80, s7, s17, $0xb8;
	[tilespmem:$0x1C000] =	vst v63  }
0x71: {  	p0 =	por p2, p2;
	p2 =	seq.s32 s31, $0x980;
	_ =	swait.ge [sflag:s23], $0x4000  }
0x72: {  	s8 =	simm.s32 @!p2 $0x13C00;
	s5 =	rddreg [dreg:$0x5];
	[sflag:s23] =	ssyncset.done $0x0  }
0x73: {  	s7 =	simm.s32 @!p2 $0x0;
	[sflag:s23] =	ssyncadd.s32 $0xFFFFC000;
	s5 =	sadd.s32 @!p2 s31, s5  }
0x74: {  	[tilespmem:s8], [sflag:$0x1] =	stream.linear.gather @!p2 [hbm4b:s5+s7], $0x100, $0x38;
	[tilespmem:$0x1C000] =	vst v63  }
0x75: {  	_ =	swait.ge [sflag:s24], $0x100  }
0x76: {  	[sflag:s24] =	ssyncset.done $0x0  }
0x77: {  	[sflag:s24] =	ssyncadd.s32 $0xFFFFFF00  }
0x78: {  	[tilespmem:s18], [sflag:$0x5] =	stream.indirect.gather [hbm4b:s1+s17], $0x80, s15, s17, $0xb8;
	[tilespmem:$0x1C000] =	vst v63  }
0x79: {  	_ =	swait.ge [sflag:s25], $0x4000  }
0x7a: {  	[sflag:s25] =	ssyncset.done $0x0  }
0x7b: {  	s8 =	rddreg [dreg:$0x9];
	[sflag:s25] =	ssyncadd.s32 $0xFFFFC000  }
0x7c: {  	[spmem:s3] =	stream.indirect.scatter.add.f32 [tilespmem:s21], [sflag:$0x8], $0x80, s8, s17, $0xb8;
	[tilespmem:$0x1C000] =	vst v63  }
0x7d: {  	_ =	swait.ge [sflag:s26], $0x4000  }
0x7e: {  	s5 =	rddreg [dreg:$0x4];
	[sflag:s26] =	ssyncset.done $0x0  }
0x7f: {  	s8 =	simm.s32 @!p2 $0x13D00;
	[sflag:s26] =	ssyncadd.s32 $0xFFFFC000;
	s5 =	sadd.s32 @!p2 s31, s5  }
0x80: {  	[tilespmem:s8], [sflag:$0x2] =	stream.linear.gather @!p2 [hbm4b:s5+s7], $0x100, $0x38;
	[tilespmem:$0x1C000] =	vst v63  }
0x81: {  	s0 =	smov.u32 s2;
	s2 =	sadd.s32 $0x80, s2;
	_ =	swait.ge [sflag:s28], $0x100  }
0x82: {  	p1 =	sne.s32 s2, $0xA00;
	[sflag:s28] =	ssyncset.done $0x0  }
.Ltmp0:
0x83: {  	[sflag:s28] =	ssyncadd.s32 $0xFFFFFF00;
	(pc) =	sbr.rel @p1 .LBB2_2-.Ltmp0, $4  }
0x84: {  	[tilespmem:s21], [sflag:$0x6] =	stream.indirect.gather [hbm4b:s1+s17], $0x80, s19, s17, $0xb8;
	[tilespmem:$0x1C000] =	vst v63  }
0x85: {  	_ =	swait.ge [sflag:s22], $0x4000  }
0x86: {  	[sflag:s22] =	ssyncset.done $0x0  }
0x87: {  	s31 =	smov.u32 s0;
	s29 =	rddreg [dreg:$0xa];
	[sflag:s22] =	ssyncadd.s32 $0xFFFFC000  }
0x88: {  	s0 =	simm.s32 @!p0 $0x7  }
0x89: {  	[spmem:s3] =	stream.indirect.scatter.add.f32 [tilespmem:s18], [sflag:$0x7], $0x80, s29, s17, $0xb8;
	[tilespmem:$0x1C000] =	vst v63  }
0x8a: {  	_ =	swait.ge @!p0 [sflag:s0], $0x4000  }
0x8b: {  	s2 =	rddreg [dreg:$0x7];
	[sflag:s0] =	ssyncset.done @!p0 $0x0  }
0x8c: {  	[sflag:s0] =	ssyncadd.s32 @!p0 $0xFFFFC000;
	s8 =	sadd.s32 s31, s2  }
0x8d: {  	[tilespmem:s15], [sflag:$0x3] =	stream.linear.gather [hbm4b:s8+s4], $0x100, $0x38;
	[tilespmem:$0x1C000] =	vst v63  }
0x8e: {  	_ =	swait.ge [sflag:s16], $0x100  }
0x8f: {  	[sflag:s16] =	ssyncset.done $0x0  }
0x90: {  	s0 =	simm.s32 @!p0 $0x6;
	[sflag:s16] =	ssyncadd.s32 $0xFFFFFF00  }
0x91: {  	[tilespmem:s18], [sflag:$0x5] =	stream.indirect.gather [hbm4b:s1+s17], $0x80, s13, s17, $0xb8;
	[tilespmem:$0x1C000] =	vst v63  }
0x92: {  	_ =	swait.ge @!p0 [sflag:s0], $0x4000  }
0x93: {  	s5 =	simm.s32 @!p0 $0x13F80;
	[sflag:s0] =	ssyncset.done @!p0 $0x0  }
0x94: {  	s2 =	simm.s32 @!p0 $0x18000;
	[sflag:s0] =	ssyncadd.s32 @!p0 $0xFFFFC000;
	s0 =	simm.s32 @!p0 $0x80  }
0x95: {  	[spmem:s3] =	stream.indirect.scatter.add.f32 @!p0 [tilespmem:s2], [sflag:$0x8], $0x80, s5, s0, $0xb8;
	[tilespmem:$0x1C000] =	vst v63  }
0x96: {  	s0 =	simm.s32 @!p0 $0x8  }
0x97: {  	_ =	swait.ge @!p0 [sflag:s0], $0x4000  }
0x98: {  	s29 =	rddreg [dreg:$0x6];
	[sflag:s0] =	ssyncset.done @!p0 $0x0  }
0x99: {  	[sflag:s0] =	ssyncadd.s32 @!p0 $0xFFFFC000;
	s5 =	sadd.s32 s31, s29  }
0x9a: {  	[tilespmem:s19], [sflag:$0x4] =	stream.linear.gather [hbm4b:s5+s4], $0x100, $0x38;
	[tilespmem:$0x1C000] =	vst v63  }
0x9b: {  	_ =	swait.ge [sflag:s20], $0x100  }
0x9c: {  	[sflag:s20] =	ssyncset.done $0x0  }
0x9d: {  	[sflag:s20] =	ssyncadd.s32 $0xFFFFFF00  }
0x9e: {  	[tilespmem:s21], [sflag:$0x6] =	stream.indirect.gather [hbm4b:s1+s17], $0x80, s14, s17, $0xb8;
	[tilespmem:$0x1C000] =	vst v63  }
0x9f: {  	_ =	swait.ge [sflag:s22], $0x4000  }
0xa0: {  	[sflag:s22] =	ssyncset.done $0x0  }
0xa1: {  	s7 =	rddreg [dreg:$0x8];
	[sflag:s22] =	ssyncadd.s32 $0xFFFFC000  }
0xa2: {  	[spmem:s3] =	stream.indirect.scatter.add.f32 [tilespmem:s18], [sflag:$0x7], $0x80, s7, s17, $0xb8;
	[tilespmem:$0x1C000] =	vst v63  }
0xa3: {  	p0 =	seq.s32 s31, $0x980;
	_ =	swait.ge [sflag:s23], $0x4000  }
0xa4: {  	s2 =	simm.s32 @!p0 $0x0;
	s0 =	rddreg [dreg:$0x5];
	[sflag:s23] =	ssyncset.done $0x0  }
0xa5: {  	s5 =	simm.s32 @!p0 $0x13C00;
	[sflag:s23] =	ssyncadd.s32 $0xFFFFC000;
	s0 =	sadd.s32 @!p0 s31, s0  }
0xa6: {  	[tilespmem:s5], [sflag:$0x1] =	stream.linear.gather @!p0 [hbm4b:s0+s2], $0x100, $0x38;
	[tilespmem:$0x1C000] =	vst v63  }
0xa7: {  	_ =	swait.ge [sflag:s24], $0x100  }
0xa8: {  	[sflag:s24] =	ssyncset.done $0x0  }
0xa9: {  	[sflag:s24] =	ssyncadd.s32 $0xFFFFFF00  }
0xaa: {  	[tilespmem:s18], [sflag:$0x5] =	stream.indirect.gather [hbm4b:s1+s17], $0x80, s15, s17, $0xb8;
	[tilespmem:$0x1C000] =	vst v63  }
0xab: {  	_ =	swait.ge [sflag:s25], $0x4000  }
0xac: {  	[sflag:s25] =	ssyncset.done $0x0  }
0xad: {  	s8 =	rddreg [dreg:$0x9];
	[sflag:s25] =	ssyncadd.s32 $0xFFFFC000  }
0xae: {  	[spmem:s3] =	stream.indirect.scatter.add.f32 [tilespmem:s21], [sflag:$0x8], $0x80, s8, s17, $0xb8;
	[tilespmem:$0x1C000] =	vst v63  }
0xaf: {  	_ =	swait.ge [sflag:s26], $0x4000  }
0xb0: {  	s0 =	rddreg [dreg:$0x4];
	[sflag:s26] =	ssyncset.done $0x0  }
0xb1: {  	s5 =	simm.s32 @!p0 $0x13D00;
	[sflag:s26] =	ssyncadd.s32 $0xFFFFC000;
	s0 =	sadd.s32 @!p0 s31, s0  }
0xb2: {  	[tilespmem:s5], [sflag:$0x2] =	stream.linear.gather @!p0 [hbm4b:s0+s2], $0x100, $0x38;
	[tilespmem:$0x1C000] =	vst v63  }
0xb3: {  	_ =	swait.ge [sflag:s28], $0x100  }
0xb4: {  	[sflag:s28] =	ssyncset.done $0x0  }
0xb5: {  	[sflag:s28] =	ssyncadd.s32 $0xFFFFFF00  }
0xb6: {  	[tilespmem:s21], [sflag:$0x6] =	stream.indirect.gather [hbm4b:s1+s17], $0x80, s19, s17, $0xb8;
	[tilespmem:$0x1C000] =	vst v63  }
0xb7: {  	_ =	swait.ge [sflag:s22], $0x4000  }
0xb8: {  	[sflag:s22] =	ssyncset.done $0x0  }
0xb9: {  	s29 =	rddreg [dreg:$0xa];
	[sflag:s22] =	ssyncadd.s32 $0xFFFFC000  }
0xba: {  	[spmem:s3] =	stream.indirect.scatter.add.f32 [tilespmem:s18], [sflag:$0x7], $0x80, s29, s17, $0xb8;
	[tilespmem:$0x1C000] =	vst v63  }
0xbb: {  	_ =	swait.ge [sflag:s25], $0x4000  }
0xbc: {  	[sflag:s25] =	ssyncset.done $0x0  }
0xbd: {  	s31 =	simm.s32 $0x13F80;
	[sflag:s25] =	ssyncadd.s32 $0xFFFFC000  }
0xbe: {  	[spmem:s3] =	stream.indirect.scatter.add.f32 [tilespmem:s21], [sflag:$0x8], $0x80, s31, s17, $0xb8;
	[tilespmem:$0x1C000] =	vst v63  }
0xbf: {  	_ =	swait.ge [sflag:s23], $0x4000  }
0xc0: {  	[sflag:s23] =	ssyncset.done $0x0  }
0xc1: {  	[sflag:s23] =	ssyncadd.s32 $0xFFFFC000  }
0xc2: {  	_ =	swait.ge [sflag:s26], $0x4000  }
0xc3: {  	s30 =	sadd.s32 $0x1, s30;
	[sflag:s26] =	ssyncset.done $0x0  }
0xc4: {  	p0 =	sne.s32 s30, s10;
	[sflag:s26] =	ssyncadd.s32 $0xFFFFC000  }
.Ltmp1:
0xc5: {  	[bflag:$0x0] =	sbarrier.arrive $0xFFFF;
	(pc) =	sbr.rel @p0 .LBB2_1-.Ltmp1, $4  }
0xc6: {  	[hbm:s9], [sflag:s6] =	dma.local [spmem:s11], $0x2780  }
0xc7: {  	_ =	swait.ge [sflag:s12], $0x2780  }
0xc8: {  	[sflag:s12] =	ssyncset.done $0x0  }
0xc9: {  	[sflag:s12] =	ssyncadd.s32 $0xFFFFD880  }
0xca: {  	_ =	sfence.sel $0x180000  }
0xcb: {  	[bflag:$0x0] =	sbarrier.arrive $0xFFFF  }
0xcc: {  	_ =	strace $0x9000004D  }
0xcd: {  	s0 =	stileid.u32;
	[bflag:$0x2] =	sbarrier.arrive $0xFFFF  }
0xce: {  	p0 =	sne.s32 s0, $0x0;
	s0 =	rddreg [dreg:$0x3]  }
0xcf: {  	s0 =	sadd.s32 @!p0 $0x100000, s0  }
0xd0: {  	[sflag:s0] =	ssyncadd.tile.s32 @!p0 $0x1;
	_ =	shalt  }
.Lfunc_end2:
_tile_overlayer_lowered:
.L_overlay_start_2:
0xd1: {  	(tag) =	ssettag $0x2  }
0xd2: {  	s0 =	rddreg [dreg:$0x0];
	s2 =	stileid.u32  }
0xd3: {  	s1 =	rddreg [dreg:$0x1];
	p0 =	sne.s32 s2, $0x0  }
0xd4: {  	s3 =	rddreg [dreg:$0x2];
	[bflag:$0x3] =	sbarrier.arrive $0xFFFF;
	s2 =	simm.s32 @!p0 $0x1C09  }
0xd5: {  	[timem:s3], [sflag:s2] =	dma.local @!p0 [hbm:s0], s1  }
0xd6: {  	s0 =	simm.s32 @!p0 $0x9  }
0xd7: {  	_ =	swait.ge @!p0 [sflag:s0], s1  }
0xd8: {  	s1 =	ssub.s32 @!p0 $0x0, s1;
	[sflag:s0] =	ssyncset.done @!p0 $0x0  }
0xd9: {  	[sflag:s0] =	ssyncadd.s32 @!p0 s1  }
0xda: {  	[bflag:$0x3] =	sbarrier.arrive $0xFFFF  }
0xdb: {  	_ =	shalt  }

// kernel: kernel.8.cloned.1.call-start
scs
__scs_entry_jumppad:
0x0: {  	(pc) =	sbr.rel $0x88, $3  }
0x1: {  	(tag) =	ssettag $0x0;
	lr =	simm.s32 $0x1  }
0x2: {  	[smem:$0x3F9B] =	sst lr;
	_ =	strace $0xD0000000  }
0x3: {  	_ = 	snop  }
0x4: {  	_ = 	snop  }
0x5: {  	_ = 	snop  }
0x6: {  	_ = 	snop  }
0x7: {  	_ = 	snop  }
__scs_overlays_trampoline_lowered:
0x8: {  	[smem:$0x3FAA] =	sst s0  }
0x9: {  	[smem:$0x3FAB] =	sst s1  }
0xa: {  	[smem:$0x3FAC] =	sst s2  }
0xb: {  	[smem:$0x3FAD] =	sst s3  }
0xc: {  	[smem:$0x3FAE] =	sst s4  }
0xd: {  	[smem:$0x3FAF] =	sst s5  }
0xe: {  	[smem:$0x3FB0] =	sst s6  }
0xf: {  	[smem:$0x3FB1] =	sst s7  }
0x10: {  	[smem:$0x3FB2] =	sst s8  }
0x11: {  	[smem:$0x3FB3] =	sst s9;
	s0 =	simm.s32 @!p0 $0x0  }
0x12: {  	s1 =	sld [smem:$0x3F99];
	s0 =	simm.s32 @p0 $0x1  }
0x13: {  	[smem:$0x3FB4] =	sst s0;
	s0 =	simm.s32 @!p1 $0x0  }
0x14: {  	s2 =	sld [smem:$0x3F98];
	s0 =	simm.s32 @p1 $0x1  }
0x15: {  	[smem:$0x3FB5] =	sst s0;
	s0 =	simm.s32 @!p2 $0x0  }
0x16: {  	s3 =	sld [smem:$0x3FDB];
	s0 =	simm.s32 @p2 $0x1  }
0x17: {  	s4 =	simm.s32 $0x1BF5;
	[smem:$0x3FB7] =	sst s0  }
0x18: {  	s0 =	sld [smem:$0x3F9A];
	_ =	swait.ge [sflag:s4], $0x0  }
0x19: {  	s7 =	sld [smem:$0x3F9B]  }
0x1a: {  	s8 =	sadd.s32 $0xFFFFE003, lr  }
0x1b: {  	s9 =	sadd.s32 $0xFFFFFEF7, lr;
	s5 =	simm.s32 $0xFFFFFFFF;
	p2 =	slt.u32 s8, $0xFFFFF086  }
0x1c: {  	p1 =	slt.u32 s9, $0xF7A;
	s5 =	simm.s32 @!p2 $0x0  }
0x1d: {  	s5 =	simm.s32 @p1 $0x1;
	p0 =	seq.s32 s7, s2  }
0x1e: {  	s7 =	smul.u32 @!p0 $0xF7A, s2;
	p2 =	seq.s32 @!p0 s5, $0x0  }
0x1f: {  	s9 =	smul.u32 $0xF7A, s1;
	s8 =	simm.s32 @!p0 $0x1BF5;
	p2 =	por !p2, p0  }
0x20: {  	[sflag:s8] =	ssyncset.s32 @!p0 $0xFFFFF086;
	s6 =	sadd.s32 @!p0 s3, s7;
	s7 =	simm.s32 @!p0 $0x108  }
0x21: {  	s3 =	sadd.s32 s3, s9;
	s6 =	sadd.s32 @!p0 $0x88, s6;
	s7 =	simm.s32 @p2 $0x1082  }
0x22: {  	[simem:s7], [sflag:s8] =	dma.local @!p0 [hbm:s6], $0xF7A  }
0x23: {  	s9 =	sor.u32 $0xD0000000, s2;
	s6 =	simm.s32 $0x108;
	_ =	swait.ge @!p0 [sflag:s8], $0x0  }
0x24: {  	s3 =	sadd.s32 $0x88, s3;
	s6 =	simm.s32 @!p1 $0x1082;
	[sflag:s4] =	ssyncset.s32 $0xFFFFF086  }
0x25: {  	[simem:s6], [sflag:s4] =	dma.local [hbm:s3], $0xF7A  }
0x26: {  	[smem:$0x3F9B] =	sst s1;
	(tag) =	ssettag s2;
	_ =	strace s9  }
0x27: {  	s1 =	sld [smem:$0x3FAB]  }
0x28: {  	s2 =	sld [smem:$0x3FAC]  }
0x29: {  	s4 =	sld [smem:$0x3FAE]  }
0x2a: {  	p0 =	seq.s32 s5, $0x0;
	s5 =	sld [smem:$0x3FAF]  }
0x2b: {  	s6 =	sld [smem:$0x3FB0]  }
0x2c: {  	s7 =	sld [smem:$0x3FB1]  }
0x2d: {  	s3 =	simm.s32 $0x108;
	s8 =	sld [smem:$0x3FB2]  }
0x2e: {  	s3 =	simm.s32 @!p0 $0x1082;
	s9 =	sld [smem:$0x3FB3]  }
0x2f: {  	lr =	sadd.s32 s0, s3;
	s0 =	sld [smem:$0x3FAA]  }
0x30: {  	s3 =	sld [smem:$0x3FAD]  }
0x31: {  	[smem:$0x3FB6] =	sst s10  }
0x32: {  	s10 =	sld [smem:$0x3FB4];
	_ =	sdelay $0x3  }
0x33: {  	p0 =	seq.s32 s10, $0x1;
	s10 =	sld [smem:$0x3FB6];
	_ =	sdelay $0x3  }
0x34: {  	[smem:$0x3FB6] =	sst s10  }
0x35: {  	s10 =	sld [smem:$0x3FB5];
	_ =	sdelay $0x3  }
0x36: {  	p1 =	seq.s32 s10, $0x1;
	s10 =	sld [smem:$0x3FB6];
	_ =	sdelay $0x3  }
0x37: {  	[smem:$0x3FB6] =	sst s10  }
0x38: {  	s10 =	sld [smem:$0x3FB7]  }
0x39: {  	_ = 	snop;
	(pc) =	sbr.ind lr, $3  }
0x3a: {  	_ = 	snop  }
0x3b: {  	_ = 	snop  }
0x3c: {  	p2 =	seq.s32 s10, $0x1;
	s10 =	sld [smem:$0x3FB6]  }
0x3d: {  	_ =	shalt  }
0x3e: {  	_ =	shalt  }
0x3f: {  	_ =	shalt  }
0x40: {  	_ =	shalt  }
0x41: {  	_ =	shalt  }
0x42: {  	_ =	shalt  }
0x43: {  	_ =	shalt  }
0x44: {  	_ =	shalt  }
0x45: {  	_ =	shalt  }
0x46: {  	_ =	shalt  }
0x47: {  	_ =	shalt  }
0x48: {  	_ =	shalt  }
0x49: {  	_ =	shalt  }
0x4a: {  	_ =	shalt  }
0x4b: {  	_ =	shalt  }
0x4c: {  	_ =	shalt  }
0x4d: {  	_ =	shalt  }
0x4e: {  	_ =	shalt  }
0x4f: {  	_ =	shalt  }
0x50: {  	_ =	shalt  }
0x51: {  	_ =	shalt  }
0x52: {  	_ =	shalt  }
0x53: {  	_ =	shalt  }
0x54: {  	_ =	shalt  }
0x55: {  	_ =	shalt  }
0x56: {  	_ =	shalt  }
0x57: {  	_ =	shalt  }
0x58: {  	_ =	shalt  }
0x59: {  	_ =	shalt  }
0x5a: {  	_ =	shalt  }
0x5b: {  	_ =	shalt  }
0x5c: {  	_ =	shalt  }
0x5d: {  	_ =	shalt  }
0x5e: {  	_ =	shalt  }
0x5f: {  	_ =	shalt  }
0x60: {  	_ =	shalt  }
0x61: {  	_ =	shalt  }
0x62: {  	_ =	shalt  }
0x63: {  	_ =	shalt  }
0x64: {  	_ =	shalt  }
0x65: {  	_ =	shalt  }
0x66: {  	_ =	shalt  }
0x67: {  	_ =	shalt  }
0x68: {  	_ =	shalt  }
0x69: {  	_ =	shalt  }
0x6a: {  	_ =	shalt  }
0x6b: {  	_ =	shalt  }
0x6c: {  	_ =	shalt  }
0x6d: {  	_ =	shalt  }
0x6e: {  	_ =	shalt  }
0x6f: {  	_ =	shalt  }
0x70: {  	_ =	shalt  }
0x71: {  	_ =	shalt  }
0x72: {  	_ =	shalt  }
0x73: {  	_ =	shalt  }
0x74: {  	_ =	shalt  }
0x75: {  	_ =	shalt  }
0x76: {  	_ =	shalt  }
0x77: {  	_ =	shalt  }
0x78: {  	_ =	shalt  }
0x79: {  	_ =	shalt  }
0x7a: {  	_ =	shalt  }
0x7b: {  	_ =	shalt  }
0x7c: {  	_ =	shalt  }
0x7d: {  	_ =	shalt  }
0x7e: {  	_ =	shalt  }
0x7f: {  	_ =	shalt  }
0x80: {  	_ =	shalt  }
0x81: {  	_ =	shalt  }
0x82: {  	_ =	shalt  }
0x83: {  	_ =	shalt  }
0x84: {  	_ =	shalt  }
0x85: {  	_ =	shalt  }
0x86: {  	_ =	shalt  }
0x87: {  	_ =	shalt  }
.Lfunc_end0:
.L_simem_size_0:
called_computation_lowered:
.L_overlay_start_0:
0x88: {  	s2 =	sld [smem:$0x3FD9]  }
0x89: {  	s3 =	sld [smem:$0x3FFE];
	_ =	sdelay $0x1  }
0x8a: {  	s1 =	srdreg.scid  }
0x8b: {  	s0 =	sand.u32 $0x1, s1  }
0x8c: {  	s17 =	sshll.u32 s0, $0xA;
	s2 =	sadd.s32 s3, s2  }
0x8d: {  	s2 =	sadd.s32 s2, s17  }
0x8e: {  	[smem:$0x3FC2] =	sst s2  }
0x8f: {  	_ = 	snop  }
0x90: {  	s2 =	sld [smem:$0x3FD0];
	(tm) =	ssettm $0x1  }
0x91: {  	s18 =	sld [smem:$0x3FFB];
	_ =	sdelay $0x3  }
0x92: {  	_ =	strace s18  }
0x93: {  	s3 =	sld [smem:$0x3FFC];
	_ =	sdelay $0x3  }
0x94: {  	_ =	strace s3  }
0x95: {  	s3 =	sld [smem:$0x3FFD];
	_ =	sdelay $0x3  }
0x96: {  	_ =	strace s3  }
0x97: {  	_ =	strace $0x8FFFFFFF  }
0x98: {  	s19 =	sld [smem:$0x3FDB];
	_ =	sdelay $0x1  }
0x99: {  	s4 =	simm.s32 $_scs_section_size  }
0x9a: {  	s5 =	simm.s32 $_size__tile_overlayer_lowered;
	s6 =	simm.s32 $_tile_overlayer_lowered  }
0x9b: {  	s22 =	simm.s32 $0x1BFF;
	s21 =	sshll.u32 s6, $0x1;
	s3 =	sadd.s32 s4, s19  }
0x9c: {  	s7 =	simm.s32 $0x0;
	s20 =	sshll.u32 s5, $0x1;
	s5 =	sadd.s32 s21, s3  }
0x9d: {  	[timem:s7], [sflag:s22] =	dma.local [hbm:s5], s20  }
0x9e: {  	_ =	swait.ge [sflag:s22], s20  }
0x9f: {  	s4 =	ssub.s32 $0x0, s20;
	[sflag:s22] =	ssyncset.done $0x0  }
0xa0: {  	[sflag:s22] =	ssyncadd.s32 s4;
	_ =	sdelay $0x1  }
0xa1: {  	s23 =	simm.s32 $0x1B8B  }
0xa2: {  	_ =	swait.ge [sflag:s23], $0x1  }
0xa3: {  	[sflag:s23] =	ssyncset.done $0x0  }
0xa4: {  	s25 =	simm.s32 $0x1B8E;
	s24 =	sld [smem:$0x3FFE];
	[sflag:s23] =	ssyncadd.s32 $0xFFFFFFFF  }
0xa5: {  	s26 =	simm.s32 $execute0_lowered;
	[smem:$0x3FD2] =	sst s25  }
0xa6: {  	s5 =	sshll.u32 s26, $0x1;
	_ =	strace $0x80000046;
	[dreg:$0x1] =	wrdreg $0xFFFFFFFF  }
0xa7: {  	s28 =	simm.s32 $_size_execute0_lowered;
	s3 =	sadd.s32 s3, s5;
	[dreg:$0x0] =	wrdreg $0x0  }
0xa8: {  	s5 =	sshll.u32 s28, $0x1;
	[dreg:$0x2] =	wrdreg s3  }
0xa9: {  	[dreg:$0x3] =	wrdreg s5  }
0xaa: {  	[dreg:$0x4] =	wrdreg $0xC0  }
0xab: {  	_ =	task [dreg:s7], $0x5FFFF  }
0xac: {  	[dreg:$0x1] =	wrdreg $0xFFFFFFFF  }
0xad: {  	[dreg:$0x0] =	wrdreg $0x60  }
0xae: {  	[dreg:$0x2] =	wrdreg s2  }
0xaf: {  	[dreg:$0x3] =	wrdreg s24  }
0xb0: {  	[dreg:$0x4] =	wrdreg $0x0  }
0xb1: {  	[dreg:$0x5] =	wrdreg $0x9  }
0xb2: {  	_ =	task.clear_ibuf [dreg:s7], $0x6FFFF;
	_ =	strace $0x90000046  }
0xb3: {  	s29 =	simm.s32 $0x9;
	_ =	strace $0x80000048  }
0xb4: {  	_ =	swait.ge [sflag:s29], $0x1  }
0xb5: {  	[sflag:s29] =	ssyncadd.s32 $0xFFFFFFFF  }
0xb6: {  	_ =	strace $0x90000048  }
0xb7: {  	_ =	sfence  }
0xb8: {  	s30 =	sld [smem:$0x0];
	_ =	sdelay $0x2  }
0xb9: {  	s31 =	sshll.u32 s1, $0xD;
	s1 =	sshrl.u32 s1, $0x2  }
0xba: {  	s3 =	sand.u32 $0x4000, s31;
	s1 =	sadd.s32 s1, s30  }
0xbb: {  	s0 =	sor.u32 s3, s0;
	s1 =	sshll.u32 s1, $0x11  }
0xbc: {  	s0 =	sor.u32 s1, s0  }
0xbd: {  	s0 =	sadd.s32 $0x8F2B, s0  }
0xbe: {  	[sflag:s0] =	ssyncadd.remote.s32 $0x1  }
0xbf: {  	_ =	sfence.sel $0xFFFF  }
0xc0: {  	[dreg:$0x0] =	wrdreg $0xFFFFFFFF;
	(pc) =	sbr.abs _section_cstart, $3  }
0xc1: {  	[dreg:$0x1] =	wrdreg $0xFFFFFFFF  }
0xc2: {  	_ =	task.clear_ibuf [dreg:s7], $0x2FFFF;
	_ =	strace $0x9FFFFFFF  }
0xc3: {  	(tm) =	ssettm $0x7FFFFFFF  }
tec
execute0_lowered:
.L_overlay_start_1:
0x0: {  	(tag) =	ssettag $0x1  }
0x1: {  	s0 =	rddreg [dreg:$0x0]  }
0x2: {  	s1 =	rddreg [dreg:$0x1]  }
0x3: {  	s2 =	rddreg [dreg:$0x2];
	s11 =	stileid.u32  }
0x4: {  	s4 =	srdreg.scid;
	s3 =	simm.s32 $0x0;
	s28 =	simm.s32 $0x5  }
0x5: {  	s30 =	simm.s32 $0x6;
	s31 =	simm.s32 $0x9;
	s5 =	smul.u32 $0x13C00, s11  }
0x6: {  	s29 =	simm.s32 $0x14300;
	s4 =	sand.u32 $0x1, s4;
	s12 =	smul.u32 $0x4F000, s11  }
0x7: {  	[smem:$0x7FF] =	sst s3;
	s8 =	sadd.s32 $0x2000, s1;
	s10 =	smul.u32 $0x5000, s11  }
0x8: {  	s14 =	sshll.u32 s11, $0x6;
	s6 =	smul.u32 $0x13C000, s4;
	_ =	strace $0x80000047  }
0x9: {  	[dreg:$0x14] =	wrdreg s8;
	s26 =	ssub.s32 $0x2, s4;
	s9 =	smul.u32 $0x50000, s4  }
0xa: {  	s4 =	sshll.u32 s4, $0x4;
	s7 =	sshrl.u32 s5, $0x3;
	s13 =	sshrl.u32 s26, $0x1  }
0xb: {  	s8 =	sshrl.u32 s12, $0x2;
	s4 =	sor.u32 s11, s4;
	s7 =	sadd.s32 s7, s1  }
0xc: {  	s5 =	sadd.s32 s5, s6;
	s6 =	sadd.s32 s8, s2;
	s4 =	smul.u32 $0x5000, s4  }
0xd: {  	s9 =	sadd.s32 s10, s9;
	s10 =	sor.u32 $0x1C0A, s14;
	s5 =	sshrl.u32 s5, $0x3  }
0xe: {  	s7 =	sadd.s32 $0x17000, s7;
	s15 =	sor.u32 $0x400, s9;
	s16 =	sor.u32 $0x300, s9  }
0xf: {  	s21 =	sor.u32 $0x200, s9;
	s23 =	sor.u32 $0x900, s9;
	s24 =	sor.u32 $0x800, s9  }
0x10: {  	s8 =	sor.u32 $0x700, s9;
	s14 =	sor.u32 $0x500, s9;
	[dreg:$0x16] =	wrdreg s10  }
0x11: {  	s1 =	sadd.s32 s5, s1;
	s5 =	ssub.s32 s26, s13;
	[dreg:$0x15] =	wrdreg s7  }
0x12: {  	s7 =	sshrl.u32 s15, $0x3;
	s22 =	sshrl.u32 s21, $0x3;
	s21 =	simm.s32 $0x13E80  }
0x13: {  	s26 =	sshrl.u32 s24, $0x3;
	s24 =	simm.s32 $0x14180;
	[dreg:$0xe] =	wrdreg s21  }
0x14: {  	s19 =	sshrl.u32 s16, $0x3;
	s18 =	sadd.s32 s7, s0;
	[dreg:$0x11] =	wrdreg s24  }
0x15: {  	s4 =	sshrl.u32 s4, $0x3;
	s20 =	sadd.s32 s19, s0;
	[dreg:$0x4] =	wrdreg s18  }
0x16: {  	s17 =	sadd.s32 s0, s4;
	s4 =	sadd.s32 s22, s0;
	[dreg:$0x5] =	wrdreg s20  }
0x17: {  	s12 =	sshrl.u32 s8, $0x3;
	s13 =	sor.u32 $0x600, s9;
	[dreg:$0x6] =	wrdreg s4  }
0x18: {  	s16 =	sshrl.u32 s14, $0x3;
	s1 =	sadd.s32 $0x3E800, s1;
	[dreg:$0x17] =	wrdreg s17  }
0x19: {  	s7 =	sshrl.u32 s23, $0x3;
	s19 =	simm.s32 $0x13C80;
	[dreg:$0x19] =	wrdreg s1  }
0x1a: {  	s22 =	simm.s32 $0x13F80;
	s23 =	simm.s32 $0x14080;
	[dreg:$0xc] =	wrdreg s19  }
0x1b: {  	s21 =	simm.s32 $0x2;
	s24 =	simm.s32 $0x13E00;
	[dreg:$0xf] =	wrdreg s22  }
0x1c: {  	s25 =	sadd.s32 s7, s0;
	s7 =	sadd.s32 s26, s0;
	[dreg:$0x10] =	wrdreg s23  }
0x1d: {  	s4 =	sadd.s32 s12, s0;
	s17 =	sadd.s32 $0x20, s17;
	[dreg:$0x7] =	wrdreg s25  }
0x1e: {  	s18 =	smax.u32 s5, $0x1;
	s5 =	sshrl.u32 s6, $0x3;
	[dreg:$0x8] =	wrdreg s7  }
0x1f: {  	s6 =	simm.s32 $0xA;
	s20 =	simm.s32 $0x13D80;
	[dreg:$0x9] =	wrdreg s4  }
0x20: {  	s19 =	simm.s32 $0x18400;
	s26 =	simm.s32 $0x14380;
	[dreg:$0x18] =	wrdreg s17  }
0x21: {  	s23 =	simm.s32 $0x3;
	s1 =	simm.s32 $0x8;
	[dreg:$0x1a] =	wrdreg s18  }
0x22: {  	s22 =	simm.s32 $0x14100;
	s7 =	sshrl.u32 s13, $0x3;
	[dreg:$0xd] =	wrdreg s20  }
0x23: {  	s13 =	simm.s32 $0x14400;
	s17 =	simm.s32 $0x1;
	[dreg:$0x13] =	wrdreg s26  }
0x24: {  	s18 =	simm.s32 $0x80;
	s25 =	simm.s32 $0x14280;
	[dreg:$0x1b] =	wrdreg s5  }
0x25: {  	s26 =	simm.s32 $0x13F00;
	s15 =	sadd.s32 s7, s0;
	[dreg:$0x12] =	wrdreg s25  }
0x26: {  	s0 =	sadd.s32 s16, s0;
	s25 =	simm.s32 $0x4;
	[dreg:$0xa] =	wrdreg s15  }
0x27: {  	s7 =	simm.s32 $0x0;
	[dreg:$0xb] =	wrdreg s0;
	s0 =	simm.s32 $0x7  }
.LBB2_1:
0x28: {  	[dreg:$0x1c] =	wrdreg s7  }
0x29: {  	s4 =	rddreg [dreg:$0x15]  }
0x2a: {  	[spmem:s5], [sflag:s10] =	dma.local [hbm:s4], $0x2780  }
0x2b: {  	_ =	swait.ge [sflag:s6], $0x2780  }
0x2c: {  	[sflag:s6] =	ssyncset.done $0x0  }
0x2d: {  	s12 =	rddreg [dreg:$0x14];
	[sflag:s6] =	ssyncadd.s32 $0xFFFFD880  }
0x2e: {  	[tilespmem:s13], [sflag:$0xA] =	stream.linear.gather [hbm4b:s12+s3], $0x8000, $0x38;
	[tilespmem:$0x1C400] =	vst v63  }
0x2f: {  	_ =	swait.ge [sflag:s6], $0x8000  }
0x30: {  	s15 =	simm.s32 $0x13C00;
	[sflag:s6] =	ssyncset.done $0x0  }
0x31: {  	s20 =	simm.s32 $0x13D00;
	p0 =	por $0x1, $0x1;
	[sflag:s6] =	ssyncadd.s32 $0xFFFF8000  }
0x32: {  	s7 =	simm.s32 $0x4;
	s8 =	simm.s32 $0x0;
	[bflag:$0x0] =	sbarrier.arrive $0xFFFF  }
0x33: {  	s9 =	simm.s32 $0x4;
	s5 =	simm.s32 $0x100;
	s14 =	rddreg [dreg:$0x17]  }
0x34: {  	[tilespmem:s15], [sflag:$0x1] =	stream.linear.gather [hbm4b:s14+s3], $0x100, $0x38;
	[tilespmem:$0x1C400] =	vst v63  }
0x35: {  	s11 =	simm.s32 @!p0 $0x9;
	s10 =	simm.s32 $0x3;
	s16 =	rddreg [dreg:$0x18]  }
0x36: {  	[tilespmem:s20], [sflag:$0x2] =	stream.linear.gather [hbm4b:s16+s3], $0x100, $0x38;
	[tilespmem:$0x1C400] =	vst v63  }
0x37: {  	s12 =	simm.s32 $0x200;
	s6 =	simm.s32 $0x2;
	_ =	swait.ge @!p0 [sflag:s11], $0x4000  }
.LBB2_2:
0x38: {  	[sflag:s11] =	ssyncset.done @!p0 $0x0  }
0x39: {  	[sflag:s11] =	ssyncadd.s32 @!p0 $0xFFFFC000  }
0x3a: {  	_ =	swait.ge @!p0 [sflag:s11], $0x4000  }
0x3b: {  	[sflag:s11] =	ssyncset.done @!p0 $0x0;
	s15 =	rddreg [dreg:$0x6]  }
0x3c: {  	[sflag:s11] =	ssyncadd.s32 @!p0 $0xFFFFC000;
	s15 =	sadd.s32 s8, s15  }
0x3d: {  	[tilespmem:s24], [sflag:$0x3] =	stream.linear.gather [hbm4b:s15+s3], $0x100, $0x38;
	[tilespmem:$0x1C400] =	vst v63  }
0x3e: {  	_ =	swait.ge [sflag:s17], $0x100  }
0x3f: {  	[sflag:s17] =	ssyncset.done $0x0  }
0x40: {  	s20 =	simm.s32 $0x13C00;
	[sflag:s17] =	ssyncadd.s32 $0xFFFFFF00  }
0x41: {  	[spmem:s2] =	stream.indirect.scatter.add.f32 [tilespmem:s13], [sflag:$0x9], $0x80, s20, s18, $0xb8;
	[tilespmem:$0x1C400] =	vst v63  }
0x42: {  	s15 =	rddreg [dreg:$0xc]  }
0x43: {  	[spmem:s2] =	stream.indirect.scatter.add.f32 [tilespmem:s19], [sflag:$0x9], $0x80, s15, s18, $0xb8;
	[tilespmem:$0x1C400] =	vst v63  }
0x44: {  	_ =	swait.ge @!p0 [sflag:s11], $0x4000  }
0x45: {  	[sflag:s11] =	ssyncset.done @!p0 $0x0  }
0x46: {  	[sflag:s11] =	ssyncadd.s32 @!p0 $0xFFFFC000  }
0x47: {  	_ =	swait.ge @!p0 [sflag:s11], $0x4000  }
0x48: {  	[sflag:s11] =	ssyncset.done @!p0 $0x0;
	s20 =	rddreg [dreg:$0x5]  }
0x49: {  	[sflag:s11] =	ssyncadd.s32 @!p0 $0xFFFFC000;
	s15 =	sadd.s32 s8, s20  }
0x4a: {  	[tilespmem:s26], [sflag:$0x4] =	stream.linear.gather [hbm4b:s15+s3], $0x100, $0x38;
	[tilespmem:$0x1C400] =	vst v63  }
0x4b: {  	_ =	swait.ge [sflag:s21], $0x100  }
0x4c: {  	s7 =	sadd.s32 $0x8, s7;
	p2 =	slt.u32 s6, $0x6;
	[sflag:s21] =	ssyncset.done $0x0  }
0x4d: {  	s16 =	sadd.s32 $0xFFFFFFFE, s7;
	s20 =	simm.s32 $0x13D00;
	[sflag:s21] =	ssyncadd.s32 $0xFFFFFF00  }
0x4e: {  	[spmem:s2] =	stream.indirect.scatter.add.f32 [tilespmem:s13], [sflag:$0x9], $0x80, s20, s18, $0xb8;
	[tilespmem:$0x1C400] =	vst v63  }
0x4f: {  	s6 =	smov.u32 s16;
	s16 =	simm.s32 @!p2 $0x9;
	s15 =	rddreg [dreg:$0xd]  }
0x50: {  	[spmem:s2] =	stream.indirect.scatter.add.f32 [tilespmem:s19], [sflag:$0x9], $0x80, s15, s18, $0xb8;
	[tilespmem:$0x1C400] =	vst v63  }
0x51: {  	_ =	swait.ge @!p2 [sflag:s16], $0x4000  }
0x52: {  	[sflag:s16] =	ssyncset.done @!p2 $0x0  }
0x53: {  	[sflag:s16] =	ssyncadd.s32 @!p2 $0xFFFFC000  }
0x54: {  	_ =	swait.ge @!p2 [sflag:s16], $0x4000  }
0x55: {  	[sflag:s16] =	ssyncset.done @!p2 $0x0;
	s20 =	rddreg [dreg:$0x4]  }
0x56: {  	[sflag:s16] =	ssyncadd.s32 @!p2 $0xFFFFC000;
	s16 =	simm.s32 $0x14000;
	s15 =	sadd.s32 s8, s20  }
0x57: {  	[tilespmem:s16], [sflag:$0x5] =	stream.linear.gather [hbm4b:s15+s3], $0x100, $0x38;
	[tilespmem:$0x1C400] =	vst v63  }
0x58: {  	_ =	swait.ge [sflag:s23], $0x100  }
0x59: {  	[sflag:s23] =	ssyncset.done $0x0  }
0x5a: {  	p2 =	slt.u32 s10, $0x6;
	[sflag:s23] =	ssyncadd.s32 $0xFFFFFF00  }
0x5b: {  	[spmem:s2] =	stream.indirect.scatter.add.f32 [tilespmem:s13], [sflag:$0x9], $0x80, s24, s18, $0xb8;
	[tilespmem:$0x1C400] =	vst v63  }
0x5c: {  	s15 =	simm.s32 @!p2 $0x9;
	s20 =	rddreg [dreg:$0xe]  }
0x5d: {  	[spmem:s2] =	stream.indirect.scatter.add.f32 [tilespmem:s19], [sflag:$0x9], $0x80, s20, s18, $0xb8;
	[tilespmem:$0x1C400] =	vst v63  }
0x5e: {  	_ =	swait.ge @!p2 [sflag:s15], $0x4000  }
0x5f: {  	[sflag:s15] =	ssyncset.done @!p2 $0x0  }
0x60: {  	[sflag:s15] =	ssyncadd.s32 @!p2 $0xFFFFC000  }
0x61: {  	_ =	swait.ge @!p2 [sflag:s15], $0x4000  }
0x62: {  	s14 =	sadd.s32 $0xFFFFFFFF, s7;
	[sflag:s15] =	ssyncset.done @!p2 $0x0;
	s20 =	rddreg [dreg:$0xb]  }
0x63: {  	s10 =	smov.u32 s14;
	[sflag:s15] =	ssyncadd.s32 @!p2 $0xFFFFC000;
	s14 =	sadd.s32 s8, s20  }
0x64: {  	[tilespmem:s22], [sflag:$0x6] =	stream.linear.gather [hbm4b:s14+s3], $0x100, $0x38;
	[tilespmem:$0x1C400] =	vst v63  }
0x65: {  	_ =	swait.ge [sflag:s25], $0x100  }
0x66: {  	[sflag:s25] =	ssyncset.done $0x0  }
0x67: {  	p2 =	slt.u32 s9, $0x6;
	[sflag:s25] =	ssyncadd.s32 $0xFFFFFF00  }
0x68: {  	[spmem:s2] =	stream.indirect.scatter.add.f32 [tilespmem:s13], [sflag:$0x9], $0x80, s26, s18, $0xb8;
	[tilespmem:$0x1C400] =	vst v63  }
0x69: {  	s15 =	simm.s32 @!p2 $0x9;
	s20 =	rddreg [dreg:$0xf]  }
0x6a: {  	[spmem:s2] =	stream.indirect.scatter.add.f32 [tilespmem:s19], [sflag:$0x9], $0x80, s20, s18, $0xb8;
	[tilespmem:$0x1C400] =	vst v63  }
0x6b: {  	_ =	swait.ge @!p2 [sflag:s15], $0x4000  }
0x6c: {  	[sflag:s15] =	ssyncset.done @!p2 $0x0  }
0x6d: {  	[sflag:s15] =	ssyncadd.s32 @!p2 $0xFFFFC000  }
0x6e: {  	_ =	swait.ge @!p2 [sflag:s15], $0x4000  }
0x6f: {  	[sflag:s15] =	ssyncset.done @!p2 $0x0;
	s20 =	rddreg [dreg:$0xa]  }
0x70: {  	[sflag:s15] =	ssyncadd.s32 @!p2 $0xFFFFC000;
	s14 =	sadd.s32 s8, s20;
	s20 =	simm.s32 $0x14200  }
0x71: {  	[tilespmem:s20], [sflag:$0x7] =	stream.linear.gather [hbm4b:s14+s3], $0x100, $0x38;
	[tilespmem:$0x1C400] =	vst v63  }
0x72: {  	_ =	swait.ge [sflag:s28], $0x100  }
0x73: {  	[sflag:s28] =	ssyncset.done $0x0  }
0x74: {  	[sflag:s28] =	ssyncadd.s32 $0xFFFFFF00  }
0x75: {  	[spmem:s2] =	stream.indirect.scatter.add.f32 [tilespmem:s13], [sflag:$0x9], $0x80, s16, s18, $0xb8;
	[tilespmem:$0x1C400] =	vst v63  }
0x76: {  	s15 =	rddreg [dreg:$0x10]  }
0x77: {  	[spmem:s2] =	stream.indirect.scatter.add.f32 [tilespmem:s19], [sflag:$0x9], $0x80, s15, s18, $0xb8;
	[tilespmem:$0x1C400] =	vst v63  }
0x78: {  	_ =	swait.ge @!p0 [sflag:s11], $0x4000  }
0x79: {  	[sflag:s11] =	ssyncset.done @!p0 $0x0  }
0x7a: {  	[sflag:s11] =	ssyncadd.s32 @!p0 $0xFFFFC000  }
0x7b: {  	_ =	swait.ge @!p0 [sflag:s11], $0x4000  }
0x7c: {  	[sflag:s11] =	ssyncset.done @!p0 $0x0;
	s15 =	rddreg [dreg:$0x9]  }
0x7d: {  	[sflag:s11] =	ssyncadd.s32 @!p0 $0xFFFFC000;
	s15 =	sadd.s32 s8, s15  }
0x7e: {  	[tilespmem:s29], [sflag:$0x8] =	stream.linear.gather [hbm4b:s15+s3], $0x100, $0x38;
	[tilespmem:$0x1C400] =	vst v63  }
0x7f: {  	_ =	swait.ge [sflag:s30], $0x100  }
0x80: {  	[sflag:s30] =	ssyncset.done $0x0  }
0x81: {  	[sflag:s30] =	ssyncadd.s32 $0xFFFFFF00  }
0x82: {  	[spmem:s2] =	stream.indirect.scatter.add.f32 [tilespmem:s13], [sflag:$0x9], $0x80, s22, s18, $0xb8;
	[tilespmem:$0x1C400] =	vst v63  }
0x83: {  	s14 =	rddreg [dreg:$0x11]  }
0x84: {  	[spmem:s2] =	stream.indirect.scatter.add.f32 [tilespmem:s19], [sflag:$0x9], $0x80, s14, s18, $0xb8;
	[tilespmem:$0x1C400] =	vst v63  }
0x85: {  	_ =	swait.ge [sflag:s31], $0x4000  }
0x86: {  	[sflag:s31] =	ssyncset.done $0x0  }
0x87: {  	[sflag:s31] =	ssyncadd.s32 $0xFFFFC000  }
0x88: {  	p0 =	seq.s32 s8, $0x900;
	_ =	swait.ge [sflag:s31], $0x4000  }
0x89: {  	s15 =	simm.s32 @!p0 $0x13C00;
	s11 =	rddreg [dreg:$0x8];
	[sflag:s31] =	ssyncset.done $0x0  }
0x8a: {  	s14 =	simm.s32 @!p0 $0x0;
	[sflag:s31] =	ssyncadd.s32 $0xFFFFC000;
	s11 =	sadd.s32 @!p0 s8, s11  }
0x8b: {  	[tilespmem:s15], [sflag:$0x1] =	stream.linear.gather @!p0 [hbm4b:s11+s14], $0x100, $0x38;
	[tilespmem:$0x1C400] =	vst v63  }
0x8c: {  	_ =	swait.ge [sflag:s0], $0x100  }
0x8d: {  	[sflag:s0] =	ssyncset.done $0x0  }
0x8e: {  	[sflag:s0] =	ssyncadd.s32 $0xFFFFFF00  }
0x8f: {  	[spmem:s2] =	stream.indirect.scatter.add.f32 [tilespmem:s13], [sflag:$0x9], $0x80, s20, s18, $0xb8;
	[tilespmem:$0x1C400] =	vst v63  }
0x90: {  	s15 =	rddreg [dreg:$0x12]  }
0x91: {  	[spmem:s2] =	stream.indirect.scatter.add.f32 [tilespmem:s19], [sflag:$0x9], $0x80, s15, s18, $0xb8;
	[tilespmem:$0x1C400] =	vst v63  }
0x92: {  	_ =	swait.ge [sflag:s31], $0x4000  }
0x93: {  	[sflag:s31] =	ssyncset.done $0x0  }
0x94: {  	[sflag:s31] =	ssyncadd.s32 $0xFFFFC000  }
0x95: {  	_ =	swait.ge [sflag:s31], $0x4000  }
0x96: {  	s11 =	rddreg [dreg:$0x7];
	[sflag:s31] =	ssyncset.done $0x0  }
0x97: {  	s15 =	simm.s32 @!p0 $0x13D00;
	[sflag:s31] =	ssyncadd.s32 $0xFFFFC000;
	s11 =	sadd.s32 @!p0 s8, s11  }
0x98: {  	[tilespmem:s15], [sflag:$0x2] =	stream.linear.gather @!p0 [hbm4b:s11+s14], $0x100, $0x38;
	[tilespmem:$0x1C400] =	vst v63  }
0x99: {  	s4 =	smov.u32 s12;
	s12 =	sadd.s32 $0x100, s12;
	_ =	swait.ge [sflag:s1], $0x100  }
0x9a: {  	p1 =	sne.s32 s12, $0xA00;
	s8 =	smov.u32 s5;
	[sflag:s1] =	ssyncset.done $0x0  }
.Ltmp0:
0x9b: {  	p0 =	seq.s32 s8, $0x0;
	[sflag:s1] =	ssyncadd.s32 $0xFFFFFF00;
	(pc) =	sbr.rel @p1 .LBB2_2-.Ltmp0, $4  }
0x9c: {  	[spmem:s2] =	stream.indirect.scatter.add.f32 [tilespmem:s13], [sflag:$0x9], $0x80, s29, s18, $0xb8;
	[tilespmem:$0x1C400] =	vst v63  }
0x9d: {  	s11 =	simm.s32 @!p0 $0x9;
	s20 =	rddreg [dreg:$0x13]  }
0x9e: {  	[spmem:s2] =	stream.indirect.scatter.add.f32 [tilespmem:s19], [sflag:$0x9], $0x80, s20, s18, $0xb8;
	[tilespmem:$0x1C400] =	vst v63  }
0x9f: {  	s9 =	smov.u32 s7;
	s5 =	smov.u32 s4;
	_ =	swait.ge @!p0 [sflag:s11], $0x4000  }
0xa0: {  	[sflag:s11] =	ssyncset.done @!p0 $0x0  }
0xa1: {  	[sflag:s11] =	ssyncadd.s32 @!p0 $0xFFFFC000  }
0xa2: {  	_ =	swait.ge @!p0 [sflag:s11], $0x4000  }
0xa3: {  	s4 =	rddreg [dreg:$0x6];
	[sflag:s11] =	ssyncset.done @!p0 $0x0  }
0xa4: {  	[sflag:s11] =	ssyncadd.s32 @!p0 $0xFFFFC000;
	s4 =	sadd.s32 s8, s4  }
0xa5: {  	[tilespmem:s24], [sflag:$0x3] =	stream.linear.gather [hbm4b:s4+s3], $0x100, $0x38;
	[tilespmem:$0x1C400] =	vst v63  }
0xa6: {  	_ =	swait.ge [sflag:s17], $0x100  }
0xa7: {  	[sflag:s17] =	ssyncset.done $0x0  }
0xa8: {  	s12 =	simm.s32 $0x13C00;
	[sflag:s17] =	ssyncadd.s32 $0xFFFFFF00  }
0xa9: {  	[spmem:s2] =	stream.indirect.scatter.add.f32 [tilespmem:s13], [sflag:$0x9], $0x80, s12, s18, $0xb8;
	[tilespmem:$0x1C400] =	vst v63  }
0xaa: {  	s14 =	rddreg [dreg:$0xc]  }
0xab: {  	[spmem:s2] =	stream.indirect.scatter.add.f32 [tilespmem:s19], [sflag:$0x9], $0x80, s14, s18, $0xb8;
	[tilespmem:$0x1C400] =	vst v63  }
0xac: {  	_ =	swait.ge @!p0 [sflag:s11], $0x4000  }
0xad: {  	[sflag:s11] =	ssyncset.done @!p0 $0x0  }
0xae: {  	[sflag:s11] =	ssyncadd.s32 @!p0 $0xFFFFC000  }
0xaf: {  	_ =	swait.ge @!p0 [sflag:s11], $0x4000  }
0xb0: {  	s15 =	rddreg [dreg:$0x5];
	[sflag:s11] =	ssyncset.done @!p0 $0x0  }
0xb1: {  	[sflag:s11] =	ssyncadd.s32 @!p0 $0xFFFFC000;
	s4 =	sadd.s32 s8, s15  }
0xb2: {  	[tilespmem:s26], [sflag:$0x4] =	stream.linear.gather [hbm4b:s4+s3], $0x100, $0x38;
	[tilespmem:$0x1C400] =	vst v63  }
0xb3: {  	_ =	swait.ge [sflag:s21], $0x100  }
0xb4: {  	[sflag:s21] =	ssyncset.done $0x0  }
0xb5: {  	p1 =	slt.u32 s6, $0x6;
	s14 =	simm.s32 $0x13D00;
	[sflag:s21] =	ssyncadd.s32 $0xFFFFFF00  }
0xb6: {  	[spmem:s2] =	stream.indirect.scatter.add.f32 [tilespmem:s13], [sflag:$0x9], $0x80, s14, s18, $0xb8;
	[tilespmem:$0x1C400] =	vst v63  }
0xb7: {  	s6 =	simm.s32 @!p1 $0x9;
	s20 =	rddreg [dreg:$0xd]  }
0xb8: {  	[spmem:s2] =	stream.indirect.scatter.add.f32 [tilespmem:s19], [sflag:$0x9], $0x80, s20, s18, $0xb8;
	[tilespmem:$0x1C400] =	vst v63  }
0xb9: {  	_ =	swait.ge @!p1 [sflag:s6], $0x4000  }
0xba: {  	[sflag:s6] =	ssyncset.done @!p1 $0x0  }
0xbb: {  	[sflag:s6] =	ssyncadd.s32 @!p1 $0xFFFFC000  }
0xbc: {  	_ =	swait.ge @!p1 [sflag:s6], $0x4000  }
0xbd: {  	s15 =	rddreg [dreg:$0x4];
	[sflag:s6] =	ssyncset.done @!p1 $0x0  }
0xbe: {  	[sflag:s6] =	ssyncadd.s32 @!p1 $0xFFFFC000;
	s4 =	sadd.s32 s8, s15  }
0xbf: {  	[tilespmem:s16], [sflag:$0x5] =	stream.linear.gather [hbm4b:s4+s3], $0x100, $0x38;
	[tilespmem:$0x1C400] =	vst v63  }
0xc0: {  	_ =	swait.ge [sflag:s23], $0x100  }
0xc1: {  	[sflag:s23] =	ssyncset.done $0x0  }
0xc2: {  	p1 =	slt.u32 s10, $0x6;
	[sflag:s23] =	ssyncadd.s32 $0xFFFFFF00  }
0xc3: {  	[spmem:s2] =	stream.indirect.scatter.add.f32 [tilespmem:s13], [sflag:$0x9], $0x80, s24, s18, $0xb8;
	[tilespmem:$0x1C400] =	vst v63  }
0xc4: {  	s6 =	simm.s32 @!p1 $0x9;
	s20 =	rddreg [dreg:$0xe]  }
0xc5: {  	[spmem:s2] =	stream.indirect.scatter.add.f32 [tilespmem:s19], [sflag:$0x9], $0x80, s20, s18, $0xb8;
	[tilespmem:$0x1C400] =	vst v63  }
0xc6: {  	_ =	swait.ge @!p1 [sflag:s6], $0x4000  }
0xc7: {  	[sflag:s6] =	ssyncset.done @!p1 $0x0  }
0xc8: {  	[sflag:s6] =	ssyncadd.s32 @!p1 $0xFFFFC000  }
0xc9: {  	_ =	swait.ge @!p1 [sflag:s6], $0x4000  }
0xca: {  	s10 =	rddreg [dreg:$0xb];
	[sflag:s6] =	ssyncset.done @!p1 $0x0  }
0xcb: {  	s20 =	simm.s32 $0x14100;
	[sflag:s6] =	ssyncadd.s32 @!p1 $0xFFFFC000;
	s4 =	sadd.s32 s8, s10  }
0xcc: {  	[tilespmem:s20], [sflag:$0x6] =	stream.linear.gather [hbm4b:s4+s3], $0x100, $0x38;
	[tilespmem:$0x1C400] =	vst v63  }
0xcd: {  	_ =	swait.ge [sflag:s25], $0x100  }
0xce: {  	[sflag:s25] =	ssyncset.done $0x0  }
0xcf: {  	p1 =	slt.u32 s9, $0x6;
	[sflag:s25] =	ssyncadd.s32 $0xFFFFFF00  }
0xd0: {  	[spmem:s2] =	stream.indirect.scatter.add.f32 [tilespmem:s13], [sflag:$0x9], $0x80, s26, s18, $0xb8;
	[tilespmem:$0x1C400] =	vst v63  }
0xd1: {  	s6 =	simm.s32 @!p1 $0x9;
	s15 =	rddreg [dreg:$0xf]  }
0xd2: {  	[spmem:s2] =	stream.indirect.scatter.add.f32 [tilespmem:s19], [sflag:$0x9], $0x80, s15, s18, $0xb8;
	[tilespmem:$0x1C400] =	vst v63  }
0xd3: {  	_ =	swait.ge @!p1 [sflag:s6], $0x4000  }
0xd4: {  	[sflag:s6] =	ssyncset.done @!p1 $0x0  }
0xd5: {  	[sflag:s6] =	ssyncadd.s32 @!p1 $0xFFFFC000  }
0xd6: {  	_ =	swait.ge @!p1 [sflag:s6], $0x4000  }
0xd7: {  	s9 =	rddreg [dreg:$0xa];
	[sflag:s6] =	ssyncset.done @!p1 $0x0  }
0xd8: {  	s15 =	simm.s32 $0x14200;
	[sflag:s6] =	ssyncadd.s32 @!p1 $0xFFFFC000;
	s4 =	sadd.s32 s8, s9  }
0xd9: {  	[tilespmem:s15], [sflag:$0x7] =	stream.linear.gather [hbm4b:s4+s3], $0x100, $0x38;
	[tilespmem:$0x1C400] =	vst v63  }
0xda: {  	_ =	swait.ge [sflag:s28], $0x100  }
0xdb: {  	[sflag:s28] =	ssyncset.done $0x0  }
0xdc: {  	[sflag:s28] =	ssyncadd.s32 $0xFFFFFF00  }
0xdd: {  	[spmem:s2] =	stream.indirect.scatter.add.f32 [tilespmem:s13], [sflag:$0x9], $0x80, s16, s18, $0xb8;
	[tilespmem:$0x1C400] =	vst v63  }
0xde: {  	s10 =	rddreg [dreg:$0x10]  }
0xdf: {  	[spmem:s2] =	stream.indirect.scatter.add.f32 [tilespmem:s19], [sflag:$0x9], $0x80, s10, s18, $0xb8;
	[tilespmem:$0x1C400] =	vst v63  }
0xe0: {  	_ =	swait.ge @!p0 [sflag:s11], $0x4000  }
0xe1: {  	[sflag:s11] =	ssyncset.done @!p0 $0x0  }
0xe2: {  	[sflag:s11] =	ssyncadd.s32 @!p0 $0xFFFFC000  }
0xe3: {  	_ =	swait.ge @!p0 [sflag:s11], $0x4000  }
0xe4: {  	s6 =	rddreg [dreg:$0x9];
	[sflag:s11] =	ssyncset.done @!p0 $0x0  }
0xe5: {  	s10 =	simm.s32 $0x14300;
	[sflag:s11] =	ssyncadd.s32 @!p0 $0xFFFFC000;
	s4 =	sadd.s32 s8, s6  }
0xe6: {  	[tilespmem:s10], [sflag:$0x8] =	stream.linear.gather [hbm4b:s4+s3], $0x100, $0x38;
	[tilespmem:$0x1C400] =	vst v63  }
0xe7: {  	_ =	swait.ge [sflag:s30], $0x100  }
0xe8: {  	[sflag:s30] =	ssyncset.done $0x0  }
0xe9: {  	[sflag:s30] =	ssyncadd.s32 $0xFFFFFF00  }
0xea: {  	[spmem:s2] =	stream.indirect.scatter.add.f32 [tilespmem:s13], [sflag:$0x9], $0x80, s20, s18, $0xb8;
	[tilespmem:$0x1C400] =	vst v63  }
0xeb: {  	s9 =	rddreg [dreg:$0x11]  }
0xec: {  	[spmem:s2] =	stream.indirect.scatter.add.f32 [tilespmem:s19], [sflag:$0x9], $0x80, s9, s18, $0xb8;
	[tilespmem:$0x1C400] =	vst v63  }
0xed: {  	_ =	swait.ge [sflag:s31], $0x4000  }
0xee: {  	[sflag:s31] =	ssyncset.done $0x0  }
0xef: {  	[sflag:s31] =	ssyncadd.s32 $0xFFFFC000  }
0xf0: {  	p0 =	seq.s32 s8, $0x900;
	_ =	swait.ge [sflag:s31], $0x4000  }
0xf1: {  	s6 =	simm.s32 @!p0 $0x0;
	s4 =	rddreg [dreg:$0x8];
	[sflag:s31] =	ssyncset.done $0x0  }
0xf2: {  	s9 =	simm.s32 @!p0 $0x13C00;
	[sflag:s31] =	ssyncadd.s32 $0xFFFFC000;
	s4 =	sadd.s32 @!p0 s8, s4  }
0xf3: {  	[tilespmem:s9], [sflag:$0x1] =	stream.linear.gather @!p0 [hbm4b:s4+s6], $0x100, $0x38;
	[tilespmem:$0x1C400] =	vst v63  }
0xf4: {  	_ =	swait.ge [sflag:s0], $0x100  }
0xf5: {  	[sflag:s0] =	ssyncset.done $0x0  }
0xf6: {  	[sflag:s0] =	ssyncadd.s32 $0xFFFFFF00  }
0xf7: {  	[spmem:s2] =	stream.indirect.scatter.add.f32 [tilespmem:s13], [sflag:$0x9], $0x80, s15, s18, $0xb8;
	[tilespmem:$0x1C400] =	vst v63  }
0xf8: {  	s11 =	rddreg [dreg:$0x12]  }
0xf9: {  	[spmem:s2] =	stream.indirect.scatter.add.f32 [tilespmem:s19], [sflag:$0x9], $0x80, s11, s18, $0xb8;
	[tilespmem:$0x1C400] =	vst v63  }
0xfa: {  	_ =	swait.ge [sflag:s31], $0x4000  }
0xfb: {  	[sflag:s31] =	ssyncset.done $0x0  }
0xfc: {  	[sflag:s31] =	ssyncadd.s32 $0xFFFFC000  }
0xfd: {  	_ =	swait.ge [sflag:s31], $0x4000  }
0xfe: {  	s4 =	rddreg [dreg:$0x7];
	[sflag:s31] =	ssyncset.done $0x0  }
0xff: {  	s4 =	sadd.s32 @!p0 s8, s4;
	s8 =	simm.s32 @!p0 $0x13D00;
	[sflag:s31] =	ssyncadd.s32 $0xFFFFC000  }
0x100: {  	[tilespmem:s8], [sflag:$0x2] =	stream.linear.gather @!p0 [hbm4b:s4+s6], $0x100, $0x38;
	[tilespmem:$0x1C400] =	vst v63  }
0x101: {  	_ =	swait.ge [sflag:s1], $0x100  }
0x102: {  	[sflag:s1] =	ssyncset.done $0x0  }
0x103: {  	p0 =	seq.s32 s5, $0x0;
	[sflag:s1] =	ssyncadd.s32 $0xFFFFFF00  }
0x104: {  	[spmem:s2] =	stream.indirect.scatter.add.f32 [tilespmem:s13], [sflag:$0x9], $0x80, s10, s18, $0xb8;
	[tilespmem:$0x1C400] =	vst v63  }
0x105: {  	s4 =	simm.s32 @!p0 $0x9;
	s6 =	rddreg [dreg:$0x13]  }
0x106: {  	[spmem:s2] =	stream.indirect.scatter.add.f32 [tilespmem:s19], [sflag:$0x9], $0x80, s6, s18, $0xb8;
	[tilespmem:$0x1C400] =	vst v63  }
0x107: {  	_ =	swait.ge @!p0 [sflag:s4], $0x4000  }
0x108: {  	[sflag:s4] =	ssyncset.done @!p0 $0x0  }
0x109: {  	[sflag:s4] =	ssyncadd.s32 @!p0 $0xFFFFC000  }
0x10a: {  	_ =	swait.ge @!p0 [sflag:s4], $0x4000  }
0x10b: {  	s8 =	rddreg [dreg:$0x6];
	[sflag:s4] =	ssyncset.done @!p0 $0x0  }
0x10c: {  	[sflag:s4] =	ssyncadd.s32 @!p0 $0xFFFFC000;
	s6 =	sadd.s32 s5, s8  }
0x10d: {  	[tilespmem:s24], [sflag:$0x3] =	stream.linear.gather [hbm4b:s6+s3], $0x100, $0x38;
	[tilespmem:$0x1C400] =	vst v63  }
0x10e: {  	_ =	swait.ge [sflag:s17], $0x100  }
0x10f: {  	[sflag:s17] =	ssyncset.done $0x0  }
0x110: {  	[sflag:s17] =	ssyncadd.s32 $0xFFFFFF00  }
0x111: {  	[spmem:s2] =	stream.indirect.scatter.add.f32 [tilespmem:s13], [sflag:$0x9], $0x80, s12, s18, $0xb8;
	[tilespmem:$0x1C400] =	vst v63  }
0x112: {  	s9 =	rddreg [dreg:$0xc]  }
0x113: {  	[spmem:s2] =	stream.indirect.scatter.add.f32 [tilespmem:s19], [sflag:$0x9], $0x80, s9, s18, $0xb8;
	[tilespmem:$0x1C400] =	vst v63  }
0x114: {  	_ =	swait.ge @!p0 [sflag:s4], $0x4000  }
0x115: {  	[sflag:s4] =	ssyncset.done @!p0 $0x0  }
0x116: {  	[sflag:s4] =	ssyncadd.s32 @!p0 $0xFFFFC000  }
0x117: {  	_ =	swait.ge @!p0 [sflag:s4], $0x4000  }
0x118: {  	s11 =	rddreg [dreg:$0x5];
	[sflag:s4] =	ssyncset.done @!p0 $0x0  }
0x119: {  	[sflag:s4] =	ssyncadd.s32 @!p0 $0xFFFFC000;
	s6 =	sadd.s32 s5, s11  }
0x11a: {  	[tilespmem:s26], [sflag:$0x4] =	stream.linear.gather [hbm4b:s6+s3], $0x100, $0x38;
	[tilespmem:$0x1C400] =	vst v63  }
0x11b: {  	s6 =	sadd.s32 $0x8, s7;
	_ =	swait.ge [sflag:s21], $0x100  }
0x11c: {  	s7 =	sadd.s32 $0xFFFFFFFE, s6;
	[sflag:s21] =	ssyncset.done $0x0  }
0x11d: {  	p1 =	slt.u32 s7, $0x6;
	[sflag:s21] =	ssyncadd.s32 $0xFFFFFF00  }
0x11e: {  	[spmem:s2] =	stream.indirect.scatter.add.f32 [tilespmem:s13], [sflag:$0x9], $0x80, s14, s18, $0xb8;
	[tilespmem:$0x1C400] =	vst v63  }
0x11f: {  	s12 =	rddreg [dreg:$0xd];
	s8 =	simm.s32 @!p1 $0x9  }
0x120: {  	[spmem:s2] =	stream.indirect.scatter.add.f32 [tilespmem:s19], [sflag:$0x9], $0x80, s12, s18, $0xb8;
	[tilespmem:$0x1C400] =	vst v63  }
0x121: {  	_ =	swait.ge @!p1 [sflag:s8], $0x4000  }
0x122: {  	[sflag:s8] =	ssyncset.done @!p1 $0x0  }
0x123: {  	[sflag:s8] =	ssyncadd.s32 @!p1 $0xFFFFC000  }
0x124: {  	_ =	swait.ge @!p1 [sflag:s8], $0x4000  }
0x125: {  	s14 =	rddreg [dreg:$0x4];
	[sflag:s8] =	ssyncset.done @!p1 $0x0  }
0x126: {  	[sflag:s8] =	ssyncadd.s32 @!p1 $0xFFFFC000;
	s7 =	sadd.s32 s5, s14  }
0x127: {  	[tilespmem:s16], [sflag:$0x5] =	stream.linear.gather [hbm4b:s7+s3], $0x100, $0x38;
	[tilespmem:$0x1C400] =	vst v63  }
0x128: {  	_ =	swait.ge [sflag:s23], $0x100  }
0x129: {  	s8 =	sadd.s32 $0xFFFFFFFF, s6;
	[sflag:s23] =	ssyncset.done $0x0  }
0x12a: {  	p1 =	slt.u32 s8, $0x6;
	[sflag:s23] =	ssyncadd.s32 $0xFFFFFF00  }
0x12b: {  	[spmem:s2] =	stream.indirect.scatter.add.f32 [tilespmem:s13], [sflag:$0x9], $0x80, s24, s18, $0xb8;
	[tilespmem:$0x1C400] =	vst v63  }
0x12c: {  	s8 =	simm.s32 @!p1 $0x9;
	s9 =	rddreg [dreg:$0xe]  }
0x12d: {  	[spmem:s2] =	stream.indirect.scatter.add.f32 [tilespmem:s19], [sflag:$0x9], $0x80, s9, s18, $0xb8;
	[tilespmem:$0x1C400] =	vst v63  }
0x12e: {  	_ =	swait.ge @!p1 [sflag:s8], $0x4000  }
0x12f: {  	[sflag:s8] =	ssyncset.done @!p1 $0x0  }
0x130: {  	[sflag:s8] =	ssyncadd.s32 @!p1 $0xFFFFC000  }
0x131: {  	_ =	swait.ge @!p1 [sflag:s8], $0x4000  }
0x132: {  	s11 =	rddreg [dreg:$0xb];
	[sflag:s8] =	ssyncset.done @!p1 $0x0  }
0x133: {  	[sflag:s8] =	ssyncadd.s32 @!p1 $0xFFFFC000;
	s7 =	sadd.s32 s5, s11  }
0x134: {  	[tilespmem:s20], [sflag:$0x6] =	stream.linear.gather [hbm4b:s7+s3], $0x100, $0x38;
	[tilespmem:$0x1C400] =	vst v63  }
0x135: {  	_ =	swait.ge [sflag:s25], $0x100  }
0x136: {  	[sflag:s25] =	ssyncset.done $0x0  }
0x137: {  	p1 =	slt.u32 s6, $0x6;
	[sflag:s25] =	ssyncadd.s32 $0xFFFFFF00  }
0x138: {  	[spmem:s2] =	stream.indirect.scatter.add.f32 [tilespmem:s13], [sflag:$0x9], $0x80, s26, s18, $0xb8;
	[tilespmem:$0x1C400] =	vst v63  }
0x139: {  	s7 =	simm.s32 @!p1 $0x9;
	s12 =	rddreg [dreg:$0xf]  }
0x13a: {  	[spmem:s2] =	stream.indirect.scatter.add.f32 [tilespmem:s19], [sflag:$0x9], $0x80, s12, s18, $0xb8;
	[tilespmem:$0x1C400] =	vst v63  }
0x13b: {  	_ =	swait.ge @!p1 [sflag:s7], $0x4000  }
0x13c: {  	[sflag:s7] =	ssyncset.done @!p1 $0x0  }
0x13d: {  	[sflag:s7] =	ssyncadd.s32 @!p1 $0xFFFFC000  }
0x13e: {  	_ =	swait.ge @!p1 [sflag:s7], $0x4000  }
0x13f: {  	s14 =	rddreg [dreg:$0xa];
	[sflag:s7] =	ssyncset.done @!p1 $0x0  }
0x140: {  	[sflag:s7] =	ssyncadd.s32 @!p1 $0xFFFFC000;
	s6 =	sadd.s32 s5, s14  }
0x141: {  	[tilespmem:s15], [sflag:$0x7] =	stream.linear.gather [hbm4b:s6+s3], $0x100, $0x38;
	[tilespmem:$0x1C400] =	vst v63  }
0x142: {  	_ =	swait.ge [sflag:s28], $0x100  }
0x143: {  	[sflag:s28] =	ssyncset.done $0x0  }
0x144: {  	[sflag:s28] =	ssyncadd.s32 $0xFFFFFF00  }
0x145: {  	[spmem:s2] =	stream.indirect.scatter.add.f32 [tilespmem:s13], [sflag:$0x9], $0x80, s16, s18, $0xb8;
	[tilespmem:$0x1C400] =	vst v63  }
0x146: {  	s7 =	rddreg [dreg:$0x10]  }
0x147: {  	[spmem:s2] =	stream.indirect.scatter.add.f32 [tilespmem:s19], [sflag:$0x9], $0x80, s7, s18, $0xb8;
	[tilespmem:$0x1C400] =	vst v63  }
0x148: {  	_ =	swait.ge @!p0 [sflag:s4], $0x4000  }
0x149: {  	[sflag:s4] =	ssyncset.done @!p0 $0x0  }
0x14a: {  	[sflag:s4] =	ssyncadd.s32 @!p0 $0xFFFFC000  }
0x14b: {  	_ =	swait.ge @!p0 [sflag:s4], $0x4000  }
0x14c: {  	s8 =	rddreg [dreg:$0x9];
	[sflag:s4] =	ssyncset.done @!p0 $0x0  }
0x14d: {  	[sflag:s4] =	ssyncadd.s32 @!p0 $0xFFFFC000;
	s9 =	sadd.s32 s5, s8  }
0x14e: {  	[tilespmem:s10], [sflag:$0x8] =	stream.linear.gather [hbm4b:s9+s3], $0x100, $0x38;
	[tilespmem:$0x1C400] =	vst v63  }
0x14f: {  	_ =	swait.ge [sflag:s30], $0x100  }
0x150: {  	[sflag:s30] =	ssyncset.done $0x0  }
0x151: {  	[sflag:s30] =	ssyncadd.s32 $0xFFFFFF00  }
0x152: {  	[spmem:s2] =	stream.indirect.scatter.add.f32 [tilespmem:s13], [sflag:$0x9], $0x80, s20, s18, $0xb8;
	[tilespmem:$0x1C400] =	vst v63  }
0x153: {  	s11 =	rddreg [dreg:$0x11]  }
0x154: {  	[spmem:s2] =	stream.indirect.scatter.add.f32 [tilespmem:s19], [sflag:$0x9], $0x80, s11, s18, $0xb8;
	[tilespmem:$0x1C400] =	vst v63  }
0x155: {  	_ =	swait.ge [sflag:s31], $0x4000  }
0x156: {  	[sflag:s31] =	ssyncset.done $0x0  }
0x157: {  	[sflag:s31] =	ssyncadd.s32 $0xFFFFC000  }
0x158: {  	p0 =	seq.s32 s5, $0x900;
	_ =	swait.ge [sflag:s31], $0x4000  }
0x159: {  	s6 =	simm.s32 @!p0 $0x0;
	s4 =	rddreg [dreg:$0x8];
	[sflag:s31] =	ssyncset.done $0x0  }
0x15a: {  	s7 =	simm.s32 @!p0 $0x13C00;
	[sflag:s31] =	ssyncadd.s32 $0xFFFFC000;
	s4 =	sadd.s32 @!p0 s5, s4  }
0x15b: {  	[tilespmem:s7], [sflag:$0x1] =	stream.linear.gather @!p0 [hbm4b:s4+s6], $0x100, $0x38;
	[tilespmem:$0x1C400] =	vst v63  }
0x15c: {  	_ =	swait.ge [sflag:s0], $0x100  }
0x15d: {  	[sflag:s0] =	ssyncset.done $0x0  }
0x15e: {  	[sflag:s0] =	ssyncadd.s32 $0xFFFFFF00  }
0x15f: {  	[spmem:s2] =	stream.indirect.scatter.add.f32 [tilespmem:s13], [sflag:$0x9], $0x80, s15, s18, $0xb8;
	[tilespmem:$0x1C400] =	vst v63  }
0x160: {  	s12 =	rddreg [dreg:$0x12]  }
0x161: {  	[spmem:s2] =	stream.indirect.scatter.add.f32 [tilespmem:s19], [sflag:$0x9], $0x80, s12, s18, $0xb8;
	[tilespmem:$0x1C400] =	vst v63  }
0x162: {  	_ =	swait.ge [sflag:s31], $0x4000  }
0x163: {  	[sflag:s31] =	ssyncset.done $0x0  }
0x164: {  	[sflag:s31] =	ssyncadd.s32 $0xFFFFC000  }
0x165: {  	_ =	swait.ge [sflag:s31], $0x4000  }
0x166: {  	s4 =	rddreg [dreg:$0x7];
	[sflag:s31] =	ssyncset.done $0x0  }
0x167: {  	s4 =	sadd.s32 @!p0 s5, s4;
	s5 =	simm.s32 @!p0 $0x13D00;
	[sflag:s31] =	ssyncadd.s32 $0xFFFFC000  }
0x168: {  	[tilespmem:s5], [sflag:$0x2] =	stream.linear.gather @!p0 [hbm4b:s4+s6], $0x100, $0x38;
	[tilespmem:$0x1C400] =	vst v63  }
0x169: {  	_ =	swait.ge [sflag:s1], $0x100  }
0x16a: {  	[sflag:s1] =	ssyncset.done $0x0  }
0x16b: {  	[sflag:s1] =	ssyncadd.s32 $0xFFFFFF00  }
0x16c: {  	[spmem:s2] =	stream.indirect.scatter.add.f32 [tilespmem:s13], [sflag:$0x9], $0x80, s10, s18, $0xb8;
	[tilespmem:$0x1C400] =	vst v63  }
0x16d: {  	s14 =	rddreg [dreg:$0x13]  }
0x16e: {  	[spmem:s2] =	stream.indirect.scatter.add.f32 [tilespmem:s19], [sflag:$0x9], $0x80, s14, s18, $0xb8;
	[tilespmem:$0x1C400] =	vst v63  }
0x16f: {  	_ =	swait.ge [sflag:s31], $0x4000  }
0x170: {  	[sflag:s31] =	ssyncset.done $0x0  }
0x171: {  	[sflag:s31] =	ssyncadd.s32 $0xFFFFC000  }
0x172: {  	_ =	swait.ge [sflag:s31], $0x4000  }
0x173: {  	[sflag:s31] =	ssyncset.done $0x0  }
0x174: {  	[sflag:s31] =	ssyncadd.s32 $0xFFFFC000  }
0x175: {  	_ =	swait.ge [sflag:s31], $0x4000  }
0x176: {  	[sflag:s31] =	ssyncset.done $0x0  }
0x177: {  	[sflag:s31] =	ssyncadd.s32 $0xFFFFC000  }
0x178: {  	_ =	swait.ge [sflag:s31], $0x4000  }
0x179: {  	[sflag:s31] =	ssyncset.done $0x0  }
0x17a: {  	[sflag:s31] =	ssyncadd.s32 $0xFFFFC000  }
0x17b: {  	_ =	swait.ge [sflag:s31], $0x4000  }
0x17c: {  	[sflag:s31] =	ssyncset.done $0x0  }
0x17d: {  	[sflag:s31] =	ssyncadd.s32 $0xFFFFC000  }
0x17e: {  	_ =	swait.ge [sflag:s31], $0x4000  }
0x17f: {  	[sflag:s31] =	ssyncset.done $0x0  }
0x180: {  	[sflag:s31] =	ssyncadd.s32 $0xFFFFC000  }
0x181: {  	_ =	swait.ge [sflag:s31], $0x4000  }
0x182: {  	[sflag:s31] =	ssyncset.done $0x0  }
0x183: {  	[sflag:s31] =	ssyncadd.s32 $0xFFFFC000  }
0x184: {  	_ =	swait.ge [sflag:s31], $0x4000  }
0x185: {  	[sflag:s31] =	ssyncset.done $0x0  }
0x186: {  	[sflag:s31] =	ssyncadd.s32 $0xFFFFC000  }
0x187: {  	_ =	swait.ge [sflag:s31], $0x4000  }
0x188: {  	[sflag:s31] =	ssyncset.done $0x0  }
0x189: {  	[sflag:s31] =	ssyncadd.s32 $0xFFFFC000  }
0x18a: {  	_ =	swait.ge [sflag:s31], $0x4000  }
0x18b: {  	[sflag:s31] =	ssyncset.done $0x0  }
0x18c: {  	[sflag:s31] =	ssyncadd.s32 $0xFFFFC000  }
0x18d: {  	_ =	swait.ge [sflag:s31], $0x4000  }
0x18e: {  	[sflag:s31] =	ssyncset.done $0x0  }
0x18f: {  	[sflag:s31] =	ssyncadd.s32 $0xFFFFC000  }
0x190: {  	_ =	swait.ge [sflag:s31], $0x4000  }
0x191: {  	[sflag:s31] =	ssyncset.done $0x0  }
0x192: {  	[sflag:s31] =	ssyncadd.s32 $0xFFFFC000  }
0x193: {  	[bflag:$0x0] =	sbarrier.arrive $0xFFFF  }
0x194: {  	s10 =	rddreg [dreg:$0x16]  }
0x195: {  	s15 =	rddreg [dreg:$0x19]  }
0x196: {  	s6 =	simm.s32 $0xA;
	s5 =	rddreg [dreg:$0x1b]  }
0x197: {  	[hbm:s15], [sflag:s10] =	dma.local [spmem:s5], $0x2780  }
0x198: {  	_ =	swait.ge [sflag:s6], $0x2780  }
0x199: {  	s16 =	rddreg [dreg:$0x1c]  }
0x19a: {  	s20 =	rddreg [dreg:$0x1a];
	s7 =	sadd.s32 $0x1, s16  }
0x19b: {  	p0 =	sne.s32 s7, s20  }
.Ltmp1:
0x19c: {  	_ = 	snop;
	(pc) =	sbr.rel @p0 .LBB2_1-.Ltmp1, $3  }
0x19d: {  	_ =	sdelay $0x1  }
0x19e: {  	[sflag:s6] =	ssyncset.done $0x0  }
0x19f: {  	[sflag:s6] =	ssyncadd.s32 $0xFFFFD880  }
0x1a0: {  	_ =	sfence.sel $0x180000  }
0x1a1: {  	[bflag:$0x0] =	sbarrier.arrive $0xFFFF  }
0x1a2: {  	_ =	strace $0x90000047  }
0x1a3: {  	s0 =	stileid.u32;
	[bflag:$0x2] =	sbarrier.arrive $0xFFFF  }
0x1a4: {  	p0 =	sne.s32 s0, $0x0;
	s0 =	rddreg [dreg:$0x3]  }
0x1a5: {  	s0 =	sadd.s32 @!p0 $0x100000, s0  }
0x1a6: {  	[sflag:s0] =	ssyncadd.tile.s32 @!p0 $0x1;
	_ =	shalt  }
.Lfunc_end2:
_tile_overlayer_lowered:
.L_overlay_start_2:
0x1a7: {  	(tag) =	ssettag $0x2  }
0x1a8: {  	s0 =	rddreg [dreg:$0x0];
	s2 =	stileid.u32  }
0x1a9: {  	s1 =	rddreg [dreg:$0x1];
	p0 =	sne.s32 s2, $0x0  }
0x1aa: {  	s3 =	rddreg [dreg:$0x2];
	[bflag:$0x3] =	sbarrier.arrive $0xFFFF;
	s2 =	simm.s32 @!p0 $0x1C0A  }
0x1ab: {  	[timem:s3], [sflag:s2] =	dma.local @!p0 [hbm:s0], s1  }
0x1ac: {  	s0 =	simm.s32 @!p0 $0xA  }
0x1ad: {  	_ =	swait.ge @!p0 [sflag:s0], s1  }
0x1ae: {  	s1 =	ssub.s32 @!p0 $0x0, s1;
	[sflag:s0] =	ssyncset.done @!p0 $0x0  }
0x1af: {  	[sflag:s0] =	ssyncadd.s32 @!p0 s1  }
0x1b0: {  	[bflag:$0x3] =	sbarrier.arrive $0xFFFF  }
0x1b1: {  	_ =	shalt  }

</sc_bundles>
